<compile_context>
chip_gen: v7x
topology: tpu7x:2x2x1
jax: 0.10.2.dev20260603
libtpu: 0.0.44.dev20260713+nightly
codegen_flags: <defaults>
</compile_context>

<pallas_src>
import functools

import jax
import jax.numpy as jnp
from jax import lax
from jax.experimental import pallas as pl
from jax.experimental.pallas import tpu as pltpu
from jax.experimental.pallas import tpu_sc as plsc

B, L, D = 4096, 50, 64
DP = 128
NLANE = 16
ND = D // NLANE
NW = 32
BPW = B // NW
C = 8
ROWS = C * L
NCHUNK = BPW // C

_mesh = plsc.VectorSubcoreMesh(core_axis_name="c", subcore_axis_name="s")


@functools.partial(
    pl.kernel,
    mesh=_mesh,
    out_type=jax.ShapeDtypeStruct((B, D), jnp.float32),
    scratch_types=[
        pltpu.VMEM((2, C, L), jnp.int32),
        pltpu.VMEM((2, C, D), jnp.float32),
        pltpu.VMEM((2 * ROWS, DP), jnp.float32),
        pltpu.VMEM((C, D), jnp.float32),
        pltpu.VMEM((D,), jnp.float32),
        pltpu.SemaphoreType.DMA,
        pltpu.SemaphoreType.DMA,
    ],
)
def _embed_bag(idx_hbm, vals_hbm, table_hbm, bias_hbm, out_hbm,
               idx_v, vals_v, rows_v, out_v, bias_v, sem0, sem1):
    wid = lax.axis_index("s") * 2 + lax.axis_index("c")
    pltpu.sync_copy(bias_hbm, bias_v)
    bias_vecs = [bias_v[pl.ds(k * NLANE, NLANE)] for k in range(ND)]
    sems = (sem0, sem1)

    def stage(ci, par):
        srow = wid * BPW + ci * C
        pltpu.sync_copy(idx_hbm.at[pl.ds(srow, C)], idx_v.at[par])
        pltpu.sync_copy(vals_hbm.at[pl.ds(srow, C)], vals_v.at[par])
        for j in range(C):
            pltpu.async_copy(table_hbm.at[idx_v.at[par].at[j]],
                             rows_v.at[pl.ds(par * ROWS + j * L, L)],
                             sems[par])

    def wait_gathers(par):
        pltpu.make_async_copy(table_hbm.at[pl.ds(0, ROWS)],
                              rows_v.at[pl.ds(par * ROWS, ROWS)],
                              sems[par]).wait()

    def compute(ci, par):
        base = par * ROWS

        def sample_body(s, c2):
            r0 = base + s * L
            acc = list(bias_vecs)
            for g in range(ND):
                vv = vals_v[par, s, pl.ds(g * NLANE, NLANE)]
                for j in range(NLANE if (g + 1) * NLANE <= L else L - g * NLANE):
                    v = vv[j]
                    ri = r0 + g * NLANE + j
                    for k in range(ND):
                        acc[k] = acc[k] + rows_v[ri, pl.ds(k * NLANE, NLANE)] * v
            for k in range(ND):
                out_v[s, pl.ds(k * NLANE, NLANE)] = acc[k]
            return c2

        lax.fori_loop(0, C, sample_body, 0)
        srow = wid * BPW + ci * C
        pltpu.sync_copy(out_v, out_hbm.at[pl.ds(srow, C)])

    stage(0, 0)

    def pair_body(t, carry):
        c0 = 2 * t
        wait_gathers(0)
        stage(c0 + 1, 1)
        compute(c0, 0)
        wait_gathers(1)
        stage(jnp.minimum(c0 + 2, NCHUNK - 1), 0)
        compute(c0 + 1, 1)
        return carry

    lax.fori_loop(0, NCHUNK // 2, pair_body, 0)
    wait_gathers(0)


def kernel(feature_indices, feature_values, weight, bias):
    vals = jnp.pad(feature_values, ((0, 0), (0, D - L)))
    wpad = jnp.pad(weight, ((0, 0), (0, DP - D)))
    return _embed_bag(feature_indices, vals, wpad, bias)

# --- scband reference (transcript-rebuilt; emitter-appended) ---
"""Pipeline reference for scband-feature-transformer-slice-16441134809367 (READ-ONLY COPY).

The authoritative reference and input builder live on the scoring server;
editing this copy changes nothing except your own understanding.
"""

import jax, jax.numpy as jnp
import numpy as np

NUM_INPUTS = 1000000
NUM_OUTPUTS = 64
BATCH = 4096
HIST = 50

def setup_inputs(seed: int = 0) -> dict:
    key = jax.random.key(seed)
    k1, k2, k3, k4 = jax.random.split(key, 4)
    sigma = (1.0 / NUM_INPUTS) ** 0.5
    feature_indices = jax.random.randint(k1, (BATCH, HIST), 0, NUM_INPUTS, dtype=jnp.int32)
    feature_values = jax.random.uniform(k2, (BATCH, HIST), dtype=jnp.float32)
    weight = jax.random.uniform(k3, (NUM_INPUTS, NUM_OUTPUTS), dtype=jnp.float32) * (2 * sigma) - sigma
    bias = jax.random.uniform(k4, (NUM_OUTPUTS,), dtype=jnp.float32) * (2 * sigma) - sigma
    return {"feature_indices": feature_indices, "feature_values": feature_values, "weight": weight, "bias": bias}

def reference(feature_indices, feature_values, weight, bias):
    # Faithful translation: negative indices mark padding and are masked out.
    # output[b] = sum_l weight[idx[b,l]] * values[b,l] + bias
    mask = (feature_indices >= 0)
    safe_idx = jnp.where(mask, feature_indices, 0)
    gathered = jnp.take(weight, safe_idx, axis=0)  # [B, L, D]
    vals = feature_values * mask.astype(feature_values.dtype)
    output = jnp.sum(gathered * vals[..., None], axis=1) + bias
    return output

if __name__ == "__main__":
    import jax
    _d = setup_inputs()
    print(jax.jit(kernel)(*tuple(_d.values())))

</pallas_src>

<mosaic_0001>
#map = affine_map<(d0, d1) -> (0, 0)>
#map1 = affine_map<(d0, d1) -> (0)>
module attributes {stable_mosaic.version = 14 : i64} {
  func.func @_embed_bag(%arg0: i32, %arg1: i32, %arg2: memref<4096x50xi32, #tpu.memory_space<hbm>>, %arg3: memref<4096x64xf32, #tpu.memory_space<hbm>>, %arg4: memref<1000000x128xf32, #tpu.memory_space<hbm>>, %arg5: memref<64xf32, #tpu.memory_space<hbm>>, %arg6: memref<4096x64xf32, #tpu.memory_space<hbm>>, %arg7: memref<2x8x50xi32, #tpu.memory_space<vmem>>, %arg8: memref<2x8x64xf32, #tpu.memory_space<vmem>>, %arg9: memref<800x128xf32, #tpu.memory_space<vmem>>, %arg10: memref<8x64xf32, #tpu.memory_space<vmem>>, %arg11: memref<64xf32, #tpu.memory_space<vmem>>, %arg12: memref<!tpu.dma_semaphore, #tpu.memory_space<semaphore_mem>>, %arg13: memref<!tpu.dma_semaphore, #tpu.memory_space<semaphore_mem>>) attributes {dimension_semantics = [#tpu.dimension_semantics<core_parallel>, #tpu.dimension_semantics<subcore_parallel>], iteration_bounds = array<i64: 2, 16>, scalar_prefetch = 0 : i64, scratch_operands = 7 : i64, tpu.core_type = #tpu.core_type<sc_vector_subcore>, window_params = [{transform_indices = #map}, {transform_indices = #map}, {transform_indices = #map}, {transform_indices = #map1}, {transform_indices = #map}]} {
    %mul3A = arith.constant 2 : i32
    %mul3A_0 = arith.muli %arg1, %mul3A : i32
    %add3A = arith.addi %mul3A_0, %arg0 : i32
    "tpu.region"() ({
      %run_scoped3A_152 = tpu.sem_alloc : memref<!tpu.dma_semaphore, #tpu.memory_space<semaphore_mem>>
      tpu.enqueue_dma source(%arg5 : memref<64xf32, #tpu.memory_space<hbm>>) target(%arg11 : memref<64xf32, #tpu.memory_space<vmem>>) target_semaphore(%run_scoped3A_152 : memref<!tpu.dma_semaphore, #tpu.memory_space<semaphore_mem>>)
      tpu.wait_dma2 semaphore(%run_scoped3A_152 : memref<!tpu.dma_semaphore, #tpu.memory_space<semaphore_mem>>) src(%arg5 : memref<64xf32, #tpu.memory_space<hbm>>) dst(%arg11 : memref<64xf32, #tpu.memory_space<vmem>>)
      tpu.yield
    }) : () -> ()
    %get3A = arith.constant 0 : index
    %get3A_1 = tpu.vector_load %arg11[%get3A] {strides = array<i32>} : memref<64xf32, #tpu.memory_space<vmem>>, vector<16xf32>,
    %get3A_2 = vector.shape_cast %get3A_1 : vector<16xf32> to vector<16xf32>
    %get3A_3 = arith.constant 16 : index
    %get3A_4 = tpu.vector_load %arg11[%get3A_3] {strides = array<i32>} : memref<64xf32, #tpu.memory_space<vmem>>, vector<16xf32>,
    %get3A_5 = vector.shape_cast %get3A_4 : vector<16xf32> to vector<16xf32>
    %get3A_6 = arith.constant 32 : index
    %get3A_7 = tpu.vector_load %arg11[%get3A_6] {strides = array<i32>} : memref<64xf32, #tpu.memory_space<vmem>>, vector<16xf32>,
    %get3A_8 = vector.shape_cast %get3A_7 : vector<16xf32> to vector<16xf32>
    %get3A_9 = arith.constant 48 : index
    %get3A_10 = tpu.vector_load %arg11[%get3A_9] {strides = array<i32>} : memref<64xf32, #tpu.memory_space<vmem>>, vector<16xf32>,
    %get3A_11 = vector.shape_cast %get3A_10 : vector<16xf32> to vector<16xf32>
    %mul3A_12 = arith.constant 128 : i32
    %mul3A_13 = arith.muli %add3A, %mul3A_12 : i32
    %add3A_14 = arith.constant 0 : i32
    %add3A_15 = arith.addi %mul3A_13, %add3A_14 : i32
    %run_scoped3A = arith.constant 0 : i32
    "tpu.region"() ({
      %run_scoped3A_152 = tpu.sem_alloc : memref<!tpu.dma_semaphore, #tpu.memory_space<semaphore_mem>>
      %dma_start3A_153 = arith.constant 0 : i32
      %dma_start3A_154 = arith.constant 0 : i32
      %dma_start3A_155 = tpu.memref_slice %arg7[%run_scoped3A, %dma_start3A_153, %dma_start3A_154] : memref<2x8x50xi32, #tpu.memory_space<vmem>> -> memref<1x8x50xi32, #tpu.memory_space<vmem>>
      %dma_start3A_156 = tpu.memref_squeeze %dma_start3A_155 : memref<1x8x50xi32, #tpu.memory_space<vmem>> -> memref<8x50xi32, #tpu.memory_space<vmem>>
      %dma_start3A_157 = arith.constant 0 : i32
      %dma_start3A_158 = tpu.memref_slice %arg2[%add3A_15, %dma_start3A_157] : memref<4096x50xi32, #tpu.memory_space<hbm>> -> memref<8x50xi32, #tpu.memory_space<hbm>>
      %dma_start3A_159 = arith.constant 0 : i32
      %dma_start3A_160 = arith.constant 0 : i32
      %dma_start3A_161 = tpu.memref_slice %arg7[%run_scoped3A, %dma_start3A_159, %dma_start3A_160] : memref<2x8x50xi32, #tpu.memory_space<vmem>> -> memref<1x8x50xi32, #tpu.memory_space<vmem>>
      %dma_start3A_162 = tpu.memref_squeeze %dma_start3A_161 : memref<1x8x50xi32, #tpu.memory_space<vmem>> -> memref<8x50xi32, #tpu.memory_space<vmem>>
      %dma_start3A_163 = arith.constant 0 : i32
      %dma_start3A_164 = tpu.memref_slice %arg2[%add3A_15, %dma_start3A_163] : memref<4096x50xi32, #tpu.memory_space<hbm>> -> memref<8x50xi32, #tpu.memory_space<hbm>>
      tpu.enqueue_dma source(%dma_start3A_164 : memref<8x50xi32, #tpu.memory_space<hbm>>) target(%dma_start3A_162 : memref<8x50xi32, #tpu.memory_space<vmem>>) target_semaphore(%run_scoped3A_152 : memref<!tpu.dma_semaphore, #tpu.memory_space<semaphore_mem>>)
      %dma_wait3A_165 = arith.constant 0 : i32
      %dma_wait3A_166 = arith.constant 0 : i32
      %dma_wait3A_167 = tpu.memref_slice %arg7[%run_scoped3A, %dma_wait3A_165, %dma_wait3A_166] : memref<2x8x50xi32, #tpu.memory_space<vmem>> -> memref<1x8x50xi32, #tpu.memory_space<vmem>>
      %dma_wait3A_168 = tpu.memref_squeeze %dma_wait3A_167 : memref<1x8x50xi32, #tpu.memory_space<vmem>> -> memref<8x50xi32, #tpu.memory_space<vmem>>
      %dma_wait3A_169 = arith.constant 0 : i32
      %dma_wait3A_170 = tpu.memref_slice %arg2[%add3A_15, %dma_wait3A_169] : memref<4096x50xi32, #tpu.memory_space<hbm>> -> memref<8x50xi32, #tpu.memory_space<hbm>>
      %dma_wait3A_171 = arith.constant 0 : i32
      %dma_wait3A_172 = arith.constant 0 : i32
      %dma_wait3A_173 = tpu.memref_slice %arg7[%run_scoped3A, %dma_wait3A_171, %dma_wait3A_172] : memref<2x8x50xi32, #tpu.memory_space<vmem>> -> memref<1x8x50xi32, #tpu.memory_space<vmem>>
      %dma_wait3A_174 = tpu.memref_squeeze %dma_wait3A_173 : memref<1x8x50xi32, #tpu.memory_space<vmem>> -> memref<8x50xi32, #tpu.memory_space<vmem>>
      %dma_wait3A_175 = arith.constant 0 : i32
      %dma_wait3A_176 = tpu.memref_slice %arg2[%add3A_15, %dma_wait3A_175] : memref<4096x50xi32, #tpu.memory_space<hbm>> -> memref<8x50xi32, #tpu.memory_space<hbm>>
      tpu.wait_dma2 semaphore(%run_scoped3A_152 : memref<!tpu.dma_semaphore, #tpu.memory_space<semaphore_mem>>) src(%dma_wait3A_176 : memref<8x50xi32, #tpu.memory_space<hbm>>) dst(%dma_wait3A_174 : memref<8x50xi32, #tpu.memory_space<vmem>>)
      tpu.yield
    }) : () -> ()
    %run_scoped3A_16 = arith.constant 0 : i32
    "tpu.region"() ({
      %run_scoped3A_152 = tpu.sem_alloc : memref<!tpu.dma_semaphore, #tpu.memory_space<semaphore_mem>>
      %dma_start3A_153 = arith.constant 0 : i32
      %dma_start3A_154 = arith.constant 0 : i32
      %dma_start3A_155 = tpu.memref_slice %arg8[%run_scoped3A_16, %dma_start3A_153, %dma_start3A_154] : memref<2x8x64xf32, #tpu.memory_space<vmem>> -> memref<1x8x64xf32, #tpu.memory_space<vmem>>
      %dma_start3A_156 = tpu.memref_squeeze %dma_start3A_155 : memref<1x8x64xf32, #tpu.memory_space<vmem>> -> memref<8x64xf32, #tpu.memory_space<vmem>>
      %dma_start3A_157 = arith.constant 0 : i32
      %dma_start3A_158 = tpu.memref_slice %arg3[%add3A_15, %dma_start3A_157] : memref<4096x64xf32, #tpu.memory_space<hbm>> -> memref<8x64xf32, #tpu.memory_space<hbm>>
      %dma_start3A_159 = arith.constant 0 : i32
      %dma_start3A_160 = arith.constant 0 : i32
      %dma_start3A_161 = tpu.memref_slice %arg8[%run_scoped3A_16, %dma_start3A_159, %dma_start3A_160] : memref<2x8x64xf32, #tpu.memory_space<vmem>> -> memref<1x8x64xf32, #tpu.memory_space<vmem>>
      %dma_start3A_162 = tpu.memref_squeeze %dma_start3A_161 : memref<1x8x64xf32, #tpu.memory_space<vmem>> -> memref<8x64xf32, #tpu.memory_space<vmem>>
      %dma_start3A_163 = arith.constant 0 : i32
      %dma_start3A_164 = tpu.memref_slice %arg3[%add3A_15, %dma_start3A_163] : memref<4096x64xf32, #tpu.memory_space<hbm>> -> memref<8x64xf32, #tpu.memory_space<hbm>>
      tpu.enqueue_dma source(%dma_start3A_164 : memref<8x64xf32, #tpu.memory_space<hbm>>) target(%dma_start3A_162 : memref<8x64xf32, #tpu.memory_space<vmem>>) target_semaphore(%run_scoped3A_152 : memref<!tpu.dma_semaphore, #tpu.memory_space<semaphore_mem>>)
      %dma_wait3A_165 = arith.constant 0 : i32
      %dma_wait3A_166 = arith.constant 0 : i32
      %dma_wait3A_167 = tpu.memref_slice %arg8[%run_scoped3A_16, %dma_wait3A_165, %dma_wait3A_166] : memref<2x8x64xf32, #tpu.memory_space<vmem>> -> memref<1x8x64xf32, #tpu.memory_space<vmem>>
      %dma_wait3A_168 = tpu.memref_squeeze %dma_wait3A_167 : memref<1x8x64xf32, #tpu.memory_space<vmem>> -> memref<8x64xf32, #tpu.memory_space<vmem>>
      %dma_wait3A_169 = arith.constant 0 : i32
      %dma_wait3A_170 = tpu.memref_slice %arg3[%add3A_15, %dma_wait3A_169] : memref<4096x64xf32, #tpu.memory_space<hbm>> -> memref<8x64xf32, #tpu.memory_space<hbm>>
      %dma_wait3A_171 = arith.constant 0 : i32
      %dma_wait3A_172 = arith.constant 0 : i32
      %dma_wait3A_173 = tpu.memref_slice %arg8[%run_scoped3A_16, %dma_wait3A_171, %dma_wait3A_172] : memref<2x8x64xf32, #tpu.memory_space<vmem>> -> memref<1x8x64xf32, #tpu.memory_space<vmem>>
      %dma_wait3A_174 = tpu.memref_squeeze %dma_wait3A_173 : memref<1x8x64xf32, #tpu.memory_space<vmem>> -> memref<8x64xf32, #tpu.memory_space<vmem>>
      %dma_wait3A_175 = arith.constant 0 : i32
      %dma_wait3A_176 = tpu.memref_slice %arg3[%add3A_15, %dma_wait3A_175] : memref<4096x64xf32, #tpu.memory_space<hbm>> -> memref<8x64xf32, #tpu.memory_space<hbm>>
      tpu.wait_dma2 semaphore(%run_scoped3A_152 : memref<!tpu.dma_semaphore, #tpu.memory_space<semaphore_mem>>) src(%dma_wait3A_176 : memref<8x64xf32, #tpu.memory_space<hbm>>) dst(%dma_wait3A_174 : memref<8x64xf32, #tpu.memory_space<vmem>>)
      tpu.yield
    }) : () -> ()
    %dma_start3A = arith.constant 0 : i32
    %dma_start3A_17 = arith.constant 0 : i32
    %dma_start3A_18 = arith.constant 0 : i32
    %dma_start3A_19 = arith.constant 0 : i32
    %dma_start3A_20 = tpu.memref_slice %arg9[%dma_start3A_18, %dma_start3A_19] : memref<800x128xf32, #tpu.memory_space<vmem>> -> memref<50x128xf32, #tpu.memory_space<vmem>>
    %dma_start3A_21 = arith.constant 0 : i32
    %dma_start3A_22 = arith.constant 0 : i32
    %dma_start3A_23 = tpu.memref_slice %arg7[%dma_start3A, %dma_start3A_21, %dma_start3A_22] : memref<2x8x50xi32, #tpu.memory_space<vmem>> -> memref<1x8x50xi32, #tpu.memory_space<vmem>>
    %dma_start3A_24 = tpu.memref_squeeze %dma_start3A_23 : memref<1x8x50xi32, #tpu.memory_space<vmem>> -> memref<8x50xi32, #tpu.memory_space<vmem>>
    %dma_start3A_25 = arith.constant 0 : i32
    %dma_start3A_26 = tpu.memref_slice %dma_start3A_24[%dma_start3A_17, %dma_start3A_25] : memref<8x50xi32, #tpu.memory_space<vmem>> -> memref<1x50xi32, #tpu.memory_space<vmem>>
    %dma_start3A_27 = tpu.memref_squeeze %dma_start3A_26 : memref<1x50xi32, #tpu.memory_space<vmem>> -> memref<50xi32, #tpu.memory_space<vmem>>
    %dma_start3A_28 = arith.constant 0 : i32
    %dma_start3A_29 = arith.constant 0 : i32
    %dma_start3A_30 = tpu.memref_slice %arg4[%dma_start3A_28, %dma_start3A_29] : memref<1000000x128xf32, #tpu.memory_space<hbm>> -> memref<1000000x128xf32, #tpu.memory_space<hbm>>
    tpu.enqueue_indirect_dma source(%dma_start3A_30 : memref<1000000x128xf32, #tpu.memory_space<hbm>>) target(%dma_start3A_20 : memref<50x128xf32, #tpu.memory_space<vmem>>) offsets(%dma_start3A_27 : memref<50xi32, #tpu.memory_space<vmem>>) semaphore(%arg12 : memref<!tpu.dma_semaphore, #tpu.memory_space<semaphore_mem>>)
    %dma_start3A_31 = arith.constant 0 : i32
    %dma_start3A_32 = arith.constant 1 : i32
    %dma_start3A_33 = arith.constant 50 : i32
    %dma_start3A_34 = arith.constant 0 : i32
    %dma_start3A_35 = tpu.memref_slice %arg9[%dma_start3A_33, %dma_start3A_34] : memref<800x128xf32, #tpu.memory_space<vmem>> -> memref<50x128xf32, #tpu.memory_space<vmem>>
    %dma_start3A_36 = arith.constant 0 : i32
    %dma_start3A_37 = arith.constant 0 : i32
    %dma_start3A_38 = tpu.memref_slice %arg7[%dma_start3A_31, %dma_start3A_36, %dma_start3A_37] : memref<2x8x50xi32, #tpu.memory_space<vmem>> -> memref<1x8x50xi32, #tpu.memory_space<vmem>>
    %dma_start3A_39 = tpu.memref_squeeze %dma_start3A_38 : memref<1x8x50xi32, #tpu.memory_space<vmem>> -> memref<8x50xi32, #tpu.memory_space<vmem>>
    %dma_start3A_40 = arith.constant 0 : i32
    %dma_start3A_41 = tpu.memref_slice %dma_start3A_39[%dma_start3A_32, %dma_start3A_40] : memref<8x50xi32, #tpu.memory_space<vmem>> -> memref<1x50xi32, #tpu.memory_space<vmem>>
    %dma_start3A_42 = tpu.memref_squeeze %dma_start3A_41 : memref<1x50xi32, #tpu.memory_space<vmem>> -> memref<50xi32, #tpu.memory_space<vmem>>
    %dma_start3A_43 = arith.constant 0 : i32
    %dma_start3A_44 = arith.constant 0 : i32
    %dma_start3A_45 = tpu.memref_slice %arg4[%dma_start3A_43, %dma_start3A_44] : memref<1000000x128xf32, #tpu.memory_space<hbm>> -> memref<1000000x128xf32, #tpu.memory_space<hbm>>
    tpu.enqueue_indirect_dma source(%dma_start3A_45 : memref<1000000x128xf32, #tpu.memory_space<hbm>>) target(%dma_start3A_35 : memref<50x128xf32, #tpu.memory_space<vmem>>) offsets(%dma_start3A_42 : memref<50xi32, #tpu.memory_space<vmem>>) semaphore(%arg12 : memref<!tpu.dma_semaphore, #tpu.memory_space<semaphore_mem>>)
    %dma_start3A_46 = arith.constant 0 : i32
    %dma_start3A_47 = arith.constant 2 : i32
    %dma_start3A_48 = arith.constant 100 : i32
    %dma_start3A_49 = arith.constant 0 : i32
    %dma_start3A_50 = tpu.memref_slice %arg9[%dma_start3A_48, %dma_start3A_49] : memref<800x128xf32, #tpu.memory_space<vmem>> -> memref<50x128xf32, #tpu.memory_space<vmem>>
    %dma_start3A_51 = arith.constant 0 : i32
    %dma_start3A_52 = arith.constant 0 : i32
    %dma_start3A_53 = tpu.memref_slice %arg7[%dma_start3A_46, %dma_start3A_51, %dma_start3A_52] : memref<2x8x50xi32, #tpu.memory_space<vmem>> -> memref<1x8x50xi32, #tpu.memory_space<vmem>>
    %dma_start3A_54 = tpu.memref_squeeze %dma_start3A_53 : memref<1x8x50xi32, #tpu.memory_space<vmem>> -> memref<8x50xi32, #tpu.memory_space<vmem>>
    %dma_start3A_55 = arith.constant 0 : i32
    %dma_start3A_56 = tpu.memref_slice %dma_start3A_54[%dma_start3A_47, %dma_start3A_55] : memref<8x50xi32, #tpu.memory_space<vmem>> -> memref<1x50xi32, #tpu.memory_space<vmem>>
    %dma_start3A_57 = tpu.memref_squeeze %dma_start3A_56 : memref<1x50xi32, #tpu.memory_space<vmem>> -> memref<50xi32, #tpu.memory_space<vmem>>
    %dma_start3A_58 = arith.constant 0 : i32
    %dma_start3A_59 = arith.constant 0 : i32
    %dma_start3A_60 = tpu.memref_slice %arg4[%dma_start3A_58, %dma_start3A_59] : memref<1000000x128xf32, #tpu.memory_space<hbm>> -> memref<1000000x128xf32, #tpu.memory_space<hbm>>
    tpu.enqueue_indirect_dma source(%dma_start3A_60 : memref<1000000x128xf32, #tpu.memory_space<hbm>>) target(%dma_start3A_50 : memref<50x128xf32, #tpu.memory_space<vmem>>) offsets(%dma_start3A_57 : memref<50xi32, #tpu.memory_space<vmem>>) semaphore(%arg12 : memref<!tpu.dma_semaphore, #tpu.memory_space<semaphore_mem>>)
    %dma_start3A_61 = arith.constant 0 : i32
    %dma_start3A_62 = arith.constant 3 : i32
    %dma_start3A_63 = arith.constant 150 : i32
    %dma_start3A_64 = arith.constant 0 : i32
    %dma_start3A_65 = tpu.memref_slice %arg9[%dma_start3A_63, %dma_start3A_64] : memref<800x128xf32, #tpu.memory_space<vmem>> -> memref<50x128xf32, #tpu.memory_space<vmem>>
    %dma_start3A_66 = arith.constant 0 : i32
    %dma_start3A_67 = arith.constant 0 : i32
    %dma_start3A_68 = tpu.memref_slice %arg7[%dma_start3A_61, %dma_start3A_66, %dma_start3A_67] : memref<2x8x50xi32, #tpu.memory_space<vmem>> -> memref<1x8x50xi32, #tpu.memory_space<vmem>>
    %dma_start3A_69 = tpu.memref_squeeze %dma_start3A_68 : memref<1x8x50xi32, #tpu.memory_space<vmem>> -> memref<8x50xi32, #tpu.memory_space<vmem>>
    %dma_start3A_70 = arith.constant 0 : i32
    %dma_start3A_71 = tpu.memref_slice %dma_start3A_69[%dma_start3A_62, %dma_start3A_70] : memref<8x50xi32, #tpu.memory_space<vmem>> -> memref<1x50xi32, #tpu.memory_space<vmem>>
    %dma_start3A_72 = tpu.memref_squeeze %dma_start3A_71 : memref<1x50xi32, #tpu.memory_space<vmem>> -> memref<50xi32, #tpu.memory_space<vmem>>
    %dma_start3A_73 = arith.constant 0 : i32
    %dma_start3A_74 = arith.constant 0 : i32
    %dma_start3A_75 = tpu.memref_slice %arg4[%dma_start3A_73, %dma_start3A_74] : memref<1000000x128xf32, #tpu.memory_space<hbm>> -> memref<1000000x128xf32, #tpu.memory_space<hbm>>
    tpu.enqueue_indirect_dma source(%dma_start3A_75 : memref<1000000x128xf32, #tpu.memory_space<hbm>>) target(%dma_start3A_65 : memref<50x128xf32, #tpu.memory_space<vmem>>) offsets(%dma_start3A_72 : memref<50xi32, #tpu.memory_space<vmem>>) semaphore(%arg12 : memref<!tpu.dma_semaphore, #tpu.memory_space<semaphore_mem>>)
    %dma_start3A_76 = arith.constant 0 : i32
    %dma_start3A_77 = arith.constant 4 : i32
    %dma_start3A_78 = arith.constant 200 : i32
    %dma_start3A_79 = arith.constant 0 : i32
    %dma_start3A_80 = tpu.memref_slice %arg9[%dma_start3A_78, %dma_start3A_79] : memref<800x128xf32, #tpu.memory_space<vmem>> -> memref<50x128xf32, #tpu.memory_space<vmem>>
    %dma_start3A_81 = arith.constant 0 : i32
    %dma_start3A_82 = arith.constant 0 : i32
    %dma_start3A_83 = tpu.memref_slice %arg7[%dma_start3A_76, %dma_start3A_81, %dma_start3A_82] : memref<2x8x50xi32, #tpu.memory_space<vmem>> -> memref<1x8x50xi32, #tpu.memory_space<vmem>>
    %dma_start3A_84 = tpu.memref_squeeze %dma_start3A_83 : memref<1x8x50xi32, #tpu.memory_space<vmem>> -> memref<8x50xi32, #tpu.memory_space<vmem>>
    %dma_start3A_85 = arith.constant 0 : i32
    %dma_start3A_86 = tpu.memref_slice %dma_start3A_84[%dma_start3A_77, %dma_start3A_85] : memref<8x50xi32, #tpu.memory_space<vmem>> -> memref<1x50xi32, #tpu.memory_space<vmem>>
    %dma_start3A_87 = tpu.memref_squeeze %dma_start3A_86 : memref<1x50xi32, #tpu.memory_space<vmem>> -> memref<50xi32, #tpu.memory_space<vmem>>
    %dma_start3A_88 = arith.constant 0 : i32
    %dma_start3A_89 = arith.constant 0 : i32
    %dma_start3A_90 = tpu.memref_slice %arg4[%dma_start3A_88, %dma_start3A_89] : memref<1000000x128xf32, #tpu.memory_space<hbm>> -> memref<1000000x128xf32, #tpu.memory_space<hbm>>
    tpu.enqueue_indirect_dma source(%dma_start3A_90 : memref<1000000x128xf32, #tpu.memory_space<hbm>>) target(%dma_start3A_80 : memref<50x128xf32, #tpu.memory_space<vmem>>) offsets(%dma_start3A_87 : memref<50xi32, #tpu.memory_space<vmem>>) semaphore(%arg12 : memref<!tpu.dma_semaphore, #tpu.memory_space<semaphore_mem>>)
    %dma_start3A_91 = arith.constant 0 : i32
    %dma_start3A_92 = arith.constant 5 : i32
    %dma_start3A_93 = arith.constant 250 : i32
    %dma_start3A_94 = arith.constant 0 : i32
    %dma_start3A_95 = tpu.memref_slice %arg9[%dma_start3A_93, %dma_start3A_94] : memref<800x128xf32, #tpu.memory_space<vmem>> -> memref<50x128xf32, #tpu.memory_space<vmem>>
    %dma_start3A_96 = arith.constant 0 : i32
    %dma_start3A_97 = arith.constant 0 : i32
    %dma_start3A_98 = tpu.memref_slice %arg7[%dma_start3A_91, %dma_start3A_96, %dma_start3A_97] : memref<2x8x50xi32, #tpu.memory_space<vmem>> -> memref<1x8x50xi32, #tpu.memory_space<vmem>>
    %dma_start3A_99 = tpu.memref_squeeze %dma_start3A_98 : memref<1x8x50xi32, #tpu.memory_space<vmem>> -> memref<8x50xi32, #tpu.memory_space<vmem>>
    %dma_start3A_100 = arith.constant 0 : i32
    %dma_start3A_101 = tpu.memref_slice %dma_start3A_99[%dma_start3A_92, %dma_start3A_100] : memref<8x50xi32, #tpu.memory_space<vmem>> -> memref<1x50xi32, #tpu.memory_space<vmem>>
    %dma_start3A_102 = tpu.memref_squeeze %dma_start3A_101 : memref<1x50xi32, #tpu.memory_space<vmem>> -> memref<50xi32, #tpu.memory_space<vmem>>
    %dma_start3A_103 = arith.constant 0 : i32
    %dma_start3A_104 = arith.constant 0 : i32
    %dma_start3A_105 = tpu.memref_slice %arg4[%dma_start3A_103, %dma_start3A_104] : memref<1000000x128xf32, #tpu.memory_space<hbm>> -> memref<1000000x128xf32, #tpu.memory_space<hbm>>
    tpu.enqueue_indirect_dma source(%dma_start3A_105 : memref<1000000x128xf32, #tpu.memory_space<hbm>>) target(%dma_start3A_95 : memref<50x128xf32, #tpu.memory_space<vmem>>) offsets(%dma_start3A_102 : memref<50xi32, #tpu.memory_space<vmem>>) semaphore(%arg12 : memref<!tpu.dma_semaphore, #tpu.memory_space<semaphore_mem>>)
    %dma_start3A_106 = arith.constant 0 : i32
    %dma_start3A_107 = arith.constant 6 : i32
    %dma_start3A_108 = arith.constant 300 : i32
    %dma_start3A_109 = arith.constant 0 : i32
    %dma_start3A_110 = tpu.memref_slice %arg9[%dma_start3A_108, %dma_start3A_109] : memref<800x128xf32, #tpu.memory_space<vmem>> -> memref<50x128xf32, #tpu.memory_space<vmem>>
    %dma_start3A_111 = arith.constant 0 : i32
    %dma_start3A_112 = arith.constant 0 : i32
    %dma_start3A_113 = tpu.memref_slice %arg7[%dma_start3A_106, %dma_start3A_111, %dma_start3A_112] : memref<2x8x50xi32, #tpu.memory_space<vmem>> -> memref<1x8x50xi32, #tpu.memory_space<vmem>>
    %dma_start3A_114 = tpu.memref_squeeze %dma_start3A_113 : memref<1x8x50xi32, #tpu.memory_space<vmem>> -> memref<8x50xi32, #tpu.memory_space<vmem>>
    %dma_start3A_115 = arith.constant 0 : i32
    %dma_start3A_116 = tpu.memref_slice %dma_start3A_114[%dma_start3A_107, %dma_start3A_115] : memref<8x50xi32, #tpu.memory_space<vmem>> -> memref<1x50xi32, #tpu.memory_space<vmem>>
    %dma_start3A_117 = tpu.memref_squeeze %dma_start3A_116 : memref<1x50xi32, #tpu.memory_space<vmem>> -> memref<50xi32, #tpu.memory_space<vmem>>
    %dma_start3A_118 = arith.constant 0 : i32
    %dma_start3A_119 = arith.constant 0 : i32
    %dma_start3A_120 = tpu.memref_slice %arg4[%dma_start3A_118, %dma_start3A_119] : memref<1000000x128xf32, #tpu.memory_space<hbm>> -> memref<1000000x128xf32, #tpu.memory_space<hbm>>
    tpu.enqueue_indirect_dma source(%dma_start3A_120 : memref<1000000x128xf32, #tpu.memory_space<hbm>>) target(%dma_start3A_110 : memref<50x128xf32, #tpu.memory_space<vmem>>) offsets(%dma_start3A_117 : memref<50xi32, #tpu.memory_space<vmem>>) semaphore(%arg12 : memref<!tpu.dma_semaphore, #tpu.memory_space<semaphore_mem>>)
    %dma_start3A_121 = arith.constant 0 : i32
    %dma_start3A_122 = arith.constant 7 : i32
    %dma_start3A_123 = arith.constant 350 : i32
    %dma_start3A_124 = arith.constant 0 : i32
    %dma_start3A_125 = tpu.memref_slice %arg9[%dma_start3A_123, %dma_start3A_124] : memref<800x128xf32, #tpu.memory_space<vmem>> -> memref<50x128xf32, #tpu.memory_space<vmem>>
    %dma_start3A_126 = arith.constant 0 : i32
    %dma_start3A_127 = arith.constant 0 : i32
    %dma_start3A_128 = tpu.memref_slice %arg7[%dma_start3A_121, %dma_start3A_126, %dma_start3A_127] : memref<2x8x50xi32, #tpu.memory_space<vmem>> -> memref<1x8x50xi32, #tpu.memory_space<vmem>>
    %dma_start3A_129 = tpu.memref_squeeze %dma_start3A_128 : memref<1x8x50xi32, #tpu.memory_space<vmem>> -> memref<8x50xi32, #tpu.memory_space<vmem>>
    %dma_start3A_130 = arith.constant 0 : i32
    %dma_start3A_131 = tpu.memref_slice %dma_start3A_129[%dma_start3A_122, %dma_start3A_130] : memref<8x50xi32, #tpu.memory_space<vmem>> -> memref<1x50xi32, #tpu.memory_space<vmem>>
    %dma_start3A_132 = tpu.memref_squeeze %dma_start3A_131 : memref<1x50xi32, #tpu.memory_space<vmem>> -> memref<50xi32, #tpu.memory_space<vmem>>
    %dma_start3A_133 = arith.constant 0 : i32
    %dma_start3A_134 = arith.constant 0 : i32
    %dma_start3A_135 = tpu.memref_slice %arg4[%dma_start3A_133, %dma_start3A_134] : memref<1000000x128xf32, #tpu.memory_space<hbm>> -> memref<1000000x128xf32, #tpu.memory_space<hbm>>
    tpu.enqueue_indirect_dma source(%dma_start3A_135 : memref<1000000x128xf32, #tpu.memory_space<hbm>>) target(%dma_start3A_125 : memref<50x128xf32, #tpu.memory_space<vmem>>) offsets(%dma_start3A_132 : memref<50xi32, #tpu.memory_space<vmem>>) semaphore(%arg12 : memref<!tpu.dma_semaphore, #tpu.memory_space<semaphore_mem>>)
    %scan3A = arith.constant 0 : i32
    %scan3A_136 = arith.constant 0 : i32
    %scan3A_137 = arith.constant 8 : i32
    %scan3A_138 = arith.addi %scan3A_136, %scan3A_137 : i32
    %scan3A_139 = arith.constant 1 : i32
    scf.for %scan3A_152 = %scan3A_136 to %scan3A_138 step %scan3A_139  : i32 {
      %mul3A_153 = arith.constant 2 : i32
      %mul3A_154 = arith.muli %mul3A_153, %scan3A_152 : i32
      %dma_wait3A_155 = arith.constant 0 : i32
      %dma_wait3A_156 = arith.constant 0 : i32
      %dma_wait3A_157 = tpu.memref_slice %arg9[%dma_wait3A_155, %dma_wait3A_156] : memref<800x128xf32, #tpu.memory_space<vmem>> -> memref<400x128xf32, #tpu.memory_space<vmem>>
      %dma_wait3A_158 = arith.constant 0 : i32
      %dma_wait3A_159 = arith.constant 0 : i32
      %dma_wait3A_160 = tpu.memref_slice %arg4[%dma_wait3A_158, %dma_wait3A_159] : memref<1000000x128xf32, #tpu.memory_space<hbm>> -> memref<400x128xf32, #tpu.memory_space<hbm>>
      %dma_wait3A_161 = arith.constant 0 : i32
      %dma_wait3A_162 = arith.constant 0 : i32
      %dma_wait3A_163 = tpu.memref_slice %arg9[%dma_wait3A_161, %dma_wait3A_162] : memref<800x128xf32, #tpu.memory_space<vmem>> -> memref<400x128xf32, #tpu.memory_space<vmem>>
      %dma_wait3A_164 = arith.constant 0 : i32
      %dma_wait3A_165 = arith.constant 0 : i32
      %dma_wait3A_166 = tpu.memref_slice %arg4[%dma_wait3A_164, %dma_wait3A_165] : memref<1000000x128xf32, #tpu.memory_space<hbm>> -> memref<400x128xf32, #tpu.memory_space<hbm>>
      tpu.wait_dma2 semaphore(%arg12 : memref<!tpu.dma_semaphore, #tpu.memory_space<semaphore_mem>>) src(%dma_wait3A_166 : memref<400x128xf32, #tpu.memory_space<hbm>>) dst(%dma_wait3A_163 : memref<400x128xf32, #tpu.memory_space<vmem>>)
      %add3A_167 = arith.constant 1 : i32
      %add3A_168 = arith.addi %mul3A_154, %add3A_167 : i32
      %mul3A_169 = arith.constant 128 : i32
      %mul3A_170 = arith.muli %add3A, %mul3A_169 : i32
      %mul3A_171 = arith.constant 8 : i32
      %mul3A_172 = arith.muli %add3A_168, %mul3A_171 : i32
      %add3A_173 = arith.addi %mul3A_170, %mul3A_172 : i32
      %run_scoped3A_174 = arith.constant 1 : i32
      "tpu.region"() ({
        %run_scoped3A_462 = tpu.sem_alloc : memref<!tpu.dma_semaphore, #tpu.memory_space<semaphore_mem>>
        %dma_start3A_463 = arith.constant 0 : i32
        %dma_start3A_464 = arith.constant 0 : i32
        %dma_start3A_465 = tpu.memref_slice %arg7[%run_scoped3A_174, %dma_start3A_463, %dma_start3A_464] : memref<2x8x50xi32, #tpu.memory_space<vmem>> -> memref<1x8x50xi32, #tpu.memory_space<vmem>>
        %dma_start3A_466 = tpu.memref_squeeze %dma_start3A_465 : memref<1x8x50xi32, #tpu.memory_space<vmem>> -> memref<8x50xi32, #tpu.memory_space<vmem>>
        %dma_start3A_467 = arith.constant 0 : i32
        %dma_start3A_468 = tpu.memref_slice %arg2[%add3A_173, %dma_start3A_467] : memref<4096x50xi32, #tpu.memory_space<hbm>> -> memref<8x50xi32, #tpu.memory_space<hbm>>
        %dma_start3A_469 = arith.constant 0 : i32
        %dma_start3A_470 = arith.constant 0 : i32
        %dma_start3A_471 = tpu.memref_slice %arg7[%run_scoped3A_174, %dma_start3A_469, %dma_start3A_470] : memref<2x8x50xi32, #tpu.memory_space<vmem>> -> memref<1x8x50xi32, #tpu.memory_space<vmem>>
        %dma_start3A_472 = tpu.memref_squeeze %dma_start3A_471 : memref<1x8x50xi32, #tpu.memory_space<vmem>> -> memref<8x50xi32, #tpu.memory_space<vmem>>
        %dma_start3A_473 = arith.constant 0 : i32
        %dma_start3A_474 = tpu.memref_slice %arg2[%add3A_173, %dma_start3A_473] : memref<4096x50xi32, #tpu.memory_space<hbm>> -> memref<8x50xi32, #tpu.memory_space<hbm>>
        tpu.enqueue_dma source(%dma_start3A_474 : memref<8x50xi32, #tpu.memory_space<hbm>>) target(%dma_start3A_472 : memref<8x50xi32, #tpu.memory_space<vmem>>) target_semaphore(%run_scoped3A_462 : memref<!tpu.dma_semaphore, #tpu.memory_space<semaphore_mem>>)
        %dma_wait3A_475 = arith.constant 0 : i32
        %dma_wait3A_476 = arith.constant 0 : i32
        %dma_wait3A_477 = tpu.memref_slice %arg7[%run_scoped3A_174, %dma_wait3A_475, %dma_wait3A_476] : memref<2x8x50xi32, #tpu.memory_space<vmem>> -> memref<1x8x50xi32, #tpu.memory_space<vmem>>
        %dma_wait3A_478 = tpu.memref_squeeze %dma_wait3A_477 : memref<1x8x50xi32, #tpu.memory_space<vmem>> -> memref<8x50xi32, #tpu.memory_space<vmem>>
        %dma_wait3A_479 = arith.constant 0 : i32
        %dma_wait3A_480 = tpu.memref_slice %arg2[%add3A_173, %dma_wait3A_479] : memref<4096x50xi32, #tpu.memory_space<hbm>> -> memref<8x50xi32, #tpu.memory_space<hbm>>
        %dma_wait3A_481 = arith.constant 0 : i32
        %dma_wait3A_482 = arith.constant 0 : i32
        %dma_wait3A_483 = tpu.memref_slice %arg7[%run_scoped3A_174, %dma_wait3A_481, %dma_wait3A_482] : memref<2x8x50xi32, #tpu.memory_space<vmem>> -> memref<1x8x50xi32, #tpu.memory_space<vmem>>
        %dma_wait3A_484 = tpu.memref_squeeze %dma_wait3A_483 : memref<1x8x50xi32, #tpu.memory_space<vmem>> -> memref<8x50xi32, #tpu.memory_space<vmem>>
        %dma_wait3A_485 = arith.constant 0 : i32
        %dma_wait3A_486 = tpu.memref_slice %arg2[%add3A_173, %dma_wait3A_485] : memref<4096x50xi32, #tpu.memory_space<hbm>> -> memref<8x50xi32, #tpu.memory_space<hbm>>
        tpu.wait_dma2 semaphore(%run_scoped3A_462 : memref<!tpu.dma_semaphore, #tpu.memory_space<semaphore_mem>>) src(%dma_wait3A_486 : memref<8x50xi32, #tpu.memory_space<hbm>>) dst(%dma_wait3A_484 : memref<8x50xi32, #tpu.memory_space<vmem>>)
        tpu.yield
      }) : () -> ()
      %run_scoped3A_175 = arith.constant 1 : i32
      "tpu.region"() ({
        %run_scoped3A_462 = tpu.sem_alloc : memref<!tpu.dma_semaphore, #tpu.memory_space<semaphore_mem>>
        %dma_start3A_463 = arith.constant 0 : i32
        %dma_start3A_464 = arith.constant 0 : i32
        %dma_start3A_465 = tpu.memref_slice %arg8[%run_scoped3A_175, %dma_start3A_463, %dma_start3A_464] : memref<2x8x64xf32, #tpu.memory_space<vmem>> -> memref<1x8x64xf32, #tpu.memory_space<vmem>>
        %dma_start3A_466 = tpu.memref_squeeze %dma_start3A_465 : memref<1x8x64xf32, #tpu.memory_space<vmem>> -> memref<8x64xf32, #tpu.memory_space<vmem>>
        %dma_start3A_467 = arith.constant 0 : i32
        %dma_start3A_468 = tpu.memref_slice %arg3[%add3A_173, %dma_start3A_467] : memref<4096x64xf32, #tpu.memory_space<hbm>> -> memref<8x64xf32, #tpu.memory_space<hbm>>
        %dma_start3A_469 = arith.constant 0 : i32
        %dma_start3A_470 = arith.constant 0 : i32
        %dma_start3A_471 = tpu.memref_slice %arg8[%run_scoped3A_175, %dma_start3A_469, %dma_start3A_470] : memref<2x8x64xf32, #tpu.memory_space<vmem>> -> memref<1x8x64xf32, #tpu.memory_space<vmem>>
        %dma_start3A_472 = tpu.memref_squeeze %dma_start3A_471 : memref<1x8x64xf32, #tpu.memory_space<vmem>> -> memref<8x64xf32, #tpu.memory_space<vmem>>
        %dma_start3A_473 = arith.constant 0 : i32
        %dma_start3A_474 = tpu.memref_slice %arg3[%add3A_173, %dma_start3A_473] : memref<4096x64xf32, #tpu.memory_space<hbm>> -> memref<8x64xf32, #tpu.memory_space<hbm>>
        tpu.enqueue_dma source(%dma_start3A_474 : memref<8x64xf32, #tpu.memory_space<hbm>>) target(%dma_start3A_472 : memref<8x64xf32, #tpu.memory_space<vmem>>) target_semaphore(%run_scoped3A_462 : memref<!tpu.dma_semaphore, #tpu.memory_space<semaphore_mem>>)
        %dma_wait3A_475 = arith.constant 0 : i32
        %dma_wait3A_476 = arith.constant 0 : i32
        %dma_wait3A_477 = tpu.memref_slice %arg8[%run_scoped3A_175, %dma_wait3A_475, %dma_wait3A_476] : memref<2x8x64xf32, #tpu.memory_space<vmem>> -> memref<1x8x64xf32, #tpu.memory_space<vmem>>
        %dma_wait3A_478 = tpu.memref_squeeze %dma_wait3A_477 : memref<1x8x64xf32, #tpu.memory_space<vmem>> -> memref<8x64xf32, #tpu.memory_space<vmem>>
        %dma_wait3A_479 = arith.constant 0 : i32
        %dma_wait3A_480 = tpu.memref_slice %arg3[%add3A_173, %dma_wait3A_479] : memref<4096x64xf32, #tpu.memory_space<hbm>> -> memref<8x64xf32, #tpu.memory_space<hbm>>
        %dma_wait3A_481 = arith.constant 0 : i32
        %dma_wait3A_482 = arith.constant 0 : i32
        %dma_wait3A_483 = tpu.memref_slice %arg8[%run_scoped3A_175, %dma_wait3A_481, %dma_wait3A_482] : memref<2x8x64xf32, #tpu.memory_space<vmem>> -> memref<1x8x64xf32, #tpu.memory_space<vmem>>
        %dma_wait3A_484 = tpu.memref_squeeze %dma_wait3A_483 : memref<1x8x64xf32, #tpu.memory_space<vmem>> -> memref<8x64xf32, #tpu.memory_space<vmem>>
        %dma_wait3A_485 = arith.constant 0 : i32
        %dma_wait3A_486 = tpu.memref_slice %arg3[%add3A_173, %dma_wait3A_485] : memref<4096x64xf32, #tpu.memory_space<hbm>> -> memref<8x64xf32, #tpu.memory_space<hbm>>
        tpu.wait_dma2 semaphore(%run_scoped3A_462 : memref<!tpu.dma_semaphore, #tpu.memory_space<semaphore_mem>>) src(%dma_wait3A_486 : memref<8x64xf32, #tpu.memory_space<hbm>>) dst(%dma_wait3A_484 : memref<8x64xf32, #tpu.memory_space<vmem>>)
        tpu.yield
      }) : () -> ()
      %dma_start3A_176 = arith.constant 1 : i32
      %dma_start3A_177 = arith.constant 0 : i32
      %dma_start3A_178 = arith.constant 400 : i32
      %dma_start3A_179 = arith.constant 0 : i32
      %dma_start3A_180 = tpu.memref_slice %arg9[%dma_start3A_178, %dma_start3A_179] : memref<800x128xf32, #tpu.memory_space<vmem>> -> memref<50x128xf32, #tpu.memory_space<vmem>>
      %dma_start3A_181 = arith.constant 0 : i32
      %dma_start3A_182 = arith.constant 0 : i32
      %dma_start3A_183 = tpu.memref_slice %arg7[%dma_start3A_176, %dma_start3A_181, %dma_start3A_182] : memref<2x8x50xi32, #tpu.memory_space<vmem>> -> memref<1x8x50xi32, #tpu.memory_space<vmem>>
      %dma_start3A_184 = tpu.memref_squeeze %dma_start3A_183 : memref<1x8x50xi32, #tpu.memory_space<vmem>> -> memref<8x50xi32, #tpu.memory_space<vmem>>
      %dma_start3A_185 = arith.constant 0 : i32
      %dma_start3A_186 = tpu.memref_slice %dma_start3A_184[%dma_start3A_177, %dma_start3A_185] : memref<8x50xi32, #tpu.memory_space<vmem>> -> memref<1x50xi32, #tpu.memory_space<vmem>>
      %dma_start3A_187 = tpu.memref_squeeze %dma_start3A_186 : memref<1x50xi32, #tpu.memory_space<vmem>> -> memref<50xi32, #tpu.memory_space<vmem>>
      %dma_start3A_188 = arith.constant 0 : i32
      %dma_start3A_189 = arith.constant 0 : i32
      %dma_start3A_190 = tpu.memref_slice %arg4[%dma_start3A_188, %dma_start3A_189] : memref<1000000x128xf32, #tpu.memory_space<hbm>> -> memref<1000000x128xf32, #tpu.memory_space<hbm>>
      tpu.enqueue_indirect_dma source(%dma_start3A_190 : memref<1000000x128xf32, #tpu.memory_space<hbm>>) target(%dma_start3A_180 : memref<50x128xf32, #tpu.memory_space<vmem>>) offsets(%dma_start3A_187 : memref<50xi32, #tpu.memory_space<vmem>>) semaphore(%arg13 : memref<!tpu.dma_semaphore, #tpu.memory_space<semaphore_mem>>)
      %dma_start3A_191 = arith.constant 1 : i32
      %dma_start3A_192 = arith.constant 1 : i32
      %dma_start3A_193 = arith.constant 450 : i32
      %dma_start3A_194 = arith.constant 0 : i32
      %dma_start3A_195 = tpu.memref_slice %arg9[%dma_start3A_193, %dma_start3A_194] : memref<800x128xf32, #tpu.memory_space<vmem>> -> memref<50x128xf32, #tpu.memory_space<vmem>>
      %dma_start3A_196 = arith.constant 0 : i32
      %dma_start3A_197 = arith.constant 0 : i32
      %dma_start3A_198 = tpu.memref_slice %arg7[%dma_start3A_191, %dma_start3A_196, %dma_start3A_197] : memref<2x8x50xi32, #tpu.memory_space<vmem>> -> memref<1x8x50xi32, #tpu.memory_space<vmem>>
      %dma_start3A_199 = tpu.memref_squeeze %dma_start3A_198 : memref<1x8x50xi32, #tpu.memory_space<vmem>> -> memref<8x50xi32, #tpu.memory_space<vmem>>
      %dma_start3A_200 = arith.constant 0 : i32
      %dma_start3A_201 = tpu.memref_slice %dma_start3A_199[%dma_start3A_192, %dma_start3A_200] : memref<8x50xi32, #tpu.memory_space<vmem>> -> memref<1x50xi32, #tpu.memory_space<vmem>>
      %dma_start3A_202 = tpu.memref_squeeze %dma_start3A_201 : memref<1x50xi32, #tpu.memory_space<vmem>> -> memref<50xi32, #tpu.memory_space<vmem>>
      %dma_start3A_203 = arith.constant 0 : i32
      %dma_start3A_204 = arith.constant 0 : i32
      %dma_start3A_205 = tpu.memref_slice %arg4[%dma_start3A_203, %dma_start3A_204] : memref<1000000x128xf32, #tpu.memory_space<hbm>> -> memref<1000000x128xf32, #tpu.memory_space<hbm>>
      tpu.enqueue_indirect_dma source(%dma_start3A_205 : memref<1000000x128xf32, #tpu.memory_space<hbm>>) target(%dma_start3A_195 : memref<50x128xf32, #tpu.memory_space<vmem>>) offsets(%dma_start3A_202 : memref<50xi32, #tpu.memory_space<vmem>>) semaphore(%arg13 : memref<!tpu.dma_semaphore, #tpu.memory_space<semaphore_mem>>)
      %dma_start3A_206 = arith.constant 1 : i32
      %dma_start3A_207 = arith.constant 2 : i32
      %dma_start3A_208 = arith.constant 500 : i32
      %dma_start3A_209 = arith.constant 0 : i32
      %dma_start3A_210 = tpu.memref_slice %arg9[%dma_start3A_208, %dma_start3A_209] : memref<800x128xf32, #tpu.memory_space<vmem>> -> memref<50x128xf32, #tpu.memory_space<vmem>>
      %dma_start3A_211 = arith.constant 0 : i32
      %dma_start3A_212 = arith.constant 0 : i32
      %dma_start3A_213 = tpu.memref_slice %arg7[%dma_start3A_206, %dma_start3A_211, %dma_start3A_212] : memref<2x8x50xi32, #tpu.memory_space<vmem>> -> memref<1x8x50xi32, #tpu.memory_space<vmem>>
      %dma_start3A_214 = tpu.memref_squeeze %dma_start3A_213 : memref<1x8x50xi32, #tpu.memory_space<vmem>> -> memref<8x50xi32, #tpu.memory_space<vmem>>
      %dma_start3A_215 = arith.constant 0 : i32
      %dma_start3A_216 = tpu.memref_slice %dma_start3A_214[%dma_start3A_207, %dma_start3A_215] : memref<8x50xi32, #tpu.memory_space<vmem>> -> memref<1x50xi32, #tpu.memory_space<vmem>>
      %dma_start3A_217 = tpu.memref_squeeze %dma_start3A_216 : memref<1x50xi32, #tpu.memory_space<vmem>> -> memref<50xi32, #tpu.memory_space<vmem>>
      %dma_start3A_218 = arith.constant 0 : i32
      %dma_start3A_219 = arith.constant 0 : i32
      %dma_start3A_220 = tpu.memref_slice %arg4[%dma_start3A_218, %dma_start3A_219] : memref<1000000x128xf32, #tpu.memory_space<hbm>> -> memref<1000000x128xf32, #tpu.memory_space<hbm>>
      tpu.enqueue_indirect_dma source(%dma_start3A_220 : memref<1000000x128xf32, #tpu.memory_space<hbm>>) target(%dma_start3A_210 : memref<50x128xf32, #tpu.memory_space<vmem>>) offsets(%dma_start3A_217 : memref<50xi32, #tpu.memory_space<vmem>>) semaphore(%arg13 : memref<!tpu.dma_semaphore, #tpu.memory_space<semaphore_mem>>)
      %dma_start3A_221 = arith.constant 1 : i32
      %dma_start3A_222 = arith.constant 3 : i32
      %dma_start3A_223 = arith.constant 550 : i32
      %dma_start3A_224 = arith.constant 0 : i32
      %dma_start3A_225 = tpu.memref_slice %arg9[%dma_start3A_223, %dma_start3A_224] : memref<800x128xf32, #tpu.memory_space<vmem>> -> memref<50x128xf32, #tpu.memory_space<vmem>>
      %dma_start3A_226 = arith.constant 0 : i32
      %dma_start3A_227 = arith.constant 0 : i32
      %dma_start3A_228 = tpu.memref_slice %arg7[%dma_start3A_221, %dma_start3A_226, %dma_start3A_227] : memref<2x8x50xi32, #tpu.memory_space<vmem>> -> memref<1x8x50xi32, #tpu.memory_space<vmem>>
      %dma_start3A_229 = tpu.memref_squeeze %dma_start3A_228 : memref<1x8x50xi32, #tpu.memory_space<vmem>> -> memref<8x50xi32, #tpu.memory_space<vmem>>
      %dma_start3A_230 = arith.constant 0 : i32
      %dma_start3A_231 = tpu.memref_slice %dma_start3A_229[%dma_start3A_222, %dma_start3A_230] : memref<8x50xi32, #tpu.memory_space<vmem>> -> memref<1x50xi32, #tpu.memory_space<vmem>>
      %dma_start3A_232 = tpu.memref_squeeze %dma_start3A_231 : memref<1x50xi32, #tpu.memory_space<vmem>> -> memref<50xi32, #tpu.memory_space<vmem>>
      %dma_start3A_233 = arith.constant 0 : i32
      %dma_start3A_234 = arith.constant 0 : i32
      %dma_start3A_235 = tpu.memref_slice %arg4[%dma_start3A_233, %dma_start3A_234] : memref<1000000x128xf32, #tpu.memory_space<hbm>> -> memref<1000000x128xf32, #tpu.memory_space<hbm>>
      tpu.enqueue_indirect_dma source(%dma_start3A_235 : memref<1000000x128xf32, #tpu.memory_space<hbm>>) target(%dma_start3A_225 : memref<50x128xf32, #tpu.memory_space<vmem>>) offsets(%dma_start3A_232 : memref<50xi32, #tpu.memory_space<vmem>>) semaphore(%arg13 : memref<!tpu.dma_semaphore, #tpu.memory_space<semaphore_mem>>)
      %dma_start3A_236 = arith.constant 1 : i32
      %dma_start3A_237 = arith.constant 4 : i32
      %dma_start3A_238 = arith.constant 600 : i32
      %dma_start3A_239 = arith.constant 0 : i32
      %dma_start3A_240 = tpu.memref_slice %arg9[%dma_start3A_238, %dma_start3A_239] : memref<800x128xf32, #tpu.memory_space<vmem>> -> memref<50x128xf32, #tpu.memory_space<vmem>>
      %dma_start3A_241 = arith.constant 0 : i32
      %dma_start3A_242 = arith.constant 0 : i32
      %dma_start3A_243 = tpu.memref_slice %arg7[%dma_start3A_236, %dma_start3A_241, %dma_start3A_242] : memref<2x8x50xi32, #tpu.memory_space<vmem>> -> memref<1x8x50xi32, #tpu.memory_space<vmem>>
      %dma_start3A_244 = tpu.memref_squeeze %dma_start3A_243 : memref<1x8x50xi32, #tpu.memory_space<vmem>> -> memref<8x50xi32, #tpu.memory_space<vmem>>
      %dma_start3A_245 = arith.constant 0 : i32
      %dma_start3A_246 = tpu.memref_slice %dma_start3A_244[%dma_start3A_237, %dma_start3A_245] : memref<8x50xi32, #tpu.memory_space<vmem>> -> memref<1x50xi32, #tpu.memory_space<vmem>>
      %dma_start3A_247 = tpu.memref_squeeze %dma_start3A_246 : memref<1x50xi32, #tpu.memory_space<vmem>> -> memref<50xi32, #tpu.memory_space<vmem>>
      %dma_start3A_248 = arith.constant 0 : i32
      %dma_start3A_249 = arith.constant 0 : i32
      %dma_start3A_250 = tpu.memref_slice %arg4[%dma_start3A_248, %dma_start3A_249] : memref<1000000x128xf32, #tpu.memory_space<hbm>> -> memref<1000000x128xf32, #tpu.memory_space<hbm>>
      tpu.enqueue_indirect_dma source(%dma_start3A_250 : memref<1000000x128xf32, #tpu.memory_space<hbm>>) target(%dma_start3A_240 : memref<50x128xf32, #tpu.memory_space<vmem>>) offsets(%dma_start3A_247 : memref<50xi32, #tpu.memory_space<vmem>>) semaphore(%arg13 : memref<!tpu.dma_semaphore, #tpu.memory_space<semaphore_mem>>)
      %dma_start3A_251 = arith.constant 1 : i32
      %dma_start3A_252 = arith.constant 5 : i32
      %dma_start3A_253 = arith.constant 650 : i32
      %dma_start3A_254 = arith.constant 0 : i32
      %dma_start3A_255 = tpu.memref_slice %arg9[%dma_start3A_253, %dma_start3A_254] : memref<800x128xf32, #tpu.memory_space<vmem>> -> memref<50x128xf32, #tpu.memory_space<vmem>>
      %dma_start3A_256 = arith.constant 0 : i32
      %dma_start3A_257 = arith.constant 0 : i32
      %dma_start3A_258 = tpu.memref_slice %arg7[%dma_start3A_251, %dma_start3A_256, %dma_start3A_257] : memref<2x8x50xi32, #tpu.memory_space<vmem>> -> memref<1x8x50xi32, #tpu.memory_space<vmem>>
      %dma_start3A_259 = tpu.memref_squeeze %dma_start3A_258 : memref<1x8x50xi32, #tpu.memory_space<vmem>> -> memref<8x50xi32, #tpu.memory_space<vmem>>
      %dma_start3A_260 = arith.constant 0 : i32
      %dma_start3A_261 = tpu.memref_slice %dma_start3A_259[%dma_start3A_252, %dma_start3A_260] : memref<8x50xi32, #tpu.memory_space<vmem>> -> memref<1x50xi32, #tpu.memory_space<vmem>>
      %dma_start3A_262 = tpu.memref_squeeze %dma_start3A_261 : memref<1x50xi32, #tpu.memory_space<vmem>> -> memref<50xi32, #tpu.memory_space<vmem>>
      %dma_start3A_263 = arith.constant 0 : i32
      %dma_start3A_264 = arith.constant 0 : i32
      %dma_start3A_265 = tpu.memref_slice %arg4[%dma_start3A_263, %dma_start3A_264] : memref<1000000x128xf32, #tpu.memory_space<hbm>> -> memref<1000000x128xf32, #tpu.memory_space<hbm>>
      tpu.enqueue_indirect_dma source(%dma_start3A_265 : memref<1000000x128xf32, #tpu.memory_space<hbm>>) target(%dma_start3A_255 : memref<50x128xf32, #tpu.memory_space<vmem>>) offsets(%dma_start3A_262 : memref<50xi32, #tpu.memory_space<vmem>>) semaphore(%arg13 : memref<!tpu.dma_semaphore, #tpu.memory_space<semaphore_mem>>)
      %dma_start3A_266 = arith.constant 1 : i32
      %dma_start3A_267 = arith.constant 6 : i32
      %dma_start3A_268 = arith.constant 700 : i32
      %dma_start3A_269 = arith.constant 0 : i32
      %dma_start3A_270 = tpu.memref_slice %arg9[%dma_start3A_268, %dma_start3A_269] : memref<800x128xf32, #tpu.memory_space<vmem>> -> memref<50x128xf32, #tpu.memory_space<vmem>>
      %dma_start3A_271 = arith.constant 0 : i32
      %dma_start3A_272 = arith.constant 0 : i32
      %dma_start3A_273 = tpu.memref_slice %arg7[%dma_start3A_266, %dma_start3A_271, %dma_start3A_272] : memref<2x8x50xi32, #tpu.memory_space<vmem>> -> memref<1x8x50xi32, #tpu.memory_space<vmem>>
      %dma_start3A_274 = tpu.memref_squeeze %dma_start3A_273 : memref<1x8x50xi32, #tpu.memory_space<vmem>> -> memref<8x50xi32, #tpu.memory_space<vmem>>
      %dma_start3A_275 = arith.constant 0 : i32
      %dma_start3A_276 = tpu.memref_slice %dma_start3A_274[%dma_start3A_267, %dma_start3A_275] : memref<8x50xi32, #tpu.memory_space<vmem>> -> memref<1x50xi32, #tpu.memory_space<vmem>>
      %dma_start3A_277 = tpu.memref_squeeze %dma_start3A_276 : memref<1x50xi32, #tpu.memory_space<vmem>> -> memref<50xi32, #tpu.memory_space<vmem>>
      %dma_start3A_278 = arith.constant 0 : i32
      %dma_start3A_279 = arith.constant 0 : i32
      %dma_start3A_280 = tpu.memref_slice %arg4[%dma_start3A_278, %dma_start3A_279] : memref<1000000x128xf32, #tpu.memory_space<hbm>> -> memref<1000000x128xf32, #tpu.memory_space<hbm>>
      tpu.enqueue_indirect_dma source(%dma_start3A_280 : memref<1000000x128xf32, #tpu.memory_space<hbm>>) target(%dma_start3A_270 : memref<50x128xf32, #tpu.memory_space<vmem>>) offsets(%dma_start3A_277 : memref<50xi32, #tpu.memory_space<vmem>>) semaphore(%arg13 : memref<!tpu.dma_semaphore, #tpu.memory_space<semaphore_mem>>)
      %dma_start3A_281 = arith.constant 1 : i32
      %dma_start3A_282 = arith.constant 7 : i32
      %dma_start3A_283 = arith.constant 750 : i32
      %dma_start3A_284 = arith.constant 0 : i32
      %dma_start3A_285 = tpu.memref_slice %arg9[%dma_start3A_283, %dma_start3A_284] : memref<800x128xf32, #tpu.memory_space<vmem>> -> memref<50x128xf32, #tpu.memory_space<vmem>>
      %dma_start3A_286 = arith.constant 0 : i32
      %dma_start3A_287 = arith.constant 0 : i32
      %dma_start3A_288 = tpu.memref_slice %arg7[%dma_start3A_281, %dma_start3A_286, %dma_start3A_287] : memref<2x8x50xi32, #tpu.memory_space<vmem>> -> memref<1x8x50xi32, #tpu.memory_space<vmem>>
      %dma_start3A_289 = tpu.memref_squeeze %dma_start3A_288 : memref<1x8x50xi32, #tpu.memory_space<vmem>> -> memref<8x50xi32, #tpu.memory_space<vmem>>
      %dma_start3A_290 = arith.constant 0 : i32
      %dma_start3A_291 = tpu.memref_slice %dma_start3A_289[%dma_start3A_282, %dma_start3A_290] : memref<8x50xi32, #tpu.memory_space<vmem>> -> memref<1x50xi32, #tpu.memory_space<vmem>>
      %dma_start3A_292 = tpu.memref_squeeze %dma_start3A_291 : memref<1x50xi32, #tpu.memory_space<vmem>> -> memref<50xi32, #tpu.memory_space<vmem>>
      %dma_start3A_293 = arith.constant 0 : i32
      %dma_start3A_294 = arith.constant 0 : i32
      %dma_start3A_295 = tpu.memref_slice %arg4[%dma_start3A_293, %dma_start3A_294] : memref<1000000x128xf32, #tpu.memory_space<hbm>> -> memref<1000000x128xf32, #tpu.memory_space<hbm>>
      tpu.enqueue_indirect_dma source(%dma_start3A_295 : memref<1000000x128xf32, #tpu.memory_space<hbm>>) target(%dma_start3A_285 : memref<50x128xf32, #tpu.memory_space<vmem>>) offsets(%dma_start3A_292 : memref<50xi32, #tpu.memory_space<vmem>>) semaphore(%arg13 : memref<!tpu.dma_semaphore, #tpu.memory_space<semaphore_mem>>)
      %scan3A_296 = arith.constant 0 : i32
      %scan3A_297 = arith.constant 0 : i32
      %scan3A_298 = arith.constant 8 : i32
      %scan3A_299 = arith.addi %scan3A_297, %scan3A_298 : i32
      %scan3A_300 = arith.constant 1 : i32
      scf.for %scan3A_462 = %scan3A_297 to %scan3A_299 step %scan3A_300  : i32 {
        %mul3A_463 = arith.constant 50 : i32
        %mul3A_464 = arith.muli %scan3A_462, %mul3A_463 : i32
        %add3A_465 = arith.constant 0 : i32
        %add3A_466 = arith.addi %add3A_465, %mul3A_464 : i32
        %get3A_467 = arith.constant 0 : i32
        %get3A_468 = arith.index_cast %get3A_467 : i32 to index
        %get3A_469 = arith.index_cast %scan3A_462 : i32 to index
        %get3A_470 = arith.constant 0 : index
        %get3A_471 = tpu.vector_load %arg8[%get3A_468, %get3A_469, %get3A_470] {strides = array<i32>} : memref<2x8x64xf32, #tpu.memory_space<vmem>>, vector<1x1x16xf32>,
        %get3A_472 = vector.shape_cast %get3A_471 : vector<1x1x16xf32> to vector<16xf32>
        %slice3A = vector.extract_strided_slice %get3A_472 {offsets = [0], sizes = [1], strides = [1]} : vector<16xf32> to vector<1xf32>
        %squeeze3A = vector.extract %slice3A[0] : f32 from vector<1xf32>
        %add3A_473 = arith.constant 0 : i32
        %add3A_474 = arith.addi %add3A_466, %add3A_473 : i32
        %add3A_475 = arith.constant 0 : i32
        %add3A_476 = arith.addi %add3A_474, %add3A_475 : i32
        %get3A_477 = arith.index_cast %add3A_476 : i32 to index
        %get3A_478 = arith.constant 0 : index
        %get3A_479 = tpu.vector_load %arg9[%get3A_477, %get3A_478] {strides = array<i32>} : memref<800x128xf32, #tpu.memory_space<vmem>>, vector<1x16xf32>,
        %get3A_480 = vector.shape_cast %get3A_479 : vector<1x16xf32> to vector<16xf32>
        %mul3A_481 = vector.broadcast %squeeze3A : f32 to vector<16xf32>
        %mul3A_482 = arith.mulf %get3A_480, %mul3A_481 : vector<16xf32>
        %add3A_483 = arith.addf %get3A_2, %mul3A_482 : vector<16xf32>
        %get3A_484 = arith.index_cast %add3A_476 : i32 to index
        %get3A_485 = arith.constant 16 : index
        %get3A_486 = tpu.vector_load %arg9[%get3A_484, %get3A_485] {strides = array<i32>} : memref<800x128xf32, #tpu.memory_space<vmem>>, vector<1x16xf32>,
        %get3A_487 = vector.shape_cast %get3A_486 : vector<1x16xf32> to vector<16xf32>
        %mul3A_488 = vector.broadcast %squeeze3A : f32 to vector<16xf32>
        %mul3A_489 = arith.mulf %get3A_487, %mul3A_488 : vector<16xf32>
        %add3A_490 = arith.addf %get3A_5, %mul3A_489 : vector<16xf32>
        %get3A_491 = arith.index_cast %add3A_476 : i32 to index
        %get3A_492 = arith.constant 32 : index
        %get3A_493 = tpu.vector_load %arg9[%get3A_491, %get3A_492] {strides = array<i32>} : memref<800x128xf32, #tpu.memory_space<vmem>>, vector<1x16xf32>,
        %get3A_494 = vector.shape_cast %get3A_493 : vector<1x16xf32> to vector<16xf32>
        %mul3A_495 = vector.broadcast %squeeze3A : f32 to vector<16xf32>
        %mul3A_496 = arith.mulf %get3A_494, %mul3A_495 : vector<16xf32>
        %add3A_497 = arith.addf %get3A_8, %mul3A_496 : vector<16xf32>
        %get3A_498 = arith.index_cast %add3A_476 : i32 to index
        %get3A_499 = arith.constant 48 : index
        %get3A_500 = tpu.vector_load %arg9[%get3A_498, %get3A_499] {strides = array<i32>} : memref<800x128xf32, #tpu.memory_space<vmem>>, vector<1x16xf32>,
        %get3A_501 = vector.shape_cast %get3A_500 : vector<1x16xf32> to vector<16xf32>
        %mul3A_502 = vector.broadcast %squeeze3A : f32 to vector<16xf32>
        %mul3A_503 = arith.mulf %get3A_501, %mul3A_502 : vector<16xf32>
        %add3A_504 = arith.addf %get3A_11, %mul3A_503 : vector<16xf32>
        %slice3A_505 = vector.extract_strided_slice %get3A_472 {offsets = [1], sizes = [1], strides = [1]} : vector<16xf32> to vector<1xf32>
        %squeeze3A_506 = vector.extract %slice3A_505[0] : f32 from vector<1xf32>
        %add3A_507 = arith.constant 0 : i32
        %add3A_508 = arith.addi %add3A_466, %add3A_507 : i32
        %add3A_509 = arith.constant 1 : i32
        %add3A_510 = arith.addi %add3A_508, %add3A_509 : i32
        %get3A_511 = arith.index_cast %add3A_510 : i32 to index
        %get3A_512 = arith.constant 0 : index
        %get3A_513 = tpu.vector_load %arg9[%get3A_511, %get3A_512] {strides = array<i32>} : memref<800x128xf32, #tpu.memory_space<vmem>>, vector<1x16xf32>,
        %get3A_514 = vector.shape_cast %get3A_513 : vector<1x16xf32> to vector<16xf32>
        %mul3A_515 = vector.broadcast %squeeze3A_506 : f32 to vector<16xf32>
        %mul3A_516 = arith.mulf %get3A_514, %mul3A_515 : vector<16xf32>
        %add3A_517 = arith.addf %add3A_483, %mul3A_516 : vector<16xf32>
        %get3A_518 = arith.index_cast %add3A_510 : i32 to index
        %get3A_519 = arith.constant 16 : index
        %get3A_520 = tpu.vector_load %arg9[%get3A_518, %get3A_519] {strides = array<i32>} : memref<800x128xf32, #tpu.memory_space<vmem>>, vector<1x16xf32>,
        %get3A_521 = vector.shape_cast %get3A_520 : vector<1x16xf32> to vector<16xf32>
        %mul3A_522 = vector.broadcast %squeeze3A_506 : f32 to vector<16xf32>
        %mul3A_523 = arith.mulf %get3A_521, %mul3A_522 : vector<16xf32>
        %add3A_524 = arith.addf %add3A_490, %mul3A_523 : vector<16xf32>
        %get3A_525 = arith.index_cast %add3A_510 : i32 to index
        %get3A_526 = arith.constant 32 : index
        %get3A_527 = tpu.vector_load %arg9[%get3A_525, %get3A_526] {strides = array<i32>} : memref<800x128xf32, #tpu.memory_space<vmem>>, vector<1x16xf32>,
        %get3A_528 = vector.shape_cast %get3A_527 : vector<1x16xf32> to vector<16xf32>
        %mul3A_529 = vector.broadcast %squeeze3A_506 : f32 to vector<16xf32>
        %mul3A_530 = arith.mulf %get3A_528, %mul3A_529 : vector<16xf32>
        %add3A_531 = arith.addf %add3A_497, %mul3A_530 : vector<16xf32>
        %get3A_532 = arith.index_cast %add3A_510 : i32 to index
        %get3A_533 = arith.constant 48 : index
        %get3A_534 = tpu.vector_load %arg9[%get3A_532, %get3A_533] {strides = array<i32>} : memref<800x128xf32, #tpu.memory_space<vmem>>, vector<1x16xf32>,
        %get3A_535 = vector.shape_cast %get3A_534 : vector<1x16xf32> to vector<16xf32>
        %mul3A_536 = vector.broadcast %squeeze3A_506 : f32 to vector<16xf32>
        %mul3A_537 = arith.mulf %get3A_535, %mul3A_536 : vector<16xf32>
        %add3A_538 = arith.addf %add3A_504, %mul3A_537 : vector<16xf32>
        %slice3A_539 = vector.extract_strided_slice %get3A_472 {offsets = [2], sizes = [1], strides = [1]} : vector<16xf32> to vector<1xf32>
        %squeeze3A_540 = vector.extract %slice3A_539[0] : f32 from vector<1xf32>
        %add3A_541 = arith.constant 0 : i32
        %add3A_542 = arith.addi %add3A_466, %add3A_541 : i32
        %add3A_543 = arith.constant 2 : i32
        %add3A_544 = arith.addi %add3A_542, %add3A_543 : i32
        %get3A_545 = arith.index_cast %add3A_544 : i32 to index
        %get3A_546 = arith.constant 0 : index
        %get3A_547 = tpu.vector_load %arg9[%get3A_545, %get3A_546] {strides = array<i32>} : memref<800x128xf32, #tpu.memory_space<vmem>>, vector<1x16xf32>,
        %get3A_548 = vector.shape_cast %get3A_547 : vector<1x16xf32> to vector<16xf32>
        %mul3A_549 = vector.broadcast %squeeze3A_540 : f32 to vector<16xf32>
        %mul3A_550 = arith.mulf %get3A_548, %mul3A_549 : vector<16xf32>
        %add3A_551 = arith.addf %add3A_517, %mul3A_550 : vector<16xf32>
        %get3A_552 = arith.index_cast %add3A_544 : i32 to index
        %get3A_553 = arith.constant 16 : index
        %get3A_554 = tpu.vector_load %arg9[%get3A_552, %get3A_553] {strides = array<i32>} : memref<800x128xf32, #tpu.memory_space<vmem>>, vector<1x16xf32>,
        %get3A_555 = vector.shape_cast %get3A_554 : vector<1x16xf32> to vector<16xf32>
        %mul3A_556 = vector.broadcast %squeeze3A_540 : f32 to vector<16xf32>
        %mul3A_557 = arith.mulf %get3A_555, %mul3A_556 : vector<16xf32>
        %add3A_558 = arith.addf %add3A_524, %mul3A_557 : vector<16xf32>
        %get3A_559 = arith.index_cast %add3A_544 : i32 to index
        %get3A_560 = arith.constant 32 : index
        %get3A_561 = tpu.vector_load %arg9[%get3A_559, %get3A_560] {strides = array<i32>} : memref<800x128xf32, #tpu.memory_space<vmem>>, vector<1x16xf32>,
        %get3A_562 = vector.shape_cast %get3A_561 : vector<1x16xf32> to vector<16xf32>
        %mul3A_563 = vector.broadcast %squeeze3A_540 : f32 to vector<16xf32>
        %mul3A_564 = arith.mulf %get3A_562, %mul3A_563 : vector<16xf32>
        %add3A_565 = arith.addf %add3A_531, %mul3A_564 : vector<16xf32>
        %get3A_566 = arith.index_cast %add3A_544 : i32 to index
        %get3A_567 = arith.constant 48 : index
        %get3A_568 = tpu.vector_load %arg9[%get3A_566, %get3A_567] {strides = array<i32>} : memref<800x128xf32, #tpu.memory_space<vmem>>, vector<1x16xf32>,
        %get3A_569 = vector.shape_cast %get3A_568 : vector<1x16xf32> to vector<16xf32>
        %mul3A_570 = vector.broadcast %squeeze3A_540 : f32 to vector<16xf32>
        %mul3A_571 = arith.mulf %get3A_569, %mul3A_570 : vector<16xf32>
        %add3A_572 = arith.addf %add3A_538, %mul3A_571 : vector<16xf32>
        %slice3A_573 = vector.extract_strided_slice %get3A_472 {offsets = [3], sizes = [1], strides = [1]} : vector<16xf32> to vector<1xf32>
        %squeeze3A_574 = vector.extract %slice3A_573[0] : f32 from vector<1xf32>
        %add3A_575 = arith.constant 0 : i32
        %add3A_576 = arith.addi %add3A_466, %add3A_575 : i32
        %add3A_577 = arith.constant 3 : i32
        %add3A_578 = arith.addi %add3A_576, %add3A_577 : i32
        %get3A_579 = arith.index_cast %add3A_578 : i32 to index
        %get3A_580 = arith.constant 0 : index
        %get3A_581 = tpu.vector_load %arg9[%get3A_579, %get3A_580] {strides = array<i32>} : memref<800x128xf32, #tpu.memory_space<vmem>>, vector<1x16xf32>,
        %get3A_582 = vector.shape_cast %get3A_581 : vector<1x16xf32> to vector<16xf32>
        %mul3A_583 = vector.broadcast %squeeze3A_574 : f32 to vector<16xf32>
        %mul3A_584 = arith.mulf %get3A_582, %mul3A_583 : vector<16xf32>
        %add3A_585 = arith.addf %add3A_551, %mul3A_584 : vector<16xf32>
        %get3A_586 = arith.index_cast %add3A_578 : i32 to index
        %get3A_587 = arith.constant 16 : index
        %get3A_588 = tpu.vector_load %arg9[%get3A_586, %get3A_587] {strides = array<i32>} : memref<800x128xf32, #tpu.memory_space<vmem>>, vector<1x16xf32>,
        %get3A_589 = vector.shape_cast %get3A_588 : vector<1x16xf32> to vector<16xf32>
        %mul3A_590 = vector.broadcast %squeeze3A_574 : f32 to vector<16xf32>
        %mul3A_591 = arith.mulf %get3A_589, %mul3A_590 : vector<16xf32>
        %add3A_592 = arith.addf %add3A_558, %mul3A_591 : vector<16xf32>
        %get3A_593 = arith.index_cast %add3A_578 : i32 to index
        %get3A_594 = arith.constant 32 : index
        %get3A_595 = tpu.vector_load %arg9[%get3A_593, %get3A_594] {strides = array<i32>} : memref<800x128xf32, #tpu.memory_space<vmem>>, vector<1x16xf32>,
        %get3A_596 = vector.shape_cast %get3A_595 : vector<1x16xf32> to vector<16xf32>
        %mul3A_597 = vector.broadcast %squeeze3A_574 : f32 to vector<16xf32>
        %mul3A_598 = arith.mulf %get3A_596, %mul3A_597 : vector<16xf32>
        %add3A_599 = arith.addf %add3A_565, %mul3A_598 : vector<16xf32>
        %get3A_600 = arith.index_cast %add3A_578 : i32 to index
        %get3A_601 = arith.constant 48 : index
        %get3A_602 = tpu.vector_load %arg9[%get3A_600, %get3A_601] {strides = array<i32>} : memref<800x128xf32, #tpu.memory_space<vmem>>, vector<1x16xf32>,
        %get3A_603 = vector.shape_cast %get3A_602 : vector<1x16xf32> to vector<16xf32>
        %mul3A_604 = vector.broadcast %squeeze3A_574 : f32 to vector<16xf32>
        %mul3A_605 = arith.mulf %get3A_603, %mul3A_604 : vector<16xf32>
        %add3A_606 = arith.addf %add3A_572, %mul3A_605 : vector<16xf32>
        %slice3A_607 = vector.extract_strided_slice %get3A_472 {offsets = [4], sizes = [1], strides = [1]} : vector<16xf32> to vector<1xf32>
        %squeeze3A_608 = vector.extract %slice3A_607[0] : f32 from vector<1xf32>
        %add3A_609 = arith.constant 0 : i32
        %add3A_610 = arith.addi %add3A_466, %add3A_609 : i32
        %add3A_611 = arith.constant 4 : i32
        %add3A_612 = arith.addi %add3A_610, %add3A_611 : i32
        %get3A_613 = arith.index_cast %add3A_612 : i32 to index
        %get3A_614 = arith.constant 0 : index
        %get3A_615 = tpu.vector_load %arg9[%get3A_613, %get3A_614] {strides = array<i32>} : memref<800x128xf32, #tpu.memory_space<vmem>>, vector<1x16xf32>,
        %get3A_616 = vector.shape_cast %get3A_615 : vector<1x16xf32> to vector<16xf32>
        %mul3A_617 = vector.broadcast %squeeze3A_608 : f32 to vector<16xf32>
        %mul3A_618 = arith.mulf %get3A_616, %mul3A_617 : vector<16xf32>
        %add3A_619 = arith.addf %add3A_585, %mul3A_618 : vector<16xf32>
        %get3A_620 = arith.index_cast %add3A_612 : i32 to index
        %get3A_621 = arith.constant 16 : index
        %get3A_622 = tpu.vector_load %arg9[%get3A_620, %get3A_621] {strides = array<i32>} : memref<800x128xf32, #tpu.memory_space<vmem>>, vector<1x16xf32>,
        %get3A_623 = vector.shape_cast %get3A_622 : vector<1x16xf32> to vector<16xf32>
        %mul3A_624 = vector.broadcast %squeeze3A_608 : f32 to vector<16xf32>
        %mul3A_625 = arith.mulf %get3A_623, %mul3A_624 : vector<16xf32>
        %add3A_626 = arith.addf %add3A_592, %mul3A_625 : vector<16xf32>
        %get3A_627 = arith.index_cast %add3A_612 : i32 to index
        %get3A_628 = arith.constant 32 : index
        %get3A_629 = tpu.vector_load %arg9[%get3A_627, %get3A_628] {strides = array<i32>} : memref<800x128xf32, #tpu.memory_space<vmem>>, vector<1x16xf32>,
        %get3A_630 = vector.shape_cast %get3A_629 : vector<1x16xf32> to vector<16xf32>
        %mul3A_631 = vector.broadcast %squeeze3A_608 : f32 to vector<16xf32>
        %mul3A_632 = arith.mulf %get3A_630, %mul3A_631 : vector<16xf32>
        %add3A_633 = arith.addf %add3A_599, %mul3A_632 : vector<16xf32>
        %get3A_634 = arith.index_cast %add3A_612 : i32 to index
        %get3A_635 = arith.constant 48 : index
        %get3A_636 = tpu.vector_load %arg9[%get3A_634, %get3A_635] {strides = array<i32>} : memref<800x128xf32, #tpu.memory_space<vmem>>, vector<1x16xf32>,
        %get3A_637 = vector.shape_cast %get3A_636 : vector<1x16xf32> to vector<16xf32>
        %mul3A_638 = vector.broadcast %squeeze3A_608 : f32 to vector<16xf32>
        %mul3A_639 = arith.mulf %get3A_637, %mul3A_638 : vector<16xf32>
        %add3A_640 = arith.addf %add3A_606, %mul3A_639 : vector<16xf32>
        %slice3A_641 = vector.extract_strided_slice %get3A_472 {offsets = [5], sizes = [1], strides = [1]} : vector<16xf32> to vector<1xf32>
        %squeeze3A_642 = vector.extract %slice3A_641[0] : f32 from vector<1xf32>
        %add3A_643 = arith.constant 0 : i32
        %add3A_644 = arith.addi %add3A_466, %add3A_643 : i32
        %add3A_645 = arith.constant 5 : i32
        %add3A_646 = arith.addi %add3A_644, %add3A_645 : i32
        %get3A_647 = arith.index_cast %add3A_646 : i32 to index
        %get3A_648 = arith.constant 0 : index
        %get3A_649 = tpu.vector_load %arg9[%get3A_647, %get3A_648] {strides = array<i32>} : memref<800x128xf32, #tpu.memory_space<vmem>>, vector<1x16xf32>,
        %get3A_650 = vector.shape_cast %get3A_649 : vector<1x16xf32> to vector<16xf32>
        %mul3A_651 = vector.broadcast %squeeze3A_642 : f32 to vector<16xf32>
        %mul3A_652 = arith.mulf %get3A_650, %mul3A_651 : vector<16xf32>
        %add3A_653 = arith.addf %add3A_619, %mul3A_652 : vector<16xf32>
        %get3A_654 = arith.index_cast %add3A_646 : i32 to index
        %get3A_655 = arith.constant 16 : index
        %get3A_656 = tpu.vector_load %arg9[%get3A_654, %get3A_655] {strides = array<i32>} : memref<800x128xf32, #tpu.memory_space<vmem>>, vector<1x16xf32>,
        %get3A_657 = vector.shape_cast %get3A_656 : vector<1x16xf32> to vector<16xf32>
        %mul3A_658 = vector.broadcast %squeeze3A_642 : f32 to vector<16xf32>
        %mul3A_659 = arith.mulf %get3A_657, %mul3A_658 : vector<16xf32>
        %add3A_660 = arith.addf %add3A_626, %mul3A_659 : vector<16xf32>
        %get3A_661 = arith.index_cast %add3A_646 : i32 to index
        %get3A_662 = arith.constant 32 : index
        %get3A_663 = tpu.vector_load %arg9[%get3A_661, %get3A_662] {strides = array<i32>} : memref<800x128xf32, #tpu.memory_space<vmem>>, vector<1x16xf32>,
        %get3A_664 = vector.shape_cast %get3A_663 : vector<1x16xf32> to vector<16xf32>
        %mul3A_665 = vector.broadcast %squeeze3A_642 : f32 to vector<16xf32>
        %mul3A_666 = arith.mulf %get3A_664, %mul3A_665 : vector<16xf32>
        %add3A_667 = arith.addf %add3A_633, %mul3A_666 : vector<16xf32>
        %get3A_668 = arith.index_cast %add3A_646 : i32 to index
        %get3A_669 = arith.constant 48 : index
        %get3A_670 = tpu.vector_load %arg9[%get3A_668, %get3A_669] {strides = array<i32>} : memref<800x128xf32, #tpu.memory_space<vmem>>, vector<1x16xf32>,
        %get3A_671 = vector.shape_cast %get3A_670 : vector<1x16xf32> to vector<16xf32>
        %mul3A_672 = vector.broadcast %squeeze3A_642 : f32 to vector<16xf32>
        %mul3A_673 = arith.mulf %get3A_671, %mul3A_672 : vector<16xf32>
        %add3A_674 = arith.addf %add3A_640, %mul3A_673 : vector<16xf32>
        %slice3A_675 = vector.extract_strided_slice %get3A_472 {offsets = [6], sizes = [1], strides = [1]} : vector<16xf32> to vector<1xf32>
        %squeeze3A_676 = vector.extract %slice3A_675[0] : f32 from vector<1xf32>
        %add3A_677 = arith.constant 0 : i32
        %add3A_678 = arith.addi %add3A_466, %add3A_677 : i32
        %add3A_679 = arith.constant 6 : i32
        %add3A_680 = arith.addi %add3A_678, %add3A_679 : i32
        %get3A_681 = arith.index_cast %add3A_680 : i32 to index
        %get3A_682 = arith.constant 0 : index
        %get3A_683 = tpu.vector_load %arg9[%get3A_681, %get3A_682] {strides = array<i32>} : memref<800x128xf32, #tpu.memory_space<vmem>>, vector<1x16xf32>,
        %get3A_684 = vector.shape_cast %get3A_683 : vector<1x16xf32> to vector<16xf32>
        %mul3A_685 = vector.broadcast %squeeze3A_676 : f32 to vector<16xf32>
        %mul3A_686 = arith.mulf %get3A_684, %mul3A_685 : vector<16xf32>
        %add3A_687 = arith.addf %add3A_653, %mul3A_686 : vector<16xf32>
        %get3A_688 = arith.index_cast %add3A_680 : i32 to index
        %get3A_689 = arith.constant 16 : index
        %get3A_690 = tpu.vector_load %arg9[%get3A_688, %get3A_689] {strides = array<i32>} : memref<800x128xf32, #tpu.memory_space<vmem>>, vector<1x16xf32>,
        %get3A_691 = vector.shape_cast %get3A_690 : vector<1x16xf32> to vector<16xf32>
        %mul3A_692 = vector.broadcast %squeeze3A_676 : f32 to vector<16xf32>
        %mul3A_693 = arith.mulf %get3A_691, %mul3A_692 : vector<16xf32>
        %add3A_694 = arith.addf %add3A_660, %mul3A_693 : vector<16xf32>
        %get3A_695 = arith.index_cast %add3A_680 : i32 to index
        %get3A_696 = arith.constant 32 : index
        %get3A_697 = tpu.vector_load %arg9[%get3A_695, %get3A_696] {strides = array<i32>} : memref<800x128xf32, #tpu.memory_space<vmem>>, vector<1x16xf32>,
        %get3A_698 = vector.shape_cast %get3A_697 : vector<1x16xf32> to vector<16xf32>
        %mul3A_699 = vector.broadcast %squeeze3A_676 : f32 to vector<16xf32>
        %mul3A_700 = arith.mulf %get3A_698, %mul3A_699 : vector<16xf32>
        %add3A_701 = arith.addf %add3A_667, %mul3A_700 : vector<16xf32>
        %get3A_702 = arith.index_cast %add3A_680 : i32 to index
        %get3A_703 = arith.constant 48 : index
        %get3A_704 = tpu.vector_load %arg9[%get3A_702, %get3A_703] {strides = array<i32>} : memref<800x128xf32, #tpu.memory_space<vmem>>, vector<1x16xf32>,
        %get3A_705 = vector.shape_cast %get3A_704 : vector<1x16xf32> to vector<16xf32>
        %mul3A_706 = vector.broadcast %squeeze3A_676 : f32 to vector<16xf32>
        %mul3A_707 = arith.mulf %get3A_705, %mul3A_706 : vector<16xf32>
        %add3A_708 = arith.addf %add3A_674, %mul3A_707 : vector<16xf32>
        %slice3A_709 = vector.extract_strided_slice %get3A_472 {offsets = [7], sizes = [1], strides = [1]} : vector<16xf32> to vector<1xf32>
        %squeeze3A_710 = vector.extract %slice3A_709[0] : f32 from vector<1xf32>
        %add3A_711 = arith.constant 0 : i32
        %add3A_712 = arith.addi %add3A_466, %add3A_711 : i32
        %add3A_713 = arith.constant 7 : i32
        %add3A_714 = arith.addi %add3A_712, %add3A_713 : i32
        %get3A_715 = arith.index_cast %add3A_714 : i32 to index
        %get3A_716 = arith.constant 0 : index
        %get3A_717 = tpu.vector_load %arg9[%get3A_715, %get3A_716] {strides = array<i32>} : memref<800x128xf32, #tpu.memory_space<vmem>>, vector<1x16xf32>,
        %get3A_718 = vector.shape_cast %get3A_717 : vector<1x16xf32> to vector<16xf32>
        %mul3A_719 = vector.broadcast %squeeze3A_710 : f32 to vector<16xf32>
        %mul3A_720 = arith.mulf %get3A_718, %mul3A_719 : vector<16xf32>
        %add3A_721 = arith.addf %add3A_687, %mul3A_720 : vector<16xf32>
        %get3A_722 = arith.index_cast %add3A_714 : i32 to index
        %get3A_723 = arith.constant 16 : index
        %get3A_724 = tpu.vector_load %arg9[%get3A_722, %get3A_723] {strides = array<i32>} : memref<800x128xf32, #tpu.memory_space<vmem>>, vector<1x16xf32>,
        %get3A_725 = vector.shape_cast %get3A_724 : vector<1x16xf32> to vector<16xf32>
        %mul3A_726 = vector.broadcast %squeeze3A_710 : f32 to vector<16xf32>
        %mul3A_727 = arith.mulf %get3A_725, %mul3A_726 : vector<16xf32>
        %add3A_728 = arith.addf %add3A_694, %mul3A_727 : vector<16xf32>
        %get3A_729 = arith.index_cast %add3A_714 : i32 to index
        %get3A_730 = arith.constant 32 : index
        %get3A_731 = tpu.vector_load %arg9[%get3A_729, %get3A_730] {strides = array<i32>} : memref<800x128xf32, #tpu.memory_space<vmem>>, vector<1x16xf32>,
        %get3A_732 = vector.shape_cast %get3A_731 : vector<1x16xf32> to vector<16xf32>
        %mul3A_733 = vector.broadcast %squeeze3A_710 : f32 to vector<16xf32>
        %mul3A_734 = arith.mulf %get3A_732, %mul3A_733 : vector<16xf32>
        %add3A_735 = arith.addf %add3A_701, %mul3A_734 : vector<16xf32>
        %get3A_736 = arith.index_cast %add3A_714 : i32 to index
        %get3A_737 = arith.constant 48 : index
        %get3A_738 = tpu.vector_load %arg9[%get3A_736, %get3A_737] {strides = array<i32>} : memref<800x128xf32, #tpu.memory_space<vmem>>, vector<1x16xf32>,
        %get3A_739 = vector.shape_cast %get3A_738 : vector<1x16xf32> to vector<16xf32>
        %mul3A_740 = vector.broadcast %squeeze3A_710 : f32 to vector<16xf32>
        %mul3A_741 = arith.mulf %get3A_739, %mul3A_740 : vector<16xf32>
        %add3A_742 = arith.addf %add3A_708, %mul3A_741 : vector<16xf32>
        %slice3A_743 = vector.extract_strided_slice %get3A_472 {offsets = [8], sizes = [1], strides = [1]} : vector<16xf32> to vector<1xf32>
        %squeeze3A_744 = vector.extract %slice3A_743[0] : f32 from vector<1xf32>
        %add3A_745 = arith.constant 0 : i32
        %add3A_746 = arith.addi %add3A_466, %add3A_745 : i32
        %add3A_747 = arith.constant 8 : i32
        %add3A_748 = arith.addi %add3A_746, %add3A_747 : i32
        %get3A_749 = arith.index_cast %add3A_748 : i32 to index
        %get3A_750 = arith.constant 0 : index
        %get3A_751 = tpu.vector_load %arg9[%get3A_749, %get3A_750] {strides = array<i32>} : memref<800x128xf32, #tpu.memory_space<vmem>>, vector<1x16xf32>,
        %get3A_752 = vector.shape_cast %get3A_751 : vector<1x16xf32> to vector<16xf32>
        %mul3A_753 = vector.broadcast %squeeze3A_744 : f32 to vector<16xf32>
        %mul3A_754 = arith.mulf %get3A_752, %mul3A_753 : vector<16xf32>
        %add3A_755 = arith.addf %add3A_721, %mul3A_754 : vector<16xf32>
        %get3A_756 = arith.index_cast %add3A_748 : i32 to index
        %get3A_757 = arith.constant 16 : index
        %get3A_758 = tpu.vector_load %arg9[%get3A_756, %get3A_757] {strides = array<i32>} : memref<800x128xf32, #tpu.memory_space<vmem>>, vector<1x16xf32>,
        %get3A_759 = vector.shape_cast %get3A_758 : vector<1x16xf32> to vector<16xf32>
        %mul3A_760 = vector.broadcast %squeeze3A_744 : f32 to vector<16xf32>
        %mul3A_761 = arith.mulf %get3A_759, %mul3A_760 : vector<16xf32>
        %add3A_762 = arith.addf %add3A_728, %mul3A_761 : vector<16xf32>
        %get3A_763 = arith.index_cast %add3A_748 : i32 to index
        %get3A_764 = arith.constant 32 : index
        %get3A_765 = tpu.vector_load %arg9[%get3A_763, %get3A_764] {strides = array<i32>} : memref<800x128xf32, #tpu.memory_space<vmem>>, vector<1x16xf32>,
        %get3A_766 = vector.shape_cast %get3A_765 : vector<1x16xf32> to vector<16xf32>
        %mul3A_767 = vector.broadcast %squeeze3A_744 : f32 to vector<16xf32>
        %mul3A_768 = arith.mulf %get3A_766, %mul3A_767 : vector<16xf32>
        %add3A_769 = arith.addf %add3A_735, %mul3A_768 : vector<16xf32>
        %get3A_770 = arith.index_cast %add3A_748 : i32 to index
        %get3A_771 = arith.constant 48 : index
        %get3A_772 = tpu.vector_load %arg9[%get3A_770, %get3A_771] {strides = array<i32>} : memref<800x128xf32, #tpu.memory_space<vmem>>, vector<1x16xf32>,
        %get3A_773 = vector.shape_cast %get3A_772 : vector<1x16xf32> to vector<16xf32>
        %mul3A_774 = vector.broadcast %squeeze3A_744 : f32 to vector<16xf32>
        %mul3A_775 = arith.mulf %get3A_773, %mul3A_774 : vector<16xf32>
        %add3A_776 = arith.addf %add3A_742, %mul3A_775 : vector<16xf32>
        %slice3A_777 = vector.extract_strided_slice %get3A_472 {offsets = [9], sizes = [1], strides = [1]} : vector<16xf32> to vector<1xf32>
        %squeeze3A_778 = vector.extract %slice3A_777[0] : f32 from vector<1xf32>
        %add3A_779 = arith.constant 0 : i32
        %add3A_780 = arith.addi %add3A_466, %add3A_779 : i32
        %add3A_781 = arith.constant 9 : i32
        %add3A_782 = arith.addi %add3A_780, %add3A_781 : i32
        %get3A_783 = arith.index_cast %add3A_782 : i32 to index
        %get3A_784 = arith.constant 0 : index
        %get3A_785 = tpu.vector_load %arg9[%get3A_783, %get3A_784] {strides = array<i32>} : memref<800x128xf32, #tpu.memory_space<vmem>>, vector<1x16xf32>,
        %get3A_786 = vector.shape_cast %get3A_785 : vector<1x16xf32> to vector<16xf32>
        %mul3A_787 = vector.broadcast %squeeze3A_778 : f32 to vector<16xf32>
        %mul3A_788 = arith.mulf %get3A_786, %mul3A_787 : vector<16xf32>
        %add3A_789 = arith.addf %add3A_755, %mul3A_788 : vector<16xf32>
        %get3A_790 = arith.index_cast %add3A_782 : i32 to index
        %get3A_791 = arith.constant 16 : index
        %get3A_792 = tpu.vector_load %arg9[%get3A_790, %get3A_791] {strides = array<i32>} : memref<800x128xf32, #tpu.memory_space<vmem>>, vector<1x16xf32>,
        %get3A_793 = vector.shape_cast %get3A_792 : vector<1x16xf32> to vector<16xf32>
        %mul3A_794 = vector.broadcast %squeeze3A_778 : f32 to vector<16xf32>
        %mul3A_795 = arith.mulf %get3A_793, %mul3A_794 : vector<16xf32>
        %add3A_796 = arith.addf %add3A_762, %mul3A_795 : vector<16xf32>
        %get3A_797 = arith.index_cast %add3A_782 : i32 to index
        %get3A_798 = arith.constant 32 : index
        %get3A_799 = tpu.vector_load %arg9[%get3A_797, %get3A_798] {strides = array<i32>} : memref<800x128xf32, #tpu.memory_space<vmem>>, vector<1x16xf32>,
        %get3A_800 = vector.shape_cast %get3A_799 : vector<1x16xf32> to vector<16xf32>
        %mul3A_801 = vector.broadcast %squeeze3A_778 : f32 to vector<16xf32>
        %mul3A_802 = arith.mulf %get3A_800, %mul3A_801 : vector<16xf32>
        %add3A_803 = arith.addf %add3A_769, %mul3A_802 : vector<16xf32>
        %get3A_804 = arith.index_cast %add3A_782 : i32 to index
        %get3A_805 = arith.constant 48 : index
        %get3A_806 = tpu.vector_load %arg9[%get3A_804, %get3A_805] {strides = array<i32>} : memref<800x128xf32, #tpu.memory_space<vmem>>, vector<1x16xf32>,
        %get3A_807 = vector.shape_cast %get3A_806 : vector<1x16xf32> to vector<16xf32>
        %mul3A_808 = vector.broadcast %squeeze3A_778 : f32 to vector<16xf32>
        %mul3A_809 = arith.mulf %get3A_807, %mul3A_808 : vector<16xf32>
        %add3A_810 = arith.addf %add3A_776, %mul3A_809 : vector<16xf32>
        %slice3A_811 = vector.extract_strided_slice %get3A_472 {offsets = [10], sizes = [1], strides = [1]} : vector<16xf32> to vector<1xf32>
        %squeeze3A_812 = vector.extract %slice3A_811[0] : f32 from vector<1xf32>
        %add3A_813 = arith.constant 0 : i32
        %add3A_814 = arith.addi %add3A_466, %add3A_813 : i32
        %add3A_815 = arith.constant 10 : i32
        %add3A_816 = arith.addi %add3A_814, %add3A_815 : i32
        %get3A_817 = arith.index_cast %add3A_816 : i32 to index
        %get3A_818 = arith.constant 0 : index
        %get3A_819 = tpu.vector_load %arg9[%get3A_817, %get3A_818] {strides = array<i32>} : memref<800x128xf32, #tpu.memory_space<vmem>>, vector<1x16xf32>,
        %get3A_820 = vector.shape_cast %get3A_819 : vector<1x16xf32> to vector<16xf32>
        %mul3A_821 = vector.broadcast %squeeze3A_812 : f32 to vector<16xf32>
        %mul3A_822 = arith.mulf %get3A_820, %mul3A_821 : vector<16xf32>
        %add3A_823 = arith.addf %add3A_789, %mul3A_822 : vector<16xf32>
        %get3A_824 = arith.index_cast %add3A_816 : i32 to index
        %get3A_825 = arith.constant 16 : index
        %get3A_826 = tpu.vector_load %arg9[%get3A_824, %get3A_825] {strides = array<i32>} : memref<800x128xf32, #tpu.memory_space<vmem>>, vector<1x16xf32>,
        %get3A_827 = vector.shape_cast %get3A_826 : vector<1x16xf32> to vector<16xf32>
        %mul3A_828 = vector.broadcast %squeeze3A_812 : f32 to vector<16xf32>
        %mul3A_829 = arith.mulf %get3A_827, %mul3A_828 : vector<16xf32>
        %add3A_830 = arith.addf %add3A_796, %mul3A_829 : vector<16xf32>
        %get3A_831 = arith.index_cast %add3A_816 : i32 to index
        %get3A_832 = arith.constant 32 : index
        %get3A_833 = tpu.vector_load %arg9[%get3A_831, %get3A_832] {strides = array<i32>} : memref<800x128xf32, #tpu.memory_space<vmem>>, vector<1x16xf32>,
        %get3A_834 = vector.shape_cast %get3A_833 : vector<1x16xf32> to vector<16xf32>
        %mul3A_835 = vector.broadcast %squeeze3A_812 : f32 to vector<16xf32>
        %mul3A_836 = arith.mulf %get3A_834, %mul3A_835 : vector<16xf32>
        %add3A_837 = arith.addf %add3A_803, %mul3A_836 : vector<16xf32>
        %get3A_838 = arith.index_cast %add3A_816 : i32 to index
        %get3A_839 = arith.constant 48 : index
        %get3A_840 = tpu.vector_load %arg9[%get3A_838, %get3A_839] {strides = array<i32>} : memref<800x128xf32, #tpu.memory_space<vmem>>, vector<1x16xf32>,
        %get3A_841 = vector.shape_cast %get3A_840 : vector<1x16xf32> to vector<16xf32>
        %mul3A_842 = vector.broadcast %squeeze3A_812 : f32 to vector<16xf32>
        %mul3A_843 = arith.mulf %get3A_841, %mul3A_842 : vector<16xf32>
        %add3A_844 = arith.addf %add3A_810, %mul3A_843 : vector<16xf32>
        %slice3A_845 = vector.extract_strided_slice %get3A_472 {offsets = [11], sizes = [1], strides = [1]} : vector<16xf32> to vector<1xf32>
        %squeeze3A_846 = vector.extract %slice3A_845[0] : f32 from vector<1xf32>
        %add3A_847 = arith.constant 0 : i32
        %add3A_848 = arith.addi %add3A_466, %add3A_847 : i32
        %add3A_849 = arith.constant 11 : i32
        %add3A_850 = arith.addi %add3A_848, %add3A_849 : i32
        %get3A_851 = arith.index_cast %add3A_850 : i32 to index
        %get3A_852 = arith.constant 0 : index
        %get3A_853 = tpu.vector_load %arg9[%get3A_851, %get3A_852] {strides = array<i32>} : memref<800x128xf32, #tpu.memory_space<vmem>>, vector<1x16xf32>,
        %get3A_854 = vector.shape_cast %get3A_853 : vector<1x16xf32> to vector<16xf32>
        %mul3A_855 = vector.broadcast %squeeze3A_846 : f32 to vector<16xf32>
        %mul3A_856 = arith.mulf %get3A_854, %mul3A_855 : vector<16xf32>
        %add3A_857 = arith.addf %add3A_823, %mul3A_856 : vector<16xf32>
        %get3A_858 = arith.index_cast %add3A_850 : i32 to index
        %get3A_859 = arith.constant 16 : index
        %get3A_860 = tpu.vector_load %arg9[%get3A_858, %get3A_859] {strides = array<i32>} : memref<800x128xf32, #tpu.memory_space<vmem>>, vector<1x16xf32>,
        %get3A_861 = vector.shape_cast %get3A_860 : vector<1x16xf32> to vector<16xf32>
        %mul3A_862 = vector.broadcast %squeeze3A_846 : f32 to vector<16xf32>
        %mul3A_863 = arith.mulf %get3A_861, %mul3A_862 : vector<16xf32>
        %add3A_864 = arith.addf %add3A_830, %mul3A_863 : vector<16xf32>
        %get3A_865 = arith.index_cast %add3A_850 : i32 to index
        %get3A_866 = arith.constant 32 : index
        %get3A_867 = tpu.vector_load %arg9[%get3A_865, %get3A_866] {strides = array<i32>} : memref<800x128xf32, #tpu.memory_space<vmem>>, vector<1x16xf32>,
        %get3A_868 = vector.shape_cast %get3A_867 : vector<1x16xf32> to vector<16xf32>
        %mul3A_869 = vector.broadcast %squeeze3A_846 : f32 to vector<16xf32>
        %mul3A_870 = arith.mulf %get3A_868, %mul3A_869 : vector<16xf32>
        %add3A_871 = arith.addf %add3A_837, %mul3A_870 : vector<16xf32>
        %get3A_872 = arith.index_cast %add3A_850 : i32 to index
        %get3A_873 = arith.constant 48 : index
        %get3A_874 = tpu.vector_load %arg9[%get3A_872, %get3A_873] {strides = array<i32>} : memref<800x128xf32, #tpu.memory_space<vmem>>, vector<1x16xf32>,
        %get3A_875 = vector.shape_cast %get3A_874 : vector<1x16xf32> to vector<16xf32>
        %mul3A_876 = vector.broadcast %squeeze3A_846 : f32 to vector<16xf32>
        %mul3A_877 = arith.mulf %get3A_875, %mul3A_876 : vector<16xf32>
        %add3A_878 = arith.addf %add3A_844, %mul3A_877 : vector<16xf32>
        %slice3A_879 = vector.extract_strided_slice %get3A_472 {offsets = [12], sizes = [1], strides = [1]} : vector<16xf32> to vector<1xf32>
        %squeeze3A_880 = vector.extract %slice3A_879[0] : f32 from vector<1xf32>
        %add3A_881 = arith.constant 0 : i32
        %add3A_882 = arith.addi %add3A_466, %add3A_881 : i32
        %add3A_883 = arith.constant 12 : i32
        %add3A_884 = arith.addi %add3A_882, %add3A_883 : i32
        %get3A_885 = arith.index_cast %add3A_884 : i32 to index
        %get3A_886 = arith.constant 0 : index
        %get3A_887 = tpu.vector_load %arg9[%get3A_885, %get3A_886] {strides = array<i32>} : memref<800x128xf32, #tpu.memory_space<vmem>>, vector<1x16xf32>,
        %get3A_888 = vector.shape_cast %get3A_887 : vector<1x16xf32> to vector<16xf32>
        %mul3A_889 = vector.broadcast %squeeze3A_880 : f32 to vector<16xf32>
        %mul3A_890 = arith.mulf %get3A_888, %mul3A_889 : vector<16xf32>
        %add3A_891 = arith.addf %add3A_857, %mul3A_890 : vector<16xf32>
        %get3A_892 = arith.index_cast %add3A_884 : i32 to index
        %get3A_893 = arith.constant 16 : index
        %get3A_894 = tpu.vector_load %arg9[%get3A_892, %get3A_893] {strides = array<i32>} : memref<800x128xf32, #tpu.memory_space<vmem>>, vector<1x16xf32>,
        %get3A_895 = vector.shape_cast %get3A_894 : vector<1x16xf32> to vector<16xf32>
        %mul3A_896 = vector.broadcast %squeeze3A_880 : f32 to vector<16xf32>
        %mul3A_897 = arith.mulf %get3A_895, %mul3A_896 : vector<16xf32>
        %add3A_898 = arith.addf %add3A_864, %mul3A_897 : vector<16xf32>
        %get3A_899 = arith.index_cast %add3A_884 : i32 to index
        %get3A_900 = arith.constant 32 : index
        %get3A_901 = tpu.vector_load %arg9[%get3A_899, %get3A_900] {strides = array<i32>} : memref<800x128xf32, #tpu.memory_space<vmem>>, vector<1x16xf32>,
        %get3A_902 = vector.shape_cast %get3A_901 : vector<1x16xf32> to vector<16xf32>
        %mul3A_903 = vector.broadcast %squeeze3A_880 : f32 to vector<16xf32>
        %mul3A_904 = arith.mulf %get3A_902, %mul3A_903 : vector<16xf32>
        %add3A_905 = arith.addf %add3A_871, %mul3A_904 : vector<16xf32>
        %get3A_906 = arith.index_cast %add3A_884 : i32 to index
        %get3A_907 = arith.constant 48 : index
        %get3A_908 = tpu.vector_load %arg9[%get3A_906, %get3A_907] {strides = array<i32>} : memref<800x128xf32, #tpu.memory_space<vmem>>, vector<1x16xf32>,
        %get3A_909 = vector.shape_cast %get3A_908 : vector<1x16xf32> to vector<16xf32>
        %mul3A_910 = vector.broadcast %squeeze3A_880 : f32 to vector<16xf32>
        %mul3A_911 = arith.mulf %get3A_909, %mul3A_910 : vector<16xf32>
        %add3A_912 = arith.addf %add3A_878, %mul3A_911 : vector<16xf32>
        %slice3A_913 = vector.extract_strided_slice %get3A_472 {offsets = [13], sizes = [1], strides = [1]} : vector<16xf32> to vector<1xf32>
        %squeeze3A_914 = vector.extract %slice3A_913[0] : f32 from vector<1xf32>
        %add3A_915 = arith.constant 0 : i32
        %add3A_916 = arith.addi %add3A_466, %add3A_915 : i32
        %add3A_917 = arith.constant 13 : i32
        %add3A_918 = arith.addi %add3A_916, %add3A_917 : i32
        %get3A_919 = arith.index_cast %add3A_918 : i32 to index
        %get3A_920 = arith.constant 0 : index
        %get3A_921 = tpu.vector_load %arg9[%get3A_919, %get3A_920] {strides = array<i32>} : memref<800x128xf32, #tpu.memory_space<vmem>>, vector<1x16xf32>,
        %get3A_922 = vector.shape_cast %get3A_921 : vector<1x16xf32> to vector<16xf32>
        %mul3A_923 = vector.broadcast %squeeze3A_914 : f32 to vector<16xf32>
        %mul3A_924 = arith.mulf %get3A_922, %mul3A_923 : vector<16xf32>
        %add3A_925 = arith.addf %add3A_891, %mul3A_924 : vector<16xf32>
        %get3A_926 = arith.index_cast %add3A_918 : i32 to index
        %get3A_927 = arith.constant 16 : index
        %get3A_928 = tpu.vector_load %arg9[%get3A_926, %get3A_927] {strides = array<i32>} : memref<800x128xf32, #tpu.memory_space<vmem>>, vector<1x16xf32>,
        %get3A_929 = vector.shape_cast %get3A_928 : vector<1x16xf32> to vector<16xf32>
        %mul3A_930 = vector.broadcast %squeeze3A_914 : f32 to vector<16xf32>
        %mul3A_931 = arith.mulf %get3A_929, %mul3A_930 : vector<16xf32>
        %add3A_932 = arith.addf %add3A_898, %mul3A_931 : vector<16xf32>
        %get3A_933 = arith.index_cast %add3A_918 : i32 to index
        %get3A_934 = arith.constant 32 : index
        %get3A_935 = tpu.vector_load %arg9[%get3A_933, %get3A_934] {strides = array<i32>} : memref<800x128xf32, #tpu.memory_space<vmem>>, vector<1x16xf32>,
        %get3A_936 = vector.shape_cast %get3A_935 : vector<1x16xf32> to vector<16xf32>
        %mul3A_937 = vector.broadcast %squeeze3A_914 : f32 to vector<16xf32>
        %mul3A_938 = arith.mulf %get3A_936, %mul3A_937 : vector<16xf32>
        %add3A_939 = arith.addf %add3A_905, %mul3A_938 : vector<16xf32>
        %get3A_940 = arith.index_cast %add3A_918 : i32 to index
        %get3A_941 = arith.constant 48 : index
        %get3A_942 = tpu.vector_load %arg9[%get3A_940, %get3A_941] {strides = array<i32>} : memref<800x128xf32, #tpu.memory_space<vmem>>, vector<1x16xf32>,
        %get3A_943 = vector.shape_cast %get3A_942 : vector<1x16xf32> to vector<16xf32>
        %mul3A_944 = vector.broadcast %squeeze3A_914 : f32 to vector<16xf32>
        %mul3A_945 = arith.mulf %get3A_943, %mul3A_944 : vector<16xf32>
        %add3A_946 = arith.addf %add3A_912, %mul3A_945 : vector<16xf32>
        %slice3A_947 = vector.extract_strided_slice %get3A_472 {offsets = [14], sizes = [1], strides = [1]} : vector<16xf32> to vector<1xf32>
        %squeeze3A_948 = vector.extract %slice3A_947[0] : f32 from vector<1xf32>
        %add3A_949 = arith.constant 0 : i32
        %add3A_950 = arith.addi %add3A_466, %add3A_949 : i32
        %add3A_951 = arith.constant 14 : i32
        %add3A_952 = arith.addi %add3A_950, %add3A_951 : i32
        %get3A_953 = arith.index_cast %add3A_952 : i32 to index
        %get3A_954 = arith.constant 0 : index
        %get3A_955 = tpu.vector_load %arg9[%get3A_953, %get3A_954] {strides = array<i32>} : memref<800x128xf32, #tpu.memory_space<vmem>>, vector<1x16xf32>,
        %get3A_956 = vector.shape_cast %get3A_955 : vector<1x16xf32> to vector<16xf32>
        %mul3A_957 = vector.broadcast %squeeze3A_948 : f32 to vector<16xf32>
        %mul3A_958 = arith.mulf %get3A_956, %mul3A_957 : vector<16xf32>
        %add3A_959 = arith.addf %add3A_925, %mul3A_958 : vector<16xf32>
        %get3A_960 = arith.index_cast %add3A_952 : i32 to index
        %get3A_961 = arith.constant 16 : index
        %get3A_962 = tpu.vector_load %arg9[%get3A_960, %get3A_961] {strides = array<i32>} : memref<800x128xf32, #tpu.memory_space<vmem>>, vector<1x16xf32>,
        %get3A_963 = vector.shape_cast %get3A_962 : vector<1x16xf32> to vector<16xf32>
        %mul3A_964 = vector.broadcast %squeeze3A_948 : f32 to vector<16xf32>
        %mul3A_965 = arith.mulf %get3A_963, %mul3A_964 : vector<16xf32>
        %add3A_966 = arith.addf %add3A_932, %mul3A_965 : vector<16xf32>
        %get3A_967 = arith.index_cast %add3A_952 : i32 to index
        %get3A_968 = arith.constant 32 : index
        %get3A_969 = tpu.vector_load %arg9[%get3A_967, %get3A_968] {strides = array<i32>} : memref<800x128xf32, #tpu.memory_space<vmem>>, vector<1x16xf32>,
        %get3A_970 = vector.shape_cast %get3A_969 : vector<1x16xf32> to vector<16xf32>
        %mul3A_971 = vector.broadcast %squeeze3A_948 : f32 to vector<16xf32>
        %mul3A_972 = arith.mulf %get3A_970, %mul3A_971 : vector<16xf32>
        %add3A_973 = arith.addf %add3A_939, %mul3A_972 : vector<16xf32>
        %get3A_974 = arith.index_cast %add3A_952 : i32 to index
        %get3A_975 = arith.constant 48 : index
        %get3A_976 = tpu.vector_load %arg9[%get3A_974, %get3A_975] {strides = array<i32>} : memref<800x128xf32, #tpu.memory_space<vmem>>, vector<1x16xf32>,
        %get3A_977 = vector.shape_cast %get3A_976 : vector<1x16xf32> to vector<16xf32>
        %mul3A_978 = vector.broadcast %squeeze3A_948 : f32 to vector<16xf32>
        %mul3A_979 = arith.mulf %get3A_977, %mul3A_978 : vector<16xf32>
        %add3A_980 = arith.addf %add3A_946, %mul3A_979 : vector<16xf32>
        %slice3A_981 = vector.extract_strided_slice %get3A_472 {offsets = [15], sizes = [1], strides = [1]} : vector<16xf32> to vector<1xf32>
        %squeeze3A_982 = vector.extract %slice3A_981[0] : f32 from vector<1xf32>
        %add3A_983 = arith.constant 0 : i32
        %add3A_984 = arith.addi %add3A_466, %add3A_983 : i32
        %add3A_985 = arith.constant 15 : i32
        %add3A_986 = arith.addi %add3A_984, %add3A_985 : i32
        %get3A_987 = arith.index_cast %add3A_986 : i32 to index
        %get3A_988 = arith.constant 0 : index
        %get3A_989 = tpu.vector_load %arg9[%get3A_987, %get3A_988] {strides = array<i32>} : memref<800x128xf32, #tpu.memory_space<vmem>>, vector<1x16xf32>,
        %get3A_990 = vector.shape_cast %get3A_989 : vector<1x16xf32> to vector<16xf32>
        %mul3A_991 = vector.broadcast %squeeze3A_982 : f32 to vector<16xf32>
        %mul3A_992 = arith.mulf %get3A_990, %mul3A_991 : vector<16xf32>
        %add3A_993 = arith.addf %add3A_959, %mul3A_992 : vector<16xf32>
        %get3A_994 = arith.index_cast %add3A_986 : i32 to index
        %get3A_995 = arith.constant 16 : index
        %get3A_996 = tpu.vector_load %arg9[%get3A_994, %get3A_995] {strides = array<i32>} : memref<800x128xf32, #tpu.memory_space<vmem>>, vector<1x16xf32>,
        %get3A_997 = vector.shape_cast %get3A_996 : vector<1x16xf32> to vector<16xf32>
        %mul3A_998 = vector.broadcast %squeeze3A_982 : f32 to vector<16xf32>
        %mul3A_999 = arith.mulf %get3A_997, %mul3A_998 : vector<16xf32>
        %add3A_1000 = arith.addf %add3A_966, %mul3A_999 : vector<16xf32>
        %get3A_1001 = arith.index_cast %add3A_986 : i32 to index
        %get3A_1002 = arith.constant 32 : index
        %get3A_1003 = tpu.vector_load %arg9[%get3A_1001, %get3A_1002] {strides = array<i32>} : memref<800x128xf32, #tpu.memory_space<vmem>>, vector<1x16xf32>,
        %get3A_1004 = vector.shape_cast %get3A_1003 : vector<1x16xf32> to vector<16xf32>
        %mul3A_1005 = vector.broadcast %squeeze3A_982 : f32 to vector<16xf32>
        %mul3A_1006 = arith.mulf %get3A_1004, %mul3A_1005 : vector<16xf32>
        %add3A_1007 = arith.addf %add3A_973, %mul3A_1006 : vector<16xf32>
        %get3A_1008 = arith.index_cast %add3A_986 : i32 to index
        %get3A_1009 = arith.constant 48 : index
        %get3A_1010 = tpu.vector_load %arg9[%get3A_1008, %get3A_1009] {strides = array<i32>} : memref<800x128xf32, #tpu.memory_space<vmem>>, vector<1x16xf32>,
        %get3A_1011 = vector.shape_cast %get3A_1010 : vector<1x16xf32> to vector<16xf32>
        %mul3A_1012 = vector.broadcast %squeeze3A_982 : f32 to vector<16xf32>
        %mul3A_1013 = arith.mulf %get3A_1011, %mul3A_1012 : vector<16xf32>
        %add3A_1014 = arith.addf %add3A_980, %mul3A_1013 : vector<16xf32>
        %get3A_1015 = arith.constant 0 : i32
        %get3A_1016 = arith.index_cast %get3A_1015 : i32 to index
        %get3A_1017 = arith.index_cast %scan3A_462 : i32 to index
        %get3A_1018 = arith.constant 16 : index
        %get3A_1019 = tpu.vector_load %arg8[%get3A_1016, %get3A_1017, %get3A_1018] {strides = array<i32>} : memref<2x8x64xf32, #tpu.memory_space<vmem>>, vector<1x1x16xf32>,
        %get3A_1020 = vector.shape_cast %get3A_1019 : vector<1x1x16xf32> to vector<16xf32>
        %slice3A_1021 = vector.extract_strided_slice %get3A_1020 {offsets = [0], sizes = [1], strides = [1]} : vector<16xf32> to vector<1xf32>
        %squeeze3A_1022 = vector.extract %slice3A_1021[0] : f32 from vector<1xf32>
        %add3A_1023 = arith.constant 16 : i32
        %add3A_1024 = arith.addi %add3A_466, %add3A_1023 : i32
        %add3A_1025 = arith.constant 0 : i32
        %add3A_1026 = arith.addi %add3A_1024, %add3A_1025 : i32
        %get3A_1027 = arith.index_cast %add3A_1026 : i32 to index
        %get3A_1028 = arith.constant 0 : index
        %get3A_1029 = tpu.vector_load %arg9[%get3A_1027, %get3A_1028] {strides = array<i32>} : memref<800x128xf32, #tpu.memory_space<vmem>>, vector<1x16xf32>,
        %get3A_1030 = vector.shape_cast %get3A_1029 : vector<1x16xf32> to vector<16xf32>
        %mul3A_1031 = vector.broadcast %squeeze3A_1022 : f32 to vector<16xf32>
        %mul3A_1032 = arith.mulf %get3A_1030, %mul3A_1031 : vector<16xf32>
        %add3A_1033 = arith.addf %add3A_993, %mul3A_1032 : vector<16xf32>
        %get3A_1034 = arith.index_cast %add3A_1026 : i32 to index
        %get3A_1035 = arith.constant 16 : index
        %get3A_1036 = tpu.vector_load %arg9[%get3A_1034, %get3A_1035] {strides = array<i32>} : memref<800x128xf32, #tpu.memory_space<vmem>>, vector<1x16xf32>,
        %get3A_1037 = vector.shape_cast %get3A_1036 : vector<1x16xf32> to vector<16xf32>
        %mul3A_1038 = vector.broadcast %squeeze3A_1022 : f32 to vector<16xf32>
        %mul3A_1039 = arith.mulf %get3A_1037, %mul3A_1038 : vector<16xf32>
        %add3A_1040 = arith.addf %add3A_1000, %mul3A_1039 : vector<16xf32>
        %get3A_1041 = arith.index_cast %add3A_1026 : i32 to index
        %get3A_1042 = arith.constant 32 : index
        %get3A_1043 = tpu.vector_load %arg9[%get3A_1041, %get3A_1042] {strides = array<i32>} : memref<800x128xf32, #tpu.memory_space<vmem>>, vector<1x16xf32>,
        %get3A_1044 = vector.shape_cast %get3A_1043 : vector<1x16xf32> to vector<16xf32>
        %mul3A_1045 = vector.broadcast %squeeze3A_1022 : f32 to vector<16xf32>
        %mul3A_1046 = arith.mulf %get3A_1044, %mul3A_1045 : vector<16xf32>
        %add3A_1047 = arith.addf %add3A_1007, %mul3A_1046 : vector<16xf32>
        %get3A_1048 = arith.index_cast %add3A_1026 : i32 to index
        %get3A_1049 = arith.constant 48 : index
        %get3A_1050 = tpu.vector_load %arg9[%get3A_1048, %get3A_1049] {strides = array<i32>} : memref<800x128xf32, #tpu.memory_space<vmem>>, vector<1x16xf32>,
        %get3A_1051 = vector.shape_cast %get3A_1050 : vector<1x16xf32> to vector<16xf32>
        %mul3A_1052 = vector.broadcast %squeeze3A_1022 : f32 to vector<16xf32>
        %mul3A_1053 = arith.mulf %get3A_1051, %mul3A_1052 : vector<16xf32>
        %add3A_1054 = arith.addf %add3A_1014, %mul3A_1053 : vector<16xf32>
        %slice3A_1055 = vector.extract_strided_slice %get3A_1020 {offsets = [1], sizes = [1], strides = [1]} : vector<16xf32> to vector<1xf32>
        %squeeze3A_1056 = vector.extract %slice3A_1055[0] : f32 from vector<1xf32>
        %add3A_1057 = arith.constant 16 : i32
        %add3A_1058 = arith.addi %add3A_466, %add3A_1057 : i32
        %add3A_1059 = arith.constant 1 : i32
        %add3A_1060 = arith.addi %add3A_1058, %add3A_1059 : i32
        %get3A_1061 = arith.index_cast %add3A_1060 : i32 to index
        %get3A_1062 = arith.constant 0 : index
        %get3A_1063 = tpu.vector_load %arg9[%get3A_1061, %get3A_1062] {strides = array<i32>} : memref<800x128xf32, #tpu.memory_space<vmem>>, vector<1x16xf32>,
        %get3A_1064 = vector.shape_cast %get3A_1063 : vector<1x16xf32> to vector<16xf32>
        %mul3A_1065 = vector.broadcast %squeeze3A_1056 : f32 to vector<16xf32>
        %mul3A_1066 = arith.mulf %get3A_1064, %mul3A_1065 : vector<16xf32>
        %add3A_1067 = arith.addf %add3A_1033, %mul3A_1066 : vector<16xf32>
        %get3A_1068 = arith.index_cast %add3A_1060 : i32 to index
        %get3A_1069 = arith.constant 16 : index
        %get3A_1070 = tpu.vector_load %arg9[%get3A_1068, %get3A_1069] {strides = array<i32>} : memref<800x128xf32, #tpu.memory_space<vmem>>, vector<1x16xf32>,
        %get3A_1071 = vector.shape_cast %get3A_1070 : vector<1x16xf32> to vector<16xf32>
        %mul3A_1072 = vector.broadcast %squeeze3A_1056 : f32 to vector<16xf32>
        %mul3A_1073 = arith.mulf %get3A_1071, %mul3A_1072 : vector<16xf32>
        %add3A_1074 = arith.addf %add3A_1040, %mul3A_1073 : vector<16xf32>
        %get3A_1075 = arith.index_cast %add3A_1060 : i32 to index
        %get3A_1076 = arith.constant 32 : index
        %get3A_1077 = tpu.vector_load %arg9[%get3A_1075, %get3A_1076] {strides = array<i32>} : memref<800x128xf32, #tpu.memory_space<vmem>>, vector<1x16xf32>,
        %get3A_1078 = vector.shape_cast %get3A_1077 : vector<1x16xf32> to vector<16xf32>
        %mul3A_1079 = vector.broadcast %squeeze3A_1056 : f32 to vector<16xf32>
        %mul3A_1080 = arith.mulf %get3A_1078, %mul3A_1079 : vector<16xf32>
        %add3A_1081 = arith.addf %add3A_1047, %mul3A_1080 : vector<16xf32>
        %get3A_1082 = arith.index_cast %add3A_1060 : i32 to index
        %get3A_1083 = arith.constant 48 : index
        %get3A_1084 = tpu.vector_load %arg9[%get3A_1082, %get3A_1083] {strides = array<i32>} : memref<800x128xf32, #tpu.memory_space<vmem>>, vector<1x16xf32>,
        %get3A_1085 = vector.shape_cast %get3A_1084 : vector<1x16xf32> to vector<16xf32>
        %mul3A_1086 = vector.broadcast %squeeze3A_1056 : f32 to vector<16xf32>
        %mul3A_1087 = arith.mulf %get3A_1085, %mul3A_1086 : vector<16xf32>
        %add3A_1088 = arith.addf %add3A_1054, %mul3A_1087 : vector<16xf32>
        %slice3A_1089 = vector.extract_strided_slice %get3A_1020 {offsets = [2], sizes = [1], strides = [1]} : vector<16xf32> to vector<1xf32>
        %squeeze3A_1090 = vector.extract %slice3A_1089[0] : f32 from vector<1xf32>
        %add3A_1091 = arith.constant 16 : i32
        %add3A_1092 = arith.addi %add3A_466, %add3A_1091 : i32
        %add3A_1093 = arith.constant 2 : i32
        %add3A_1094 = arith.addi %add3A_1092, %add3A_1093 : i32
        %get3A_1095 = arith.index_cast %add3A_1094 : i32 to index
        %get3A_1096 = arith.constant 0 : index
        %get3A_1097 = tpu.vector_load %arg9[%get3A_1095, %get3A_1096] {strides = array<i32>} : memref<800x128xf32, #tpu.memory_space<vmem>>, vector<1x16xf32>,
        %get3A_1098 = vector.shape_cast %get3A_1097 : vector<1x16xf32> to vector<16xf32>
        %mul3A_1099 = vector.broadcast %squeeze3A_1090 : f32 to vector<16xf32>
        %mul3A_1100 = arith.mulf %get3A_1098, %mul3A_1099 : vector<16xf32>
        %add3A_1101 = arith.addf %add3A_1067, %mul3A_1100 : vector<16xf32>
        %get3A_1102 = arith.index_cast %add3A_1094 : i32 to index
        %get3A_1103 = arith.constant 16 : index
        %get3A_1104 = tpu.vector_load %arg9[%get3A_1102, %get3A_1103] {strides = array<i32>} : memref<800x128xf32, #tpu.memory_space<vmem>>, vector<1x16xf32>,
        %get3A_1105 = vector.shape_cast %get3A_1104 : vector<1x16xf32> to vector<16xf32>
        %mul3A_1106 = vector.broadcast %squeeze3A_1090 : f32 to vector<16xf32>
        %mul3A_1107 = arith.mulf %get3A_1105, %mul3A_1106 : vector<16xf32>
        %add3A_1108 = arith.addf %add3A_1074, %mul3A_1107 : vector<16xf32>
        %get3A_1109 = arith.index_cast %add3A_1094 : i32 to index
        %get3A_1110 = arith.constant 32 : index
        %get3A_1111 = tpu.vector_load %arg9[%get3A_1109, %get3A_1110] {strides = array<i32>} : memref<800x128xf32, #tpu.memory_space<vmem>>, vector<1x16xf32>,
        %get3A_1112 = vector.shape_cast %get3A_1111 : vector<1x16xf32> to vector<16xf32>
        %mul3A_1113 = vector.broadcast %squeeze3A_1090 : f32 to vector<16xf32>
        %mul3A_1114 = arith.mulf %get3A_1112, %mul3A_1113 : vector<16xf32>
        %add3A_1115 = arith.addf %add3A_1081, %mul3A_1114 : vector<16xf32>
        %get3A_1116 = arith.index_cast %add3A_1094 : i32 to index
        %get3A_1117 = arith.constant 48 : index
        %get3A_1118 = tpu.vector_load %arg9[%get3A_1116, %get3A_1117] {strides = array<i32>} : memref<800x128xf32, #tpu.memory_space<vmem>>, vector<1x16xf32>,
        %get3A_1119 = vector.shape_cast %get3A_1118 : vector<1x16xf32> to vector<16xf32>
        %mul3A_1120 = vector.broadcast %squeeze3A_1090 : f32 to vector<16xf32>
        %mul3A_1121 = arith.mulf %get3A_1119, %mul3A_1120 : vector<16xf32>
        %add3A_1122 = arith.addf %add3A_1088, %mul3A_1121 : vector<16xf32>
        %slice3A_1123 = vector.extract_strided_slice %get3A_1020 {offsets = [3], sizes = [1], strides = [1]} : vector<16xf32> to vector<1xf32>
        %squeeze3A_1124 = vector.extract %slice3A_1123[0] : f32 from vector<1xf32>
        %add3A_1125 = arith.constant 16 : i32
        %add3A_1126 = arith.addi %add3A_466, %add3A_1125 : i32
        %add3A_1127 = arith.constant 3 : i32
        %add3A_1128 = arith.addi %add3A_1126, %add3A_1127 : i32
        %get3A_1129 = arith.index_cast %add3A_1128 : i32 to index
        %get3A_1130 = arith.constant 0 : index
        %get3A_1131 = tpu.vector_load %arg9[%get3A_1129, %get3A_1130] {strides = array<i32>} : memref<800x128xf32, #tpu.memory_space<vmem>>, vector<1x16xf32>,
        %get3A_1132 = vector.shape_cast %get3A_1131 : vector<1x16xf32> to vector<16xf32>
        %mul3A_1133 = vector.broadcast %squeeze3A_1124 : f32 to vector<16xf32>
        %mul3A_1134 = arith.mulf %get3A_1132, %mul3A_1133 : vector<16xf32>
        %add3A_1135 = arith.addf %add3A_1101, %mul3A_1134 : vector<16xf32>
        %get3A_1136 = arith.index_cast %add3A_1128 : i32 to index
        %get3A_1137 = arith.constant 16 : index
        %get3A_1138 = tpu.vector_load %arg9[%get3A_1136, %get3A_1137] {strides = array<i32>} : memref<800x128xf32, #tpu.memory_space<vmem>>, vector<1x16xf32>,
        %get3A_1139 = vector.shape_cast %get3A_1138 : vector<1x16xf32> to vector<16xf32>
        %mul3A_1140 = vector.broadcast %squeeze3A_1124 : f32 to vector<16xf32>
        %mul3A_1141 = arith.mulf %get3A_1139, %mul3A_1140 : vector<16xf32>
        %add3A_1142 = arith.addf %add3A_1108, %mul3A_1141 : vector<16xf32>
        %get3A_1143 = arith.index_cast %add3A_1128 : i32 to index
        %get3A_1144 = arith.constant 32 : index
        %get3A_1145 = tpu.vector_load %arg9[%get3A_1143, %get3A_1144] {strides = array<i32>} : memref<800x128xf32, #tpu.memory_space<vmem>>, vector<1x16xf32>,
        %get3A_1146 = vector.shape_cast %get3A_1145 : vector<1x16xf32> to vector<16xf32>
        %mul3A_1147 = vector.broadcast %squeeze3A_1124 : f32 to vector<16xf32>
        %mul3A_1148 = arith.mulf %get3A_1146, %mul3A_1147 : vector<16xf32>
        %add3A_1149 = arith.addf %add3A_1115, %mul3A_1148 : vector<16xf32>
        %get3A_1150 = arith.index_cast %add3A_1128 : i32 to index
        %get3A_1151 = arith.constant 48 : index
        %get3A_1152 = tpu.vector_load %arg9[%get3A_1150, %get3A_1151] {strides = array<i32>} : memref<800x128xf32, #tpu.memory_space<vmem>>, vector<1x16xf32>,
        %get3A_1153 = vector.shape_cast %get3A_1152 : vector<1x16xf32> to vector<16xf32>
        %mul3A_1154 = vector.broadcast %squeeze3A_1124 : f32 to vector<16xf32>
        %mul3A_1155 = arith.mulf %get3A_1153, %mul3A_1154 : vector<16xf32>
        %add3A_1156 = arith.addf %add3A_1122, %mul3A_1155 : vector<16xf32>
        %slice3A_1157 = vector.extract_strided_slice %get3A_1020 {offsets = [4], sizes = [1], strides = [1]} : vector<16xf32> to vector<1xf32>
        %squeeze3A_1158 = vector.extract %slice3A_1157[0] : f32 from vector<1xf32>
        %add3A_1159 = arith.constant 16 : i32
        %add3A_1160 = arith.addi %add3A_466, %add3A_1159 : i32
        %add3A_1161 = arith.constant 4 : i32
        %add3A_1162 = arith.addi %add3A_1160, %add3A_1161 : i32
        %get3A_1163 = arith.index_cast %add3A_1162 : i32 to index
        %get3A_1164 = arith.constant 0 : index
        %get3A_1165 = tpu.vector_load %arg9[%get3A_1163, %get3A_1164] {strides = array<i32>} : memref<800x128xf32, #tpu.memory_space<vmem>>, vector<1x16xf32>,
        %get3A_1166 = vector.shape_cast %get3A_1165 : vector<1x16xf32> to vector<16xf32>
        %mul3A_1167 = vector.broadcast %squeeze3A_1158 : f32 to vector<16xf32>
        %mul3A_1168 = arith.mulf %get3A_1166, %mul3A_1167 : vector<16xf32>
        %add3A_1169 = arith.addf %add3A_1135, %mul3A_1168 : vector<16xf32>
        %get3A_1170 = arith.index_cast %add3A_1162 : i32 to index
        %get3A_1171 = arith.constant 16 : index
        %get3A_1172 = tpu.vector_load %arg9[%get3A_1170, %get3A_1171] {strides = array<i32>} : memref<800x128xf32, #tpu.memory_space<vmem>>, vector<1x16xf32>,
        %get3A_1173 = vector.shape_cast %get3A_1172 : vector<1x16xf32> to vector<16xf32>
        %mul3A_1174 = vector.broadcast %squeeze3A_1158 : f32 to vector<16xf32>
        %mul3A_1175 = arith.mulf %get3A_1173, %mul3A_1174 : vector<16xf32>
        %add3A_1176 = arith.addf %add3A_1142, %mul3A_1175 : vector<16xf32>
        %get3A_1177 = arith.index_cast %add3A_1162 : i32 to index
        %get3A_1178 = arith.constant 32 : index
        %get3A_1179 = tpu.vector_load %arg9[%get3A_1177, %get3A_1178] {strides = array<i32>} : memref<800x128xf32, #tpu.memory_space<vmem>>, vector<1x16xf32>,
        %get3A_1180 = vector.shape_cast %get3A_1179 : vector<1x16xf32> to vector<16xf32>
        %mul3A_1181 = vector.broadcast %squeeze3A_1158 : f32 to vector<16xf32>
        %mul3A_1182 = arith.mulf %get3A_1180, %mul3A_1181 : vector<16xf32>
        %add3A_1183 = arith.addf %add3A_1149, %mul3A_1182 : vector<16xf32>
        %get3A_1184 = arith.index_cast %add3A_1162 : i32 to index
        %get3A_1185 = arith.constant 48 : index
        %get3A_1186 = tpu.vector_load %arg9[%get3A_1184, %get3A_1185] {strides = array<i32>} : memref<800x128xf32, #tpu.memory_space<vmem>>, vector<1x16xf32>,
        %get3A_1187 = vector.shape_cast %get3A_1186 : vector<1x16xf32> to vector<16xf32>
        %mul3A_1188 = vector.broadcast %squeeze3A_1158 : f32 to vector<16xf32>
        %mul3A_1189 = arith.mulf %get3A_1187, %mul3A_1188 : vector<16xf32>
        %add3A_1190 = arith.addf %add3A_1156, %mul3A_1189 : vector<16xf32>
        %slice3A_1191 = vector.extract_strided_slice %get3A_1020 {offsets = [5], sizes = [1], strides = [1]} : vector<16xf32> to vector<1xf32>
        %squeeze3A_1192 = vector.extract %slice3A_1191[0] : f32 from vector<1xf32>
        %add3A_1193 = arith.constant 16 : i32
        %add3A_1194 = arith.addi %add3A_466, %add3A_1193 : i32
        %add3A_1195 = arith.constant 5 : i32
        %add3A_1196 = arith.addi %add3A_1194, %add3A_1195 : i32
        %get3A_1197 = arith.index_cast %add3A_1196 : i32 to index
        %get3A_1198 = arith.constant 0 : index
        %get3A_1199 = tpu.vector_load %arg9[%get3A_1197, %get3A_1198] {strides = array<i32>} : memref<800x128xf32, #tpu.memory_space<vmem>>, vector<1x16xf32>,
        %get3A_1200 = vector.shape_cast %get3A_1199 : vector<1x16xf32> to vector<16xf32>
        %mul3A_1201 = vector.broadcast %squeeze3A_1192 : f32 to vector<16xf32>
        %mul3A_1202 = arith.mulf %get3A_1200, %mul3A_1201 : vector<16xf32>
        %add3A_1203 = arith.addf %add3A_1169, %mul3A_1202 : vector<16xf32>
        %get3A_1204 = arith.index_cast %add3A_1196 : i32 to index
        %get3A_1205 = arith.constant 16 : index
        %get3A_1206 = tpu.vector_load %arg9[%get3A_1204, %get3A_1205] {strides = array<i32>} : memref<800x128xf32, #tpu.memory_space<vmem>>, vector<1x16xf32>,
        %get3A_1207 = vector.shape_cast %get3A_1206 : vector<1x16xf32> to vector<16xf32>
        %mul3A_1208 = vector.broadcast %squeeze3A_1192 : f32 to vector<16xf32>
        %mul3A_1209 = arith.mulf %get3A_1207, %mul3A_1208 : vector<16xf32>
        %add3A_1210 = arith.addf %add3A_1176, %mul3A_1209 : vector<16xf32>
        %get3A_1211 = arith.index_cast %add3A_1196 : i32 to index
        %get3A_1212 = arith.constant 32 : index
        %get3A_1213 = tpu.vector_load %arg9[%get3A_1211, %get3A_1212] {strides = array<i32>} : memref<800x128xf32, #tpu.memory_space<vmem>>, vector<1x16xf32>,
        %get3A_1214 = vector.shape_cast %get3A_1213 : vector<1x16xf32> to vector<16xf32>
        %mul3A_1215 = vector.broadcast %squeeze3A_1192 : f32 to vector<16xf32>
        %mul3A_1216 = arith.mulf %get3A_1214, %mul3A_1215 : vector<16xf32>
        %add3A_1217 = arith.addf %add3A_1183, %mul3A_1216 : vector<16xf32>
        %get3A_1218 = arith.index_cast %add3A_1196 : i32 to index
        %get3A_1219 = arith.constant 48 : index
        %get3A_1220 = tpu.vector_load %arg9[%get3A_1218, %get3A_1219] {strides = array<i32>} : memref<800x128xf32, #tpu.memory_space<vmem>>, vector<1x16xf32>,
        %get3A_1221 = vector.shape_cast %get3A_1220 : vector<1x16xf32> to vector<16xf32>
        %mul3A_1222 = vector.broadcast %squeeze3A_1192 : f32 to vector<16xf32>
        %mul3A_1223 = arith.mulf %get3A_1221, %mul3A_1222 : vector<16xf32>
        %add3A_1224 = arith.addf %add3A_1190, %mul3A_1223 : vector<16xf32>
        %slice3A_1225 = vector.extract_strided_slice %get3A_1020 {offsets = [6], sizes = [1], strides = [1]} : vector<16xf32> to vector<1xf32>
        %squeeze3A_1226 = vector.extract %slice3A_1225[0] : f32 from vector<1xf32>
        %add3A_1227 = arith.constant 16 : i32
        %add3A_1228 = arith.addi %add3A_466, %add3A_1227 : i32
        %add3A_1229 = arith.constant 6 : i32
        %add3A_1230 = arith.addi %add3A_1228, %add3A_1229 : i32
        %get3A_1231 = arith.index_cast %add3A_1230 : i32 to index
        %get3A_1232 = arith.constant 0 : index
        %get3A_1233 = tpu.vector_load %arg9[%get3A_1231, %get3A_1232] {strides = array<i32>} : memref<800x128xf32, #tpu.memory_space<vmem>>, vector<1x16xf32>,
        %get3A_1234 = vector.shape_cast %get3A_1233 : vector<1x16xf32> to vector<16xf32>
        %mul3A_1235 = vector.broadcast %squeeze3A_1226 : f32 to vector<16xf32>
        %mul3A_1236 = arith.mulf %get3A_1234, %mul3A_1235 : vector<16xf32>
        %add3A_1237 = arith.addf %add3A_1203, %mul3A_1236 : vector<16xf32>
        %get3A_1238 = arith.index_cast %add3A_1230 : i32 to index
        %get3A_1239 = arith.constant 16 : index
        %get3A_1240 = tpu.vector_load %arg9[%get3A_1238, %get3A_1239] {strides = array<i32>} : memref<800x128xf32, #tpu.memory_space<vmem>>, vector<1x16xf32>,
        %get3A_1241 = vector.shape_cast %get3A_1240 : vector<1x16xf32> to vector<16xf32>
        %mul3A_1242 = vector.broadcast %squeeze3A_1226 : f32 to vector<16xf32>
        %mul3A_1243 = arith.mulf %get3A_1241, %mul3A_1242 : vector<16xf32>
        %add3A_1244 = arith.addf %add3A_1210, %mul3A_1243 : vector<16xf32>
        %get3A_1245 = arith.index_cast %add3A_1230 : i32 to index
        %get3A_1246 = arith.constant 32 : index
        %get3A_1247 = tpu.vector_load %arg9[%get3A_1245, %get3A_1246] {strides = array<i32>} : memref<800x128xf32, #tpu.memory_space<vmem>>, vector<1x16xf32>,
        %get3A_1248 = vector.shape_cast %get3A_1247 : vector<1x16xf32> to vector<16xf32>
        %mul3A_1249 = vector.broadcast %squeeze3A_1226 : f32 to vector<16xf32>
        %mul3A_1250 = arith.mulf %get3A_1248, %mul3A_1249 : vector<16xf32>
        %add3A_1251 = arith.addf %add3A_1217, %mul3A_1250 : vector<16xf32>
        %get3A_1252 = arith.index_cast %add3A_1230 : i32 to index
        %get3A_1253 = arith.constant 48 : index
        %get3A_1254 = tpu.vector_load %arg9[%get3A_1252, %get3A_1253] {strides = array<i32>} : memref<800x128xf32, #tpu.memory_space<vmem>>, vector<1x16xf32>,
        %get3A_1255 = vector.shape_cast %get3A_1254 : vector<1x16xf32> to vector<16xf32>
        %mul3A_1256 = vector.broadcast %squeeze3A_1226 : f32 to vector<16xf32>
        %mul3A_1257 = arith.mulf %get3A_1255, %mul3A_1256 : vector<16xf32>
        %add3A_1258 = arith.addf %add3A_1224, %mul3A_1257 : vector<16xf32>
        %slice3A_1259 = vector.extract_strided_slice %get3A_1020 {offsets = [7], sizes = [1], strides = [1]} : vector<16xf32> to vector<1xf32>
        %squeeze3A_1260 = vector.extract %slice3A_1259[0] : f32 from vector<1xf32>
        %add3A_1261 = arith.constant 16 : i32
        %add3A_1262 = arith.addi %add3A_466, %add3A_1261 : i32
        %add3A_1263 = arith.constant 7 : i32
        %add3A_1264 = arith.addi %add3A_1262, %add3A_1263 : i32
        %get3A_1265 = arith.index_cast %add3A_1264 : i32 to index
        %get3A_1266 = arith.constant 0 : index
        %get3A_1267 = tpu.vector_load %arg9[%get3A_1265, %get3A_1266] {strides = array<i32>} : memref<800x128xf32, #tpu.memory_space<vmem>>, vector<1x16xf32>,
        %get3A_1268 = vector.shape_cast %get3A_1267 : vector<1x16xf32> to vector<16xf32>
        %mul3A_1269 = vector.broadcast %squeeze3A_1260 : f32 to vector<16xf32>
        %mul3A_1270 = arith.mulf %get3A_1268, %mul3A_1269 : vector<16xf32>
        %add3A_1271 = arith.addf %add3A_1237, %mul3A_1270 : vector<16xf32>
        %get3A_1272 = arith.index_cast %add3A_1264 : i32 to index
        %get3A_1273 = arith.constant 16 : index
        %get3A_1274 = tpu.vector_load %arg9[%get3A_1272, %get3A_1273] {strides = array<i32>} : memref<800x128xf32, #tpu.memory_space<vmem>>, vector<1x16xf32>,
        %get3A_1275 = vector.shape_cast %get3A_1274 : vector<1x16xf32> to vector<16xf32>
        %mul3A_1276 = vector.broadcast %squeeze3A_1260 : f32 to vector<16xf32>
        %mul3A_1277 = arith.mulf %get3A_1275, %mul3A_1276 : vector<16xf32>
        %add3A_1278 = arith.addf %add3A_1244, %mul3A_1277 : vector<16xf32>
        %get3A_1279 = arith.index_cast %add3A_1264 : i32 to index
        %get3A_1280 = arith.constant 32 : index
        %get3A_1281 = tpu.vector_load %arg9[%get3A_1279, %get3A_1280] {strides = array<i32>} : memref<800x128xf32, #tpu.memory_space<vmem>>, vector<1x16xf32>,
        %get3A_1282 = vector.shape_cast %get3A_1281 : vector<1x16xf32> to vector<16xf32>
        %mul3A_1283 = vector.broadcast %squeeze3A_1260 : f32 to vector<16xf32>
        %mul3A_1284 = arith.mulf %get3A_1282, %mul3A_1283 : vector<16xf32>
        %add3A_1285 = arith.addf %add3A_1251, %mul3A_1284 : vector<16xf32>
        %get3A_1286 = arith.index_cast %add3A_1264 : i32 to index
        %get3A_1287 = arith.constant 48 : index
        %get3A_1288 = tpu.vector_load %arg9[%get3A_1286, %get3A_1287] {strides = array<i32>} : memref<800x128xf32, #tpu.memory_space<vmem>>, vector<1x16xf32>,
        %get3A_1289 = vector.shape_cast %get3A_1288 : vector<1x16xf32> to vector<16xf32>
        %mul3A_1290 = vector.broadcast %squeeze3A_1260 : f32 to vector<16xf32>
        %mul3A_1291 = arith.mulf %get3A_1289, %mul3A_1290 : vector<16xf32>
        %add3A_1292 = arith.addf %add3A_1258, %mul3A_1291 : vector<16xf32>
        %slice3A_1293 = vector.extract_strided_slice %get3A_1020 {offsets = [8], sizes = [1], strides = [1]} : vector<16xf32> to vector<1xf32>
        %squeeze3A_1294 = vector.extract %slice3A_1293[0] : f32 from vector<1xf32>
        %add3A_1295 = arith.constant 16 : i32
        %add3A_1296 = arith.addi %add3A_466, %add3A_1295 : i32
        %add3A_1297 = arith.constant 8 : i32
        %add3A_1298 = arith.addi %add3A_1296, %add3A_1297 : i32
        %get3A_1299 = arith.index_cast %add3A_1298 : i32 to index
        %get3A_1300 = arith.constant 0 : index
        %get3A_1301 = tpu.vector_load %arg9[%get3A_1299, %get3A_1300] {strides = array<i32>} : memref<800x128xf32, #tpu.memory_space<vmem>>, vector<1x16xf32>,
        %get3A_1302 = vector.shape_cast %get3A_1301 : vector<1x16xf32> to vector<16xf32>
        %mul3A_1303 = vector.broadcast %squeeze3A_1294 : f32 to vector<16xf32>
        %mul3A_1304 = arith.mulf %get3A_1302, %mul3A_1303 : vector<16xf32>
        %add3A_1305 = arith.addf %add3A_1271, %mul3A_1304 : vector<16xf32>
        %get3A_1306 = arith.index_cast %add3A_1298 : i32 to index
        %get3A_1307 = arith.constant 16 : index
        %get3A_1308 = tpu.vector_load %arg9[%get3A_1306, %get3A_1307] {strides = array<i32>} : memref<800x128xf32, #tpu.memory_space<vmem>>, vector<1x16xf32>,
        %get3A_1309 = vector.shape_cast %get3A_1308 : vector<1x16xf32> to vector<16xf32>
        %mul3A_1310 = vector.broadcast %squeeze3A_1294 : f32 to vector<16xf32>
        %mul3A_1311 = arith.mulf %get3A_1309, %mul3A_1310 : vector<16xf32>
        %add3A_1312 = arith.addf %add3A_1278, %mul3A_1311 : vector<16xf32>
        %get3A_1313 = arith.index_cast %add3A_1298 : i32 to index
        %get3A_1314 = arith.constant 32 : index
        %get3A_1315 = tpu.vector_load %arg9[%get3A_1313, %get3A_1314] {strides = array<i32>} : memref<800x128xf32, #tpu.memory_space<vmem>>, vector<1x16xf32>,
        %get3A_1316 = vector.shape_cast %get3A_1315 : vector<1x16xf32> to vector<16xf32>
        %mul3A_1317 = vector.broadcast %squeeze3A_1294 : f32 to vector<16xf32>
        %mul3A_1318 = arith.mulf %get3A_1316, %mul3A_1317 : vector<16xf32>
        %add3A_1319 = arith.addf %add3A_1285, %mul3A_1318 : vector<16xf32>
        %get3A_1320 = arith.index_cast %add3A_1298 : i32 to index
        %get3A_1321 = arith.constant 48 : index
        %get3A_1322 = tpu.vector_load %arg9[%get3A_1320, %get3A_1321] {strides = array<i32>} : memref<800x128xf32, #tpu.memory_space<vmem>>, vector<1x16xf32>,
        %get3A_1323 = vector.shape_cast %get3A_1322 : vector<1x16xf32> to vector<16xf32>
        %mul3A_1324 = vector.broadcast %squeeze3A_1294 : f32 to vector<16xf32>
        %mul3A_1325 = arith.mulf %get3A_1323, %mul3A_1324 : vector<16xf32>
        %add3A_1326 = arith.addf %add3A_1292, %mul3A_1325 : vector<16xf32>
        %slice3A_1327 = vector.extract_strided_slice %get3A_1020 {offsets = [9], sizes = [1], strides = [1]} : vector<16xf32> to vector<1xf32>
        %squeeze3A_1328 = vector.extract %slice3A_1327[0] : f32 from vector<1xf32>
        %add3A_1329 = arith.constant 16 : i32
        %add3A_1330 = arith.addi %add3A_466, %add3A_1329 : i32
        %add3A_1331 = arith.constant 9 : i32
        %add3A_1332 = arith.addi %add3A_1330, %add3A_1331 : i32
        %get3A_1333 = arith.index_cast %add3A_1332 : i32 to index
        %get3A_1334 = arith.constant 0 : index
        %get3A_1335 = tpu.vector_load %arg9[%get3A_1333, %get3A_1334] {strides = array<i32>} : memref<800x128xf32, #tpu.memory_space<vmem>>, vector<1x16xf32>,
        %get3A_1336 = vector.shape_cast %get3A_1335 : vector<1x16xf32> to vector<16xf32>
        %mul3A_1337 = vector.broadcast %squeeze3A_1328 : f32 to vector<16xf32>
        %mul3A_1338 = arith.mulf %get3A_1336, %mul3A_1337 : vector<16xf32>
        %add3A_1339 = arith.addf %add3A_1305, %mul3A_1338 : vector<16xf32>
        %get3A_1340 = arith.index_cast %add3A_1332 : i32 to index
        %get3A_1341 = arith.constant 16 : index
        %get3A_1342 = tpu.vector_load %arg9[%get3A_1340, %get3A_1341] {strides = array<i32>} : memref<800x128xf32, #tpu.memory_space<vmem>>, vector<1x16xf32>,
        %get3A_1343 = vector.shape_cast %get3A_1342 : vector<1x16xf32> to vector<16xf32>
        %mul3A_1344 = vector.broadcast %squeeze3A_1328 : f32 to vector<16xf32>
        %mul3A_1345 = arith.mulf %get3A_1343, %mul3A_1344 : vector<16xf32>
        %add3A_1346 = arith.addf %add3A_1312, %mul3A_1345 : vector<16xf32>
        %get3A_1347 = arith.index_cast %add3A_1332 : i32 to index
        %get3A_1348 = arith.constant 32 : index
        %get3A_1349 = tpu.vector_load %arg9[%get3A_1347, %get3A_1348] {strides = array<i32>} : memref<800x128xf32, #tpu.memory_space<vmem>>, vector<1x16xf32>,
        %get3A_1350 = vector.shape_cast %get3A_1349 : vector<1x16xf32> to vector<16xf32>
        %mul3A_1351 = vector.broadcast %squeeze3A_1328 : f32 to vector<16xf32>
        %mul3A_1352 = arith.mulf %get3A_1350, %mul3A_1351 : vector<16xf32>
        %add3A_1353 = arith.addf %add3A_1319, %mul3A_1352 : vector<16xf32>
        %get3A_1354 = arith.index_cast %add3A_1332 : i32 to index
        %get3A_1355 = arith.constant 48 : index
        %get3A_1356 = tpu.vector_load %arg9[%get3A_1354, %get3A_1355] {strides = array<i32>} : memref<800x128xf32, #tpu.memory_space<vmem>>, vector<1x16xf32>,
        %get3A_1357 = vector.shape_cast %get3A_1356 : vector<1x16xf32> to vector<16xf32>
        %mul3A_1358 = vector.broadcast %squeeze3A_1328 : f32 to vector<16xf32>
        %mul3A_1359 = arith.mulf %get3A_1357, %mul3A_1358 : vector<16xf32>
        %add3A_1360 = arith.addf %add3A_1326, %mul3A_1359 : vector<16xf32>
        %slice3A_1361 = vector.extract_strided_slice %get3A_1020 {offsets = [10], sizes = [1], strides = [1]} : vector<16xf32> to vector<1xf32>
        %squeeze3A_1362 = vector.extract %slice3A_1361[0] : f32 from vector<1xf32>
        %add3A_1363 = arith.constant 16 : i32
        %add3A_1364 = arith.addi %add3A_466, %add3A_1363 : i32
        %add3A_1365 = arith.constant 10 : i32
        %add3A_1366 = arith.addi %add3A_1364, %add3A_1365 : i32
        %get3A_1367 = arith.index_cast %add3A_1366 : i32 to index
        %get3A_1368 = arith.constant 0 : index
        %get3A_1369 = tpu.vector_load %arg9[%get3A_1367, %get3A_1368] {strides = array<i32>} : memref<800x128xf32, #tpu.memory_space<vmem>>, vector<1x16xf32>,
        %get3A_1370 = vector.shape_cast %get3A_1369 : vector<1x16xf32> to vector<16xf32>
        %mul3A_1371 = vector.broadcast %squeeze3A_1362 : f32 to vector<16xf32>
        %mul3A_1372 = arith.mulf %get3A_1370, %mul3A_1371 : vector<16xf32>
        %add3A_1373 = arith.addf %add3A_1339, %mul3A_1372 : vector<16xf32>
        %get3A_1374 = arith.index_cast %add3A_1366 : i32 to index
        %get3A_1375 = arith.constant 16 : index
        %get3A_1376 = tpu.vector_load %arg9[%get3A_1374, %get3A_1375] {strides = array<i32>} : memref<800x128xf32, #tpu.memory_space<vmem>>, vector<1x16xf32>,
        %get3A_1377 = vector.shape_cast %get3A_1376 : vector<1x16xf32> to vector<16xf32>
        %mul3A_1378 = vector.broadcast %squeeze3A_1362 : f32 to vector<16xf32>
        %mul3A_1379 = arith.mulf %get3A_1377, %mul3A_1378 : vector<16xf32>
        %add3A_1380 = arith.addf %add3A_1346, %mul3A_1379 : vector<16xf32>
        %get3A_1381 = arith.index_cast %add3A_1366 : i32 to index
        %get3A_1382 = arith.constant 32 : index
        %get3A_1383 = tpu.vector_load %arg9[%get3A_1381, %get3A_1382] {strides = array<i32>} : memref<800x128xf32, #tpu.memory_space<vmem>>, vector<1x16xf32>,
        %get3A_1384 = vector.shape_cast %get3A_1383 : vector<1x16xf32> to vector<16xf32>
        %mul3A_1385 = vector.broadcast %squeeze3A_1362 : f32 to vector<16xf32>
        %mul3A_1386 = arith.mulf %get3A_1384, %mul3A_1385 : vector<16xf32>
        %add3A_1387 = arith.addf %add3A_1353, %mul3A_1386 : vector<16xf32>
        %get3A_1388 = arith.index_cast %add3A_1366 : i32 to index
        %get3A_1389 = arith.constant 48 : index
        %get3A_1390 = tpu.vector_load %arg9[%get3A_1388, %get3A_1389] {strides = array<i32>} : memref<800x128xf32, #tpu.memory_space<vmem>>, vector<1x16xf32>,
        %get3A_1391 = vector.shape_cast %get3A_1390 : vector<1x16xf32> to vector<16xf32>
        %mul3A_1392 = vector.broadcast %squeeze3A_1362 : f32 to vector<16xf32>
        %mul3A_1393 = arith.mulf %get3A_1391, %mul3A_1392 : vector<16xf32>
        %add3A_1394 = arith.addf %add3A_1360, %mul3A_1393 : vector<16xf32>
        %slice3A_1395 = vector.extract_strided_slice %get3A_1020 {offsets = [11], sizes = [1], strides = [1]} : vector<16xf32> to vector<1xf32>
        %squeeze3A_1396 = vector.extract %slice3A_1395[0] : f32 from vector<1xf32>
        %add3A_1397 = arith.constant 16 : i32
        %add3A_1398 = arith.addi %add3A_466, %add3A_1397 : i32
        %add3A_1399 = arith.constant 11 : i32
        %add3A_1400 = arith.addi %add3A_1398, %add3A_1399 : i32
        %get3A_1401 = arith.index_cast %add3A_1400 : i32 to index
        %get3A_1402 = arith.constant 0 : index
        %get3A_1403 = tpu.vector_load %arg9[%get3A_1401, %get3A_1402] {strides = array<i32>} : memref<800x128xf32, #tpu.memory_space<vmem>>, vector<1x16xf32>,
        %get3A_1404 = vector.shape_cast %get3A_1403 : vector<1x16xf32> to vector<16xf32>
        %mul3A_1405 = vector.broadcast %squeeze3A_1396 : f32 to vector<16xf32>
        %mul3A_1406 = arith.mulf %get3A_1404, %mul3A_1405 : vector<16xf32>
        %add3A_1407 = arith.addf %add3A_1373, %mul3A_1406 : vector<16xf32>
        %get3A_1408 = arith.index_cast %add3A_1400 : i32 to index
        %get3A_1409 = arith.constant 16 : index
        %get3A_1410 = tpu.vector_load %arg9[%get3A_1408, %get3A_1409] {strides = array<i32>} : memref<800x128xf32, #tpu.memory_space<vmem>>, vector<1x16xf32>,
        %get3A_1411 = vector.shape_cast %get3A_1410 : vector<1x16xf32> to vector<16xf32>
        %mul3A_1412 = vector.broadcast %squeeze3A_1396 : f32 to vector<16xf32>
        %mul3A_1413 = arith.mulf %get3A_1411, %mul3A_1412 : vector<16xf32>
        %add3A_1414 = arith.addf %add3A_1380, %mul3A_1413 : vector<16xf32>
        %get3A_1415 = arith.index_cast %add3A_1400 : i32 to index
        %get3A_1416 = arith.constant 32 : index
        %get3A_1417 = tpu.vector_load %arg9[%get3A_1415, %get3A_1416] {strides = array<i32>} : memref<800x128xf32, #tpu.memory_space<vmem>>, vector<1x16xf32>,
        %get3A_1418 = vector.shape_cast %get3A_1417 : vector<1x16xf32> to vector<16xf32>
        %mul3A_1419 = vector.broadcast %squeeze3A_1396 : f32 to vector<16xf32>
        %mul3A_1420 = arith.mulf %get3A_1418, %mul3A_1419 : vector<16xf32>
        %add3A_1421 = arith.addf %add3A_1387, %mul3A_1420 : vector<16xf32>
        %get3A_1422 = arith.index_cast %add3A_1400 : i32 to index
        %get3A_1423 = arith.constant 48 : index
        %get3A_1424 = tpu.vector_load %arg9[%get3A_1422, %get3A_1423] {strides = array<i32>} : memref<800x128xf32, #tpu.memory_space<vmem>>, vector<1x16xf32>,
        %get3A_1425 = vector.shape_cast %get3A_1424 : vector<1x16xf32> to vector<16xf32>
        %mul3A_1426 = vector.broadcast %squeeze3A_1396 : f32 to vector<16xf32>
        %mul3A_1427 = arith.mulf %get3A_1425, %mul3A_1426 : vector<16xf32>
        %add3A_1428 = arith.addf %add3A_1394, %mul3A_1427 : vector<16xf32>
        %slice3A_1429 = vector.extract_strided_slice %get3A_1020 {offsets = [12], sizes = [1], strides = [1]} : vector<16xf32> to vector<1xf32>
        %squeeze3A_1430 = vector.extract %slice3A_1429[0] : f32 from vector<1xf32>
        %add3A_1431 = arith.constant 16 : i32
        %add3A_1432 = arith.addi %add3A_466, %add3A_1431 : i32
        %add3A_1433 = arith.constant 12 : i32
        %add3A_1434 = arith.addi %add3A_1432, %add3A_1433 : i32
        %get3A_1435 = arith.index_cast %add3A_1434 : i32 to index
        %get3A_1436 = arith.constant 0 : index
        %get3A_1437 = tpu.vector_load %arg9[%get3A_1435, %get3A_1436] {strides = array<i32>} : memref<800x128xf32, #tpu.memory_space<vmem>>, vector<1x16xf32>,
        %get3A_1438 = vector.shape_cast %get3A_1437 : vector<1x16xf32> to vector<16xf32>
        %mul3A_1439 = vector.broadcast %squeeze3A_1430 : f32 to vector<16xf32>
        %mul3A_1440 = arith.mulf %get3A_1438, %mul3A_1439 : vector<16xf32>
        %add3A_1441 = arith.addf %add3A_1407, %mul3A_1440 : vector<16xf32>
        %get3A_1442 = arith.index_cast %add3A_1434 : i32 to index
        %get3A_1443 = arith.constant 16 : index
        %get3A_1444 = tpu.vector_load %arg9[%get3A_1442, %get3A_1443] {strides = array<i32>} : memref<800x128xf32, #tpu.memory_space<vmem>>, vector<1x16xf32>,
        %get3A_1445 = vector.shape_cast %get3A_1444 : vector<1x16xf32> to vector<16xf32>
        %mul3A_1446 = vector.broadcast %squeeze3A_1430 : f32 to vector<16xf32>
        %mul3A_1447 = arith.mulf %get3A_1445, %mul3A_1446 : vector<16xf32>
        %add3A_1448 = arith.addf %add3A_1414, %mul3A_1447 : vector<16xf32>
        %get3A_1449 = arith.index_cast %add3A_1434 : i32 to index
        %get3A_1450 = arith.constant 32 : index
        %get3A_1451 = tpu.vector_load %arg9[%get3A_1449, %get3A_1450] {strides = array<i32>} : memref<800x128xf32, #tpu.memory_space<vmem>>, vector<1x16xf32>,
        %get3A_1452 = vector.shape_cast %get3A_1451 : vector<1x16xf32> to vector<16xf32>
        %mul3A_1453 = vector.broadcast %squeeze3A_1430 : f32 to vector<16xf32>
        %mul3A_1454 = arith.mulf %get3A_1452, %mul3A_1453 : vector<16xf32>
        %add3A_1455 = arith.addf %add3A_1421, %mul3A_1454 : vector<16xf32>
        %get3A_1456 = arith.index_cast %add3A_1434 : i32 to index
        %get3A_1457 = arith.constant 48 : index
        %get3A_1458 = tpu.vector_load %arg9[%get3A_1456, %get3A_1457] {strides = array<i32>} : memref<800x128xf32, #tpu.memory_space<vmem>>, vector<1x16xf32>,
        %get3A_1459 = vector.shape_cast %get3A_1458 : vector<1x16xf32> to vector<16xf32>
        %mul3A_1460 = vector.broadcast %squeeze3A_1430 : f32 to vector<16xf32>
        %mul3A_1461 = arith.mulf %get3A_1459, %mul3A_1460 : vector<16xf32>
        %add3A_1462 = arith.addf %add3A_1428, %mul3A_1461 : vector<16xf32>
        %slice3A_1463 = vector.extract_strided_slice %get3A_1020 {offsets = [13], sizes = [1], strides = [1]} : vector<16xf32> to vector<1xf32>
        %squeeze3A_1464 = vector.extract %slice3A_1463[0] : f32 from vector<1xf32>
        %add3A_1465 = arith.constant 16 : i32
        %add3A_1466 = arith.addi %add3A_466, %add3A_1465 : i32
        %add3A_1467 = arith.constant 13 : i32
        %add3A_1468 = arith.addi %add3A_1466, %add3A_1467 : i32
        %get3A_1469 = arith.index_cast %add3A_1468 : i32 to index
        %get3A_1470 = arith.constant 0 : index
        %get3A_1471 = tpu.vector_load %arg9[%get3A_1469, %get3A_1470] {strides = array<i32>} : memref<800x128xf32, #tpu.memory_space<vmem>>, vector<1x16xf32>,
        %get3A_1472 = vector.shape_cast %get3A_1471 : vector<1x16xf32> to vector<16xf32>
        %mul3A_1473 = vector.broadcast %squeeze3A_1464 : f32 to vector<16xf32>
        %mul3A_1474 = arith.mulf %get3A_1472, %mul3A_1473 : vector<16xf32>
        %add3A_1475 = arith.addf %add3A_1441, %mul3A_1474 : vector<16xf32>
        %get3A_1476 = arith.index_cast %add3A_1468 : i32 to index
        %get3A_1477 = arith.constant 16 : index
        %get3A_1478 = tpu.vector_load %arg9[%get3A_1476, %get3A_1477] {strides = array<i32>} : memref<800x128xf32, #tpu.memory_space<vmem>>, vector<1x16xf32>,
        %get3A_1479 = vector.shape_cast %get3A_1478 : vector<1x16xf32> to vector<16xf32>
        %mul3A_1480 = vector.broadcast %squeeze3A_1464 : f32 to vector<16xf32>
        %mul3A_1481 = arith.mulf %get3A_1479, %mul3A_1480 : vector<16xf32>
        %add3A_1482 = arith.addf %add3A_1448, %mul3A_1481 : vector<16xf32>
        %get3A_1483 = arith.index_cast %add3A_1468 : i32 to index
        %get3A_1484 = arith.constant 32 : index
        %get3A_1485 = tpu.vector_load %arg9[%get3A_1483, %get3A_1484] {strides = array<i32>} : memref<800x128xf32, #tpu.memory_space<vmem>>, vector<1x16xf32>,
        %get3A_1486 = vector.shape_cast %get3A_1485 : vector<1x16xf32> to vector<16xf32>
        %mul3A_1487 = vector.broadcast %squeeze3A_1464 : f32 to vector<16xf32>
        %mul3A_1488 = arith.mulf %get3A_1486, %mul3A_1487 : vector<16xf32>
        %add3A_1489 = arith.addf %add3A_1455, %mul3A_1488 : vector<16xf32>
        %get3A_1490 = arith.index_cast %add3A_1468 : i32 to index
        %get3A_1491 = arith.constant 48 : index
        %get3A_1492 = tpu.vector_load %arg9[%get3A_1490, %get3A_1491] {strides = array<i32>} : memref<800x128xf32, #tpu.memory_space<vmem>>, vector<1x16xf32>,
        %get3A_1493 = vector.shape_cast %get3A_1492 : vector<1x16xf32> to vector<16xf32>
        %mul3A_1494 = vector.broadcast %squeeze3A_1464 : f32 to vector<16xf32>
        %mul3A_1495 = arith.mulf %get3A_1493, %mul3A_1494 : vector<16xf32>
        %add3A_1496 = arith.addf %add3A_1462, %mul3A_1495 : vector<16xf32>
        %slice3A_1497 = vector.extract_strided_slice %get3A_1020 {offsets = [14], sizes = [1], strides = [1]} : vector<16xf32> to vector<1xf32>
        %squeeze3A_1498 = vector.extract %slice3A_1497[0] : f32 from vector<1xf32>
        %add3A_1499 = arith.constant 16 : i32
        %add3A_1500 = arith.addi %add3A_466, %add3A_1499 : i32
        %add3A_1501 = arith.constant 14 : i32
        %add3A_1502 = arith.addi %add3A_1500, %add3A_1501 : i32
        %get3A_1503 = arith.index_cast %add3A_1502 : i32 to index
        %get3A_1504 = arith.constant 0 : index
        %get3A_1505 = tpu.vector_load %arg9[%get3A_1503, %get3A_1504] {strides = array<i32>} : memref<800x128xf32, #tpu.memory_space<vmem>>, vector<1x16xf32>,
        %get3A_1506 = vector.shape_cast %get3A_1505 : vector<1x16xf32> to vector<16xf32>
        %mul3A_1507 = vector.broadcast %squeeze3A_1498 : f32 to vector<16xf32>
        %mul3A_1508 = arith.mulf %get3A_1506, %mul3A_1507 : vector<16xf32>
        %add3A_1509 = arith.addf %add3A_1475, %mul3A_1508 : vector<16xf32>
        %get3A_1510 = arith.index_cast %add3A_1502 : i32 to index
        %get3A_1511 = arith.constant 16 : index
        %get3A_1512 = tpu.vector_load %arg9[%get3A_1510, %get3A_1511] {strides = array<i32>} : memref<800x128xf32, #tpu.memory_space<vmem>>, vector<1x16xf32>,
        %get3A_1513 = vector.shape_cast %get3A_1512 : vector<1x16xf32> to vector<16xf32>
        %mul3A_1514 = vector.broadcast %squeeze3A_1498 : f32 to vector<16xf32>
        %mul3A_1515 = arith.mulf %get3A_1513, %mul3A_1514 : vector<16xf32>
        %add3A_1516 = arith.addf %add3A_1482, %mul3A_1515 : vector<16xf32>
        %get3A_1517 = arith.index_cast %add3A_1502 : i32 to index
        %get3A_1518 = arith.constant 32 : index
        %get3A_1519 = tpu.vector_load %arg9[%get3A_1517, %get3A_1518] {strides = array<i32>} : memref<800x128xf32, #tpu.memory_space<vmem>>, vector<1x16xf32>,
        %get3A_1520 = vector.shape_cast %get3A_1519 : vector<1x16xf32> to vector<16xf32>
        %mul3A_1521 = vector.broadcast %squeeze3A_1498 : f32 to vector<16xf32>
        %mul3A_1522 = arith.mulf %get3A_1520, %mul3A_1521 : vector<16xf32>
        %add3A_1523 = arith.addf %add3A_1489, %mul3A_1522 : vector<16xf32>
        %get3A_1524 = arith.index_cast %add3A_1502 : i32 to index
        %get3A_1525 = arith.constant 48 : index
        %get3A_1526 = tpu.vector_load %arg9[%get3A_1524, %get3A_1525] {strides = array<i32>} : memref<800x128xf32, #tpu.memory_space<vmem>>, vector<1x16xf32>,
        %get3A_1527 = vector.shape_cast %get3A_1526 : vector<1x16xf32> to vector<16xf32>
        %mul3A_1528 = vector.broadcast %squeeze3A_1498 : f32 to vector<16xf32>
        %mul3A_1529 = arith.mulf %get3A_1527, %mul3A_1528 : vector<16xf32>
        %add3A_1530 = arith.addf %add3A_1496, %mul3A_1529 : vector<16xf32>
        %slice3A_1531 = vector.extract_strided_slice %get3A_1020 {offsets = [15], sizes = [1], strides = [1]} : vector<16xf32> to vector<1xf32>
        %squeeze3A_1532 = vector.extract %slice3A_1531[0] : f32 from vector<1xf32>
        %add3A_1533 = arith.constant 16 : i32
        %add3A_1534 = arith.addi %add3A_466, %add3A_1533 : i32
        %add3A_1535 = arith.constant 15 : i32
        %add3A_1536 = arith.addi %add3A_1534, %add3A_1535 : i32
        %get3A_1537 = arith.index_cast %add3A_1536 : i32 to index
        %get3A_1538 = arith.constant 0 : index
        %get3A_1539 = tpu.vector_load %arg9[%get3A_1537, %get3A_1538] {strides = array<i32>} : memref<800x128xf32, #tpu.memory_space<vmem>>, vector<1x16xf32>,
        %get3A_1540 = vector.shape_cast %get3A_1539 : vector<1x16xf32> to vector<16xf32>
        %mul3A_1541 = vector.broadcast %squeeze3A_1532 : f32 to vector<16xf32>
        %mul3A_1542 = arith.mulf %get3A_1540, %mul3A_1541 : vector<16xf32>
        %add3A_1543 = arith.addf %add3A_1509, %mul3A_1542 : vector<16xf32>
        %get3A_1544 = arith.index_cast %add3A_1536 : i32 to index
        %get3A_1545 = arith.constant 16 : index
        %get3A_1546 = tpu.vector_load %arg9[%get3A_1544, %get3A_1545] {strides = array<i32>} : memref<800x128xf32, #tpu.memory_space<vmem>>, vector<1x16xf32>,
        %get3A_1547 = vector.shape_cast %get3A_1546 : vector<1x16xf32> to vector<16xf32>
        %mul3A_1548 = vector.broadcast %squeeze3A_1532 : f32 to vector<16xf32>
        %mul3A_1549 = arith.mulf %get3A_1547, %mul3A_1548 : vector<16xf32>
        %add3A_1550 = arith.addf %add3A_1516, %mul3A_1549 : vector<16xf32>
        %get3A_1551 = arith.index_cast %add3A_1536 : i32 to index
        %get3A_1552 = arith.constant 32 : index
        %get3A_1553 = tpu.vector_load %arg9[%get3A_1551, %get3A_1552] {strides = array<i32>} : memref<800x128xf32, #tpu.memory_space<vmem>>, vector<1x16xf32>,
        %get3A_1554 = vector.shape_cast %get3A_1553 : vector<1x16xf32> to vector<16xf32>
        %mul3A_1555 = vector.broadcast %squeeze3A_1532 : f32 to vector<16xf32>
        %mul3A_1556 = arith.mulf %get3A_1554, %mul3A_1555 : vector<16xf32>
        %add3A_1557 = arith.addf %add3A_1523, %mul3A_1556 : vector<16xf32>
        %get3A_1558 = arith.index_cast %add3A_1536 : i32 to index
        %get3A_1559 = arith.constant 48 : index
        %get3A_1560 = tpu.vector_load %arg9[%get3A_1558, %get3A_1559] {strides = array<i32>} : memref<800x128xf32, #tpu.memory_space<vmem>>, vector<1x16xf32>,
        %get3A_1561 = vector.shape_cast %get3A_1560 : vector<1x16xf32> to vector<16xf32>
        %mul3A_1562 = vector.broadcast %squeeze3A_1532 : f32 to vector<16xf32>
        %mul3A_1563 = arith.mulf %get3A_1561, %mul3A_1562 : vector<16xf32>
        %add3A_1564 = arith.addf %add3A_1530, %mul3A_1563 : vector<16xf32>
        %get3A_1565 = arith.constant 0 : i32
        %get3A_1566 = arith.index_cast %get3A_1565 : i32 to index
        %get3A_1567 = arith.index_cast %scan3A_462 : i32 to index
        %get3A_1568 = arith.constant 32 : index
        %get3A_1569 = tpu.vector_load %arg8[%get3A_1566, %get3A_1567, %get3A_1568] {strides = array<i32>} : memref<2x8x64xf32, #tpu.memory_space<vmem>>, vector<1x1x16xf32>,
        %get3A_1570 = vector.shape_cast %get3A_1569 : vector<1x1x16xf32> to vector<16xf32>
        %slice3A_1571 = vector.extract_strided_slice %get3A_1570 {offsets = [0], sizes = [1], strides = [1]} : vector<16xf32> to vector<1xf32>
        %squeeze3A_1572 = vector.extract %slice3A_1571[0] : f32 from vector<1xf32>
        %add3A_1573 = arith.constant 32 : i32
        %add3A_1574 = arith.addi %add3A_466, %add3A_1573 : i32
        %add3A_1575 = arith.constant 0 : i32
        %add3A_1576 = arith.addi %add3A_1574, %add3A_1575 : i32
        %get3A_1577 = arith.index_cast %add3A_1576 : i32 to index
        %get3A_1578 = arith.constant 0 : index
        %get3A_1579 = tpu.vector_load %arg9[%get3A_1577, %get3A_1578] {strides = array<i32>} : memref<800x128xf32, #tpu.memory_space<vmem>>, vector<1x16xf32>,
        %get3A_1580 = vector.shape_cast %get3A_1579 : vector<1x16xf32> to vector<16xf32>
        %mul3A_1581 = vector.broadcast %squeeze3A_1572 : f32 to vector<16xf32>
        %mul3A_1582 = arith.mulf %get3A_1580, %mul3A_1581 : vector<16xf32>
        %add3A_1583 = arith.addf %add3A_1543, %mul3A_1582 : vector<16xf32>
        %get3A_1584 = arith.index_cast %add3A_1576 : i32 to index
        %get3A_1585 = arith.constant 16 : index
        %get3A_1586 = tpu.vector_load %arg9[%get3A_1584, %get3A_1585] {strides = array<i32>} : memref<800x128xf32, #tpu.memory_space<vmem>>, vector<1x16xf32>,
        %get3A_1587 = vector.shape_cast %get3A_1586 : vector<1x16xf32> to vector<16xf32>
        %mul3A_1588 = vector.broadcast %squeeze3A_1572 : f32 to vector<16xf32>
        %mul3A_1589 = arith.mulf %get3A_1587, %mul3A_1588 : vector<16xf32>
        %add3A_1590 = arith.addf %add3A_1550, %mul3A_1589 : vector<16xf32>
        %get3A_1591 = arith.index_cast %add3A_1576 : i32 to index
        %get3A_1592 = arith.constant 32 : index
        %get3A_1593 = tpu.vector_load %arg9[%get3A_1591, %get3A_1592] {strides = array<i32>} : memref<800x128xf32, #tpu.memory_space<vmem>>, vector<1x16xf32>,
        %get3A_1594 = vector.shape_cast %get3A_1593 : vector<1x16xf32> to vector<16xf32>
        %mul3A_1595 = vector.broadcast %squeeze3A_1572 : f32 to vector<16xf32>
        %mul3A_1596 = arith.mulf %get3A_1594, %mul3A_1595 : vector<16xf32>
        %add3A_1597 = arith.addf %add3A_1557, %mul3A_1596 : vector<16xf32>
        %get3A_1598 = arith.index_cast %add3A_1576 : i32 to index
        %get3A_1599 = arith.constant 48 : index
        %get3A_1600 = tpu.vector_load %arg9[%get3A_1598, %get3A_1599] {strides = array<i32>} : memref<800x128xf32, #tpu.memory_space<vmem>>, vector<1x16xf32>,
        %get3A_1601 = vector.shape_cast %get3A_1600 : vector<1x16xf32> to vector<16xf32>
        %mul3A_1602 = vector.broadcast %squeeze3A_1572 : f32 to vector<16xf32>
        %mul3A_1603 = arith.mulf %get3A_1601, %mul3A_1602 : vector<16xf32>
        %add3A_1604 = arith.addf %add3A_1564, %mul3A_1603 : vector<16xf32>
        %slice3A_1605 = vector.extract_strided_slice %get3A_1570 {offsets = [1], sizes = [1], strides = [1]} : vector<16xf32> to vector<1xf32>
        %squeeze3A_1606 = vector.extract %slice3A_1605[0] : f32 from vector<1xf32>
        %add3A_1607 = arith.constant 32 : i32
        %add3A_1608 = arith.addi %add3A_466, %add3A_1607 : i32
        %add3A_1609 = arith.constant 1 : i32
        %add3A_1610 = arith.addi %add3A_1608, %add3A_1609 : i32
        %get3A_1611 = arith.index_cast %add3A_1610 : i32 to index
        %get3A_1612 = arith.constant 0 : index
        %get3A_1613 = tpu.vector_load %arg9[%get3A_1611, %get3A_1612] {strides = array<i32>} : memref<800x128xf32, #tpu.memory_space<vmem>>, vector<1x16xf32>,
        %get3A_1614 = vector.shape_cast %get3A_1613 : vector<1x16xf32> to vector<16xf32>
        %mul3A_1615 = vector.broadcast %squeeze3A_1606 : f32 to vector<16xf32>
        %mul3A_1616 = arith.mulf %get3A_1614, %mul3A_1615 : vector<16xf32>
        %add3A_1617 = arith.addf %add3A_1583, %mul3A_1616 : vector<16xf32>
        %get3A_1618 = arith.index_cast %add3A_1610 : i32 to index
        %get3A_1619 = arith.constant 16 : index
        %get3A_1620 = tpu.vector_load %arg9[%get3A_1618, %get3A_1619] {strides = array<i32>} : memref<800x128xf32, #tpu.memory_space<vmem>>, vector<1x16xf32>,
        %get3A_1621 = vector.shape_cast %get3A_1620 : vector<1x16xf32> to vector<16xf32>
        %mul3A_1622 = vector.broadcast %squeeze3A_1606 : f32 to vector<16xf32>
        %mul3A_1623 = arith.mulf %get3A_1621, %mul3A_1622 : vector<16xf32>
        %add3A_1624 = arith.addf %add3A_1590, %mul3A_1623 : vector<16xf32>
        %get3A_1625 = arith.index_cast %add3A_1610 : i32 to index
        %get3A_1626 = arith.constant 32 : index
        %get3A_1627 = tpu.vector_load %arg9[%get3A_1625, %get3A_1626] {strides = array<i32>} : memref<800x128xf32, #tpu.memory_space<vmem>>, vector<1x16xf32>,
        %get3A_1628 = vector.shape_cast %get3A_1627 : vector<1x16xf32> to vector<16xf32>
        %mul3A_1629 = vector.broadcast %squeeze3A_1606 : f32 to vector<16xf32>
        %mul3A_1630 = arith.mulf %get3A_1628, %mul3A_1629 : vector<16xf32>
        %add3A_1631 = arith.addf %add3A_1597, %mul3A_1630 : vector<16xf32>
        %get3A_1632 = arith.index_cast %add3A_1610 : i32 to index
        %get3A_1633 = arith.constant 48 : index
        %get3A_1634 = tpu.vector_load %arg9[%get3A_1632, %get3A_1633] {strides = array<i32>} : memref<800x128xf32, #tpu.memory_space<vmem>>, vector<1x16xf32>,
        %get3A_1635 = vector.shape_cast %get3A_1634 : vector<1x16xf32> to vector<16xf32>
        %mul3A_1636 = vector.broadcast %squeeze3A_1606 : f32 to vector<16xf32>
        %mul3A_1637 = arith.mulf %get3A_1635, %mul3A_1636 : vector<16xf32>
        %add3A_1638 = arith.addf %add3A_1604, %mul3A_1637 : vector<16xf32>
        %slice3A_1639 = vector.extract_strided_slice %get3A_1570 {offsets = [2], sizes = [1], strides = [1]} : vector<16xf32> to vector<1xf32>
        %squeeze3A_1640 = vector.extract %slice3A_1639[0] : f32 from vector<1xf32>
        %add3A_1641 = arith.constant 32 : i32
        %add3A_1642 = arith.addi %add3A_466, %add3A_1641 : i32
        %add3A_1643 = arith.constant 2 : i32
        %add3A_1644 = arith.addi %add3A_1642, %add3A_1643 : i32
        %get3A_1645 = arith.index_cast %add3A_1644 : i32 to index
        %get3A_1646 = arith.constant 0 : index
        %get3A_1647 = tpu.vector_load %arg9[%get3A_1645, %get3A_1646] {strides = array<i32>} : memref<800x128xf32, #tpu.memory_space<vmem>>, vector<1x16xf32>,
        %get3A_1648 = vector.shape_cast %get3A_1647 : vector<1x16xf32> to vector<16xf32>
        %mul3A_1649 = vector.broadcast %squeeze3A_1640 : f32 to vector<16xf32>
        %mul3A_1650 = arith.mulf %get3A_1648, %mul3A_1649 : vector<16xf32>
        %add3A_1651 = arith.addf %add3A_1617, %mul3A_1650 : vector<16xf32>
        %get3A_1652 = arith.index_cast %add3A_1644 : i32 to index
        %get3A_1653 = arith.constant 16 : index
        %get3A_1654 = tpu.vector_load %arg9[%get3A_1652, %get3A_1653] {strides = array<i32>} : memref<800x128xf32, #tpu.memory_space<vmem>>, vector<1x16xf32>,
        %get3A_1655 = vector.shape_cast %get3A_1654 : vector<1x16xf32> to vector<16xf32>
        %mul3A_1656 = vector.broadcast %squeeze3A_1640 : f32 to vector<16xf32>
        %mul3A_1657 = arith.mulf %get3A_1655, %mul3A_1656 : vector<16xf32>
        %add3A_1658 = arith.addf %add3A_1624, %mul3A_1657 : vector<16xf32>
        %get3A_1659 = arith.index_cast %add3A_1644 : i32 to index
        %get3A_1660 = arith.constant 32 : index
        %get3A_1661 = tpu.vector_load %arg9[%get3A_1659, %get3A_1660] {strides = array<i32>} : memref<800x128xf32, #tpu.memory_space<vmem>>, vector<1x16xf32>,
        %get3A_1662 = vector.shape_cast %get3A_1661 : vector<1x16xf32> to vector<16xf32>
        %mul3A_1663 = vector.broadcast %squeeze3A_1640 : f32 to vector<16xf32>
        %mul3A_1664 = arith.mulf %get3A_1662, %mul3A_1663 : vector<16xf32>
        %add3A_1665 = arith.addf %add3A_1631, %mul3A_1664 : vector<16xf32>
        %get3A_1666 = arith.index_cast %add3A_1644 : i32 to index
        %get3A_1667 = arith.constant 48 : index
        %get3A_1668 = tpu.vector_load %arg9[%get3A_1666, %get3A_1667] {strides = array<i32>} : memref<800x128xf32, #tpu.memory_space<vmem>>, vector<1x16xf32>,
        %get3A_1669 = vector.shape_cast %get3A_1668 : vector<1x16xf32> to vector<16xf32>
        %mul3A_1670 = vector.broadcast %squeeze3A_1640 : f32 to vector<16xf32>
        %mul3A_1671 = arith.mulf %get3A_1669, %mul3A_1670 : vector<16xf32>
        %add3A_1672 = arith.addf %add3A_1638, %mul3A_1671 : vector<16xf32>
        %slice3A_1673 = vector.extract_strided_slice %get3A_1570 {offsets = [3], sizes = [1], strides = [1]} : vector<16xf32> to vector<1xf32>
        %squeeze3A_1674 = vector.extract %slice3A_1673[0] : f32 from vector<1xf32>
        %add3A_1675 = arith.constant 32 : i32
        %add3A_1676 = arith.addi %add3A_466, %add3A_1675 : i32
        %add3A_1677 = arith.constant 3 : i32
        %add3A_1678 = arith.addi %add3A_1676, %add3A_1677 : i32
        %get3A_1679 = arith.index_cast %add3A_1678 : i32 to index
        %get3A_1680 = arith.constant 0 : index
        %get3A_1681 = tpu.vector_load %arg9[%get3A_1679, %get3A_1680] {strides = array<i32>} : memref<800x128xf32, #tpu.memory_space<vmem>>, vector<1x16xf32>,
        %get3A_1682 = vector.shape_cast %get3A_1681 : vector<1x16xf32> to vector<16xf32>
        %mul3A_1683 = vector.broadcast %squeeze3A_1674 : f32 to vector<16xf32>
        %mul3A_1684 = arith.mulf %get3A_1682, %mul3A_1683 : vector<16xf32>
        %add3A_1685 = arith.addf %add3A_1651, %mul3A_1684 : vector<16xf32>
        %get3A_1686 = arith.index_cast %add3A_1678 : i32 to index
        %get3A_1687 = arith.constant 16 : index
        %get3A_1688 = tpu.vector_load %arg9[%get3A_1686, %get3A_1687] {strides = array<i32>} : memref<800x128xf32, #tpu.memory_space<vmem>>, vector<1x16xf32>,
        %get3A_1689 = vector.shape_cast %get3A_1688 : vector<1x16xf32> to vector<16xf32>
        %mul3A_1690 = vector.broadcast %squeeze3A_1674 : f32 to vector<16xf32>
        %mul3A_1691 = arith.mulf %get3A_1689, %mul3A_1690 : vector<16xf32>
        %add3A_1692 = arith.addf %add3A_1658, %mul3A_1691 : vector<16xf32>
        %get3A_1693 = arith.index_cast %add3A_1678 : i32 to index
        %get3A_1694 = arith.constant 32 : index
        %get3A_1695 = tpu.vector_load %arg9[%get3A_1693, %get3A_1694] {strides = array<i32>} : memref<800x128xf32, #tpu.memory_space<vmem>>, vector<1x16xf32>,
        %get3A_1696 = vector.shape_cast %get3A_1695 : vector<1x16xf32> to vector<16xf32>
        %mul3A_1697 = vector.broadcast %squeeze3A_1674 : f32 to vector<16xf32>
        %mul3A_1698 = arith.mulf %get3A_1696, %mul3A_1697 : vector<16xf32>
        %add3A_1699 = arith.addf %add3A_1665, %mul3A_1698 : vector<16xf32>
        %get3A_1700 = arith.index_cast %add3A_1678 : i32 to index
        %get3A_1701 = arith.constant 48 : index
        %get3A_1702 = tpu.vector_load %arg9[%get3A_1700, %get3A_1701] {strides = array<i32>} : memref<800x128xf32, #tpu.memory_space<vmem>>, vector<1x16xf32>,
        %get3A_1703 = vector.shape_cast %get3A_1702 : vector<1x16xf32> to vector<16xf32>
        %mul3A_1704 = vector.broadcast %squeeze3A_1674 : f32 to vector<16xf32>
        %mul3A_1705 = arith.mulf %get3A_1703, %mul3A_1704 : vector<16xf32>
        %add3A_1706 = arith.addf %add3A_1672, %mul3A_1705 : vector<16xf32>
        %slice3A_1707 = vector.extract_strided_slice %get3A_1570 {offsets = [4], sizes = [1], strides = [1]} : vector<16xf32> to vector<1xf32>
        %squeeze3A_1708 = vector.extract %slice3A_1707[0] : f32 from vector<1xf32>
        %add3A_1709 = arith.constant 32 : i32
        %add3A_1710 = arith.addi %add3A_466, %add3A_1709 : i32
        %add3A_1711 = arith.constant 4 : i32
        %add3A_1712 = arith.addi %add3A_1710, %add3A_1711 : i32
        %get3A_1713 = arith.index_cast %add3A_1712 : i32 to index
        %get3A_1714 = arith.constant 0 : index
        %get3A_1715 = tpu.vector_load %arg9[%get3A_1713, %get3A_1714] {strides = array<i32>} : memref<800x128xf32, #tpu.memory_space<vmem>>, vector<1x16xf32>,
        %get3A_1716 = vector.shape_cast %get3A_1715 : vector<1x16xf32> to vector<16xf32>
        %mul3A_1717 = vector.broadcast %squeeze3A_1708 : f32 to vector<16xf32>
        %mul3A_1718 = arith.mulf %get3A_1716, %mul3A_1717 : vector<16xf32>
        %add3A_1719 = arith.addf %add3A_1685, %mul3A_1718 : vector<16xf32>
        %get3A_1720 = arith.index_cast %add3A_1712 : i32 to index
        %get3A_1721 = arith.constant 16 : index
        %get3A_1722 = tpu.vector_load %arg9[%get3A_1720, %get3A_1721] {strides = array<i32>} : memref<800x128xf32, #tpu.memory_space<vmem>>, vector<1x16xf32>,
        %get3A_1723 = vector.shape_cast %get3A_1722 : vector<1x16xf32> to vector<16xf32>
        %mul3A_1724 = vector.broadcast %squeeze3A_1708 : f32 to vector<16xf32>
        %mul3A_1725 = arith.mulf %get3A_1723, %mul3A_1724 : vector<16xf32>
        %add3A_1726 = arith.addf %add3A_1692, %mul3A_1725 : vector<16xf32>
        %get3A_1727 = arith.index_cast %add3A_1712 : i32 to index
        %get3A_1728 = arith.constant 32 : index
        %get3A_1729 = tpu.vector_load %arg9[%get3A_1727, %get3A_1728] {strides = array<i32>} : memref<800x128xf32, #tpu.memory_space<vmem>>, vector<1x16xf32>,
        %get3A_1730 = vector.shape_cast %get3A_1729 : vector<1x16xf32> to vector<16xf32>
        %mul3A_1731 = vector.broadcast %squeeze3A_1708 : f32 to vector<16xf32>
        %mul3A_1732 = arith.mulf %get3A_1730, %mul3A_1731 : vector<16xf32>
        %add3A_1733 = arith.addf %add3A_1699, %mul3A_1732 : vector<16xf32>
        %get3A_1734 = arith.index_cast %add3A_1712 : i32 to index
        %get3A_1735 = arith.constant 48 : index
        %get3A_1736 = tpu.vector_load %arg9[%get3A_1734, %get3A_1735] {strides = array<i32>} : memref<800x128xf32, #tpu.memory_space<vmem>>, vector<1x16xf32>,
        %get3A_1737 = vector.shape_cast %get3A_1736 : vector<1x16xf32> to vector<16xf32>
        %mul3A_1738 = vector.broadcast %squeeze3A_1708 : f32 to vector<16xf32>
        %mul3A_1739 = arith.mulf %get3A_1737, %mul3A_1738 : vector<16xf32>
        %add3A_1740 = arith.addf %add3A_1706, %mul3A_1739 : vector<16xf32>
        %slice3A_1741 = vector.extract_strided_slice %get3A_1570 {offsets = [5], sizes = [1], strides = [1]} : vector<16xf32> to vector<1xf32>
        %squeeze3A_1742 = vector.extract %slice3A_1741[0] : f32 from vector<1xf32>
        %add3A_1743 = arith.constant 32 : i32
        %add3A_1744 = arith.addi %add3A_466, %add3A_1743 : i32
        %add3A_1745 = arith.constant 5 : i32
        %add3A_1746 = arith.addi %add3A_1744, %add3A_1745 : i32
        %get3A_1747 = arith.index_cast %add3A_1746 : i32 to index
        %get3A_1748 = arith.constant 0 : index
        %get3A_1749 = tpu.vector_load %arg9[%get3A_1747, %get3A_1748] {strides = array<i32>} : memref<800x128xf32, #tpu.memory_space<vmem>>, vector<1x16xf32>,
        %get3A_1750 = vector.shape_cast %get3A_1749 : vector<1x16xf32> to vector<16xf32>
        %mul3A_1751 = vector.broadcast %squeeze3A_1742 : f32 to vector<16xf32>
        %mul3A_1752 = arith.mulf %get3A_1750, %mul3A_1751 : vector<16xf32>
        %add3A_1753 = arith.addf %add3A_1719, %mul3A_1752 : vector<16xf32>
        %get3A_1754 = arith.index_cast %add3A_1746 : i32 to index
        %get3A_1755 = arith.constant 16 : index
        %get3A_1756 = tpu.vector_load %arg9[%get3A_1754, %get3A_1755] {strides = array<i32>} : memref<800x128xf32, #tpu.memory_space<vmem>>, vector<1x16xf32>,
        %get3A_1757 = vector.shape_cast %get3A_1756 : vector<1x16xf32> to vector<16xf32>
        %mul3A_1758 = vector.broadcast %squeeze3A_1742 : f32 to vector<16xf32>
        %mul3A_1759 = arith.mulf %get3A_1757, %mul3A_1758 : vector<16xf32>
        %add3A_1760 = arith.addf %add3A_1726, %mul3A_1759 : vector<16xf32>
        %get3A_1761 = arith.index_cast %add3A_1746 : i32 to index
        %get3A_1762 = arith.constant 32 : index
        %get3A_1763 = tpu.vector_load %arg9[%get3A_1761, %get3A_1762] {strides = array<i32>} : memref<800x128xf32, #tpu.memory_space<vmem>>, vector<1x16xf32>,
        %get3A_1764 = vector.shape_cast %get3A_1763 : vector<1x16xf32> to vector<16xf32>
        %mul3A_1765 = vector.broadcast %squeeze3A_1742 : f32 to vector<16xf32>
        %mul3A_1766 = arith.mulf %get3A_1764, %mul3A_1765 : vector<16xf32>
        %add3A_1767 = arith.addf %add3A_1733, %mul3A_1766 : vector<16xf32>
        %get3A_1768 = arith.index_cast %add3A_1746 : i32 to index
        %get3A_1769 = arith.constant 48 : index
        %get3A_1770 = tpu.vector_load %arg9[%get3A_1768, %get3A_1769] {strides = array<i32>} : memref<800x128xf32, #tpu.memory_space<vmem>>, vector<1x16xf32>,
        %get3A_1771 = vector.shape_cast %get3A_1770 : vector<1x16xf32> to vector<16xf32>
        %mul3A_1772 = vector.broadcast %squeeze3A_1742 : f32 to vector<16xf32>
        %mul3A_1773 = arith.mulf %get3A_1771, %mul3A_1772 : vector<16xf32>
        %add3A_1774 = arith.addf %add3A_1740, %mul3A_1773 : vector<16xf32>
        %slice3A_1775 = vector.extract_strided_slice %get3A_1570 {offsets = [6], sizes = [1], strides = [1]} : vector<16xf32> to vector<1xf32>
        %squeeze3A_1776 = vector.extract %slice3A_1775[0] : f32 from vector<1xf32>
        %add3A_1777 = arith.constant 32 : i32
        %add3A_1778 = arith.addi %add3A_466, %add3A_1777 : i32
        %add3A_1779 = arith.constant 6 : i32
        %add3A_1780 = arith.addi %add3A_1778, %add3A_1779 : i32
        %get3A_1781 = arith.index_cast %add3A_1780 : i32 to index
        %get3A_1782 = arith.constant 0 : index
        %get3A_1783 = tpu.vector_load %arg9[%get3A_1781, %get3A_1782] {strides = array<i32>} : memref<800x128xf32, #tpu.memory_space<vmem>>, vector<1x16xf32>,
        %get3A_1784 = vector.shape_cast %get3A_1783 : vector<1x16xf32> to vector<16xf32>
        %mul3A_1785 = vector.broadcast %squeeze3A_1776 : f32 to vector<16xf32>
        %mul3A_1786 = arith.mulf %get3A_1784, %mul3A_1785 : vector<16xf32>
        %add3A_1787 = arith.addf %add3A_1753, %mul3A_1786 : vector<16xf32>
        %get3A_1788 = arith.index_cast %add3A_1780 : i32 to index
        %get3A_1789 = arith.constant 16 : index
        %get3A_1790 = tpu.vector_load %arg9[%get3A_1788, %get3A_1789] {strides = array<i32>} : memref<800x128xf32, #tpu.memory_space<vmem>>, vector<1x16xf32>,
        %get3A_1791 = vector.shape_cast %get3A_1790 : vector<1x16xf32> to vector<16xf32>
        %mul3A_1792 = vector.broadcast %squeeze3A_1776 : f32 to vector<16xf32>
        %mul3A_1793 = arith.mulf %get3A_1791, %mul3A_1792 : vector<16xf32>
        %add3A_1794 = arith.addf %add3A_1760, %mul3A_1793 : vector<16xf32>
        %get3A_1795 = arith.index_cast %add3A_1780 : i32 to index
        %get3A_1796 = arith.constant 32 : index
        %get3A_1797 = tpu.vector_load %arg9[%get3A_1795, %get3A_1796] {strides = array<i32>} : memref<800x128xf32, #tpu.memory_space<vmem>>, vector<1x16xf32>,
        %get3A_1798 = vector.shape_cast %get3A_1797 : vector<1x16xf32> to vector<16xf32>
        %mul3A_1799 = vector.broadcast %squeeze3A_1776 : f32 to vector<16xf32>
        %mul3A_1800 = arith.mulf %get3A_1798, %mul3A_1799 : vector<16xf32>
        %add3A_1801 = arith.addf %add3A_1767, %mul3A_1800 : vector<16xf32>
        %get3A_1802 = arith.index_cast %add3A_1780 : i32 to index
        %get3A_1803 = arith.constant 48 : index
        %get3A_1804 = tpu.vector_load %arg9[%get3A_1802, %get3A_1803] {strides = array<i32>} : memref<800x128xf32, #tpu.memory_space<vmem>>, vector<1x16xf32>,
        %get3A_1805 = vector.shape_cast %get3A_1804 : vector<1x16xf32> to vector<16xf32>
        %mul3A_1806 = vector.broadcast %squeeze3A_1776 : f32 to vector<16xf32>
        %mul3A_1807 = arith.mulf %get3A_1805, %mul3A_1806 : vector<16xf32>
        %add3A_1808 = arith.addf %add3A_1774, %mul3A_1807 : vector<16xf32>
        %slice3A_1809 = vector.extract_strided_slice %get3A_1570 {offsets = [7], sizes = [1], strides = [1]} : vector<16xf32> to vector<1xf32>
        %squeeze3A_1810 = vector.extract %slice3A_1809[0] : f32 from vector<1xf32>
        %add3A_1811 = arith.constant 32 : i32
        %add3A_1812 = arith.addi %add3A_466, %add3A_1811 : i32
        %add3A_1813 = arith.constant 7 : i32
        %add3A_1814 = arith.addi %add3A_1812, %add3A_1813 : i32
        %get3A_1815 = arith.index_cast %add3A_1814 : i32 to index
        %get3A_1816 = arith.constant 0 : index
        %get3A_1817 = tpu.vector_load %arg9[%get3A_1815, %get3A_1816] {strides = array<i32>} : memref<800x128xf32, #tpu.memory_space<vmem>>, vector<1x16xf32>,
        %get3A_1818 = vector.shape_cast %get3A_1817 : vector<1x16xf32> to vector<16xf32>
        %mul3A_1819 = vector.broadcast %squeeze3A_1810 : f32 to vector<16xf32>
        %mul3A_1820 = arith.mulf %get3A_1818, %mul3A_1819 : vector<16xf32>
        %add3A_1821 = arith.addf %add3A_1787, %mul3A_1820 : vector<16xf32>
        %get3A_1822 = arith.index_cast %add3A_1814 : i32 to index
        %get3A_1823 = arith.constant 16 : index
        %get3A_1824 = tpu.vector_load %arg9[%get3A_1822, %get3A_1823] {strides = array<i32>} : memref<800x128xf32, #tpu.memory_space<vmem>>, vector<1x16xf32>,
        %get3A_1825 = vector.shape_cast %get3A_1824 : vector<1x16xf32> to vector<16xf32>
        %mul3A_1826 = vector.broadcast %squeeze3A_1810 : f32 to vector<16xf32>
        %mul3A_1827 = arith.mulf %get3A_1825, %mul3A_1826 : vector<16xf32>
        %add3A_1828 = arith.addf %add3A_1794, %mul3A_1827 : vector<16xf32>
        %get3A_1829 = arith.index_cast %add3A_1814 : i32 to index
        %get3A_1830 = arith.constant 32 : index
        %get3A_1831 = tpu.vector_load %arg9[%get3A_1829, %get3A_1830] {strides = array<i32>} : memref<800x128xf32, #tpu.memory_space<vmem>>, vector<1x16xf32>,
        %get3A_1832 = vector.shape_cast %get3A_1831 : vector<1x16xf32> to vector<16xf32>
        %mul3A_1833 = vector.broadcast %squeeze3A_1810 : f32 to vector<16xf32>
        %mul3A_1834 = arith.mulf %get3A_1832, %mul3A_1833 : vector<16xf32>
        %add3A_1835 = arith.addf %add3A_1801, %mul3A_1834 : vector<16xf32>
        %get3A_1836 = arith.index_cast %add3A_1814 : i32 to index
        %get3A_1837 = arith.constant 48 : index
        %get3A_1838 = tpu.vector_load %arg9[%get3A_1836, %get3A_1837] {strides = array<i32>} : memref<800x128xf32, #tpu.memory_space<vmem>>, vector<1x16xf32>,
        %get3A_1839 = vector.shape_cast %get3A_1838 : vector<1x16xf32> to vector<16xf32>
        %mul3A_1840 = vector.broadcast %squeeze3A_1810 : f32 to vector<16xf32>
        %mul3A_1841 = arith.mulf %get3A_1839, %mul3A_1840 : vector<16xf32>
        %add3A_1842 = arith.addf %add3A_1808, %mul3A_1841 : vector<16xf32>
        %slice3A_1843 = vector.extract_strided_slice %get3A_1570 {offsets = [8], sizes = [1], strides = [1]} : vector<16xf32> to vector<1xf32>
        %squeeze3A_1844 = vector.extract %slice3A_1843[0] : f32 from vector<1xf32>
        %add3A_1845 = arith.constant 32 : i32
        %add3A_1846 = arith.addi %add3A_466, %add3A_1845 : i32
        %add3A_1847 = arith.constant 8 : i32
        %add3A_1848 = arith.addi %add3A_1846, %add3A_1847 : i32
        %get3A_1849 = arith.index_cast %add3A_1848 : i32 to index
        %get3A_1850 = arith.constant 0 : index
        %get3A_1851 = tpu.vector_load %arg9[%get3A_1849, %get3A_1850] {strides = array<i32>} : memref<800x128xf32, #tpu.memory_space<vmem>>, vector<1x16xf32>,
        %get3A_1852 = vector.shape_cast %get3A_1851 : vector<1x16xf32> to vector<16xf32>
        %mul3A_1853 = vector.broadcast %squeeze3A_1844 : f32 to vector<16xf32>
        %mul3A_1854 = arith.mulf %get3A_1852, %mul3A_1853 : vector<16xf32>
        %add3A_1855 = arith.addf %add3A_1821, %mul3A_1854 : vector<16xf32>
        %get3A_1856 = arith.index_cast %add3A_1848 : i32 to index
        %get3A_1857 = arith.constant 16 : index
        %get3A_1858 = tpu.vector_load %arg9[%get3A_1856, %get3A_1857] {strides = array<i32>} : memref<800x128xf32, #tpu.memory_space<vmem>>, vector<1x16xf32>,
        %get3A_1859 = vector.shape_cast %get3A_1858 : vector<1x16xf32> to vector<16xf32>
        %mul3A_1860 = vector.broadcast %squeeze3A_1844 : f32 to vector<16xf32>
        %mul3A_1861 = arith.mulf %get3A_1859, %mul3A_1860 : vector<16xf32>
        %add3A_1862 = arith.addf %add3A_1828, %mul3A_1861 : vector<16xf32>
        %get3A_1863 = arith.index_cast %add3A_1848 : i32 to index
        %get3A_1864 = arith.constant 32 : index
        %get3A_1865 = tpu.vector_load %arg9[%get3A_1863, %get3A_1864] {strides = array<i32>} : memref<800x128xf32, #tpu.memory_space<vmem>>, vector<1x16xf32>,
        %get3A_1866 = vector.shape_cast %get3A_1865 : vector<1x16xf32> to vector<16xf32>
        %mul3A_1867 = vector.broadcast %squeeze3A_1844 : f32 to vector<16xf32>
        %mul3A_1868 = arith.mulf %get3A_1866, %mul3A_1867 : vector<16xf32>
        %add3A_1869 = arith.addf %add3A_1835, %mul3A_1868 : vector<16xf32>
        %get3A_1870 = arith.index_cast %add3A_1848 : i32 to index
        %get3A_1871 = arith.constant 48 : index
        %get3A_1872 = tpu.vector_load %arg9[%get3A_1870, %get3A_1871] {strides = array<i32>} : memref<800x128xf32, #tpu.memory_space<vmem>>, vector<1x16xf32>,
        %get3A_1873 = vector.shape_cast %get3A_1872 : vector<1x16xf32> to vector<16xf32>
        %mul3A_1874 = vector.broadcast %squeeze3A_1844 : f32 to vector<16xf32>
        %mul3A_1875 = arith.mulf %get3A_1873, %mul3A_1874 : vector<16xf32>
        %add3A_1876 = arith.addf %add3A_1842, %mul3A_1875 : vector<16xf32>
        %slice3A_1877 = vector.extract_strided_slice %get3A_1570 {offsets = [9], sizes = [1], strides = [1]} : vector<16xf32> to vector<1xf32>
        %squeeze3A_1878 = vector.extract %slice3A_1877[0] : f32 from vector<1xf32>
        %add3A_1879 = arith.constant 32 : i32
        %add3A_1880 = arith.addi %add3A_466, %add3A_1879 : i32
        %add3A_1881 = arith.constant 9 : i32
        %add3A_1882 = arith.addi %add3A_1880, %add3A_1881 : i32
        %get3A_1883 = arith.index_cast %add3A_1882 : i32 to index
        %get3A_1884 = arith.constant 0 : index
        %get3A_1885 = tpu.vector_load %arg9[%get3A_1883, %get3A_1884] {strides = array<i32>} : memref<800x128xf32, #tpu.memory_space<vmem>>, vector<1x16xf32>,
        %get3A_1886 = vector.shape_cast %get3A_1885 : vector<1x16xf32> to vector<16xf32>
        %mul3A_1887 = vector.broadcast %squeeze3A_1878 : f32 to vector<16xf32>
        %mul3A_1888 = arith.mulf %get3A_1886, %mul3A_1887 : vector<16xf32>
        %add3A_1889 = arith.addf %add3A_1855, %mul3A_1888 : vector<16xf32>
        %get3A_1890 = arith.index_cast %add3A_1882 : i32 to index
        %get3A_1891 = arith.constant 16 : index
        %get3A_1892 = tpu.vector_load %arg9[%get3A_1890, %get3A_1891] {strides = array<i32>} : memref<800x128xf32, #tpu.memory_space<vmem>>, vector<1x16xf32>,
        %get3A_1893 = vector.shape_cast %get3A_1892 : vector<1x16xf32> to vector<16xf32>
        %mul3A_1894 = vector.broadcast %squeeze3A_1878 : f32 to vector<16xf32>
        %mul3A_1895 = arith.mulf %get3A_1893, %mul3A_1894 : vector<16xf32>
        %add3A_1896 = arith.addf %add3A_1862, %mul3A_1895 : vector<16xf32>
        %get3A_1897 = arith.index_cast %add3A_1882 : i32 to index
        %get3A_1898 = arith.constant 32 : index
        %get3A_1899 = tpu.vector_load %arg9[%get3A_1897, %get3A_1898] {strides = array<i32>} : memref<800x128xf32, #tpu.memory_space<vmem>>, vector<1x16xf32>,
        %get3A_1900 = vector.shape_cast %get3A_1899 : vector<1x16xf32> to vector<16xf32>
        %mul3A_1901 = vector.broadcast %squeeze3A_1878 : f32 to vector<16xf32>
        %mul3A_1902 = arith.mulf %get3A_1900, %mul3A_1901 : vector<16xf32>
        %add3A_1903 = arith.addf %add3A_1869, %mul3A_1902 : vector<16xf32>
        %get3A_1904 = arith.index_cast %add3A_1882 : i32 to index
        %get3A_1905 = arith.constant 48 : index
        %get3A_1906 = tpu.vector_load %arg9[%get3A_1904, %get3A_1905] {strides = array<i32>} : memref<800x128xf32, #tpu.memory_space<vmem>>, vector<1x16xf32>,
        %get3A_1907 = vector.shape_cast %get3A_1906 : vector<1x16xf32> to vector<16xf32>
        %mul3A_1908 = vector.broadcast %squeeze3A_1878 : f32 to vector<16xf32>
        %mul3A_1909 = arith.mulf %get3A_1907, %mul3A_1908 : vector<16xf32>
        %add3A_1910 = arith.addf %add3A_1876, %mul3A_1909 : vector<16xf32>
        %slice3A_1911 = vector.extract_strided_slice %get3A_1570 {offsets = [10], sizes = [1], strides = [1]} : vector<16xf32> to vector<1xf32>
        %squeeze3A_1912 = vector.extract %slice3A_1911[0] : f32 from vector<1xf32>
        %add3A_1913 = arith.constant 32 : i32
        %add3A_1914 = arith.addi %add3A_466, %add3A_1913 : i32
        %add3A_1915 = arith.constant 10 : i32
        %add3A_1916 = arith.addi %add3A_1914, %add3A_1915 : i32
        %get3A_1917 = arith.index_cast %add3A_1916 : i32 to index
        %get3A_1918 = arith.constant 0 : index
        %get3A_1919 = tpu.vector_load %arg9[%get3A_1917, %get3A_1918] {strides = array<i32>} : memref<800x128xf32, #tpu.memory_space<vmem>>, vector<1x16xf32>,
        %get3A_1920 = vector.shape_cast %get3A_1919 : vector<1x16xf32> to vector<16xf32>
        %mul3A_1921 = vector.broadcast %squeeze3A_1912 : f32 to vector<16xf32>
        %mul3A_1922 = arith.mulf %get3A_1920, %mul3A_1921 : vector<16xf32>
        %add3A_1923 = arith.addf %add3A_1889, %mul3A_1922 : vector<16xf32>
        %get3A_1924 = arith.index_cast %add3A_1916 : i32 to index
        %get3A_1925 = arith.constant 16 : index
        %get3A_1926 = tpu.vector_load %arg9[%get3A_1924, %get3A_1925] {strides = array<i32>} : memref<800x128xf32, #tpu.memory_space<vmem>>, vector<1x16xf32>,
        %get3A_1927 = vector.shape_cast %get3A_1926 : vector<1x16xf32> to vector<16xf32>
        %mul3A_1928 = vector.broadcast %squeeze3A_1912 : f32 to vector<16xf32>
        %mul3A_1929 = arith.mulf %get3A_1927, %mul3A_1928 : vector<16xf32>
        %add3A_1930 = arith.addf %add3A_1896, %mul3A_1929 : vector<16xf32>
        %get3A_1931 = arith.index_cast %add3A_1916 : i32 to index
        %get3A_1932 = arith.constant 32 : index
        %get3A_1933 = tpu.vector_load %arg9[%get3A_1931, %get3A_1932] {strides = array<i32>} : memref<800x128xf32, #tpu.memory_space<vmem>>, vector<1x16xf32>,
        %get3A_1934 = vector.shape_cast %get3A_1933 : vector<1x16xf32> to vector<16xf32>
        %mul3A_1935 = vector.broadcast %squeeze3A_1912 : f32 to vector<16xf32>
        %mul3A_1936 = arith.mulf %get3A_1934, %mul3A_1935 : vector<16xf32>
        %add3A_1937 = arith.addf %add3A_1903, %mul3A_1936 : vector<16xf32>
        %get3A_1938 = arith.index_cast %add3A_1916 : i32 to index
        %get3A_1939 = arith.constant 48 : index
        %get3A_1940 = tpu.vector_load %arg9[%get3A_1938, %get3A_1939] {strides = array<i32>} : memref<800x128xf32, #tpu.memory_space<vmem>>, vector<1x16xf32>,
        %get3A_1941 = vector.shape_cast %get3A_1940 : vector<1x16xf32> to vector<16xf32>
        %mul3A_1942 = vector.broadcast %squeeze3A_1912 : f32 to vector<16xf32>
        %mul3A_1943 = arith.mulf %get3A_1941, %mul3A_1942 : vector<16xf32>
        %add3A_1944 = arith.addf %add3A_1910, %mul3A_1943 : vector<16xf32>
        %slice3A_1945 = vector.extract_strided_slice %get3A_1570 {offsets = [11], sizes = [1], strides = [1]} : vector<16xf32> to vector<1xf32>
        %squeeze3A_1946 = vector.extract %slice3A_1945[0] : f32 from vector<1xf32>
        %add3A_1947 = arith.constant 32 : i32
        %add3A_1948 = arith.addi %add3A_466, %add3A_1947 : i32
        %add3A_1949 = arith.constant 11 : i32
        %add3A_1950 = arith.addi %add3A_1948, %add3A_1949 : i32
        %get3A_1951 = arith.index_cast %add3A_1950 : i32 to index
        %get3A_1952 = arith.constant 0 : index
        %get3A_1953 = tpu.vector_load %arg9[%get3A_1951, %get3A_1952] {strides = array<i32>} : memref<800x128xf32, #tpu.memory_space<vmem>>, vector<1x16xf32>,
        %get3A_1954 = vector.shape_cast %get3A_1953 : vector<1x16xf32> to vector<16xf32>
        %mul3A_1955 = vector.broadcast %squeeze3A_1946 : f32 to vector<16xf32>
        %mul3A_1956 = arith.mulf %get3A_1954, %mul3A_1955 : vector<16xf32>
        %add3A_1957 = arith.addf %add3A_1923, %mul3A_1956 : vector<16xf32>
        %get3A_1958 = arith.index_cast %add3A_1950 : i32 to index
        %get3A_1959 = arith.constant 16 : index
        %get3A_1960 = tpu.vector_load %arg9[%get3A_1958, %get3A_1959] {strides = array<i32>} : memref<800x128xf32, #tpu.memory_space<vmem>>, vector<1x16xf32>,
        %get3A_1961 = vector.shape_cast %get3A_1960 : vector<1x16xf32> to vector<16xf32>
        %mul3A_1962 = vector.broadcast %squeeze3A_1946 : f32 to vector<16xf32>
        %mul3A_1963 = arith.mulf %get3A_1961, %mul3A_1962 : vector<16xf32>
        %add3A_1964 = arith.addf %add3A_1930, %mul3A_1963 : vector<16xf32>
        %get3A_1965 = arith.index_cast %add3A_1950 : i32 to index
        %get3A_1966 = arith.constant 32 : index
        %get3A_1967 = tpu.vector_load %arg9[%get3A_1965, %get3A_1966] {strides = array<i32>} : memref<800x128xf32, #tpu.memory_space<vmem>>, vector<1x16xf32>,
        %get3A_1968 = vector.shape_cast %get3A_1967 : vector<1x16xf32> to vector<16xf32>
        %mul3A_1969 = vector.broadcast %squeeze3A_1946 : f32 to vector<16xf32>
        %mul3A_1970 = arith.mulf %get3A_1968, %mul3A_1969 : vector<16xf32>
        %add3A_1971 = arith.addf %add3A_1937, %mul3A_1970 : vector<16xf32>
        %get3A_1972 = arith.index_cast %add3A_1950 : i32 to index
        %get3A_1973 = arith.constant 48 : index
        %get3A_1974 = tpu.vector_load %arg9[%get3A_1972, %get3A_1973] {strides = array<i32>} : memref<800x128xf32, #tpu.memory_space<vmem>>, vector<1x16xf32>,
        %get3A_1975 = vector.shape_cast %get3A_1974 : vector<1x16xf32> to vector<16xf32>
        %mul3A_1976 = vector.broadcast %squeeze3A_1946 : f32 to vector<16xf32>
        %mul3A_1977 = arith.mulf %get3A_1975, %mul3A_1976 : vector<16xf32>
        %add3A_1978 = arith.addf %add3A_1944, %mul3A_1977 : vector<16xf32>
        %slice3A_1979 = vector.extract_strided_slice %get3A_1570 {offsets = [12], sizes = [1], strides = [1]} : vector<16xf32> to vector<1xf32>
        %squeeze3A_1980 = vector.extract %slice3A_1979[0] : f32 from vector<1xf32>
        %add3A_1981 = arith.constant 32 : i32
        %add3A_1982 = arith.addi %add3A_466, %add3A_1981 : i32
        %add3A_1983 = arith.constant 12 : i32
        %add3A_1984 = arith.addi %add3A_1982, %add3A_1983 : i32
        %get3A_1985 = arith.index_cast %add3A_1984 : i32 to index
        %get3A_1986 = arith.constant 0 : index
        %get3A_1987 = tpu.vector_load %arg9[%get3A_1985, %get3A_1986] {strides = array<i32>} : memref<800x128xf32, #tpu.memory_space<vmem>>, vector<1x16xf32>,
        %get3A_1988 = vector.shape_cast %get3A_1987 : vector<1x16xf32> to vector<16xf32>
        %mul3A_1989 = vector.broadcast %squeeze3A_1980 : f32 to vector<16xf32>
        %mul3A_1990 = arith.mulf %get3A_1988, %mul3A_1989 : vector<16xf32>
        %add3A_1991 = arith.addf %add3A_1957, %mul3A_1990 : vector<16xf32>
        %get3A_1992 = arith.index_cast %add3A_1984 : i32 to index
        %get3A_1993 = arith.constant 16 : index
        %get3A_1994 = tpu.vector_load %arg9[%get3A_1992, %get3A_1993] {strides = array<i32>} : memref<800x128xf32, #tpu.memory_space<vmem>>, vector<1x16xf32>,
        %get3A_1995 = vector.shape_cast %get3A_1994 : vector<1x16xf32> to vector<16xf32>
        %mul3A_1996 = vector.broadcast %squeeze3A_1980 : f32 to vector<16xf32>
        %mul3A_1997 = arith.mulf %get3A_1995, %mul3A_1996 : vector<16xf32>
        %add3A_1998 = arith.addf %add3A_1964, %mul3A_1997 : vector<16xf32>
        %get3A_1999 = arith.index_cast %add3A_1984 : i32 to index
        %get3A_2000 = arith.constant 32 : index
        %get3A_2001 = tpu.vector_load %arg9[%get3A_1999, %get3A_2000] {strides = array<i32>} : memref<800x128xf32, #tpu.memory_space<vmem>>, vector<1x16xf32>,
        %get3A_2002 = vector.shape_cast %get3A_2001 : vector<1x16xf32> to vector<16xf32>
        %mul3A_2003 = vector.broadcast %squeeze3A_1980 : f32 to vector<16xf32>
        %mul3A_2004 = arith.mulf %get3A_2002, %mul3A_2003 : vector<16xf32>
        %add3A_2005 = arith.addf %add3A_1971, %mul3A_2004 : vector<16xf32>
        %get3A_2006 = arith.index_cast %add3A_1984 : i32 to index
        %get3A_2007 = arith.constant 48 : index
        %get3A_2008 = tpu.vector_load %arg9[%get3A_2006, %get3A_2007] {strides = array<i32>} : memref<800x128xf32, #tpu.memory_space<vmem>>, vector<1x16xf32>,
        %get3A_2009 = vector.shape_cast %get3A_2008 : vector<1x16xf32> to vector<16xf32>
        %mul3A_2010 = vector.broadcast %squeeze3A_1980 : f32 to vector<16xf32>
        %mul3A_2011 = arith.mulf %get3A_2009, %mul3A_2010 : vector<16xf32>
        %add3A_2012 = arith.addf %add3A_1978, %mul3A_2011 : vector<16xf32>
        %slice3A_2013 = vector.extract_strided_slice %get3A_1570 {offsets = [13], sizes = [1], strides = [1]} : vector<16xf32> to vector<1xf32>
        %squeeze3A_2014 = vector.extract %slice3A_2013[0] : f32 from vector<1xf32>
        %add3A_2015 = arith.constant 32 : i32
        %add3A_2016 = arith.addi %add3A_466, %add3A_2015 : i32
        %add3A_2017 = arith.constant 13 : i32
        %add3A_2018 = arith.addi %add3A_2016, %add3A_2017 : i32
        %get3A_2019 = arith.index_cast %add3A_2018 : i32 to index
        %get3A_2020 = arith.constant 0 : index
        %get3A_2021 = tpu.vector_load %arg9[%get3A_2019, %get3A_2020] {strides = array<i32>} : memref<800x128xf32, #tpu.memory_space<vmem>>, vector<1x16xf32>,
        %get3A_2022 = vector.shape_cast %get3A_2021 : vector<1x16xf32> to vector<16xf32>
        %mul3A_2023 = vector.broadcast %squeeze3A_2014 : f32 to vector<16xf32>
        %mul3A_2024 = arith.mulf %get3A_2022, %mul3A_2023 : vector<16xf32>
        %add3A_2025 = arith.addf %add3A_1991, %mul3A_2024 : vector<16xf32>
        %get3A_2026 = arith.index_cast %add3A_2018 : i32 to index
        %get3A_2027 = arith.constant 16 : index
        %get3A_2028 = tpu.vector_load %arg9[%get3A_2026, %get3A_2027] {strides = array<i32>} : memref<800x128xf32, #tpu.memory_space<vmem>>, vector<1x16xf32>,
        %get3A_2029 = vector.shape_cast %get3A_2028 : vector<1x16xf32> to vector<16xf32>
        %mul3A_2030 = vector.broadcast %squeeze3A_2014 : f32 to vector<16xf32>
        %mul3A_2031 = arith.mulf %get3A_2029, %mul3A_2030 : vector<16xf32>
        %add3A_2032 = arith.addf %add3A_1998, %mul3A_2031 : vector<16xf32>
        %get3A_2033 = arith.index_cast %add3A_2018 : i32 to index
        %get3A_2034 = arith.constant 32 : index
        %get3A_2035 = tpu.vector_load %arg9[%get3A_2033, %get3A_2034] {strides = array<i32>} : memref<800x128xf32, #tpu.memory_space<vmem>>, vector<1x16xf32>,
        %get3A_2036 = vector.shape_cast %get3A_2035 : vector<1x16xf32> to vector<16xf32>
        %mul3A_2037 = vector.broadcast %squeeze3A_2014 : f32 to vector<16xf32>
        %mul3A_2038 = arith.mulf %get3A_2036, %mul3A_2037 : vector<16xf32>
        %add3A_2039 = arith.addf %add3A_2005, %mul3A_2038 : vector<16xf32>
        %get3A_2040 = arith.index_cast %add3A_2018 : i32 to index
        %get3A_2041 = arith.constant 48 : index
        %get3A_2042 = tpu.vector_load %arg9[%get3A_2040, %get3A_2041] {strides = array<i32>} : memref<800x128xf32, #tpu.memory_space<vmem>>, vector<1x16xf32>,
        %get3A_2043 = vector.shape_cast %get3A_2042 : vector<1x16xf32> to vector<16xf32>
        %mul3A_2044 = vector.broadcast %squeeze3A_2014 : f32 to vector<16xf32>
        %mul3A_2045 = arith.mulf %get3A_2043, %mul3A_2044 : vector<16xf32>
        %add3A_2046 = arith.addf %add3A_2012, %mul3A_2045 : vector<16xf32>
        %slice3A_2047 = vector.extract_strided_slice %get3A_1570 {offsets = [14], sizes = [1], strides = [1]} : vector<16xf32> to vector<1xf32>
        %squeeze3A_2048 = vector.extract %slice3A_2047[0] : f32 from vector<1xf32>
        %add3A_2049 = arith.constant 32 : i32
        %add3A_2050 = arith.addi %add3A_466, %add3A_2049 : i32
        %add3A_2051 = arith.constant 14 : i32
        %add3A_2052 = arith.addi %add3A_2050, %add3A_2051 : i32
        %get3A_2053 = arith.index_cast %add3A_2052 : i32 to index
        %get3A_2054 = arith.constant 0 : index
        %get3A_2055 = tpu.vector_load %arg9[%get3A_2053, %get3A_2054] {strides = array<i32>} : memref<800x128xf32, #tpu.memory_space<vmem>>, vector<1x16xf32>,
        %get3A_2056 = vector.shape_cast %get3A_2055 : vector<1x16xf32> to vector<16xf32>
        %mul3A_2057 = vector.broadcast %squeeze3A_2048 : f32 to vector<16xf32>
        %mul3A_2058 = arith.mulf %get3A_2056, %mul3A_2057 : vector<16xf32>
        %add3A_2059 = arith.addf %add3A_2025, %mul3A_2058 : vector<16xf32>
        %get3A_2060 = arith.index_cast %add3A_2052 : i32 to index
        %get3A_2061 = arith.constant 16 : index
        %get3A_2062 = tpu.vector_load %arg9[%get3A_2060, %get3A_2061] {strides = array<i32>} : memref<800x128xf32, #tpu.memory_space<vmem>>, vector<1x16xf32>,
        %get3A_2063 = vector.shape_cast %get3A_2062 : vector<1x16xf32> to vector<16xf32>
        %mul3A_2064 = vector.broadcast %squeeze3A_2048 : f32 to vector<16xf32>
        %mul3A_2065 = arith.mulf %get3A_2063, %mul3A_2064 : vector<16xf32>
        %add3A_2066 = arith.addf %add3A_2032, %mul3A_2065 : vector<16xf32>
        %get3A_2067 = arith.index_cast %add3A_2052 : i32 to index
        %get3A_2068 = arith.constant 32 : index
        %get3A_2069 = tpu.vector_load %arg9[%get3A_2067, %get3A_2068] {strides = array<i32>} : memref<800x128xf32, #tpu.memory_space<vmem>>, vector<1x16xf32>,
        %get3A_2070 = vector.shape_cast %get3A_2069 : vector<1x16xf32> to vector<16xf32>
        %mul3A_2071 = vector.broadcast %squeeze3A_2048 : f32 to vector<16xf32>
        %mul3A_2072 = arith.mulf %get3A_2070, %mul3A_2071 : vector<16xf32>
        %add3A_2073 = arith.addf %add3A_2039, %mul3A_2072 : vector<16xf32>
        %get3A_2074 = arith.index_cast %add3A_2052 : i32 to index
        %get3A_2075 = arith.constant 48 : index
        %get3A_2076 = tpu.vector_load %arg9[%get3A_2074, %get3A_2075] {strides = array<i32>} : memref<800x128xf32, #tpu.memory_space<vmem>>, vector<1x16xf32>,
        %get3A_2077 = vector.shape_cast %get3A_2076 : vector<1x16xf32> to vector<16xf32>
        %mul3A_2078 = vector.broadcast %squeeze3A_2048 : f32 to vector<16xf32>
        %mul3A_2079 = arith.mulf %get3A_2077, %mul3A_2078 : vector<16xf32>
        %add3A_2080 = arith.addf %add3A_2046, %mul3A_2079 : vector<16xf32>
        %slice3A_2081 = vector.extract_strided_slice %get3A_1570 {offsets = [15], sizes = [1], strides = [1]} : vector<16xf32> to vector<1xf32>
        %squeeze3A_2082 = vector.extract %slice3A_2081[0] : f32 from vector<1xf32>
        %add3A_2083 = arith.constant 32 : i32
        %add3A_2084 = arith.addi %add3A_466, %add3A_2083 : i32
        %add3A_2085 = arith.constant 15 : i32
        %add3A_2086 = arith.addi %add3A_2084, %add3A_2085 : i32
        %get3A_2087 = arith.index_cast %add3A_2086 : i32 to index
        %get3A_2088 = arith.constant 0 : index
        %get3A_2089 = tpu.vector_load %arg9[%get3A_2087, %get3A_2088] {strides = array<i32>} : memref<800x128xf32, #tpu.memory_space<vmem>>, vector<1x16xf32>,
        %get3A_2090 = vector.shape_cast %get3A_2089 : vector<1x16xf32> to vector<16xf32>
        %mul3A_2091 = vector.broadcast %squeeze3A_2082 : f32 to vector<16xf32>
        %mul3A_2092 = arith.mulf %get3A_2090, %mul3A_2091 : vector<16xf32>
        %add3A_2093 = arith.addf %add3A_2059, %mul3A_2092 : vector<16xf32>
        %get3A_2094 = arith.index_cast %add3A_2086 : i32 to index
        %get3A_2095 = arith.constant 16 : index
        %get3A_2096 = tpu.vector_load %arg9[%get3A_2094, %get3A_2095] {strides = array<i32>} : memref<800x128xf32, #tpu.memory_space<vmem>>, vector<1x16xf32>,
        %get3A_2097 = vector.shape_cast %get3A_2096 : vector<1x16xf32> to vector<16xf32>
        %mul3A_2098 = vector.broadcast %squeeze3A_2082 : f32 to vector<16xf32>
        %mul3A_2099 = arith.mulf %get3A_2097, %mul3A_2098 : vector<16xf32>
        %add3A_2100 = arith.addf %add3A_2066, %mul3A_2099 : vector<16xf32>
        %get3A_2101 = arith.index_cast %add3A_2086 : i32 to index
        %get3A_2102 = arith.constant 32 : index
        %get3A_2103 = tpu.vector_load %arg9[%get3A_2101, %get3A_2102] {strides = array<i32>} : memref<800x128xf32, #tpu.memory_space<vmem>>, vector<1x16xf32>,
        %get3A_2104 = vector.shape_cast %get3A_2103 : vector<1x16xf32> to vector<16xf32>
        %mul3A_2105 = vector.broadcast %squeeze3A_2082 : f32 to vector<16xf32>
        %mul3A_2106 = arith.mulf %get3A_2104, %mul3A_2105 : vector<16xf32>
        %add3A_2107 = arith.addf %add3A_2073, %mul3A_2106 : vector<16xf32>
        %get3A_2108 = arith.index_cast %add3A_2086 : i32 to index
        %get3A_2109 = arith.constant 48 : index
        %get3A_2110 = tpu.vector_load %arg9[%get3A_2108, %get3A_2109] {strides = array<i32>} : memref<800x128xf32, #tpu.memory_space<vmem>>, vector<1x16xf32>,
        %get3A_2111 = vector.shape_cast %get3A_2110 : vector<1x16xf32> to vector<16xf32>
        %mul3A_2112 = vector.broadcast %squeeze3A_2082 : f32 to vector<16xf32>
        %mul3A_2113 = arith.mulf %get3A_2111, %mul3A_2112 : vector<16xf32>
        %add3A_2114 = arith.addf %add3A_2080, %mul3A_2113 : vector<16xf32>
        %get3A_2115 = arith.constant 0 : i32
        %get3A_2116 = arith.index_cast %get3A_2115 : i32 to index
        %get3A_2117 = arith.index_cast %scan3A_462 : i32 to index
        %get3A_2118 = arith.constant 48 : index
        %get3A_2119 = tpu.vector_load %arg8[%get3A_2116, %get3A_2117, %get3A_2118] {strides = array<i32>} : memref<2x8x64xf32, #tpu.memory_space<vmem>>, vector<1x1x16xf32>,
        %get3A_2120 = vector.shape_cast %get3A_2119 : vector<1x1x16xf32> to vector<16xf32>
        %slice3A_2121 = vector.extract_strided_slice %get3A_2120 {offsets = [0], sizes = [1], strides = [1]} : vector<16xf32> to vector<1xf32>
        %squeeze3A_2122 = vector.extract %slice3A_2121[0] : f32 from vector<1xf32>
        %add3A_2123 = arith.constant 48 : i32
        %add3A_2124 = arith.addi %add3A_466, %add3A_2123 : i32
        %add3A_2125 = arith.constant 0 : i32
        %add3A_2126 = arith.addi %add3A_2124, %add3A_2125 : i32
        %get3A_2127 = arith.index_cast %add3A_2126 : i32 to index
        %get3A_2128 = arith.constant 0 : index
        %get3A_2129 = tpu.vector_load %arg9[%get3A_2127, %get3A_2128] {strides = array<i32>} : memref<800x128xf32, #tpu.memory_space<vmem>>, vector<1x16xf32>,
        %get3A_2130 = vector.shape_cast %get3A_2129 : vector<1x16xf32> to vector<16xf32>
        %mul3A_2131 = vector.broadcast %squeeze3A_2122 : f32 to vector<16xf32>
        %mul3A_2132 = arith.mulf %get3A_2130, %mul3A_2131 : vector<16xf32>
        %add3A_2133 = arith.addf %add3A_2093, %mul3A_2132 : vector<16xf32>
        %get3A_2134 = arith.index_cast %add3A_2126 : i32 to index
        %get3A_2135 = arith.constant 16 : index
        %get3A_2136 = tpu.vector_load %arg9[%get3A_2134, %get3A_2135] {strides = array<i32>} : memref<800x128xf32, #tpu.memory_space<vmem>>, vector<1x16xf32>,
        %get3A_2137 = vector.shape_cast %get3A_2136 : vector<1x16xf32> to vector<16xf32>
        %mul3A_2138 = vector.broadcast %squeeze3A_2122 : f32 to vector<16xf32>
        %mul3A_2139 = arith.mulf %get3A_2137, %mul3A_2138 : vector<16xf32>
        %add3A_2140 = arith.addf %add3A_2100, %mul3A_2139 : vector<16xf32>
        %get3A_2141 = arith.index_cast %add3A_2126 : i32 to index
        %get3A_2142 = arith.constant 32 : index
        %get3A_2143 = tpu.vector_load %arg9[%get3A_2141, %get3A_2142] {strides = array<i32>} : memref<800x128xf32, #tpu.memory_space<vmem>>, vector<1x16xf32>,
        %get3A_2144 = vector.shape_cast %get3A_2143 : vector<1x16xf32> to vector<16xf32>
        %mul3A_2145 = vector.broadcast %squeeze3A_2122 : f32 to vector<16xf32>
        %mul3A_2146 = arith.mulf %get3A_2144, %mul3A_2145 : vector<16xf32>
        %add3A_2147 = arith.addf %add3A_2107, %mul3A_2146 : vector<16xf32>
        %get3A_2148 = arith.index_cast %add3A_2126 : i32 to index
        %get3A_2149 = arith.constant 48 : index
        %get3A_2150 = tpu.vector_load %arg9[%get3A_2148, %get3A_2149] {strides = array<i32>} : memref<800x128xf32, #tpu.memory_space<vmem>>, vector<1x16xf32>,
        %get3A_2151 = vector.shape_cast %get3A_2150 : vector<1x16xf32> to vector<16xf32>
        %mul3A_2152 = vector.broadcast %squeeze3A_2122 : f32 to vector<16xf32>
        %mul3A_2153 = arith.mulf %get3A_2151, %mul3A_2152 : vector<16xf32>
        %add3A_2154 = arith.addf %add3A_2114, %mul3A_2153 : vector<16xf32>
        %slice3A_2155 = vector.extract_strided_slice %get3A_2120 {offsets = [1], sizes = [1], strides = [1]} : vector<16xf32> to vector<1xf32>
        %squeeze3A_2156 = vector.extract %slice3A_2155[0] : f32 from vector<1xf32>
        %add3A_2157 = arith.constant 48 : i32
        %add3A_2158 = arith.addi %add3A_466, %add3A_2157 : i32
        %add3A_2159 = arith.constant 1 : i32
        %add3A_2160 = arith.addi %add3A_2158, %add3A_2159 : i32
        %get3A_2161 = arith.index_cast %add3A_2160 : i32 to index
        %get3A_2162 = arith.constant 0 : index
        %get3A_2163 = tpu.vector_load %arg9[%get3A_2161, %get3A_2162] {strides = array<i32>} : memref<800x128xf32, #tpu.memory_space<vmem>>, vector<1x16xf32>,
        %get3A_2164 = vector.shape_cast %get3A_2163 : vector<1x16xf32> to vector<16xf32>
        %mul3A_2165 = vector.broadcast %squeeze3A_2156 : f32 to vector<16xf32>
        %mul3A_2166 = arith.mulf %get3A_2164, %mul3A_2165 : vector<16xf32>
        %add3A_2167 = arith.addf %add3A_2133, %mul3A_2166 : vector<16xf32>
        %get3A_2168 = arith.index_cast %add3A_2160 : i32 to index
        %get3A_2169 = arith.constant 16 : index
        %get3A_2170 = tpu.vector_load %arg9[%get3A_2168, %get3A_2169] {strides = array<i32>} : memref<800x128xf32, #tpu.memory_space<vmem>>, vector<1x16xf32>,
        %get3A_2171 = vector.shape_cast %get3A_2170 : vector<1x16xf32> to vector<16xf32>
        %mul3A_2172 = vector.broadcast %squeeze3A_2156 : f32 to vector<16xf32>
        %mul3A_2173 = arith.mulf %get3A_2171, %mul3A_2172 : vector<16xf32>
        %add3A_2174 = arith.addf %add3A_2140, %mul3A_2173 : vector<16xf32>
        %get3A_2175 = arith.index_cast %add3A_2160 : i32 to index
        %get3A_2176 = arith.constant 32 : index
        %get3A_2177 = tpu.vector_load %arg9[%get3A_2175, %get3A_2176] {strides = array<i32>} : memref<800x128xf32, #tpu.memory_space<vmem>>, vector<1x16xf32>,
        %get3A_2178 = vector.shape_cast %get3A_2177 : vector<1x16xf32> to vector<16xf32>
        %mul3A_2179 = vector.broadcast %squeeze3A_2156 : f32 to vector<16xf32>
        %mul3A_2180 = arith.mulf %get3A_2178, %mul3A_2179 : vector<16xf32>
        %add3A_2181 = arith.addf %add3A_2147, %mul3A_2180 : vector<16xf32>
        %get3A_2182 = arith.index_cast %add3A_2160 : i32 to index
        %get3A_2183 = arith.constant 48 : index
        %get3A_2184 = tpu.vector_load %arg9[%get3A_2182, %get3A_2183] {strides = array<i32>} : memref<800x128xf32, #tpu.memory_space<vmem>>, vector<1x16xf32>,
        %get3A_2185 = vector.shape_cast %get3A_2184 : vector<1x16xf32> to vector<16xf32>
        %mul3A_2186 = vector.broadcast %squeeze3A_2156 : f32 to vector<16xf32>
        %mul3A_2187 = arith.mulf %get3A_2185, %mul3A_2186 : vector<16xf32>
        %add3A_2188 = arith.addf %add3A_2154, %mul3A_2187 : vector<16xf32>
        %swap3A = arith.index_cast %scan3A_462 : i32 to index
        %swap3A_2189 = arith.constant 0 : index
        %swap3A_2190 = tpu.vector_load %arg10[%swap3A, %swap3A_2189] {strides = array<i32>} : memref<8x64xf32, #tpu.memory_space<vmem>>, vector<1x16xf32>,
        %swap3A_2191 = vector.shape_cast %swap3A_2190 : vector<1x16xf32> to vector<16xf32>
        %swap3A_2192 = vector.shape_cast %add3A_2167 : vector<16xf32> to vector<1x16xf32>
        tpu.vector_store %arg10[%swap3A, %swap3A_2189], %swap3A_2192 {strides = array<i32>} : memref<8x64xf32, #tpu.memory_space<vmem>>, vector<1x16xf32>,
        %swap3A_2193 = arith.index_cast %scan3A_462 : i32 to index
        %swap3A_2194 = arith.constant 16 : index
        %swap3A_2195 = tpu.vector_load %arg10[%swap3A_2193, %swap3A_2194] {strides = array<i32>} : memref<8x64xf32, #tpu.memory_space<vmem>>, vector<1x16xf32>,
        %swap3A_2196 = vector.shape_cast %swap3A_2195 : vector<1x16xf32> to vector<16xf32>
        %swap3A_2197 = vector.shape_cast %add3A_2174 : vector<16xf32> to vector<1x16xf32>
        tpu.vector_store %arg10[%swap3A_2193, %swap3A_2194], %swap3A_2197 {strides = array<i32>} : memref<8x64xf32, #tpu.memory_space<vmem>>, vector<1x16xf32>,
        %swap3A_2198 = arith.index_cast %scan3A_462 : i32 to index
        %swap3A_2199 = arith.constant 32 : index
        %swap3A_2200 = tpu.vector_load %arg10[%swap3A_2198, %swap3A_2199] {strides = array<i32>} : memref<8x64xf32, #tpu.memory_space<vmem>>, vector<1x16xf32>,
        %swap3A_2201 = vector.shape_cast %swap3A_2200 : vector<1x16xf32> to vector<16xf32>
        %swap3A_2202 = vector.shape_cast %add3A_2181 : vector<16xf32> to vector<1x16xf32>
        tpu.vector_store %arg10[%swap3A_2198, %swap3A_2199], %swap3A_2202 {strides = array<i32>} : memref<8x64xf32, #tpu.memory_space<vmem>>, vector<1x16xf32>,
        %swap3A_2203 = arith.index_cast %scan3A_462 : i32 to index
        %swap3A_2204 = arith.constant 48 : index
        %swap3A_2205 = tpu.vector_load %arg10[%swap3A_2203, %swap3A_2204] {strides = array<i32>} : memref<8x64xf32, #tpu.memory_space<vmem>>, vector<1x16xf32>,
        %swap3A_2206 = vector.shape_cast %swap3A_2205 : vector<1x16xf32> to vector<16xf32>
        %swap3A_2207 = vector.shape_cast %add3A_2188 : vector<16xf32> to vector<1x16xf32>
        tpu.vector_store %arg10[%swap3A_2203, %swap3A_2204], %swap3A_2207 {strides = array<i32>} : memref<8x64xf32, #tpu.memory_space<vmem>>, vector<1x16xf32>,
      }
      %scan3A_301 = arith.constant 8 : i32
      %mul3A_302 = arith.constant 128 : i32
      %mul3A_303 = arith.muli %add3A, %mul3A_302 : i32
      %mul3A_304 = arith.constant 8 : i32
      %mul3A_305 = arith.muli %mul3A_154, %mul3A_304 : i32
      %add3A_306 = arith.addi %mul3A_303, %mul3A_305 : i32
      "tpu.region"() ({
        %run_scoped3A_462 = tpu.sem_alloc : memref<!tpu.dma_semaphore, #tpu.memory_space<semaphore_mem>>
        %dma_start3A_463 = arith.constant 0 : i32
        %dma_start3A_464 = tpu.memref_slice %arg6[%add3A_306, %dma_start3A_463] : memref<4096x64xf32, #tpu.memory_space<hbm>> -> memref<8x64xf32, #tpu.memory_space<hbm>>
        %dma_start3A_465 = arith.constant 0 : i32
        %dma_start3A_466 = tpu.memref_slice %arg6[%add3A_306, %dma_start3A_465] : memref<4096x64xf32, #tpu.memory_space<hbm>> -> memref<8x64xf32, #tpu.memory_space<hbm>>
        tpu.enqueue_dma source(%arg10 : memref<8x64xf32, #tpu.memory_space<vmem>>) target(%dma_start3A_466 : memref<8x64xf32, #tpu.memory_space<hbm>>) target_semaphore(%run_scoped3A_462 : memref<!tpu.dma_semaphore, #tpu.memory_space<semaphore_mem>>)
        %dma_wait3A_467 = arith.constant 0 : i32
        %dma_wait3A_468 = tpu.memref_slice %arg6[%add3A_306, %dma_wait3A_467] : memref<4096x64xf32, #tpu.memory_space<hbm>> -> memref<8x64xf32, #tpu.memory_space<hbm>>
        %dma_wait3A_469 = arith.constant 0 : i32
        %dma_wait3A_470 = tpu.memref_slice %arg6[%add3A_306, %dma_wait3A_469] : memref<4096x64xf32, #tpu.memory_space<hbm>> -> memref<8x64xf32, #tpu.memory_space<hbm>>
        tpu.wait_dma2 semaphore(%run_scoped3A_462 : memref<!tpu.dma_semaphore, #tpu.memory_space<semaphore_mem>>) src(%arg10 : memref<8x64xf32, #tpu.memory_space<vmem>>) dst(%dma_wait3A_470 : memref<8x64xf32, #tpu.memory_space<hbm>>)
        tpu.yield
      }) : () -> ()
      %dma_wait3A_307 = arith.constant 400 : i32
      %dma_wait3A_308 = arith.constant 0 : i32
      %dma_wait3A_309 = tpu.memref_slice %arg9[%dma_wait3A_307, %dma_wait3A_308] : memref<800x128xf32, #tpu.memory_space<vmem>> -> memref<400x128xf32, #tpu.memory_space<vmem>>
      %dma_wait3A_310 = arith.constant 0 : i32
      %dma_wait3A_311 = arith.constant 0 : i32
      %dma_wait3A_312 = tpu.memref_slice %arg4[%dma_wait3A_310, %dma_wait3A_311] : memref<1000000x128xf32, #tpu.memory_space<hbm>> -> memref<400x128xf32, #tpu.memory_space<hbm>>
      %dma_wait3A_313 = arith.constant 400 : i32
      %dma_wait3A_314 = arith.constant 0 : i32
      %dma_wait3A_315 = tpu.memref_slice %arg9[%dma_wait3A_313, %dma_wait3A_314] : memref<800x128xf32, #tpu.memory_space<vmem>> -> memref<400x128xf32, #tpu.memory_space<vmem>>
      %dma_wait3A_316 = arith.constant 0 : i32
      %dma_wait3A_317 = arith.constant 0 : i32
      %dma_wait3A_318 = tpu.memref_slice %arg4[%dma_wait3A_316, %dma_wait3A_317] : memref<1000000x128xf32, #tpu.memory_space<hbm>> -> memref<400x128xf32, #tpu.memory_space<hbm>>
      tpu.wait_dma2 semaphore(%arg13 : memref<!tpu.dma_semaphore, #tpu.memory_space<semaphore_mem>>) src(%dma_wait3A_318 : memref<400x128xf32, #tpu.memory_space<hbm>>) dst(%dma_wait3A_315 : memref<400x128xf32, #tpu.memory_space<vmem>>)
      %add3A_319 = arith.constant 2 : i32
      %add3A_320 = arith.addi %mul3A_154, %add3A_319 : i32
      %min3A = arith.constant 15 : i32
      %min3A_321 = arith.minsi %add3A_320, %min3A : i32
      %mul3A_322 = arith.constant 128 : i32
      %mul3A_323 = arith.muli %add3A, %mul3A_322 : i32
      %mul3A_324 = arith.constant 8 : i32
      %mul3A_325 = arith.muli %min3A_321, %mul3A_324 : i32
      %add3A_326 = arith.addi %mul3A_323, %mul3A_325 : i32
      %run_scoped3A_327 = arith.constant 0 : i32
      "tpu.region"() ({
        %run_scoped3A_462 = tpu.sem_alloc : memref<!tpu.dma_semaphore, #tpu.memory_space<semaphore_mem>>
        %dma_start3A_463 = arith.constant 0 : i32
        %dma_start3A_464 = arith.constant 0 : i32
        %dma_start3A_465 = tpu.memref_slice %arg7[%run_scoped3A_327, %dma_start3A_463, %dma_start3A_464] : memref<2x8x50xi32, #tpu.memory_space<vmem>> -> memref<1x8x50xi32, #tpu.memory_space<vmem>>
        %dma_start3A_466 = tpu.memref_squeeze %dma_start3A_465 : memref<1x8x50xi32, #tpu.memory_space<vmem>> -> memref<8x50xi32, #tpu.memory_space<vmem>>
        %dma_start3A_467 = arith.constant 0 : i32
        %dma_start3A_468 = tpu.memref_slice %arg2[%add3A_326, %dma_start3A_467] : memref<4096x50xi32, #tpu.memory_space<hbm>> -> memref<8x50xi32, #tpu.memory_space<hbm>>
        %dma_start3A_469 = arith.constant 0 : i32
        %dma_start3A_470 = arith.constant 0 : i32
        %dma_start3A_471 = tpu.memref_slice %arg7[%run_scoped3A_327, %dma_start3A_469, %dma_start3A_470] : memref<2x8x50xi32, #tpu.memory_space<vmem>> -> memref<1x8x50xi32, #tpu.memory_space<vmem>>
        %dma_start3A_472 = tpu.memref_squeeze %dma_start3A_471 : memref<1x8x50xi32, #tpu.memory_space<vmem>> -> memref<8x50xi32, #tpu.memory_space<vmem>>
        %dma_start3A_473 = arith.constant 0 : i32
        %dma_start3A_474 = tpu.memref_slice %arg2[%add3A_326, %dma_start3A_473] : memref<4096x50xi32, #tpu.memory_space<hbm>> -> memref<8x50xi32, #tpu.memory_space<hbm>>
        tpu.enqueue_dma source(%dma_start3A_474 : memref<8x50xi32, #tpu.memory_space<hbm>>) target(%dma_start3A_472 : memref<8x50xi32, #tpu.memory_space<vmem>>) target_semaphore(%run_scoped3A_462 : memref<!tpu.dma_semaphore, #tpu.memory_space<semaphore_mem>>)
        %dma_wait3A_475 = arith.constant 0 : i32
        %dma_wait3A_476 = arith.constant 0 : i32
        %dma_wait3A_477 = tpu.memref_slice %arg7[%run_scoped3A_327, %dma_wait3A_475, %dma_wait3A_476] : memref<2x8x50xi32, #tpu.memory_space<vmem>> -> memref<1x8x50xi32, #tpu.memory_space<vmem>>
        %dma_wait3A_478 = tpu.memref_squeeze %dma_wait3A_477 : memref<1x8x50xi32, #tpu.memory_space<vmem>> -> memref<8x50xi32, #tpu.memory_space<vmem>>
        %dma_wait3A_479 = arith.constant 0 : i32
        %dma_wait3A_480 = tpu.memref_slice %arg2[%add3A_326, %dma_wait3A_479] : memref<4096x50xi32, #tpu.memory_space<hbm>> -> memref<8x50xi32, #tpu.memory_space<hbm>>
        %dma_wait3A_481 = arith.constant 0 : i32
        %dma_wait3A_482 = arith.constant 0 : i32
        %dma_wait3A_483 = tpu.memref_slice %arg7[%run_scoped3A_327, %dma_wait3A_481, %dma_wait3A_482] : memref<2x8x50xi32, #tpu.memory_space<vmem>> -> memref<1x8x50xi32, #tpu.memory_space<vmem>>
        %dma_wait3A_484 = tpu.memref_squeeze %dma_wait3A_483 : memref<1x8x50xi32, #tpu.memory_space<vmem>> -> memref<8x50xi32, #tpu.memory_space<vmem>>
        %dma_wait3A_485 = arith.constant 0 : i32
        %dma_wait3A_486 = tpu.memref_slice %arg2[%add3A_326, %dma_wait3A_485] : memref<4096x50xi32, #tpu.memory_space<hbm>> -> memref<8x50xi32, #tpu.memory_space<hbm>>
        tpu.wait_dma2 semaphore(%run_scoped3A_462 : memref<!tpu.dma_semaphore, #tpu.memory_space<semaphore_mem>>) src(%dma_wait3A_486 : memref<8x50xi32, #tpu.memory_space<hbm>>) dst(%dma_wait3A_484 : memref<8x50xi32, #tpu.memory_space<vmem>>)
        tpu.yield
      }) : () -> ()
      %run_scoped3A_328 = arith.constant 0 : i32
      "tpu.region"() ({
        %run_scoped3A_462 = tpu.sem_alloc : memref<!tpu.dma_semaphore, #tpu.memory_space<semaphore_mem>>
        %dma_start3A_463 = arith.constant 0 : i32
        %dma_start3A_464 = arith.constant 0 : i32
        %dma_start3A_465 = tpu.memref_slice %arg8[%run_scoped3A_328, %dma_start3A_463, %dma_start3A_464] : memref<2x8x64xf32, #tpu.memory_space<vmem>> -> memref<1x8x64xf32, #tpu.memory_space<vmem>>
        %dma_start3A_466 = tpu.memref_squeeze %dma_start3A_465 : memref<1x8x64xf32, #tpu.memory_space<vmem>> -> memref<8x64xf32, #tpu.memory_space<vmem>>
        %dma_start3A_467 = arith.constant 0 : i32
        %dma_start3A_468 = tpu.memref_slice %arg3[%add3A_326, %dma_start3A_467] : memref<4096x64xf32, #tpu.memory_space<hbm>> -> memref<8x64xf32, #tpu.memory_space<hbm>>
        %dma_start3A_469 = arith.constant 0 : i32
        %dma_start3A_470 = arith.constant 0 : i32
        %dma_start3A_471 = tpu.memref_slice %arg8[%run_scoped3A_328, %dma_start3A_469, %dma_start3A_470] : memref<2x8x64xf32, #tpu.memory_space<vmem>> -> memref<1x8x64xf32, #tpu.memory_space<vmem>>
        %dma_start3A_472 = tpu.memref_squeeze %dma_start3A_471 : memref<1x8x64xf32, #tpu.memory_space<vmem>> -> memref<8x64xf32, #tpu.memory_space<vmem>>
        %dma_start3A_473 = arith.constant 0 : i32
        %dma_start3A_474 = tpu.memref_slice %arg3[%add3A_326, %dma_start3A_473] : memref<4096x64xf32, #tpu.memory_space<hbm>> -> memref<8x64xf32, #tpu.memory_space<hbm>>
        tpu.enqueue_dma source(%dma_start3A_474 : memref<8x64xf32, #tpu.memory_space<hbm>>) target(%dma_start3A_472 : memref<8x64xf32, #tpu.memory_space<vmem>>) target_semaphore(%run_scoped3A_462 : memref<!tpu.dma_semaphore, #tpu.memory_space<semaphore_mem>>)
        %dma_wait3A_475 = arith.constant 0 : i32
        %dma_wait3A_476 = arith.constant 0 : i32
        %dma_wait3A_477 = tpu.memref_slice %arg8[%run_scoped3A_328, %dma_wait3A_475, %dma_wait3A_476] : memref<2x8x64xf32, #tpu.memory_space<vmem>> -> memref<1x8x64xf32, #tpu.memory_space<vmem>>
        %dma_wait3A_478 = tpu.memref_squeeze %dma_wait3A_477 : memref<1x8x64xf32, #tpu.memory_space<vmem>> -> memref<8x64xf32, #tpu.memory_space<vmem>>
        %dma_wait3A_479 = arith.constant 0 : i32
        %dma_wait3A_480 = tpu.memref_slice %arg3[%add3A_326, %dma_wait3A_479] : memref<4096x64xf32, #tpu.memory_space<hbm>> -> memref<8x64xf32, #tpu.memory_space<hbm>>
        %dma_wait3A_481 = arith.constant 0 : i32
        %dma_wait3A_482 = arith.constant 0 : i32
        %dma_wait3A_483 = tpu.memref_slice %arg8[%run_scoped3A_328, %dma_wait3A_481, %dma_wait3A_482] : memref<2x8x64xf32, #tpu.memory_space<vmem>> -> memref<1x8x64xf32, #tpu.memory_space<vmem>>
        %dma_wait3A_484 = tpu.memref_squeeze %dma_wait3A_483 : memref<1x8x64xf32, #tpu.memory_space<vmem>> -> memref<8x64xf32, #tpu.memory_space<vmem>>
        %dma_wait3A_485 = arith.constant 0 : i32
        %dma_wait3A_486 = tpu.memref_slice %arg3[%add3A_326, %dma_wait3A_485] : memref<4096x64xf32, #tpu.memory_space<hbm>> -> memref<8x64xf32, #tpu.memory_space<hbm>>
        tpu.wait_dma2 semaphore(%run_scoped3A_462 : memref<!tpu.dma_semaphore, #tpu.memory_space<semaphore_mem>>) src(%dma_wait3A_486 : memref<8x64xf32, #tpu.memory_space<hbm>>) dst(%dma_wait3A_484 : memref<8x64xf32, #tpu.memory_space<vmem>>)
        tpu.yield
      }) : () -> ()
      %dma_start3A_329 = arith.constant 0 : i32
      %dma_start3A_330 = arith.constant 0 : i32
      %dma_start3A_331 = arith.constant 0 : i32
      %dma_start3A_332 = arith.constant 0 : i32
      %dma_start3A_333 = tpu.memref_slice %arg9[%dma_start3A_331, %dma_start3A_332] : memref<800x128xf32, #tpu.memory_space<vmem>> -> memref<50x128xf32, #tpu.memory_space<vmem>>
      %dma_start3A_334 = arith.constant 0 : i32
      %dma_start3A_335 = arith.constant 0 : i32
      %dma_start3A_336 = tpu.memref_slice %arg7[%dma_start3A_329, %dma_start3A_334, %dma_start3A_335] : memref<2x8x50xi32, #tpu.memory_space<vmem>> -> memref<1x8x50xi32, #tpu.memory_space<vmem>>
      %dma_start3A_337 = tpu.memref_squeeze %dma_start3A_336 : memref<1x8x50xi32, #tpu.memory_space<vmem>> -> memref<8x50xi32, #tpu.memory_space<vmem>>
      %dma_start3A_338 = arith.constant 0 : i32
      %dma_start3A_339 = tpu.memref_slice %dma_start3A_337[%dma_start3A_330, %dma_start3A_338] : memref<8x50xi32, #tpu.memory_space<vmem>> -> memref<1x50xi32, #tpu.memory_space<vmem>>
      %dma_start3A_340 = tpu.memref_squeeze %dma_start3A_339 : memref<1x50xi32, #tpu.memory_space<vmem>> -> memref<50xi32, #tpu.memory_space<vmem>>
      %dma_start3A_341 = arith.constant 0 : i32
      %dma_start3A_342 = arith.constant 0 : i32
      %dma_start3A_343 = tpu.memref_slice %arg4[%dma_start3A_341, %dma_start3A_342] : memref<1000000x128xf32, #tpu.memory_space<hbm>> -> memref<1000000x128xf32, #tpu.memory_space<hbm>>
      tpu.enqueue_indirect_dma source(%dma_start3A_343 : memref<1000000x128xf32, #tpu.memory_space<hbm>>) target(%dma_start3A_333 : memref<50x128xf32, #tpu.memory_space<vmem>>) offsets(%dma_start3A_340 : memref<50xi32, #tpu.memory_space<vmem>>) semaphore(%arg12 : memref<!tpu.dma_semaphore, #tpu.memory_space<semaphore_mem>>)
      %dma_start3A_344 = arith.constant 0 : i32
      %dma_start3A_345 = arith.constant 1 : i32
      %dma_start3A_346 = arith.constant 50 : i32
      %dma_start3A_347 = arith.constant 0 : i32
      %dma_start3A_348 = tpu.memref_slice %arg9[%dma_start3A_346, %dma_start3A_347] : memref<800x128xf32, #tpu.memory_space<vmem>> -> memref<50x128xf32, #tpu.memory_space<vmem>>
      %dma_start3A_349 = arith.constant 0 : i32
      %dma_start3A_350 = arith.constant 0 : i32
      %dma_start3A_351 = tpu.memref_slice %arg7[%dma_start3A_344, %dma_start3A_349, %dma_start3A_350] : memref<2x8x50xi32, #tpu.memory_space<vmem>> -> memref<1x8x50xi32, #tpu.memory_space<vmem>>
      %dma_start3A_352 = tpu.memref_squeeze %dma_start3A_351 : memref<1x8x50xi32, #tpu.memory_space<vmem>> -> memref<8x50xi32, #tpu.memory_space<vmem>>
      %dma_start3A_353 = arith.constant 0 : i32
      %dma_start3A_354 = tpu.memref_slice %dma_start3A_352[%dma_start3A_345, %dma_start3A_353] : memref<8x50xi32, #tpu.memory_space<vmem>> -> memref<1x50xi32, #tpu.memory_space<vmem>>
      %dma_start3A_355 = tpu.memref_squeeze %dma_start3A_354 : memref<1x50xi32, #tpu.memory_space<vmem>> -> memref<50xi32, #tpu.memory_space<vmem>>
      %dma_start3A_356 = arith.constant 0 : i32
      %dma_start3A_357 = arith.constant 0 : i32
      %dma_start3A_358 = tpu.memref_slice %arg4[%dma_start3A_356, %dma_start3A_357] : memref<1000000x128xf32, #tpu.memory_space<hbm>> -> memref<1000000x128xf32, #tpu.memory_space<hbm>>
      tpu.enqueue_indirect_dma source(%dma_start3A_358 : memref<1000000x128xf32, #tpu.memory_space<hbm>>) target(%dma_start3A_348 : memref<50x128xf32, #tpu.memory_space<vmem>>) offsets(%dma_start3A_355 : memref<50xi32, #tpu.memory_space<vmem>>) semaphore(%arg12 : memref<!tpu.dma_semaphore, #tpu.memory_space<semaphore_mem>>)
      %dma_start3A_359 = arith.constant 0 : i32
      %dma_start3A_360 = arith.constant 2 : i32
      %dma_start3A_361 = arith.constant 100 : i32
      %dma_start3A_362 = arith.constant 0 : i32
      %dma_start3A_363 = tpu.memref_slice %arg9[%dma_start3A_361, %dma_start3A_362] : memref<800x128xf32, #tpu.memory_space<vmem>> -> memref<50x128xf32, #tpu.memory_space<vmem>>
      %dma_start3A_364 = arith.constant 0 : i32
      %dma_start3A_365 = arith.constant 0 : i32
      %dma_start3A_366 = tpu.memref_slice %arg7[%dma_start3A_359, %dma_start3A_364, %dma_start3A_365] : memref<2x8x50xi32, #tpu.memory_space<vmem>> -> memref<1x8x50xi32, #tpu.memory_space<vmem>>
      %dma_start3A_367 = tpu.memref_squeeze %dma_start3A_366 : memref<1x8x50xi32, #tpu.memory_space<vmem>> -> memref<8x50xi32, #tpu.memory_space<vmem>>
      %dma_start3A_368 = arith.constant 0 : i32
      %dma_start3A_369 = tpu.memref_slice %dma_start3A_367[%dma_start3A_360, %dma_start3A_368] : memref<8x50xi32, #tpu.memory_space<vmem>> -> memref<1x50xi32, #tpu.memory_space<vmem>>
      %dma_start3A_370 = tpu.memref_squeeze %dma_start3A_369 : memref<1x50xi32, #tpu.memory_space<vmem>> -> memref<50xi32, #tpu.memory_space<vmem>>
      %dma_start3A_371 = arith.constant 0 : i32
      %dma_start3A_372 = arith.constant 0 : i32
      %dma_start3A_373 = tpu.memref_slice %arg4[%dma_start3A_371, %dma_start3A_372] : memref<1000000x128xf32, #tpu.memory_space<hbm>> -> memref<1000000x128xf32, #tpu.memory_space<hbm>>
      tpu.enqueue_indirect_dma source(%dma_start3A_373 : memref<1000000x128xf32, #tpu.memory_space<hbm>>) target(%dma_start3A_363 : memref<50x128xf32, #tpu.memory_space<vmem>>) offsets(%dma_start3A_370 : memref<50xi32, #tpu.memory_space<vmem>>) semaphore(%arg12 : memref<!tpu.dma_semaphore, #tpu.memory_space<semaphore_mem>>)
      %dma_start3A_374 = arith.constant 0 : i32
      %dma_start3A_375 = arith.constant 3 : i32
      %dma_start3A_376 = arith.constant 150 : i32
      %dma_start3A_377 = arith.constant 0 : i32
      %dma_start3A_378 = tpu.memref_slice %arg9[%dma_start3A_376, %dma_start3A_377] : memref<800x128xf32, #tpu.memory_space<vmem>> -> memref<50x128xf32, #tpu.memory_space<vmem>>
      %dma_start3A_379 = arith.constant 0 : i32
      %dma_start3A_380 = arith.constant 0 : i32
      %dma_start3A_381 = tpu.memref_slice %arg7[%dma_start3A_374, %dma_start3A_379, %dma_start3A_380] : memref<2x8x50xi32, #tpu.memory_space<vmem>> -> memref<1x8x50xi32, #tpu.memory_space<vmem>>
      %dma_start3A_382 = tpu.memref_squeeze %dma_start3A_381 : memref<1x8x50xi32, #tpu.memory_space<vmem>> -> memref<8x50xi32, #tpu.memory_space<vmem>>
      %dma_start3A_383 = arith.constant 0 : i32
      %dma_start3A_384 = tpu.memref_slice %dma_start3A_382[%dma_start3A_375, %dma_start3A_383] : memref<8x50xi32, #tpu.memory_space<vmem>> -> memref<1x50xi32, #tpu.memory_space<vmem>>
      %dma_start3A_385 = tpu.memref_squeeze %dma_start3A_384 : memref<1x50xi32, #tpu.memory_space<vmem>> -> memref<50xi32, #tpu.memory_space<vmem>>
      %dma_start3A_386 = arith.constant 0 : i32
      %dma_start3A_387 = arith.constant 0 : i32
      %dma_start3A_388 = tpu.memref_slice %arg4[%dma_start3A_386, %dma_start3A_387] : memref<1000000x128xf32, #tpu.memory_space<hbm>> -> memref<1000000x128xf32, #tpu.memory_space<hbm>>
      tpu.enqueue_indirect_dma source(%dma_start3A_388 : memref<1000000x128xf32, #tpu.memory_space<hbm>>) target(%dma_start3A_378 : memref<50x128xf32, #tpu.memory_space<vmem>>) offsets(%dma_start3A_385 : memref<50xi32, #tpu.memory_space<vmem>>) semaphore(%arg12 : memref<!tpu.dma_semaphore, #tpu.memory_space<semaphore_mem>>)
      %dma_start3A_389 = arith.constant 0 : i32
      %dma_start3A_390 = arith.constant 4 : i32
      %dma_start3A_391 = arith.constant 200 : i32
      %dma_start3A_392 = arith.constant 0 : i32
      %dma_start3A_393 = tpu.memref_slice %arg9[%dma_start3A_391, %dma_start3A_392] : memref<800x128xf32, #tpu.memory_space<vmem>> -> memref<50x128xf32, #tpu.memory_space<vmem>>
      %dma_start3A_394 = arith.constant 0 : i32
      %dma_start3A_395 = arith.constant 0 : i32
      %dma_start3A_396 = tpu.memref_slice %arg7[%dma_start3A_389, %dma_start3A_394, %dma_start3A_395] : memref<2x8x50xi32, #tpu.memory_space<vmem>> -> memref<1x8x50xi32, #tpu.memory_space<vmem>>
      %dma_start3A_397 = tpu.memref_squeeze %dma_start3A_396 : memref<1x8x50xi32, #tpu.memory_space<vmem>> -> memref<8x50xi32, #tpu.memory_space<vmem>>
      %dma_start3A_398 = arith.constant 0 : i32
      %dma_start3A_399 = tpu.memref_slice %dma_start3A_397[%dma_start3A_390, %dma_start3A_398] : memref<8x50xi32, #tpu.memory_space<vmem>> -> memref<1x50xi32, #tpu.memory_space<vmem>>
      %dma_start3A_400 = tpu.memref_squeeze %dma_start3A_399 : memref<1x50xi32, #tpu.memory_space<vmem>> -> memref<50xi32, #tpu.memory_space<vmem>>
      %dma_start3A_401 = arith.constant 0 : i32
      %dma_start3A_402 = arith.constant 0 : i32
      %dma_start3A_403 = tpu.memref_slice %arg4[%dma_start3A_401, %dma_start3A_402] : memref<1000000x128xf32, #tpu.memory_space<hbm>> -> memref<1000000x128xf32, #tpu.memory_space<hbm>>
      tpu.enqueue_indirect_dma source(%dma_start3A_403 : memref<1000000x128xf32, #tpu.memory_space<hbm>>) target(%dma_start3A_393 : memref<50x128xf32, #tpu.memory_space<vmem>>) offsets(%dma_start3A_400 : memref<50xi32, #tpu.memory_space<vmem>>) semaphore(%arg12 : memref<!tpu.dma_semaphore, #tpu.memory_space<semaphore_mem>>)
      %dma_start3A_404 = arith.constant 0 : i32
      %dma_start3A_405 = arith.constant 5 : i32
      %dma_start3A_406 = arith.constant 250 : i32
      %dma_start3A_407 = arith.constant 0 : i32
      %dma_start3A_408 = tpu.memref_slice %arg9[%dma_start3A_406, %dma_start3A_407] : memref<800x128xf32, #tpu.memory_space<vmem>> -> memref<50x128xf32, #tpu.memory_space<vmem>>
      %dma_start3A_409 = arith.constant 0 : i32
      %dma_start3A_410 = arith.constant 0 : i32
      %dma_start3A_411 = tpu.memref_slice %arg7[%dma_start3A_404, %dma_start3A_409, %dma_start3A_410] : memref<2x8x50xi32, #tpu.memory_space<vmem>> -> memref<1x8x50xi32, #tpu.memory_space<vmem>>
      %dma_start3A_412 = tpu.memref_squeeze %dma_start3A_411 : memref<1x8x50xi32, #tpu.memory_space<vmem>> -> memref<8x50xi32, #tpu.memory_space<vmem>>
      %dma_start3A_413 = arith.constant 0 : i32
      %dma_start3A_414 = tpu.memref_slice %dma_start3A_412[%dma_start3A_405, %dma_start3A_413] : memref<8x50xi32, #tpu.memory_space<vmem>> -> memref<1x50xi32, #tpu.memory_space<vmem>>
      %dma_start3A_415 = tpu.memref_squeeze %dma_start3A_414 : memref<1x50xi32, #tpu.memory_space<vmem>> -> memref<50xi32, #tpu.memory_space<vmem>>
      %dma_start3A_416 = arith.constant 0 : i32
      %dma_start3A_417 = arith.constant 0 : i32
      %dma_start3A_418 = tpu.memref_slice %arg4[%dma_start3A_416, %dma_start3A_417] : memref<1000000x128xf32, #tpu.memory_space<hbm>> -> memref<1000000x128xf32, #tpu.memory_space<hbm>>
      tpu.enqueue_indirect_dma source(%dma_start3A_418 : memref<1000000x128xf32, #tpu.memory_space<hbm>>) target(%dma_start3A_408 : memref<50x128xf32, #tpu.memory_space<vmem>>) offsets(%dma_start3A_415 : memref<50xi32, #tpu.memory_space<vmem>>) semaphore(%arg12 : memref<!tpu.dma_semaphore, #tpu.memory_space<semaphore_mem>>)
      %dma_start3A_419 = arith.constant 0 : i32
      %dma_start3A_420 = arith.constant 6 : i32
      %dma_start3A_421 = arith.constant 300 : i32
      %dma_start3A_422 = arith.constant 0 : i32
      %dma_start3A_423 = tpu.memref_slice %arg9[%dma_start3A_421, %dma_start3A_422] : memref<800x128xf32, #tpu.memory_space<vmem>> -> memref<50x128xf32, #tpu.memory_space<vmem>>
      %dma_start3A_424 = arith.constant 0 : i32
      %dma_start3A_425 = arith.constant 0 : i32
      %dma_start3A_426 = tpu.memref_slice %arg7[%dma_start3A_419, %dma_start3A_424, %dma_start3A_425] : memref<2x8x50xi32, #tpu.memory_space<vmem>> -> memref<1x8x50xi32, #tpu.memory_space<vmem>>
      %dma_start3A_427 = tpu.memref_squeeze %dma_start3A_426 : memref<1x8x50xi32, #tpu.memory_space<vmem>> -> memref<8x50xi32, #tpu.memory_space<vmem>>
      %dma_start3A_428 = arith.constant 0 : i32
      %dma_start3A_429 = tpu.memref_slice %dma_start3A_427[%dma_start3A_420, %dma_start3A_428] : memref<8x50xi32, #tpu.memory_space<vmem>> -> memref<1x50xi32, #tpu.memory_space<vmem>>
      %dma_start3A_430 = tpu.memref_squeeze %dma_start3A_429 : memref<1x50xi32, #tpu.memory_space<vmem>> -> memref<50xi32, #tpu.memory_space<vmem>>
      %dma_start3A_431 = arith.constant 0 : i32
      %dma_start3A_432 = arith.constant 0 : i32
      %dma_start3A_433 = tpu.memref_slice %arg4[%dma_start3A_431, %dma_start3A_432] : memref<1000000x128xf32, #tpu.memory_space<hbm>> -> memref<1000000x128xf32, #tpu.memory_space<hbm>>
      tpu.enqueue_indirect_dma source(%dma_start3A_433 : memref<1000000x128xf32, #tpu.memory_space<hbm>>) target(%dma_start3A_423 : memref<50x128xf32, #tpu.memory_space<vmem>>) offsets(%dma_start3A_430 : memref<50xi32, #tpu.memory_space<vmem>>) semaphore(%arg12 : memref<!tpu.dma_semaphore, #tpu.memory_space<semaphore_mem>>)
      %dma_start3A_434 = arith.constant 0 : i32
      %dma_start3A_435 = arith.constant 7 : i32
      %dma_start3A_436 = arith.constant 350 : i32
      %dma_start3A_437 = arith.constant 0 : i32
      %dma_start3A_438 = tpu.memref_slice %arg9[%dma_start3A_436, %dma_start3A_437] : memref<800x128xf32, #tpu.memory_space<vmem>> -> memref<50x128xf32, #tpu.memory_space<vmem>>
      %dma_start3A_439 = arith.constant 0 : i32
      %dma_start3A_440 = arith.constant 0 : i32
      %dma_start3A_441 = tpu.memref_slice %arg7[%dma_start3A_434, %dma_start3A_439, %dma_start3A_440] : memref<2x8x50xi32, #tpu.memory_space<vmem>> -> memref<1x8x50xi32, #tpu.memory_space<vmem>>
      %dma_start3A_442 = tpu.memref_squeeze %dma_start3A_441 : memref<1x8x50xi32, #tpu.memory_space<vmem>> -> memref<8x50xi32, #tpu.memory_space<vmem>>
      %dma_start3A_443 = arith.constant 0 : i32
      %dma_start3A_444 = tpu.memref_slice %dma_start3A_442[%dma_start3A_435, %dma_start3A_443] : memref<8x50xi32, #tpu.memory_space<vmem>> -> memref<1x50xi32, #tpu.memory_space<vmem>>
      %dma_start3A_445 = tpu.memref_squeeze %dma_start3A_444 : memref<1x50xi32, #tpu.memory_space<vmem>> -> memref<50xi32, #tpu.memory_space<vmem>>
      %dma_start3A_446 = arith.constant 0 : i32
      %dma_start3A_447 = arith.constant 0 : i32
      %dma_start3A_448 = tpu.memref_slice %arg4[%dma_start3A_446, %dma_start3A_447] : memref<1000000x128xf32, #tpu.memory_space<hbm>> -> memref<1000000x128xf32, #tpu.memory_space<hbm>>
      tpu.enqueue_indirect_dma source(%dma_start3A_448 : memref<1000000x128xf32, #tpu.memory_space<hbm>>) target(%dma_start3A_438 : memref<50x128xf32, #tpu.memory_space<vmem>>) offsets(%dma_start3A_445 : memref<50xi32, #tpu.memory_space<vmem>>) semaphore(%arg12 : memref<!tpu.dma_semaphore, #tpu.memory_space<semaphore_mem>>)
      %add3A_449 = arith.constant 1 : i32
      %add3A_450 = arith.addi %mul3A_154, %add3A_449 : i32
      %scan3A_451 = arith.constant 0 : i32
      %scan3A_452 = arith.constant 0 : i32
      %scan3A_453 = arith.constant 8 : i32
      %scan3A_454 = arith.addi %scan3A_452, %scan3A_453 : i32
      %scan3A_455 = arith.constant 1 : i32
      scf.for %scan3A_462 = %scan3A_452 to %scan3A_454 step %scan3A_455  : i32 {
        %mul3A_463 = arith.constant 50 : i32
        %mul3A_464 = arith.muli %scan3A_462, %mul3A_463 : i32
        %add3A_465 = arith.constant 400 : i32
        %add3A_466 = arith.addi %add3A_465, %mul3A_464 : i32
        %get3A_467 = arith.constant 1 : i32
        %get3A_468 = arith.index_cast %get3A_467 : i32 to index
        %get3A_469 = arith.index_cast %scan3A_462 : i32 to index
        %get3A_470 = arith.constant 0 : index
        %get3A_471 = tpu.vector_load %arg8[%get3A_468, %get3A_469, %get3A_470] {strides = array<i32>} : memref<2x8x64xf32, #tpu.memory_space<vmem>>, vector<1x1x16xf32>,
        %get3A_472 = vector.shape_cast %get3A_471 : vector<1x1x16xf32> to vector<16xf32>
        %slice3A = vector.extract_strided_slice %get3A_472 {offsets = [0], sizes = [1], strides = [1]} : vector<16xf32> to vector<1xf32>
        %squeeze3A = vector.extract %slice3A[0] : f32 from vector<1xf32>
        %add3A_473 = arith.constant 0 : i32
        %add3A_474 = arith.addi %add3A_466, %add3A_473 : i32
        %add3A_475 = arith.constant 0 : i32
        %add3A_476 = arith.addi %add3A_474, %add3A_475 : i32
        %get3A_477 = arith.index_cast %add3A_476 : i32 to index
        %get3A_478 = arith.constant 0 : index
        %get3A_479 = tpu.vector_load %arg9[%get3A_477, %get3A_478] {strides = array<i32>} : memref<800x128xf32, #tpu.memory_space<vmem>>, vector<1x16xf32>,
        %get3A_480 = vector.shape_cast %get3A_479 : vector<1x16xf32> to vector<16xf32>
        %mul3A_481 = vector.broadcast %squeeze3A : f32 to vector<16xf32>
        %mul3A_482 = arith.mulf %get3A_480, %mul3A_481 : vector<16xf32>
        %add3A_483 = arith.addf %get3A_2, %mul3A_482 : vector<16xf32>
        %get3A_484 = arith.index_cast %add3A_476 : i32 to index
        %get3A_485 = arith.constant 16 : index
        %get3A_486 = tpu.vector_load %arg9[%get3A_484, %get3A_485] {strides = array<i32>} : memref<800x128xf32, #tpu.memory_space<vmem>>, vector<1x16xf32>,
        %get3A_487 = vector.shape_cast %get3A_486 : vector<1x16xf32> to vector<16xf32>
        %mul3A_488 = vector.broadcast %squeeze3A : f32 to vector<16xf32>
        %mul3A_489 = arith.mulf %get3A_487, %mul3A_488 : vector<16xf32>
        %add3A_490 = arith.addf %get3A_5, %mul3A_489 : vector<16xf32>
        %get3A_491 = arith.index_cast %add3A_476 : i32 to index
        %get3A_492 = arith.constant 32 : index
        %get3A_493 = tpu.vector_load %arg9[%get3A_491, %get3A_492] {strides = array<i32>} : memref<800x128xf32, #tpu.memory_space<vmem>>, vector<1x16xf32>,
        %get3A_494 = vector.shape_cast %get3A_493 : vector<1x16xf32> to vector<16xf32>
        %mul3A_495 = vector.broadcast %squeeze3A : f32 to vector<16xf32>
        %mul3A_496 = arith.mulf %get3A_494, %mul3A_495 : vector<16xf32>
        %add3A_497 = arith.addf %get3A_8, %mul3A_496 : vector<16xf32>
        %get3A_498 = arith.index_cast %add3A_476 : i32 to index
        %get3A_499 = arith.constant 48 : index
        %get3A_500 = tpu.vector_load %arg9[%get3A_498, %get3A_499] {strides = array<i32>} : memref<800x128xf32, #tpu.memory_space<vmem>>, vector<1x16xf32>,
        %get3A_501 = vector.shape_cast %get3A_500 : vector<1x16xf32> to vector<16xf32>
        %mul3A_502 = vector.broadcast %squeeze3A : f32 to vector<16xf32>
        %mul3A_503 = arith.mulf %get3A_501, %mul3A_502 : vector<16xf32>
        %add3A_504 = arith.addf %get3A_11, %mul3A_503 : vector<16xf32>
        %slice3A_505 = vector.extract_strided_slice %get3A_472 {offsets = [1], sizes = [1], strides = [1]} : vector<16xf32> to vector<1xf32>
        %squeeze3A_506 = vector.extract %slice3A_505[0] : f32 from vector<1xf32>
        %add3A_507 = arith.constant 0 : i32
        %add3A_508 = arith.addi %add3A_466, %add3A_507 : i32
        %add3A_509 = arith.constant 1 : i32
        %add3A_510 = arith.addi %add3A_508, %add3A_509 : i32
        %get3A_511 = arith.index_cast %add3A_510 : i32 to index
        %get3A_512 = arith.constant 0 : index
        %get3A_513 = tpu.vector_load %arg9[%get3A_511, %get3A_512] {strides = array<i32>} : memref<800x128xf32, #tpu.memory_space<vmem>>, vector<1x16xf32>,
        %get3A_514 = vector.shape_cast %get3A_513 : vector<1x16xf32> to vector<16xf32>
        %mul3A_515 = vector.broadcast %squeeze3A_506 : f32 to vector<16xf32>
        %mul3A_516 = arith.mulf %get3A_514, %mul3A_515 : vector<16xf32>
        %add3A_517 = arith.addf %add3A_483, %mul3A_516 : vector<16xf32>
        %get3A_518 = arith.index_cast %add3A_510 : i32 to index
        %get3A_519 = arith.constant 16 : index
        %get3A_520 = tpu.vector_load %arg9[%get3A_518, %get3A_519] {strides = array<i32>} : memref<800x128xf32, #tpu.memory_space<vmem>>, vector<1x16xf32>,
        %get3A_521 = vector.shape_cast %get3A_520 : vector<1x16xf32> to vector<16xf32>
        %mul3A_522 = vector.broadcast %squeeze3A_506 : f32 to vector<16xf32>
        %mul3A_523 = arith.mulf %get3A_521, %mul3A_522 : vector<16xf32>
        %add3A_524 = arith.addf %add3A_490, %mul3A_523 : vector<16xf32>
        %get3A_525 = arith.index_cast %add3A_510 : i32 to index
        %get3A_526 = arith.constant 32 : index
        %get3A_527 = tpu.vector_load %arg9[%get3A_525, %get3A_526] {strides = array<i32>} : memref<800x128xf32, #tpu.memory_space<vmem>>, vector<1x16xf32>,
        %get3A_528 = vector.shape_cast %get3A_527 : vector<1x16xf32> to vector<16xf32>
        %mul3A_529 = vector.broadcast %squeeze3A_506 : f32 to vector<16xf32>
        %mul3A_530 = arith.mulf %get3A_528, %mul3A_529 : vector<16xf32>
        %add3A_531 = arith.addf %add3A_497, %mul3A_530 : vector<16xf32>
        %get3A_532 = arith.index_cast %add3A_510 : i32 to index
        %get3A_533 = arith.constant 48 : index
        %get3A_534 = tpu.vector_load %arg9[%get3A_532, %get3A_533] {strides = array<i32>} : memref<800x128xf32, #tpu.memory_space<vmem>>, vector<1x16xf32>,
        %get3A_535 = vector.shape_cast %get3A_534 : vector<1x16xf32> to vector<16xf32>
        %mul3A_536 = vector.broadcast %squeeze3A_506 : f32 to vector<16xf32>
        %mul3A_537 = arith.mulf %get3A_535, %mul3A_536 : vector<16xf32>
        %add3A_538 = arith.addf %add3A_504, %mul3A_537 : vector<16xf32>
        %slice3A_539 = vector.extract_strided_slice %get3A_472 {offsets = [2], sizes = [1], strides = [1]} : vector<16xf32> to vector<1xf32>
        %squeeze3A_540 = vector.extract %slice3A_539[0] : f32 from vector<1xf32>
        %add3A_541 = arith.constant 0 : i32
        %add3A_542 = arith.addi %add3A_466, %add3A_541 : i32
        %add3A_543 = arith.constant 2 : i32
        %add3A_544 = arith.addi %add3A_542, %add3A_543 : i32
        %get3A_545 = arith.index_cast %add3A_544 : i32 to index
        %get3A_546 = arith.constant 0 : index
        %get3A_547 = tpu.vector_load %arg9[%get3A_545, %get3A_546] {strides = array<i32>} : memref<800x128xf32, #tpu.memory_space<vmem>>, vector<1x16xf32>,
        %get3A_548 = vector.shape_cast %get3A_547 : vector<1x16xf32> to vector<16xf32>
        %mul3A_549 = vector.broadcast %squeeze3A_540 : f32 to vector<16xf32>
        %mul3A_550 = arith.mulf %get3A_548, %mul3A_549 : vector<16xf32>
        %add3A_551 = arith.addf %add3A_517, %mul3A_550 : vector<16xf32>
        %get3A_552 = arith.index_cast %add3A_544 : i32 to index
        %get3A_553 = arith.constant 16 : index
        %get3A_554 = tpu.vector_load %arg9[%get3A_552, %get3A_553] {strides = array<i32>} : memref<800x128xf32, #tpu.memory_space<vmem>>, vector<1x16xf32>,
        %get3A_555 = vector.shape_cast %get3A_554 : vector<1x16xf32> to vector<16xf32>
        %mul3A_556 = vector.broadcast %squeeze3A_540 : f32 to vector<16xf32>
        %mul3A_557 = arith.mulf %get3A_555, %mul3A_556 : vector<16xf32>
        %add3A_558 = arith.addf %add3A_524, %mul3A_557 : vector<16xf32>
        %get3A_559 = arith.index_cast %add3A_544 : i32 to index
        %get3A_560 = arith.constant 32 : index
        %get3A_561 = tpu.vector_load %arg9[%get3A_559, %get3A_560] {strides = array<i32>} : memref<800x128xf32, #tpu.memory_space<vmem>>, vector<1x16xf32>,
        %get3A_562 = vector.shape_cast %get3A_561 : vector<1x16xf32> to vector<16xf32>
        %mul3A_563 = vector.broadcast %squeeze3A_540 : f32 to vector<16xf32>
        %mul3A_564 = arith.mulf %get3A_562, %mul3A_563 : vector<16xf32>
        %add3A_565 = arith.addf %add3A_531, %mul3A_564 : vector<16xf32>
        %get3A_566 = arith.index_cast %add3A_544 : i32 to index
        %get3A_567 = arith.constant 48 : index
        %get3A_568 = tpu.vector_load %arg9[%get3A_566, %get3A_567] {strides = array<i32>} : memref<800x128xf32, #tpu.memory_space<vmem>>, vector<1x16xf32>,
        %get3A_569 = vector.shape_cast %get3A_568 : vector<1x16xf32> to vector<16xf32>
        %mul3A_570 = vector.broadcast %squeeze3A_540 : f32 to vector<16xf32>
        %mul3A_571 = arith.mulf %get3A_569, %mul3A_570 : vector<16xf32>
        %add3A_572 = arith.addf %add3A_538, %mul3A_571 : vector<16xf32>
        %slice3A_573 = vector.extract_strided_slice %get3A_472 {offsets = [3], sizes = [1], strides = [1]} : vector<16xf32> to vector<1xf32>
        %squeeze3A_574 = vector.extract %slice3A_573[0] : f32 from vector<1xf32>
        %add3A_575 = arith.constant 0 : i32
        %add3A_576 = arith.addi %add3A_466, %add3A_575 : i32
        %add3A_577 = arith.constant 3 : i32
        %add3A_578 = arith.addi %add3A_576, %add3A_577 : i32
        %get3A_579 = arith.index_cast %add3A_578 : i32 to index
        %get3A_580 = arith.constant 0 : index
        %get3A_581 = tpu.vector_load %arg9[%get3A_579, %get3A_580] {strides = array<i32>} : memref<800x128xf32, #tpu.memory_space<vmem>>, vector<1x16xf32>,
        %get3A_582 = vector.shape_cast %get3A_581 : vector<1x16xf32> to vector<16xf32>
        %mul3A_583 = vector.broadcast %squeeze3A_574 : f32 to vector<16xf32>
        %mul3A_584 = arith.mulf %get3A_582, %mul3A_583 : vector<16xf32>
        %add3A_585 = arith.addf %add3A_551, %mul3A_584 : vector<16xf32>
        %get3A_586 = arith.index_cast %add3A_578 : i32 to index
        %get3A_587 = arith.constant 16 : index
        %get3A_588 = tpu.vector_load %arg9[%get3A_586, %get3A_587] {strides = array<i32>} : memref<800x128xf32, #tpu.memory_space<vmem>>, vector<1x16xf32>,
        %get3A_589 = vector.shape_cast %get3A_588 : vector<1x16xf32> to vector<16xf32>
        %mul3A_590 = vector.broadcast %squeeze3A_574 : f32 to vector<16xf32>
        %mul3A_591 = arith.mulf %get3A_589, %mul3A_590 : vector<16xf32>
        %add3A_592 = arith.addf %add3A_558, %mul3A_591 : vector<16xf32>
        %get3A_593 = arith.index_cast %add3A_578 : i32 to index
        %get3A_594 = arith.constant 32 : index
        %get3A_595 = tpu.vector_load %arg9[%get3A_593, %get3A_594] {strides = array<i32>} : memref<800x128xf32, #tpu.memory_space<vmem>>, vector<1x16xf32>,
        %get3A_596 = vector.shape_cast %get3A_595 : vector<1x16xf32> to vector<16xf32>
        %mul3A_597 = vector.broadcast %squeeze3A_574 : f32 to vector<16xf32>
        %mul3A_598 = arith.mulf %get3A_596, %mul3A_597 : vector<16xf32>
        %add3A_599 = arith.addf %add3A_565, %mul3A_598 : vector<16xf32>
        %get3A_600 = arith.index_cast %add3A_578 : i32 to index
        %get3A_601 = arith.constant 48 : index
        %get3A_602 = tpu.vector_load %arg9[%get3A_600, %get3A_601] {strides = array<i32>} : memref<800x128xf32, #tpu.memory_space<vmem>>, vector<1x16xf32>,
        %get3A_603 = vector.shape_cast %get3A_602 : vector<1x16xf32> to vector<16xf32>
        %mul3A_604 = vector.broadcast %squeeze3A_574 : f32 to vector<16xf32>
        %mul3A_605 = arith.mulf %get3A_603, %mul3A_604 : vector<16xf32>
        %add3A_606 = arith.addf %add3A_572, %mul3A_605 : vector<16xf32>
        %slice3A_607 = vector.extract_strided_slice %get3A_472 {offsets = [4], sizes = [1], strides = [1]} : vector<16xf32> to vector<1xf32>
        %squeeze3A_608 = vector.extract %slice3A_607[0] : f32 from vector<1xf32>
        %add3A_609 = arith.constant 0 : i32
        %add3A_610 = arith.addi %add3A_466, %add3A_609 : i32
        %add3A_611 = arith.constant 4 : i32
        %add3A_612 = arith.addi %add3A_610, %add3A_611 : i32
        %get3A_613 = arith.index_cast %add3A_612 : i32 to index
        %get3A_614 = arith.constant 0 : index
        %get3A_615 = tpu.vector_load %arg9[%get3A_613, %get3A_614] {strides = array<i32>} : memref<800x128xf32, #tpu.memory_space<vmem>>, vector<1x16xf32>,
        %get3A_616 = vector.shape_cast %get3A_615 : vector<1x16xf32> to vector<16xf32>
        %mul3A_617 = vector.broadcast %squeeze3A_608 : f32 to vector<16xf32>
        %mul3A_618 = arith.mulf %get3A_616, %mul3A_617 : vector<16xf32>
        %add3A_619 = arith.addf %add3A_585, %mul3A_618 : vector<16xf32>
        %get3A_620 = arith.index_cast %add3A_612 : i32 to index
        %get3A_621 = arith.constant 16 : index
        %get3A_622 = tpu.vector_load %arg9[%get3A_620, %get3A_621] {strides = array<i32>} : memref<800x128xf32, #tpu.memory_space<vmem>>, vector<1x16xf32>,
        %get3A_623 = vector.shape_cast %get3A_622 : vector<1x16xf32> to vector<16xf32>
        %mul3A_624 = vector.broadcast %squeeze3A_608 : f32 to vector<16xf32>
        %mul3A_625 = arith.mulf %get3A_623, %mul3A_624 : vector<16xf32>
        %add3A_626 = arith.addf %add3A_592, %mul3A_625 : vector<16xf32>
        %get3A_627 = arith.index_cast %add3A_612 : i32 to index
        %get3A_628 = arith.constant 32 : index
        %get3A_629 = tpu.vector_load %arg9[%get3A_627, %get3A_628] {strides = array<i32>} : memref<800x128xf32, #tpu.memory_space<vmem>>, vector<1x16xf32>,
        %get3A_630 = vector.shape_cast %get3A_629 : vector<1x16xf32> to vector<16xf32>
        %mul3A_631 = vector.broadcast %squeeze3A_608 : f32 to vector<16xf32>
        %mul3A_632 = arith.mulf %get3A_630, %mul3A_631 : vector<16xf32>
        %add3A_633 = arith.addf %add3A_599, %mul3A_632 : vector<16xf32>
        %get3A_634 = arith.index_cast %add3A_612 : i32 to index
        %get3A_635 = arith.constant 48 : index
        %get3A_636 = tpu.vector_load %arg9[%get3A_634, %get3A_635] {strides = array<i32>} : memref<800x128xf32, #tpu.memory_space<vmem>>, vector<1x16xf32>,
        %get3A_637 = vector.shape_cast %get3A_636 : vector<1x16xf32> to vector<16xf32>
        %mul3A_638 = vector.broadcast %squeeze3A_608 : f32 to vector<16xf32>
        %mul3A_639 = arith.mulf %get3A_637, %mul3A_638 : vector<16xf32>
        %add3A_640 = arith.addf %add3A_606, %mul3A_639 : vector<16xf32>
        %slice3A_641 = vector.extract_strided_slice %get3A_472 {offsets = [5], sizes = [1], strides = [1]} : vector<16xf32> to vector<1xf32>
        %squeeze3A_642 = vector.extract %slice3A_641[0] : f32 from vector<1xf32>
        %add3A_643 = arith.constant 0 : i32
        %add3A_644 = arith.addi %add3A_466, %add3A_643 : i32
        %add3A_645 = arith.constant 5 : i32
        %add3A_646 = arith.addi %add3A_644, %add3A_645 : i32
        %get3A_647 = arith.index_cast %add3A_646 : i32 to index
        %get3A_648 = arith.constant 0 : index
        %get3A_649 = tpu.vector_load %arg9[%get3A_647, %get3A_648] {strides = array<i32>} : memref<800x128xf32, #tpu.memory_space<vmem>>, vector<1x16xf32>,
        %get3A_650 = vector.shape_cast %get3A_649 : vector<1x16xf32> to vector<16xf32>
        %mul3A_651 = vector.broadcast %squeeze3A_642 : f32 to vector<16xf32>
        %mul3A_652 = arith.mulf %get3A_650, %mul3A_651 : vector<16xf32>
        %add3A_653 = arith.addf %add3A_619, %mul3A_652 : vector<16xf32>
        %get3A_654 = arith.index_cast %add3A_646 : i32 to index
        %get3A_655 = arith.constant 16 : index
        %get3A_656 = tpu.vector_load %arg9[%get3A_654, %get3A_655] {strides = array<i32>} : memref<800x128xf32, #tpu.memory_space<vmem>>, vector<1x16xf32>,
        %get3A_657 = vector.shape_cast %get3A_656 : vector<1x16xf32> to vector<16xf32>
        %mul3A_658 = vector.broadcast %squeeze3A_642 : f32 to vector<16xf32>
        %mul3A_659 = arith.mulf %get3A_657, %mul3A_658 : vector<16xf32>
        %add3A_660 = arith.addf %add3A_626, %mul3A_659 : vector<16xf32>
        %get3A_661 = arith.index_cast %add3A_646 : i32 to index
        %get3A_662 = arith.constant 32 : index
        %get3A_663 = tpu.vector_load %arg9[%get3A_661, %get3A_662] {strides = array<i32>} : memref<800x128xf32, #tpu.memory_space<vmem>>, vector<1x16xf32>,
        %get3A_664 = vector.shape_cast %get3A_663 : vector<1x16xf32> to vector<16xf32>
        %mul3A_665 = vector.broadcast %squeeze3A_642 : f32 to vector<16xf32>
        %mul3A_666 = arith.mulf %get3A_664, %mul3A_665 : vector<16xf32>
        %add3A_667 = arith.addf %add3A_633, %mul3A_666 : vector<16xf32>
        %get3A_668 = arith.index_cast %add3A_646 : i32 to index
        %get3A_669 = arith.constant 48 : index
        %get3A_670 = tpu.vector_load %arg9[%get3A_668, %get3A_669] {strides = array<i32>} : memref<800x128xf32, #tpu.memory_space<vmem>>, vector<1x16xf32>,
        %get3A_671 = vector.shape_cast %get3A_670 : vector<1x16xf32> to vector<16xf32>
        %mul3A_672 = vector.broadcast %squeeze3A_642 : f32 to vector<16xf32>
        %mul3A_673 = arith.mulf %get3A_671, %mul3A_672 : vector<16xf32>
        %add3A_674 = arith.addf %add3A_640, %mul3A_673 : vector<16xf32>
        %slice3A_675 = vector.extract_strided_slice %get3A_472 {offsets = [6], sizes = [1], strides = [1]} : vector<16xf32> to vector<1xf32>
        %squeeze3A_676 = vector.extract %slice3A_675[0] : f32 from vector<1xf32>
        %add3A_677 = arith.constant 0 : i32
        %add3A_678 = arith.addi %add3A_466, %add3A_677 : i32
        %add3A_679 = arith.constant 6 : i32
        %add3A_680 = arith.addi %add3A_678, %add3A_679 : i32
        %get3A_681 = arith.index_cast %add3A_680 : i32 to index
        %get3A_682 = arith.constant 0 : index
        %get3A_683 = tpu.vector_load %arg9[%get3A_681, %get3A_682] {strides = array<i32>} : memref<800x128xf32, #tpu.memory_space<vmem>>, vector<1x16xf32>,
        %get3A_684 = vector.shape_cast %get3A_683 : vector<1x16xf32> to vector<16xf32>
        %mul3A_685 = vector.broadcast %squeeze3A_676 : f32 to vector<16xf32>
        %mul3A_686 = arith.mulf %get3A_684, %mul3A_685 : vector<16xf32>
        %add3A_687 = arith.addf %add3A_653, %mul3A_686 : vector<16xf32>
        %get3A_688 = arith.index_cast %add3A_680 : i32 to index
        %get3A_689 = arith.constant 16 : index
        %get3A_690 = tpu.vector_load %arg9[%get3A_688, %get3A_689] {strides = array<i32>} : memref<800x128xf32, #tpu.memory_space<vmem>>, vector<1x16xf32>,
        %get3A_691 = vector.shape_cast %get3A_690 : vector<1x16xf32> to vector<16xf32>
        %mul3A_692 = vector.broadcast %squeeze3A_676 : f32 to vector<16xf32>
        %mul3A_693 = arith.mulf %get3A_691, %mul3A_692 : vector<16xf32>
        %add3A_694 = arith.addf %add3A_660, %mul3A_693 : vector<16xf32>
        %get3A_695 = arith.index_cast %add3A_680 : i32 to index
        %get3A_696 = arith.constant 32 : index
        %get3A_697 = tpu.vector_load %arg9[%get3A_695, %get3A_696] {strides = array<i32>} : memref<800x128xf32, #tpu.memory_space<vmem>>, vector<1x16xf32>,
        %get3A_698 = vector.shape_cast %get3A_697 : vector<1x16xf32> to vector<16xf32>
        %mul3A_699 = vector.broadcast %squeeze3A_676 : f32 to vector<16xf32>
        %mul3A_700 = arith.mulf %get3A_698, %mul3A_699 : vector<16xf32>
        %add3A_701 = arith.addf %add3A_667, %mul3A_700 : vector<16xf32>
        %get3A_702 = arith.index_cast %add3A_680 : i32 to index
        %get3A_703 = arith.constant 48 : index
        %get3A_704 = tpu.vector_load %arg9[%get3A_702, %get3A_703] {strides = array<i32>} : memref<800x128xf32, #tpu.memory_space<vmem>>, vector<1x16xf32>,
        %get3A_705 = vector.shape_cast %get3A_704 : vector<1x16xf32> to vector<16xf32>
        %mul3A_706 = vector.broadcast %squeeze3A_676 : f32 to vector<16xf32>
        %mul3A_707 = arith.mulf %get3A_705, %mul3A_706 : vector<16xf32>
        %add3A_708 = arith.addf %add3A_674, %mul3A_707 : vector<16xf32>
        %slice3A_709 = vector.extract_strided_slice %get3A_472 {offsets = [7], sizes = [1], strides = [1]} : vector<16xf32> to vector<1xf32>
        %squeeze3A_710 = vector.extract %slice3A_709[0] : f32 from vector<1xf32>
        %add3A_711 = arith.constant 0 : i32
        %add3A_712 = arith.addi %add3A_466, %add3A_711 : i32
        %add3A_713 = arith.constant 7 : i32
        %add3A_714 = arith.addi %add3A_712, %add3A_713 : i32
        %get3A_715 = arith.index_cast %add3A_714 : i32 to index
        %get3A_716 = arith.constant 0 : index
        %get3A_717 = tpu.vector_load %arg9[%get3A_715, %get3A_716] {strides = array<i32>} : memref<800x128xf32, #tpu.memory_space<vmem>>, vector<1x16xf32>,
        %get3A_718 = vector.shape_cast %get3A_717 : vector<1x16xf32> to vector<16xf32>
        %mul3A_719 = vector.broadcast %squeeze3A_710 : f32 to vector<16xf32>
        %mul3A_720 = arith.mulf %get3A_718, %mul3A_719 : vector<16xf32>
        %add3A_721 = arith.addf %add3A_687, %mul3A_720 : vector<16xf32>
        %get3A_722 = arith.index_cast %add3A_714 : i32 to index
        %get3A_723 = arith.constant 16 : index
        %get3A_724 = tpu.vector_load %arg9[%get3A_722, %get3A_723] {strides = array<i32>} : memref<800x128xf32, #tpu.memory_space<vmem>>, vector<1x16xf32>,
        %get3A_725 = vector.shape_cast %get3A_724 : vector<1x16xf32> to vector<16xf32>
        %mul3A_726 = vector.broadcast %squeeze3A_710 : f32 to vector<16xf32>
        %mul3A_727 = arith.mulf %get3A_725, %mul3A_726 : vector<16xf32>
        %add3A_728 = arith.addf %add3A_694, %mul3A_727 : vector<16xf32>
        %get3A_729 = arith.index_cast %add3A_714 : i32 to index
        %get3A_730 = arith.constant 32 : index
        %get3A_731 = tpu.vector_load %arg9[%get3A_729, %get3A_730] {strides = array<i32>} : memref<800x128xf32, #tpu.memory_space<vmem>>, vector<1x16xf32>,
        %get3A_732 = vector.shape_cast %get3A_731 : vector<1x16xf32> to vector<16xf32>
        %mul3A_733 = vector.broadcast %squeeze3A_710 : f32 to vector<16xf32>
        %mul3A_734 = arith.mulf %get3A_732, %mul3A_733 : vector<16xf32>
        %add3A_735 = arith.addf %add3A_701, %mul3A_734 : vector<16xf32>
        %get3A_736 = arith.index_cast %add3A_714 : i32 to index
        %get3A_737 = arith.constant 48 : index
        %get3A_738 = tpu.vector_load %arg9[%get3A_736, %get3A_737] {strides = array<i32>} : memref<800x128xf32, #tpu.memory_space<vmem>>, vector<1x16xf32>,
        %get3A_739 = vector.shape_cast %get3A_738 : vector<1x16xf32> to vector<16xf32>
        %mul3A_740 = vector.broadcast %squeeze3A_710 : f32 to vector<16xf32>
        %mul3A_741 = arith.mulf %get3A_739, %mul3A_740 : vector<16xf32>
        %add3A_742 = arith.addf %add3A_708, %mul3A_741 : vector<16xf32>
        %slice3A_743 = vector.extract_strided_slice %get3A_472 {offsets = [8], sizes = [1], strides = [1]} : vector<16xf32> to vector<1xf32>
        %squeeze3A_744 = vector.extract %slice3A_743[0] : f32 from vector<1xf32>
        %add3A_745 = arith.constant 0 : i32
        %add3A_746 = arith.addi %add3A_466, %add3A_745 : i32
        %add3A_747 = arith.constant 8 : i32
        %add3A_748 = arith.addi %add3A_746, %add3A_747 : i32
        %get3A_749 = arith.index_cast %add3A_748 : i32 to index
        %get3A_750 = arith.constant 0 : index
        %get3A_751 = tpu.vector_load %arg9[%get3A_749, %get3A_750] {strides = array<i32>} : memref<800x128xf32, #tpu.memory_space<vmem>>, vector<1x16xf32>,
        %get3A_752 = vector.shape_cast %get3A_751 : vector<1x16xf32> to vector<16xf32>
        %mul3A_753 = vector.broadcast %squeeze3A_744 : f32 to vector<16xf32>
        %mul3A_754 = arith.mulf %get3A_752, %mul3A_753 : vector<16xf32>
        %add3A_755 = arith.addf %add3A_721, %mul3A_754 : vector<16xf32>
        %get3A_756 = arith.index_cast %add3A_748 : i32 to index
        %get3A_757 = arith.constant 16 : index
        %get3A_758 = tpu.vector_load %arg9[%get3A_756, %get3A_757] {strides = array<i32>} : memref<800x128xf32, #tpu.memory_space<vmem>>, vector<1x16xf32>,
        %get3A_759 = vector.shape_cast %get3A_758 : vector<1x16xf32> to vector<16xf32>
        %mul3A_760 = vector.broadcast %squeeze3A_744 : f32 to vector<16xf32>
        %mul3A_761 = arith.mulf %get3A_759, %mul3A_760 : vector<16xf32>
        %add3A_762 = arith.addf %add3A_728, %mul3A_761 : vector<16xf32>
        %get3A_763 = arith.index_cast %add3A_748 : i32 to index
        %get3A_764 = arith.constant 32 : index
        %get3A_765 = tpu.vector_load %arg9[%get3A_763, %get3A_764] {strides = array<i32>} : memref<800x128xf32, #tpu.memory_space<vmem>>, vector<1x16xf32>,
        %get3A_766 = vector.shape_cast %get3A_765 : vector<1x16xf32> to vector<16xf32>
        %mul3A_767 = vector.broadcast %squeeze3A_744 : f32 to vector<16xf32>
        %mul3A_768 = arith.mulf %get3A_766, %mul3A_767 : vector<16xf32>
        %add3A_769 = arith.addf %add3A_735, %mul3A_768 : vector<16xf32>
        %get3A_770 = arith.index_cast %add3A_748 : i32 to index
        %get3A_771 = arith.constant 48 : index
        %get3A_772 = tpu.vector_load %arg9[%get3A_770, %get3A_771] {strides = array<i32>} : memref<800x128xf32, #tpu.memory_space<vmem>>, vector<1x16xf32>,
        %get3A_773 = vector.shape_cast %get3A_772 : vector<1x16xf32> to vector<16xf32>
        %mul3A_774 = vector.broadcast %squeeze3A_744 : f32 to vector<16xf32>
        %mul3A_775 = arith.mulf %get3A_773, %mul3A_774 : vector<16xf32>
        %add3A_776 = arith.addf %add3A_742, %mul3A_775 : vector<16xf32>
        %slice3A_777 = vector.extract_strided_slice %get3A_472 {offsets = [9], sizes = [1], strides = [1]} : vector<16xf32> to vector<1xf32>
        %squeeze3A_778 = vector.extract %slice3A_777[0] : f32 from vector<1xf32>
        %add3A_779 = arith.constant 0 : i32
        %add3A_780 = arith.addi %add3A_466, %add3A_779 : i32
        %add3A_781 = arith.constant 9 : i32
        %add3A_782 = arith.addi %add3A_780, %add3A_781 : i32
        %get3A_783 = arith.index_cast %add3A_782 : i32 to index
        %get3A_784 = arith.constant 0 : index
        %get3A_785 = tpu.vector_load %arg9[%get3A_783, %get3A_784] {strides = array<i32>} : memref<800x128xf32, #tpu.memory_space<vmem>>, vector<1x16xf32>,
        %get3A_786 = vector.shape_cast %get3A_785 : vector<1x16xf32> to vector<16xf32>
        %mul3A_787 = vector.broadcast %squeeze3A_778 : f32 to vector<16xf32>
        %mul3A_788 = arith.mulf %get3A_786, %mul3A_787 : vector<16xf32>
        %add3A_789 = arith.addf %add3A_755, %mul3A_788 : vector<16xf32>
        %get3A_790 = arith.index_cast %add3A_782 : i32 to index
        %get3A_791 = arith.constant 16 : index
        %get3A_792 = tpu.vector_load %arg9[%get3A_790, %get3A_791] {strides = array<i32>} : memref<800x128xf32, #tpu.memory_space<vmem>>, vector<1x16xf32>,
        %get3A_793 = vector.shape_cast %get3A_792 : vector<1x16xf32> to vector<16xf32>
        %mul3A_794 = vector.broadcast %squeeze3A_778 : f32 to vector<16xf32>
        %mul3A_795 = arith.mulf %get3A_793, %mul3A_794 : vector<16xf32>
        %add3A_796 = arith.addf %add3A_762, %mul3A_795 : vector<16xf32>
        %get3A_797 = arith.index_cast %add3A_782 : i32 to index
        %get3A_798 = arith.constant 32 : index
        %get3A_799 = tpu.vector_load %arg9[%get3A_797, %get3A_798] {strides = array<i32>} : memref<800x128xf32, #tpu.memory_space<vmem>>, vector<1x16xf32>,
        %get3A_800 = vector.shape_cast %get3A_799 : vector<1x16xf32> to vector<16xf32>
        %mul3A_801 = vector.broadcast %squeeze3A_778 : f32 to vector<16xf32>
        %mul3A_802 = arith.mulf %get3A_800, %mul3A_801 : vector<16xf32>
        %add3A_803 = arith.addf %add3A_769, %mul3A_802 : vector<16xf32>
        %get3A_804 = arith.index_cast %add3A_782 : i32 to index
        %get3A_805 = arith.constant 48 : index
        %get3A_806 = tpu.vector_load %arg9[%get3A_804, %get3A_805] {strides = array<i32>} : memref<800x128xf32, #tpu.memory_space<vmem>>, vector<1x16xf32>,
        %get3A_807 = vector.shape_cast %get3A_806 : vector<1x16xf32> to vector<16xf32>
        %mul3A_808 = vector.broadcast %squeeze3A_778 : f32 to vector<16xf32>
        %mul3A_809 = arith.mulf %get3A_807, %mul3A_808 : vector<16xf32>
        %add3A_810 = arith.addf %add3A_776, %mul3A_809 : vector<16xf32>
        %slice3A_811 = vector.extract_strided_slice %get3A_472 {offsets = [10], sizes = [1], strides = [1]} : vector<16xf32> to vector<1xf32>
        %squeeze3A_812 = vector.extract %slice3A_811[0] : f32 from vector<1xf32>
        %add3A_813 = arith.constant 0 : i32
        %add3A_814 = arith.addi %add3A_466, %add3A_813 : i32
        %add3A_815 = arith.constant 10 : i32
        %add3A_816 = arith.addi %add3A_814, %add3A_815 : i32
        %get3A_817 = arith.index_cast %add3A_816 : i32 to index
        %get3A_818 = arith.constant 0 : index
        %get3A_819 = tpu.vector_load %arg9[%get3A_817, %get3A_818] {strides = array<i32>} : memref<800x128xf32, #tpu.memory_space<vmem>>, vector<1x16xf32>,
        %get3A_820 = vector.shape_cast %get3A_819 : vector<1x16xf32> to vector<16xf32>
        %mul3A_821 = vector.broadcast %squeeze3A_812 : f32 to vector<16xf32>
        %mul3A_822 = arith.mulf %get3A_820, %mul3A_821 : vector<16xf32>
        %add3A_823 = arith.addf %add3A_789, %mul3A_822 : vector<16xf32>
        %get3A_824 = arith.index_cast %add3A_816 : i32 to index
        %get3A_825 = arith.constant 16 : index
        %get3A_826 = tpu.vector_load %arg9[%get3A_824, %get3A_825] {strides = array<i32>} : memref<800x128xf32, #tpu.memory_space<vmem>>, vector<1x16xf32>,
        %get3A_827 = vector.shape_cast %get3A_826 : vector<1x16xf32> to vector<16xf32>
        %mul3A_828 = vector.broadcast %squeeze3A_812 : f32 to vector<16xf32>
        %mul3A_829 = arith.mulf %get3A_827, %mul3A_828 : vector<16xf32>
        %add3A_830 = arith.addf %add3A_796, %mul3A_829 : vector<16xf32>
        %get3A_831 = arith.index_cast %add3A_816 : i32 to index
        %get3A_832 = arith.constant 32 : index
        %get3A_833 = tpu.vector_load %arg9[%get3A_831, %get3A_832] {strides = array<i32>} : memref<800x128xf32, #tpu.memory_space<vmem>>, vector<1x16xf32>,
        %get3A_834 = vector.shape_cast %get3A_833 : vector<1x16xf32> to vector<16xf32>
        %mul3A_835 = vector.broadcast %squeeze3A_812 : f32 to vector<16xf32>
        %mul3A_836 = arith.mulf %get3A_834, %mul3A_835 : vector<16xf32>
        %add3A_837 = arith.addf %add3A_803, %mul3A_836 : vector<16xf32>
        %get3A_838 = arith.index_cast %add3A_816 : i32 to index
        %get3A_839 = arith.constant 48 : index
        %get3A_840 = tpu.vector_load %arg9[%get3A_838, %get3A_839] {strides = array<i32>} : memref<800x128xf32, #tpu.memory_space<vmem>>, vector<1x16xf32>,
        %get3A_841 = vector.shape_cast %get3A_840 : vector<1x16xf32> to vector<16xf32>
        %mul3A_842 = vector.broadcast %squeeze3A_812 : f32 to vector<16xf32>
        %mul3A_843 = arith.mulf %get3A_841, %mul3A_842 : vector<16xf32>
        %add3A_844 = arith.addf %add3A_810, %mul3A_843 : vector<16xf32>
        %slice3A_845 = vector.extract_strided_slice %get3A_472 {offsets = [11], sizes = [1], strides = [1]} : vector<16xf32> to vector<1xf32>
        %squeeze3A_846 = vector.extract %slice3A_845[0] : f32 from vector<1xf32>
        %add3A_847 = arith.constant 0 : i32
        %add3A_848 = arith.addi %add3A_466, %add3A_847 : i32
        %add3A_849 = arith.constant 11 : i32
        %add3A_850 = arith.addi %add3A_848, %add3A_849 : i32
        %get3A_851 = arith.index_cast %add3A_850 : i32 to index
        %get3A_852 = arith.constant 0 : index
        %get3A_853 = tpu.vector_load %arg9[%get3A_851, %get3A_852] {strides = array<i32>} : memref<800x128xf32, #tpu.memory_space<vmem>>, vector<1x16xf32>,
        %get3A_854 = vector.shape_cast %get3A_853 : vector<1x16xf32> to vector<16xf32>
        %mul3A_855 = vector.broadcast %squeeze3A_846 : f32 to vector<16xf32>
        %mul3A_856 = arith.mulf %get3A_854, %mul3A_855 : vector<16xf32>
        %add3A_857 = arith.addf %add3A_823, %mul3A_856 : vector<16xf32>
        %get3A_858 = arith.index_cast %add3A_850 : i32 to index
        %get3A_859 = arith.constant 16 : index
        %get3A_860 = tpu.vector_load %arg9[%get3A_858, %get3A_859] {strides = array<i32>} : memref<800x128xf32, #tpu.memory_space<vmem>>, vector<1x16xf32>,
        %get3A_861 = vector.shape_cast %get3A_860 : vector<1x16xf32> to vector<16xf32>
        %mul3A_862 = vector.broadcast %squeeze3A_846 : f32 to vector<16xf32>
        %mul3A_863 = arith.mulf %get3A_861, %mul3A_862 : vector<16xf32>
        %add3A_864 = arith.addf %add3A_830, %mul3A_863 : vector<16xf32>
        %get3A_865 = arith.index_cast %add3A_850 : i32 to index
        %get3A_866 = arith.constant 32 : index
        %get3A_867 = tpu.vector_load %arg9[%get3A_865, %get3A_866] {strides = array<i32>} : memref<800x128xf32, #tpu.memory_space<vmem>>, vector<1x16xf32>,
        %get3A_868 = vector.shape_cast %get3A_867 : vector<1x16xf32> to vector<16xf32>
        %mul3A_869 = vector.broadcast %squeeze3A_846 : f32 to vector<16xf32>
        %mul3A_870 = arith.mulf %get3A_868, %mul3A_869 : vector<16xf32>
        %add3A_871 = arith.addf %add3A_837, %mul3A_870 : vector<16xf32>
        %get3A_872 = arith.index_cast %add3A_850 : i32 to index
        %get3A_873 = arith.constant 48 : index
        %get3A_874 = tpu.vector_load %arg9[%get3A_872, %get3A_873] {strides = array<i32>} : memref<800x128xf32, #tpu.memory_space<vmem>>, vector<1x16xf32>,
        %get3A_875 = vector.shape_cast %get3A_874 : vector<1x16xf32> to vector<16xf32>
        %mul3A_876 = vector.broadcast %squeeze3A_846 : f32 to vector<16xf32>
        %mul3A_877 = arith.mulf %get3A_875, %mul3A_876 : vector<16xf32>
        %add3A_878 = arith.addf %add3A_844, %mul3A_877 : vector<16xf32>
        %slice3A_879 = vector.extract_strided_slice %get3A_472 {offsets = [12], sizes = [1], strides = [1]} : vector<16xf32> to vector<1xf32>
        %squeeze3A_880 = vector.extract %slice3A_879[0] : f32 from vector<1xf32>
        %add3A_881 = arith.constant 0 : i32
        %add3A_882 = arith.addi %add3A_466, %add3A_881 : i32
        %add3A_883 = arith.constant 12 : i32
        %add3A_884 = arith.addi %add3A_882, %add3A_883 : i32
        %get3A_885 = arith.index_cast %add3A_884 : i32 to index
        %get3A_886 = arith.constant 0 : index
        %get3A_887 = tpu.vector_load %arg9[%get3A_885, %get3A_886] {strides = array<i32>} : memref<800x128xf32, #tpu.memory_space<vmem>>, vector<1x16xf32>,
        %get3A_888 = vector.shape_cast %get3A_887 : vector<1x16xf32> to vector<16xf32>
        %mul3A_889 = vector.broadcast %squeeze3A_880 : f32 to vector<16xf32>
        %mul3A_890 = arith.mulf %get3A_888, %mul3A_889 : vector<16xf32>
        %add3A_891 = arith.addf %add3A_857, %mul3A_890 : vector<16xf32>
        %get3A_892 = arith.index_cast %add3A_884 : i32 to index
        %get3A_893 = arith.constant 16 : index
        %get3A_894 = tpu.vector_load %arg9[%get3A_892, %get3A_893] {strides = array<i32>} : memref<800x128xf32, #tpu.memory_space<vmem>>, vector<1x16xf32>,
        %get3A_895 = vector.shape_cast %get3A_894 : vector<1x16xf32> to vector<16xf32>
        %mul3A_896 = vector.broadcast %squeeze3A_880 : f32 to vector<16xf32>
        %mul3A_897 = arith.mulf %get3A_895, %mul3A_896 : vector<16xf32>
        %add3A_898 = arith.addf %add3A_864, %mul3A_897 : vector<16xf32>
        %get3A_899 = arith.index_cast %add3A_884 : i32 to index
        %get3A_900 = arith.constant 32 : index
        %get3A_901 = tpu.vector_load %arg9[%get3A_899, %get3A_900] {strides = array<i32>} : memref<800x128xf32, #tpu.memory_space<vmem>>, vector<1x16xf32>,
        %get3A_902 = vector.shape_cast %get3A_901 : vector<1x16xf32> to vector<16xf32>
        %mul3A_903 = vector.broadcast %squeeze3A_880 : f32 to vector<16xf32>
        %mul3A_904 = arith.mulf %get3A_902, %mul3A_903 : vector<16xf32>
        %add3A_905 = arith.addf %add3A_871, %mul3A_904 : vector<16xf32>
        %get3A_906 = arith.index_cast %add3A_884 : i32 to index
        %get3A_907 = arith.constant 48 : index
        %get3A_908 = tpu.vector_load %arg9[%get3A_906, %get3A_907] {strides = array<i32>} : memref<800x128xf32, #tpu.memory_space<vmem>>, vector<1x16xf32>,
        %get3A_909 = vector.shape_cast %get3A_908 : vector<1x16xf32> to vector<16xf32>
        %mul3A_910 = vector.broadcast %squeeze3A_880 : f32 to vector<16xf32>
        %mul3A_911 = arith.mulf %get3A_909, %mul3A_910 : vector<16xf32>
        %add3A_912 = arith.addf %add3A_878, %mul3A_911 : vector<16xf32>
        %slice3A_913 = vector.extract_strided_slice %get3A_472 {offsets = [13], sizes = [1], strides = [1]} : vector<16xf32> to vector<1xf32>
        %squeeze3A_914 = vector.extract %slice3A_913[0] : f32 from vector<1xf32>
        %add3A_915 = arith.constant 0 : i32
        %add3A_916 = arith.addi %add3A_466, %add3A_915 : i32
        %add3A_917 = arith.constant 13 : i32
        %add3A_918 = arith.addi %add3A_916, %add3A_917 : i32
        %get3A_919 = arith.index_cast %add3A_918 : i32 to index
        %get3A_920 = arith.constant 0 : index
        %get3A_921 = tpu.vector_load %arg9[%get3A_919, %get3A_920] {strides = array<i32>} : memref<800x128xf32, #tpu.memory_space<vmem>>, vector<1x16xf32>,
        %get3A_922 = vector.shape_cast %get3A_921 : vector<1x16xf32> to vector<16xf32>
        %mul3A_923 = vector.broadcast %squeeze3A_914 : f32 to vector<16xf32>
        %mul3A_924 = arith.mulf %get3A_922, %mul3A_923 : vector<16xf32>
        %add3A_925 = arith.addf %add3A_891, %mul3A_924 : vector<16xf32>
        %get3A_926 = arith.index_cast %add3A_918 : i32 to index
        %get3A_927 = arith.constant 16 : index
        %get3A_928 = tpu.vector_load %arg9[%get3A_926, %get3A_927] {strides = array<i32>} : memref<800x128xf32, #tpu.memory_space<vmem>>, vector<1x16xf32>,
        %get3A_929 = vector.shape_cast %get3A_928 : vector<1x16xf32> to vector<16xf32>
        %mul3A_930 = vector.broadcast %squeeze3A_914 : f32 to vector<16xf32>
        %mul3A_931 = arith.mulf %get3A_929, %mul3A_930 : vector<16xf32>
        %add3A_932 = arith.addf %add3A_898, %mul3A_931 : vector<16xf32>
        %get3A_933 = arith.index_cast %add3A_918 : i32 to index
        %get3A_934 = arith.constant 32 : index
        %get3A_935 = tpu.vector_load %arg9[%get3A_933, %get3A_934] {strides = array<i32>} : memref<800x128xf32, #tpu.memory_space<vmem>>, vector<1x16xf32>,
        %get3A_936 = vector.shape_cast %get3A_935 : vector<1x16xf32> to vector<16xf32>
        %mul3A_937 = vector.broadcast %squeeze3A_914 : f32 to vector<16xf32>
        %mul3A_938 = arith.mulf %get3A_936, %mul3A_937 : vector<16xf32>
        %add3A_939 = arith.addf %add3A_905, %mul3A_938 : vector<16xf32>
        %get3A_940 = arith.index_cast %add3A_918 : i32 to index
        %get3A_941 = arith.constant 48 : index
        %get3A_942 = tpu.vector_load %arg9[%get3A_940, %get3A_941] {strides = array<i32>} : memref<800x128xf32, #tpu.memory_space<vmem>>, vector<1x16xf32>,
        %get3A_943 = vector.shape_cast %get3A_942 : vector<1x16xf32> to vector<16xf32>
        %mul3A_944 = vector.broadcast %squeeze3A_914 : f32 to vector<16xf32>
        %mul3A_945 = arith.mulf %get3A_943, %mul3A_944 : vector<16xf32>
        %add3A_946 = arith.addf %add3A_912, %mul3A_945 : vector<16xf32>
        %slice3A_947 = vector.extract_strided_slice %get3A_472 {offsets = [14], sizes = [1], strides = [1]} : vector<16xf32> to vector<1xf32>
        %squeeze3A_948 = vector.extract %slice3A_947[0] : f32 from vector<1xf32>
        %add3A_949 = arith.constant 0 : i32
        %add3A_950 = arith.addi %add3A_466, %add3A_949 : i32
        %add3A_951 = arith.constant 14 : i32
        %add3A_952 = arith.addi %add3A_950, %add3A_951 : i32
        %get3A_953 = arith.index_cast %add3A_952 : i32 to index
        %get3A_954 = arith.constant 0 : index
        %get3A_955 = tpu.vector_load %arg9[%get3A_953, %get3A_954] {strides = array<i32>} : memref<800x128xf32, #tpu.memory_space<vmem>>, vector<1x16xf32>,
        %get3A_956 = vector.shape_cast %get3A_955 : vector<1x16xf32> to vector<16xf32>
        %mul3A_957 = vector.broadcast %squeeze3A_948 : f32 to vector<16xf32>
        %mul3A_958 = arith.mulf %get3A_956, %mul3A_957 : vector<16xf32>
        %add3A_959 = arith.addf %add3A_925, %mul3A_958 : vector<16xf32>
        %get3A_960 = arith.index_cast %add3A_952 : i32 to index
        %get3A_961 = arith.constant 16 : index
        %get3A_962 = tpu.vector_load %arg9[%get3A_960, %get3A_961] {strides = array<i32>} : memref<800x128xf32, #tpu.memory_space<vmem>>, vector<1x16xf32>,
        %get3A_963 = vector.shape_cast %get3A_962 : vector<1x16xf32> to vector<16xf32>
        %mul3A_964 = vector.broadcast %squeeze3A_948 : f32 to vector<16xf32>
        %mul3A_965 = arith.mulf %get3A_963, %mul3A_964 : vector<16xf32>
        %add3A_966 = arith.addf %add3A_932, %mul3A_965 : vector<16xf32>
        %get3A_967 = arith.index_cast %add3A_952 : i32 to index
        %get3A_968 = arith.constant 32 : index
        %get3A_969 = tpu.vector_load %arg9[%get3A_967, %get3A_968] {strides = array<i32>} : memref<800x128xf32, #tpu.memory_space<vmem>>, vector<1x16xf32>,
        %get3A_970 = vector.shape_cast %get3A_969 : vector<1x16xf32> to vector<16xf32>
        %mul3A_971 = vector.broadcast %squeeze3A_948 : f32 to vector<16xf32>
        %mul3A_972 = arith.mulf %get3A_970, %mul3A_971 : vector<16xf32>
        %add3A_973 = arith.addf %add3A_939, %mul3A_972 : vector<16xf32>
        %get3A_974 = arith.index_cast %add3A_952 : i32 to index
        %get3A_975 = arith.constant 48 : index
        %get3A_976 = tpu.vector_load %arg9[%get3A_974, %get3A_975] {strides = array<i32>} : memref<800x128xf32, #tpu.memory_space<vmem>>, vector<1x16xf32>,
        %get3A_977 = vector.shape_cast %get3A_976 : vector<1x16xf32> to vector<16xf32>
        %mul3A_978 = vector.broadcast %squeeze3A_948 : f32 to vector<16xf32>
        %mul3A_979 = arith.mulf %get3A_977, %mul3A_978 : vector<16xf32>
        %add3A_980 = arith.addf %add3A_946, %mul3A_979 : vector<16xf32>
        %slice3A_981 = vector.extract_strided_slice %get3A_472 {offsets = [15], sizes = [1], strides = [1]} : vector<16xf32> to vector<1xf32>
        %squeeze3A_982 = vector.extract %slice3A_981[0] : f32 from vector<1xf32>
        %add3A_983 = arith.constant 0 : i32
        %add3A_984 = arith.addi %add3A_466, %add3A_983 : i32
        %add3A_985 = arith.constant 15 : i32
        %add3A_986 = arith.addi %add3A_984, %add3A_985 : i32
        %get3A_987 = arith.index_cast %add3A_986 : i32 to index
        %get3A_988 = arith.constant 0 : index
        %get3A_989 = tpu.vector_load %arg9[%get3A_987, %get3A_988] {strides = array<i32>} : memref<800x128xf32, #tpu.memory_space<vmem>>, vector<1x16xf32>,
        %get3A_990 = vector.shape_cast %get3A_989 : vector<1x16xf32> to vector<16xf32>
        %mul3A_991 = vector.broadcast %squeeze3A_982 : f32 to vector<16xf32>
        %mul3A_992 = arith.mulf %get3A_990, %mul3A_991 : vector<16xf32>
        %add3A_993 = arith.addf %add3A_959, %mul3A_992 : vector<16xf32>
        %get3A_994 = arith.index_cast %add3A_986 : i32 to index
        %get3A_995 = arith.constant 16 : index
        %get3A_996 = tpu.vector_load %arg9[%get3A_994, %get3A_995] {strides = array<i32>} : memref<800x128xf32, #tpu.memory_space<vmem>>, vector<1x16xf32>,
        %get3A_997 = vector.shape_cast %get3A_996 : vector<1x16xf32> to vector<16xf32>
        %mul3A_998 = vector.broadcast %squeeze3A_982 : f32 to vector<16xf32>
        %mul3A_999 = arith.mulf %get3A_997, %mul3A_998 : vector<16xf32>
        %add3A_1000 = arith.addf %add3A_966, %mul3A_999 : vector<16xf32>
        %get3A_1001 = arith.index_cast %add3A_986 : i32 to index
        %get3A_1002 = arith.constant 32 : index
        %get3A_1003 = tpu.vector_load %arg9[%get3A_1001, %get3A_1002] {strides = array<i32>} : memref<800x128xf32, #tpu.memory_space<vmem>>, vector<1x16xf32>,
        %get3A_1004 = vector.shape_cast %get3A_1003 : vector<1x16xf32> to vector<16xf32>
        %mul3A_1005 = vector.broadcast %squeeze3A_982 : f32 to vector<16xf32>
        %mul3A_1006 = arith.mulf %get3A_1004, %mul3A_1005 : vector<16xf32>
        %add3A_1007 = arith.addf %add3A_973, %mul3A_1006 : vector<16xf32>
        %get3A_1008 = arith.index_cast %add3A_986 : i32 to index
        %get3A_1009 = arith.constant 48 : index
        %get3A_1010 = tpu.vector_load %arg9[%get3A_1008, %get3A_1009] {strides = array<i32>} : memref<800x128xf32, #tpu.memory_space<vmem>>, vector<1x16xf32>,
        %get3A_1011 = vector.shape_cast %get3A_1010 : vector<1x16xf32> to vector<16xf32>
        %mul3A_1012 = vector.broadcast %squeeze3A_982 : f32 to vector<16xf32>
        %mul3A_1013 = arith.mulf %get3A_1011, %mul3A_1012 : vector<16xf32>
        %add3A_1014 = arith.addf %add3A_980, %mul3A_1013 : vector<16xf32>
        %get3A_1015 = arith.constant 1 : i32
        %get3A_1016 = arith.index_cast %get3A_1015 : i32 to index
        %get3A_1017 = arith.index_cast %scan3A_462 : i32 to index
        %get3A_1018 = arith.constant 16 : index
        %get3A_1019 = tpu.vector_load %arg8[%get3A_1016, %get3A_1017, %get3A_1018] {strides = array<i32>} : memref<2x8x64xf32, #tpu.memory_space<vmem>>, vector<1x1x16xf32>,
        %get3A_1020 = vector.shape_cast %get3A_1019 : vector<1x1x16xf32> to vector<16xf32>
        %slice3A_1021 = vector.extract_strided_slice %get3A_1020 {offsets = [0], sizes = [1], strides = [1]} : vector<16xf32> to vector<1xf32>
        %squeeze3A_1022 = vector.extract %slice3A_1021[0] : f32 from vector<1xf32>
        %add3A_1023 = arith.constant 16 : i32
        %add3A_1024 = arith.addi %add3A_466, %add3A_1023 : i32
        %add3A_1025 = arith.constant 0 : i32
        %add3A_1026 = arith.addi %add3A_1024, %add3A_1025 : i32
        %get3A_1027 = arith.index_cast %add3A_1026 : i32 to index
        %get3A_1028 = arith.constant 0 : index
        %get3A_1029 = tpu.vector_load %arg9[%get3A_1027, %get3A_1028] {strides = array<i32>} : memref<800x128xf32, #tpu.memory_space<vmem>>, vector<1x16xf32>,
        %get3A_1030 = vector.shape_cast %get3A_1029 : vector<1x16xf32> to vector<16xf32>
        %mul3A_1031 = vector.broadcast %squeeze3A_1022 : f32 to vector<16xf32>
        %mul3A_1032 = arith.mulf %get3A_1030, %mul3A_1031 : vector<16xf32>
        %add3A_1033 = arith.addf %add3A_993, %mul3A_1032 : vector<16xf32>
        %get3A_1034 = arith.index_cast %add3A_1026 : i32 to index
        %get3A_1035 = arith.constant 16 : index
        %get3A_1036 = tpu.vector_load %arg9[%get3A_1034, %get3A_1035] {strides = array<i32>} : memref<800x128xf32, #tpu.memory_space<vmem>>, vector<1x16xf32>,
        %get3A_1037 = vector.shape_cast %get3A_1036 : vector<1x16xf32> to vector<16xf32>
        %mul3A_1038 = vector.broadcast %squeeze3A_1022 : f32 to vector<16xf32>
        %mul3A_1039 = arith.mulf %get3A_1037, %mul3A_1038 : vector<16xf32>
        %add3A_1040 = arith.addf %add3A_1000, %mul3A_1039 : vector<16xf32>
        %get3A_1041 = arith.index_cast %add3A_1026 : i32 to index
        %get3A_1042 = arith.constant 32 : index
        %get3A_1043 = tpu.vector_load %arg9[%get3A_1041, %get3A_1042] {strides = array<i32>} : memref<800x128xf32, #tpu.memory_space<vmem>>, vector<1x16xf32>,
        %get3A_1044 = vector.shape_cast %get3A_1043 : vector<1x16xf32> to vector<16xf32>
        %mul3A_1045 = vector.broadcast %squeeze3A_1022 : f32 to vector<16xf32>
        %mul3A_1046 = arith.mulf %get3A_1044, %mul3A_1045 : vector<16xf32>
        %add3A_1047 = arith.addf %add3A_1007, %mul3A_1046 : vector<16xf32>
        %get3A_1048 = arith.index_cast %add3A_1026 : i32 to index
        %get3A_1049 = arith.constant 48 : index
        %get3A_1050 = tpu.vector_load %arg9[%get3A_1048, %get3A_1049] {strides = array<i32>} : memref<800x128xf32, #tpu.memory_space<vmem>>, vector<1x16xf32>,
        %get3A_1051 = vector.shape_cast %get3A_1050 : vector<1x16xf32> to vector<16xf32>
        %mul3A_1052 = vector.broadcast %squeeze3A_1022 : f32 to vector<16xf32>
        %mul3A_1053 = arith.mulf %get3A_1051, %mul3A_1052 : vector<16xf32>
        %add3A_1054 = arith.addf %add3A_1014, %mul3A_1053 : vector<16xf32>
        %slice3A_1055 = vector.extract_strided_slice %get3A_1020 {offsets = [1], sizes = [1], strides = [1]} : vector<16xf32> to vector<1xf32>
        %squeeze3A_1056 = vector.extract %slice3A_1055[0] : f32 from vector<1xf32>
        %add3A_1057 = arith.constant 16 : i32
        %add3A_1058 = arith.addi %add3A_466, %add3A_1057 : i32
        %add3A_1059 = arith.constant 1 : i32
        %add3A_1060 = arith.addi %add3A_1058, %add3A_1059 : i32
        %get3A_1061 = arith.index_cast %add3A_1060 : i32 to index
        %get3A_1062 = arith.constant 0 : index
        %get3A_1063 = tpu.vector_load %arg9[%get3A_1061, %get3A_1062] {strides = array<i32>} : memref<800x128xf32, #tpu.memory_space<vmem>>, vector<1x16xf32>,
        %get3A_1064 = vector.shape_cast %get3A_1063 : vector<1x16xf32> to vector<16xf32>
        %mul3A_1065 = vector.broadcast %squeeze3A_1056 : f32 to vector<16xf32>
        %mul3A_1066 = arith.mulf %get3A_1064, %mul3A_1065 : vector<16xf32>
        %add3A_1067 = arith.addf %add3A_1033, %mul3A_1066 : vector<16xf32>
        %get3A_1068 = arith.index_cast %add3A_1060 : i32 to index
        %get3A_1069 = arith.constant 16 : index
        %get3A_1070 = tpu.vector_load %arg9[%get3A_1068, %get3A_1069] {strides = array<i32>} : memref<800x128xf32, #tpu.memory_space<vmem>>, vector<1x16xf32>,
        %get3A_1071 = vector.shape_cast %get3A_1070 : vector<1x16xf32> to vector<16xf32>
        %mul3A_1072 = vector.broadcast %squeeze3A_1056 : f32 to vector<16xf32>
        %mul3A_1073 = arith.mulf %get3A_1071, %mul3A_1072 : vector<16xf32>
        %add3A_1074 = arith.addf %add3A_1040, %mul3A_1073 : vector<16xf32>
        %get3A_1075 = arith.index_cast %add3A_1060 : i32 to index
        %get3A_1076 = arith.constant 32 : index
        %get3A_1077 = tpu.vector_load %arg9[%get3A_1075, %get3A_1076] {strides = array<i32>} : memref<800x128xf32, #tpu.memory_space<vmem>>, vector<1x16xf32>,
        %get3A_1078 = vector.shape_cast %get3A_1077 : vector<1x16xf32> to vector<16xf32>
        %mul3A_1079 = vector.broadcast %squeeze3A_1056 : f32 to vector<16xf32>
        %mul3A_1080 = arith.mulf %get3A_1078, %mul3A_1079 : vector<16xf32>
        %add3A_1081 = arith.addf %add3A_1047, %mul3A_1080 : vector<16xf32>
        %get3A_1082 = arith.index_cast %add3A_1060 : i32 to index
        %get3A_1083 = arith.constant 48 : index
        %get3A_1084 = tpu.vector_load %arg9[%get3A_1082, %get3A_1083] {strides = array<i32>} : memref<800x128xf32, #tpu.memory_space<vmem>>, vector<1x16xf32>,
        %get3A_1085 = vector.shape_cast %get3A_1084 : vector<1x16xf32> to vector<16xf32>
        %mul3A_1086 = vector.broadcast %squeeze3A_1056 : f32 to vector<16xf32>
        %mul3A_1087 = arith.mulf %get3A_1085, %mul3A_1086 : vector<16xf32>
        %add3A_1088 = arith.addf %add3A_1054, %mul3A_1087 : vector<16xf32>
        %slice3A_1089 = vector.extract_strided_slice %get3A_1020 {offsets = [2], sizes = [1], strides = [1]} : vector<16xf32> to vector<1xf32>
        %squeeze3A_1090 = vector.extract %slice3A_1089[0] : f32 from vector<1xf32>
        %add3A_1091 = arith.constant 16 : i32
        %add3A_1092 = arith.addi %add3A_466, %add3A_1091 : i32
        %add3A_1093 = arith.constant 2 : i32
        %add3A_1094 = arith.addi %add3A_1092, %add3A_1093 : i32
        %get3A_1095 = arith.index_cast %add3A_1094 : i32 to index
        %get3A_1096 = arith.constant 0 : index
        %get3A_1097 = tpu.vector_load %arg9[%get3A_1095, %get3A_1096] {strides = array<i32>} : memref<800x128xf32, #tpu.memory_space<vmem>>, vector<1x16xf32>,
        %get3A_1098 = vector.shape_cast %get3A_1097 : vector<1x16xf32> to vector<16xf32>
        %mul3A_1099 = vector.broadcast %squeeze3A_1090 : f32 to vector<16xf32>
        %mul3A_1100 = arith.mulf %get3A_1098, %mul3A_1099 : vector<16xf32>
        %add3A_1101 = arith.addf %add3A_1067, %mul3A_1100 : vector<16xf32>
        %get3A_1102 = arith.index_cast %add3A_1094 : i32 to index
        %get3A_1103 = arith.constant 16 : index
        %get3A_1104 = tpu.vector_load %arg9[%get3A_1102, %get3A_1103] {strides = array<i32>} : memref<800x128xf32, #tpu.memory_space<vmem>>, vector<1x16xf32>,
        %get3A_1105 = vector.shape_cast %get3A_1104 : vector<1x16xf32> to vector<16xf32>
        %mul3A_1106 = vector.broadcast %squeeze3A_1090 : f32 to vector<16xf32>
        %mul3A_1107 = arith.mulf %get3A_1105, %mul3A_1106 : vector<16xf32>
        %add3A_1108 = arith.addf %add3A_1074, %mul3A_1107 : vector<16xf32>
        %get3A_1109 = arith.index_cast %add3A_1094 : i32 to index
        %get3A_1110 = arith.constant 32 : index
        %get3A_1111 = tpu.vector_load %arg9[%get3A_1109, %get3A_1110] {strides = array<i32>} : memref<800x128xf32, #tpu.memory_space<vmem>>, vector<1x16xf32>,
        %get3A_1112 = vector.shape_cast %get3A_1111 : vector<1x16xf32> to vector<16xf32>
        %mul3A_1113 = vector.broadcast %squeeze3A_1090 : f32 to vector<16xf32>
        %mul3A_1114 = arith.mulf %get3A_1112, %mul3A_1113 : vector<16xf32>
        %add3A_1115 = arith.addf %add3A_1081, %mul3A_1114 : vector<16xf32>
        %get3A_1116 = arith.index_cast %add3A_1094 : i32 to index
        %get3A_1117 = arith.constant 48 : index
        %get3A_1118 = tpu.vector_load %arg9[%get3A_1116, %get3A_1117] {strides = array<i32>} : memref<800x128xf32, #tpu.memory_space<vmem>>, vector<1x16xf32>,
        %get3A_1119 = vector.shape_cast %get3A_1118 : vector<1x16xf32> to vector<16xf32>
        %mul3A_1120 = vector.broadcast %squeeze3A_1090 : f32 to vector<16xf32>
        %mul3A_1121 = arith.mulf %get3A_1119, %mul3A_1120 : vector<16xf32>
        %add3A_1122 = arith.addf %add3A_1088, %mul3A_1121 : vector<16xf32>
        %slice3A_1123 = vector.extract_strided_slice %get3A_1020 {offsets = [3], sizes = [1], strides = [1]} : vector<16xf32> to vector<1xf32>
        %squeeze3A_1124 = vector.extract %slice3A_1123[0] : f32 from vector<1xf32>
        %add3A_1125 = arith.constant 16 : i32
        %add3A_1126 = arith.addi %add3A_466, %add3A_1125 : i32
        %add3A_1127 = arith.constant 3 : i32
        %add3A_1128 = arith.addi %add3A_1126, %add3A_1127 : i32
        %get3A_1129 = arith.index_cast %add3A_1128 : i32 to index
        %get3A_1130 = arith.constant 0 : index
        %get3A_1131 = tpu.vector_load %arg9[%get3A_1129, %get3A_1130] {strides = array<i32>} : memref<800x128xf32, #tpu.memory_space<vmem>>, vector<1x16xf32>,
        %get3A_1132 = vector.shape_cast %get3A_1131 : vector<1x16xf32> to vector<16xf32>
        %mul3A_1133 = vector.broadcast %squeeze3A_1124 : f32 to vector<16xf32>
        %mul3A_1134 = arith.mulf %get3A_1132, %mul3A_1133 : vector<16xf32>
        %add3A_1135 = arith.addf %add3A_1101, %mul3A_1134 : vector<16xf32>
        %get3A_1136 = arith.index_cast %add3A_1128 : i32 to index
        %get3A_1137 = arith.constant 16 : index
        %get3A_1138 = tpu.vector_load %arg9[%get3A_1136, %get3A_1137] {strides = array<i32>} : memref<800x128xf32, #tpu.memory_space<vmem>>, vector<1x16xf32>,
        %get3A_1139 = vector.shape_cast %get3A_1138 : vector<1x16xf32> to vector<16xf32>
        %mul3A_1140 = vector.broadcast %squeeze3A_1124 : f32 to vector<16xf32>
        %mul3A_1141 = arith.mulf %get3A_1139, %mul3A_1140 : vector<16xf32>
        %add3A_1142 = arith.addf %add3A_1108, %mul3A_1141 : vector<16xf32>
        %get3A_1143 = arith.index_cast %add3A_1128 : i32 to index
        %get3A_1144 = arith.constant 32 : index
        %get3A_1145 = tpu.vector_load %arg9[%get3A_1143, %get3A_1144] {strides = array<i32>} : memref<800x128xf32, #tpu.memory_space<vmem>>, vector<1x16xf32>,
        %get3A_1146 = vector.shape_cast %get3A_1145 : vector<1x16xf32> to vector<16xf32>
        %mul3A_1147 = vector.broadcast %squeeze3A_1124 : f32 to vector<16xf32>
        %mul3A_1148 = arith.mulf %get3A_1146, %mul3A_1147 : vector<16xf32>
        %add3A_1149 = arith.addf %add3A_1115, %mul3A_1148 : vector<16xf32>
        %get3A_1150 = arith.index_cast %add3A_1128 : i32 to index
        %get3A_1151 = arith.constant 48 : index
        %get3A_1152 = tpu.vector_load %arg9[%get3A_1150, %get3A_1151] {strides = array<i32>} : memref<800x128xf32, #tpu.memory_space<vmem>>, vector<1x16xf32>,
        %get3A_1153 = vector.shape_cast %get3A_1152 : vector<1x16xf32> to vector<16xf32>
        %mul3A_1154 = vector.broadcast %squeeze3A_1124 : f32 to vector<16xf32>
        %mul3A_1155 = arith.mulf %get3A_1153, %mul3A_1154 : vector<16xf32>
        %add3A_1156 = arith.addf %add3A_1122, %mul3A_1155 : vector<16xf32>
        %slice3A_1157 = vector.extract_strided_slice %get3A_1020 {offsets = [4], sizes = [1], strides = [1]} : vector<16xf32> to vector<1xf32>
        %squeeze3A_1158 = vector.extract %slice3A_1157[0] : f32 from vector<1xf32>
        %add3A_1159 = arith.constant 16 : i32
        %add3A_1160 = arith.addi %add3A_466, %add3A_1159 : i32
        %add3A_1161 = arith.constant 4 : i32
        %add3A_1162 = arith.addi %add3A_1160, %add3A_1161 : i32
        %get3A_1163 = arith.index_cast %add3A_1162 : i32 to index
        %get3A_1164 = arith.constant 0 : index
        %get3A_1165 = tpu.vector_load %arg9[%get3A_1163, %get3A_1164] {strides = array<i32>} : memref<800x128xf32, #tpu.memory_space<vmem>>, vector<1x16xf32>,
        %get3A_1166 = vector.shape_cast %get3A_1165 : vector<1x16xf32> to vector<16xf32>
        %mul3A_1167 = vector.broadcast %squeeze3A_1158 : f32 to vector<16xf32>
        %mul3A_1168 = arith.mulf %get3A_1166, %mul3A_1167 : vector<16xf32>
        %add3A_1169 = arith.addf %add3A_1135, %mul3A_1168 : vector<16xf32>
        %get3A_1170 = arith.index_cast %add3A_1162 : i32 to index
        %get3A_1171 = arith.constant 16 : index
        %get3A_1172 = tpu.vector_load %arg9[%get3A_1170, %get3A_1171] {strides = array<i32>} : memref<800x128xf32, #tpu.memory_space<vmem>>, vector<1x16xf32>,
        %get3A_1173 = vector.shape_cast %get3A_1172 : vector<1x16xf32> to vector<16xf32>
        %mul3A_1174 = vector.broadcast %squeeze3A_1158 : f32 to vector<16xf32>
        %mul3A_1175 = arith.mulf %get3A_1173, %mul3A_1174 : vector<16xf32>
        %add3A_1176 = arith.addf %add3A_1142, %mul3A_1175 : vector<16xf32>
        %get3A_1177 = arith.index_cast %add3A_1162 : i32 to index
        %get3A_1178 = arith.constant 32 : index
        %get3A_1179 = tpu.vector_load %arg9[%get3A_1177, %get3A_1178] {strides = array<i32>} : memref<800x128xf32, #tpu.memory_space<vmem>>, vector<1x16xf32>,
        %get3A_1180 = vector.shape_cast %get3A_1179 : vector<1x16xf32> to vector<16xf32>
        %mul3A_1181 = vector.broadcast %squeeze3A_1158 : f32 to vector<16xf32>
        %mul3A_1182 = arith.mulf %get3A_1180, %mul3A_1181 : vector<16xf32>
        %add3A_1183 = arith.addf %add3A_1149, %mul3A_1182 : vector<16xf32>
        %get3A_1184 = arith.index_cast %add3A_1162 : i32 to index
        %get3A_1185 = arith.constant 48 : index
        %get3A_1186 = tpu.vector_load %arg9[%get3A_1184, %get3A_1185] {strides = array<i32>} : memref<800x128xf32, #tpu.memory_space<vmem>>, vector<1x16xf32>,
        %get3A_1187 = vector.shape_cast %get3A_1186 : vector<1x16xf32> to vector<16xf32>
        %mul3A_1188 = vector.broadcast %squeeze3A_1158 : f32 to vector<16xf32>
        %mul3A_1189 = arith.mulf %get3A_1187, %mul3A_1188 : vector<16xf32>
        %add3A_1190 = arith.addf %add3A_1156, %mul3A_1189 : vector<16xf32>
        %slice3A_1191 = vector.extract_strided_slice %get3A_1020 {offsets = [5], sizes = [1], strides = [1]} : vector<16xf32> to vector<1xf32>
        %squeeze3A_1192 = vector.extract %slice3A_1191[0] : f32 from vector<1xf32>
        %add3A_1193 = arith.constant 16 : i32
        %add3A_1194 = arith.addi %add3A_466, %add3A_1193 : i32
        %add3A_1195 = arith.constant 5 : i32
        %add3A_1196 = arith.addi %add3A_1194, %add3A_1195 : i32
        %get3A_1197 = arith.index_cast %add3A_1196 : i32 to index
        %get3A_1198 = arith.constant 0 : index
        %get3A_1199 = tpu.vector_load %arg9[%get3A_1197, %get3A_1198] {strides = array<i32>} : memref<800x128xf32, #tpu.memory_space<vmem>>, vector<1x16xf32>,
        %get3A_1200 = vector.shape_cast %get3A_1199 : vector<1x16xf32> to vector<16xf32>
        %mul3A_1201 = vector.broadcast %squeeze3A_1192 : f32 to vector<16xf32>
        %mul3A_1202 = arith.mulf %get3A_1200, %mul3A_1201 : vector<16xf32>
        %add3A_1203 = arith.addf %add3A_1169, %mul3A_1202 : vector<16xf32>
        %get3A_1204 = arith.index_cast %add3A_1196 : i32 to index
        %get3A_1205 = arith.constant 16 : index
        %get3A_1206 = tpu.vector_load %arg9[%get3A_1204, %get3A_1205] {strides = array<i32>} : memref<800x128xf32, #tpu.memory_space<vmem>>, vector<1x16xf32>,
        %get3A_1207 = vector.shape_cast %get3A_1206 : vector<1x16xf32> to vector<16xf32>
        %mul3A_1208 = vector.broadcast %squeeze3A_1192 : f32 to vector<16xf32>
        %mul3A_1209 = arith.mulf %get3A_1207, %mul3A_1208 : vector<16xf32>
        %add3A_1210 = arith.addf %add3A_1176, %mul3A_1209 : vector<16xf32>
        %get3A_1211 = arith.index_cast %add3A_1196 : i32 to index
        %get3A_1212 = arith.constant 32 : index
        %get3A_1213 = tpu.vector_load %arg9[%get3A_1211, %get3A_1212] {strides = array<i32>} : memref<800x128xf32, #tpu.memory_space<vmem>>, vector<1x16xf32>,
        %get3A_1214 = vector.shape_cast %get3A_1213 : vector<1x16xf32> to vector<16xf32>
        %mul3A_1215 = vector.broadcast %squeeze3A_1192 : f32 to vector<16xf32>
        %mul3A_1216 = arith.mulf %get3A_1214, %mul3A_1215 : vector<16xf32>
        %add3A_1217 = arith.addf %add3A_1183, %mul3A_1216 : vector<16xf32>
        %get3A_1218 = arith.index_cast %add3A_1196 : i32 to index
        %get3A_1219 = arith.constant 48 : index
        %get3A_1220 = tpu.vector_load %arg9[%get3A_1218, %get3A_1219] {strides = array<i32>} : memref<800x128xf32, #tpu.memory_space<vmem>>, vector<1x16xf32>,
        %get3A_1221 = vector.shape_cast %get3A_1220 : vector<1x16xf32> to vector<16xf32>
        %mul3A_1222 = vector.broadcast %squeeze3A_1192 : f32 to vector<16xf32>
        %mul3A_1223 = arith.mulf %get3A_1221, %mul3A_1222 : vector<16xf32>
        %add3A_1224 = arith.addf %add3A_1190, %mul3A_1223 : vector<16xf32>
        %slice3A_1225 = vector.extract_strided_slice %get3A_1020 {offsets = [6], sizes = [1], strides = [1]} : vector<16xf32> to vector<1xf32>
        %squeeze3A_1226 = vector.extract %slice3A_1225[0] : f32 from vector<1xf32>
        %add3A_1227 = arith.constant 16 : i32
        %add3A_1228 = arith.addi %add3A_466, %add3A_1227 : i32
        %add3A_1229 = arith.constant 6 : i32
        %add3A_1230 = arith.addi %add3A_1228, %add3A_1229 : i32
        %get3A_1231 = arith.index_cast %add3A_1230 : i32 to index
        %get3A_1232 = arith.constant 0 : index
        %get3A_1233 = tpu.vector_load %arg9[%get3A_1231, %get3A_1232] {strides = array<i32>} : memref<800x128xf32, #tpu.memory_space<vmem>>, vector<1x16xf32>,
        %get3A_1234 = vector.shape_cast %get3A_1233 : vector<1x16xf32> to vector<16xf32>
        %mul3A_1235 = vector.broadcast %squeeze3A_1226 : f32 to vector<16xf32>
        %mul3A_1236 = arith.mulf %get3A_1234, %mul3A_1235 : vector<16xf32>
        %add3A_1237 = arith.addf %add3A_1203, %mul3A_1236 : vector<16xf32>
        %get3A_1238 = arith.index_cast %add3A_1230 : i32 to index
        %get3A_1239 = arith.constant 16 : index
        %get3A_1240 = tpu.vector_load %arg9[%get3A_1238, %get3A_1239] {strides = array<i32>} : memref<800x128xf32, #tpu.memory_space<vmem>>, vector<1x16xf32>,
        %get3A_1241 = vector.shape_cast %get3A_1240 : vector<1x16xf32> to vector<16xf32>
        %mul3A_1242 = vector.broadcast %squeeze3A_1226 : f32 to vector<16xf32>
        %mul3A_1243 = arith.mulf %get3A_1241, %mul3A_1242 : vector<16xf32>
        %add3A_1244 = arith.addf %add3A_1210, %mul3A_1243 : vector<16xf32>
        %get3A_1245 = arith.index_cast %add3A_1230 : i32 to index
        %get3A_1246 = arith.constant 32 : index
        %get3A_1247 = tpu.vector_load %arg9[%get3A_1245, %get3A_1246] {strides = array<i32>} : memref<800x128xf32, #tpu.memory_space<vmem>>, vector<1x16xf32>,
        %get3A_1248 = vector.shape_cast %get3A_1247 : vector<1x16xf32> to vector<16xf32>
        %mul3A_1249 = vector.broadcast %squeeze3A_1226 : f32 to vector<16xf32>
        %mul3A_1250 = arith.mulf %get3A_1248, %mul3A_1249 : vector<16xf32>
        %add3A_1251 = arith.addf %add3A_1217, %mul3A_1250 : vector<16xf32>
        %get3A_1252 = arith.index_cast %add3A_1230 : i32 to index
        %get3A_1253 = arith.constant 48 : index
        %get3A_1254 = tpu.vector_load %arg9[%get3A_1252, %get3A_1253] {strides = array<i32>} : memref<800x128xf32, #tpu.memory_space<vmem>>, vector<1x16xf32>,
        %get3A_1255 = vector.shape_cast %get3A_1254 : vector<1x16xf32> to vector<16xf32>
        %mul3A_1256 = vector.broadcast %squeeze3A_1226 : f32 to vector<16xf32>
        %mul3A_1257 = arith.mulf %get3A_1255, %mul3A_1256 : vector<16xf32>
        %add3A_1258 = arith.addf %add3A_1224, %mul3A_1257 : vector<16xf32>
        %slice3A_1259 = vector.extract_strided_slice %get3A_1020 {offsets = [7], sizes = [1], strides = [1]} : vector<16xf32> to vector<1xf32>
        %squeeze3A_1260 = vector.extract %slice3A_1259[0] : f32 from vector<1xf32>
        %add3A_1261 = arith.constant 16 : i32
        %add3A_1262 = arith.addi %add3A_466, %add3A_1261 : i32
        %add3A_1263 = arith.constant 7 : i32
        %add3A_1264 = arith.addi %add3A_1262, %add3A_1263 : i32
        %get3A_1265 = arith.index_cast %add3A_1264 : i32 to index
        %get3A_1266 = arith.constant 0 : index
        %get3A_1267 = tpu.vector_load %arg9[%get3A_1265, %get3A_1266] {strides = array<i32>} : memref<800x128xf32, #tpu.memory_space<vmem>>, vector<1x16xf32>,
        %get3A_1268 = vector.shape_cast %get3A_1267 : vector<1x16xf32> to vector<16xf32>
        %mul3A_1269 = vector.broadcast %squeeze3A_1260 : f32 to vector<16xf32>
        %mul3A_1270 = arith.mulf %get3A_1268, %mul3A_1269 : vector<16xf32>
        %add3A_1271 = arith.addf %add3A_1237, %mul3A_1270 : vector<16xf32>
        %get3A_1272 = arith.index_cast %add3A_1264 : i32 to index
        %get3A_1273 = arith.constant 16 : index
        %get3A_1274 = tpu.vector_load %arg9[%get3A_1272, %get3A_1273] {strides = array<i32>} : memref<800x128xf32, #tpu.memory_space<vmem>>, vector<1x16xf32>,
        %get3A_1275 = vector.shape_cast %get3A_1274 : vector<1x16xf32> to vector<16xf32>
        %mul3A_1276 = vector.broadcast %squeeze3A_1260 : f32 to vector<16xf32>
        %mul3A_1277 = arith.mulf %get3A_1275, %mul3A_1276 : vector<16xf32>
        %add3A_1278 = arith.addf %add3A_1244, %mul3A_1277 : vector<16xf32>
        %get3A_1279 = arith.index_cast %add3A_1264 : i32 to index
        %get3A_1280 = arith.constant 32 : index
        %get3A_1281 = tpu.vector_load %arg9[%get3A_1279, %get3A_1280] {strides = array<i32>} : memref<800x128xf32, #tpu.memory_space<vmem>>, vector<1x16xf32>,
        %get3A_1282 = vector.shape_cast %get3A_1281 : vector<1x16xf32> to vector<16xf32>
        %mul3A_1283 = vector.broadcast %squeeze3A_1260 : f32 to vector<16xf32>
        %mul3A_1284 = arith.mulf %get3A_1282, %mul3A_1283 : vector<16xf32>
        %add3A_1285 = arith.addf %add3A_1251, %mul3A_1284 : vector<16xf32>
        %get3A_1286 = arith.index_cast %add3A_1264 : i32 to index
        %get3A_1287 = arith.constant 48 : index
        %get3A_1288 = tpu.vector_load %arg9[%get3A_1286, %get3A_1287] {strides = array<i32>} : memref<800x128xf32, #tpu.memory_space<vmem>>, vector<1x16xf32>,
        %get3A_1289 = vector.shape_cast %get3A_1288 : vector<1x16xf32> to vector<16xf32>
        %mul3A_1290 = vector.broadcast %squeeze3A_1260 : f32 to vector<16xf32>
        %mul3A_1291 = arith.mulf %get3A_1289, %mul3A_1290 : vector<16xf32>
        %add3A_1292 = arith.addf %add3A_1258, %mul3A_1291 : vector<16xf32>
        %slice3A_1293 = vector.extract_strided_slice %get3A_1020 {offsets = [8], sizes = [1], strides = [1]} : vector<16xf32> to vector<1xf32>
        %squeeze3A_1294 = vector.extract %slice3A_1293[0] : f32 from vector<1xf32>
        %add3A_1295 = arith.constant 16 : i32
        %add3A_1296 = arith.addi %add3A_466, %add3A_1295 : i32
        %add3A_1297 = arith.constant 8 : i32
        %add3A_1298 = arith.addi %add3A_1296, %add3A_1297 : i32
        %get3A_1299 = arith.index_cast %add3A_1298 : i32 to index
        %get3A_1300 = arith.constant 0 : index
        %get3A_1301 = tpu.vector_load %arg9[%get3A_1299, %get3A_1300] {strides = array<i32>} : memref<800x128xf32, #tpu.memory_space<vmem>>, vector<1x16xf32>,
        %get3A_1302 = vector.shape_cast %get3A_1301 : vector<1x16xf32> to vector<16xf32>
        %mul3A_1303 = vector.broadcast %squeeze3A_1294 : f32 to vector<16xf32>
        %mul3A_1304 = arith.mulf %get3A_1302, %mul3A_1303 : vector<16xf32>
        %add3A_1305 = arith.addf %add3A_1271, %mul3A_1304 : vector<16xf32>
        %get3A_1306 = arith.index_cast %add3A_1298 : i32 to index
        %get3A_1307 = arith.constant 16 : index
        %get3A_1308 = tpu.vector_load %arg9[%get3A_1306, %get3A_1307] {strides = array<i32>} : memref<800x128xf32, #tpu.memory_space<vmem>>, vector<1x16xf32>,
        %get3A_1309 = vector.shape_cast %get3A_1308 : vector<1x16xf32> to vector<16xf32>
        %mul3A_1310 = vector.broadcast %squeeze3A_1294 : f32 to vector<16xf32>
        %mul3A_1311 = arith.mulf %get3A_1309, %mul3A_1310 : vector<16xf32>
        %add3A_1312 = arith.addf %add3A_1278, %mul3A_1311 : vector<16xf32>
        %get3A_1313 = arith.index_cast %add3A_1298 : i32 to index
        %get3A_1314 = arith.constant 32 : index
        %get3A_1315 = tpu.vector_load %arg9[%get3A_1313, %get3A_1314] {strides = array<i32>} : memref<800x128xf32, #tpu.memory_space<vmem>>, vector<1x16xf32>,
        %get3A_1316 = vector.shape_cast %get3A_1315 : vector<1x16xf32> to vector<16xf32>
        %mul3A_1317 = vector.broadcast %squeeze3A_1294 : f32 to vector<16xf32>
        %mul3A_1318 = arith.mulf %get3A_1316, %mul3A_1317 : vector<16xf32>
        %add3A_1319 = arith.addf %add3A_1285, %mul3A_1318 : vector<16xf32>
        %get3A_1320 = arith.index_cast %add3A_1298 : i32 to index
        %get3A_1321 = arith.constant 48 : index
        %get3A_1322 = tpu.vector_load %arg9[%get3A_1320, %get3A_1321] {strides = array<i32>} : memref<800x128xf32, #tpu.memory_space<vmem>>, vector<1x16xf32>,
        %get3A_1323 = vector.shape_cast %get3A_1322 : vector<1x16xf32> to vector<16xf32>
        %mul3A_1324 = vector.broadcast %squeeze3A_1294 : f32 to vector<16xf32>
        %mul3A_1325 = arith.mulf %get3A_1323, %mul3A_1324 : vector<16xf32>
        %add3A_1326 = arith.addf %add3A_1292, %mul3A_1325 : vector<16xf32>
        %slice3A_1327 = vector.extract_strided_slice %get3A_1020 {offsets = [9], sizes = [1], strides = [1]} : vector<16xf32> to vector<1xf32>
        %squeeze3A_1328 = vector.extract %slice3A_1327[0] : f32 from vector<1xf32>
        %add3A_1329 = arith.constant 16 : i32
        %add3A_1330 = arith.addi %add3A_466, %add3A_1329 : i32
        %add3A_1331 = arith.constant 9 : i32
        %add3A_1332 = arith.addi %add3A_1330, %add3A_1331 : i32
        %get3A_1333 = arith.index_cast %add3A_1332 : i32 to index
        %get3A_1334 = arith.constant 0 : index
        %get3A_1335 = tpu.vector_load %arg9[%get3A_1333, %get3A_1334] {strides = array<i32>} : memref<800x128xf32, #tpu.memory_space<vmem>>, vector<1x16xf32>,
        %get3A_1336 = vector.shape_cast %get3A_1335 : vector<1x16xf32> to vector<16xf32>
        %mul3A_1337 = vector.broadcast %squeeze3A_1328 : f32 to vector<16xf32>
        %mul3A_1338 = arith.mulf %get3A_1336, %mul3A_1337 : vector<16xf32>
        %add3A_1339 = arith.addf %add3A_1305, %mul3A_1338 : vector<16xf32>
        %get3A_1340 = arith.index_cast %add3A_1332 : i32 to index
        %get3A_1341 = arith.constant 16 : index
        %get3A_1342 = tpu.vector_load %arg9[%get3A_1340, %get3A_1341] {strides = array<i32>} : memref<800x128xf32, #tpu.memory_space<vmem>>, vector<1x16xf32>,
        %get3A_1343 = vector.shape_cast %get3A_1342 : vector<1x16xf32> to vector<16xf32>
        %mul3A_1344 = vector.broadcast %squeeze3A_1328 : f32 to vector<16xf32>
        %mul3A_1345 = arith.mulf %get3A_1343, %mul3A_1344 : vector<16xf32>
        %add3A_1346 = arith.addf %add3A_1312, %mul3A_1345 : vector<16xf32>
        %get3A_1347 = arith.index_cast %add3A_1332 : i32 to index
        %get3A_1348 = arith.constant 32 : index
        %get3A_1349 = tpu.vector_load %arg9[%get3A_1347, %get3A_1348] {strides = array<i32>} : memref<800x128xf32, #tpu.memory_space<vmem>>, vector<1x16xf32>,
        %get3A_1350 = vector.shape_cast %get3A_1349 : vector<1x16xf32> to vector<16xf32>
        %mul3A_1351 = vector.broadcast %squeeze3A_1328 : f32 to vector<16xf32>
        %mul3A_1352 = arith.mulf %get3A_1350, %mul3A_1351 : vector<16xf32>
        %add3A_1353 = arith.addf %add3A_1319, %mul3A_1352 : vector<16xf32>
        %get3A_1354 = arith.index_cast %add3A_1332 : i32 to index
        %get3A_1355 = arith.constant 48 : index
        %get3A_1356 = tpu.vector_load %arg9[%get3A_1354, %get3A_1355] {strides = array<i32>} : memref<800x128xf32, #tpu.memory_space<vmem>>, vector<1x16xf32>,
        %get3A_1357 = vector.shape_cast %get3A_1356 : vector<1x16xf32> to vector<16xf32>
        %mul3A_1358 = vector.broadcast %squeeze3A_1328 : f32 to vector<16xf32>
        %mul3A_1359 = arith.mulf %get3A_1357, %mul3A_1358 : vector<16xf32>
        %add3A_1360 = arith.addf %add3A_1326, %mul3A_1359 : vector<16xf32>
        %slice3A_1361 = vector.extract_strided_slice %get3A_1020 {offsets = [10], sizes = [1], strides = [1]} : vector<16xf32> to vector<1xf32>
        %squeeze3A_1362 = vector.extract %slice3A_1361[0] : f32 from vector<1xf32>
        %add3A_1363 = arith.constant 16 : i32
        %add3A_1364 = arith.addi %add3A_466, %add3A_1363 : i32
        %add3A_1365 = arith.constant 10 : i32
        %add3A_1366 = arith.addi %add3A_1364, %add3A_1365 : i32
        %get3A_1367 = arith.index_cast %add3A_1366 : i32 to index
        %get3A_1368 = arith.constant 0 : index
        %get3A_1369 = tpu.vector_load %arg9[%get3A_1367, %get3A_1368] {strides = array<i32>} : memref<800x128xf32, #tpu.memory_space<vmem>>, vector<1x16xf32>,
        %get3A_1370 = vector.shape_cast %get3A_1369 : vector<1x16xf32> to vector<16xf32>
        %mul3A_1371 = vector.broadcast %squeeze3A_1362 : f32 to vector<16xf32>
        %mul3A_1372 = arith.mulf %get3A_1370, %mul3A_1371 : vector<16xf32>
        %add3A_1373 = arith.addf %add3A_1339, %mul3A_1372 : vector<16xf32>
        %get3A_1374 = arith.index_cast %add3A_1366 : i32 to index
        %get3A_1375 = arith.constant 16 : index
        %get3A_1376 = tpu.vector_load %arg9[%get3A_1374, %get3A_1375] {strides = array<i32>} : memref<800x128xf32, #tpu.memory_space<vmem>>, vector<1x16xf32>,
        %get3A_1377 = vector.shape_cast %get3A_1376 : vector<1x16xf32> to vector<16xf32>
        %mul3A_1378 = vector.broadcast %squeeze3A_1362 : f32 to vector<16xf32>
        %mul3A_1379 = arith.mulf %get3A_1377, %mul3A_1378 : vector<16xf32>
        %add3A_1380 = arith.addf %add3A_1346, %mul3A_1379 : vector<16xf32>
        %get3A_1381 = arith.index_cast %add3A_1366 : i32 to index
        %get3A_1382 = arith.constant 32 : index
        %get3A_1383 = tpu.vector_load %arg9[%get3A_1381, %get3A_1382] {strides = array<i32>} : memref<800x128xf32, #tpu.memory_space<vmem>>, vector<1x16xf32>,
        %get3A_1384 = vector.shape_cast %get3A_1383 : vector<1x16xf32> to vector<16xf32>
        %mul3A_1385 = vector.broadcast %squeeze3A_1362 : f32 to vector<16xf32>
        %mul3A_1386 = arith.mulf %get3A_1384, %mul3A_1385 : vector<16xf32>
        %add3A_1387 = arith.addf %add3A_1353, %mul3A_1386 : vector<16xf32>
        %get3A_1388 = arith.index_cast %add3A_1366 : i32 to index
        %get3A_1389 = arith.constant 48 : index
        %get3A_1390 = tpu.vector_load %arg9[%get3A_1388, %get3A_1389] {strides = array<i32>} : memref<800x128xf32, #tpu.memory_space<vmem>>, vector<1x16xf32>,
        %get3A_1391 = vector.shape_cast %get3A_1390 : vector<1x16xf32> to vector<16xf32>
        %mul3A_1392 = vector.broadcast %squeeze3A_1362 : f32 to vector<16xf32>
        %mul3A_1393 = arith.mulf %get3A_1391, %mul3A_1392 : vector<16xf32>
        %add3A_1394 = arith.addf %add3A_1360, %mul3A_1393 : vector<16xf32>
        %slice3A_1395 = vector.extract_strided_slice %get3A_1020 {offsets = [11], sizes = [1], strides = [1]} : vector<16xf32> to vector<1xf32>
        %squeeze3A_1396 = vector.extract %slice3A_1395[0] : f32 from vector<1xf32>
        %add3A_1397 = arith.constant 16 : i32
        %add3A_1398 = arith.addi %add3A_466, %add3A_1397 : i32
        %add3A_1399 = arith.constant 11 : i32
        %add3A_1400 = arith.addi %add3A_1398, %add3A_1399 : i32
        %get3A_1401 = arith.index_cast %add3A_1400 : i32 to index
        %get3A_1402 = arith.constant 0 : index
        %get3A_1403 = tpu.vector_load %arg9[%get3A_1401, %get3A_1402] {strides = array<i32>} : memref<800x128xf32, #tpu.memory_space<vmem>>, vector<1x16xf32>,
        %get3A_1404 = vector.shape_cast %get3A_1403 : vector<1x16xf32> to vector<16xf32>
        %mul3A_1405 = vector.broadcast %squeeze3A_1396 : f32 to vector<16xf32>
        %mul3A_1406 = arith.mulf %get3A_1404, %mul3A_1405 : vector<16xf32>
        %add3A_1407 = arith.addf %add3A_1373, %mul3A_1406 : vector<16xf32>
        %get3A_1408 = arith.index_cast %add3A_1400 : i32 to index
        %get3A_1409 = arith.constant 16 : index
        %get3A_1410 = tpu.vector_load %arg9[%get3A_1408, %get3A_1409] {strides = array<i32>} : memref<800x128xf32, #tpu.memory_space<vmem>>, vector<1x16xf32>,
        %get3A_1411 = vector.shape_cast %get3A_1410 : vector<1x16xf32> to vector<16xf32>
        %mul3A_1412 = vector.broadcast %squeeze3A_1396 : f32 to vector<16xf32>
        %mul3A_1413 = arith.mulf %get3A_1411, %mul3A_1412 : vector<16xf32>
        %add3A_1414 = arith.addf %add3A_1380, %mul3A_1413 : vector<16xf32>
        %get3A_1415 = arith.index_cast %add3A_1400 : i32 to index
        %get3A_1416 = arith.constant 32 : index
        %get3A_1417 = tpu.vector_load %arg9[%get3A_1415, %get3A_1416] {strides = array<i32>} : memref<800x128xf32, #tpu.memory_space<vmem>>, vector<1x16xf32>,
        %get3A_1418 = vector.shape_cast %get3A_1417 : vector<1x16xf32> to vector<16xf32>
        %mul3A_1419 = vector.broadcast %squeeze3A_1396 : f32 to vector<16xf32>
        %mul3A_1420 = arith.mulf %get3A_1418, %mul3A_1419 : vector<16xf32>
        %add3A_1421 = arith.addf %add3A_1387, %mul3A_1420 : vector<16xf32>
        %get3A_1422 = arith.index_cast %add3A_1400 : i32 to index
        %get3A_1423 = arith.constant 48 : index
        %get3A_1424 = tpu.vector_load %arg9[%get3A_1422, %get3A_1423] {strides = array<i32>} : memref<800x128xf32, #tpu.memory_space<vmem>>, vector<1x16xf32>,
        %get3A_1425 = vector.shape_cast %get3A_1424 : vector<1x16xf32> to vector<16xf32>
        %mul3A_1426 = vector.broadcast %squeeze3A_1396 : f32 to vector<16xf32>
        %mul3A_1427 = arith.mulf %get3A_1425, %mul3A_1426 : vector<16xf32>
        %add3A_1428 = arith.addf %add3A_1394, %mul3A_1427 : vector<16xf32>
        %slice3A_1429 = vector.extract_strided_slice %get3A_1020 {offsets = [12], sizes = [1], strides = [1]} : vector<16xf32> to vector<1xf32>
        %squeeze3A_1430 = vector.extract %slice3A_1429[0] : f32 from vector<1xf32>
        %add3A_1431 = arith.constant 16 : i32
        %add3A_1432 = arith.addi %add3A_466, %add3A_1431 : i32
        %add3A_1433 = arith.constant 12 : i32
        %add3A_1434 = arith.addi %add3A_1432, %add3A_1433 : i32
        %get3A_1435 = arith.index_cast %add3A_1434 : i32 to index
        %get3A_1436 = arith.constant 0 : index
        %get3A_1437 = tpu.vector_load %arg9[%get3A_1435, %get3A_1436] {strides = array<i32>} : memref<800x128xf32, #tpu.memory_space<vmem>>, vector<1x16xf32>,
        %get3A_1438 = vector.shape_cast %get3A_1437 : vector<1x16xf32> to vector<16xf32>
        %mul3A_1439 = vector.broadcast %squeeze3A_1430 : f32 to vector<16xf32>
        %mul3A_1440 = arith.mulf %get3A_1438, %mul3A_1439 : vector<16xf32>
        %add3A_1441 = arith.addf %add3A_1407, %mul3A_1440 : vector<16xf32>
        %get3A_1442 = arith.index_cast %add3A_1434 : i32 to index
        %get3A_1443 = arith.constant 16 : index
        %get3A_1444 = tpu.vector_load %arg9[%get3A_1442, %get3A_1443] {strides = array<i32>} : memref<800x128xf32, #tpu.memory_space<vmem>>, vector<1x16xf32>,
        %get3A_1445 = vector.shape_cast %get3A_1444 : vector<1x16xf32> to vector<16xf32>
        %mul3A_1446 = vector.broadcast %squeeze3A_1430 : f32 to vector<16xf32>
        %mul3A_1447 = arith.mulf %get3A_1445, %mul3A_1446 : vector<16xf32>
        %add3A_1448 = arith.addf %add3A_1414, %mul3A_1447 : vector<16xf32>
        %get3A_1449 = arith.index_cast %add3A_1434 : i32 to index
        %get3A_1450 = arith.constant 32 : index
        %get3A_1451 = tpu.vector_load %arg9[%get3A_1449, %get3A_1450] {strides = array<i32>} : memref<800x128xf32, #tpu.memory_space<vmem>>, vector<1x16xf32>,
        %get3A_1452 = vector.shape_cast %get3A_1451 : vector<1x16xf32> to vector<16xf32>
        %mul3A_1453 = vector.broadcast %squeeze3A_1430 : f32 to vector<16xf32>
        %mul3A_1454 = arith.mulf %get3A_1452, %mul3A_1453 : vector<16xf32>
        %add3A_1455 = arith.addf %add3A_1421, %mul3A_1454 : vector<16xf32>
        %get3A_1456 = arith.index_cast %add3A_1434 : i32 to index
        %get3A_1457 = arith.constant 48 : index
        %get3A_1458 = tpu.vector_load %arg9[%get3A_1456, %get3A_1457] {strides = array<i32>} : memref<800x128xf32, #tpu.memory_space<vmem>>, vector<1x16xf32>,
        %get3A_1459 = vector.shape_cast %get3A_1458 : vector<1x16xf32> to vector<16xf32>
        %mul3A_1460 = vector.broadcast %squeeze3A_1430 : f32 to vector<16xf32>
        %mul3A_1461 = arith.mulf %get3A_1459, %mul3A_1460 : vector<16xf32>
        %add3A_1462 = arith.addf %add3A_1428, %mul3A_1461 : vector<16xf32>
        %slice3A_1463 = vector.extract_strided_slice %get3A_1020 {offsets = [13], sizes = [1], strides = [1]} : vector<16xf32> to vector<1xf32>
        %squeeze3A_1464 = vector.extract %slice3A_1463[0] : f32 from vector<1xf32>
        %add3A_1465 = arith.constant 16 : i32
        %add3A_1466 = arith.addi %add3A_466, %add3A_1465 : i32
        %add3A_1467 = arith.constant 13 : i32
        %add3A_1468 = arith.addi %add3A_1466, %add3A_1467 : i32
        %get3A_1469 = arith.index_cast %add3A_1468 : i32 to index
        %get3A_1470 = arith.constant 0 : index
        %get3A_1471 = tpu.vector_load %arg9[%get3A_1469, %get3A_1470] {strides = array<i32>} : memref<800x128xf32, #tpu.memory_space<vmem>>, vector<1x16xf32>,
        %get3A_1472 = vector.shape_cast %get3A_1471 : vector<1x16xf32> to vector<16xf32>
        %mul3A_1473 = vector.broadcast %squeeze3A_1464 : f32 to vector<16xf32>
        %mul3A_1474 = arith.mulf %get3A_1472, %mul3A_1473 : vector<16xf32>
        %add3A_1475 = arith.addf %add3A_1441, %mul3A_1474 : vector<16xf32>
        %get3A_1476 = arith.index_cast %add3A_1468 : i32 to index
        %get3A_1477 = arith.constant 16 : index
        %get3A_1478 = tpu.vector_load %arg9[%get3A_1476, %get3A_1477] {strides = array<i32>} : memref<800x128xf32, #tpu.memory_space<vmem>>, vector<1x16xf32>,
        %get3A_1479 = vector.shape_cast %get3A_1478 : vector<1x16xf32> to vector<16xf32>
        %mul3A_1480 = vector.broadcast %squeeze3A_1464 : f32 to vector<16xf32>
        %mul3A_1481 = arith.mulf %get3A_1479, %mul3A_1480 : vector<16xf32>
        %add3A_1482 = arith.addf %add3A_1448, %mul3A_1481 : vector<16xf32>
        %get3A_1483 = arith.index_cast %add3A_1468 : i32 to index
        %get3A_1484 = arith.constant 32 : index
        %get3A_1485 = tpu.vector_load %arg9[%get3A_1483, %get3A_1484] {strides = array<i32>} : memref<800x128xf32, #tpu.memory_space<vmem>>, vector<1x16xf32>,
        %get3A_1486 = vector.shape_cast %get3A_1485 : vector<1x16xf32> to vector<16xf32>
        %mul3A_1487 = vector.broadcast %squeeze3A_1464 : f32 to vector<16xf32>
        %mul3A_1488 = arith.mulf %get3A_1486, %mul3A_1487 : vector<16xf32>
        %add3A_1489 = arith.addf %add3A_1455, %mul3A_1488 : vector<16xf32>
        %get3A_1490 = arith.index_cast %add3A_1468 : i32 to index
        %get3A_1491 = arith.constant 48 : index
        %get3A_1492 = tpu.vector_load %arg9[%get3A_1490, %get3A_1491] {strides = array<i32>} : memref<800x128xf32, #tpu.memory_space<vmem>>, vector<1x16xf32>,
        %get3A_1493 = vector.shape_cast %get3A_1492 : vector<1x16xf32> to vector<16xf32>
        %mul3A_1494 = vector.broadcast %squeeze3A_1464 : f32 to vector<16xf32>
        %mul3A_1495 = arith.mulf %get3A_1493, %mul3A_1494 : vector<16xf32>
        %add3A_1496 = arith.addf %add3A_1462, %mul3A_1495 : vector<16xf32>
        %slice3A_1497 = vector.extract_strided_slice %get3A_1020 {offsets = [14], sizes = [1], strides = [1]} : vector<16xf32> to vector<1xf32>
        %squeeze3A_1498 = vector.extract %slice3A_1497[0] : f32 from vector<1xf32>
        %add3A_1499 = arith.constant 16 : i32
        %add3A_1500 = arith.addi %add3A_466, %add3A_1499 : i32
        %add3A_1501 = arith.constant 14 : i32
        %add3A_1502 = arith.addi %add3A_1500, %add3A_1501 : i32
        %get3A_1503 = arith.index_cast %add3A_1502 : i32 to index
        %get3A_1504 = arith.constant 0 : index
        %get3A_1505 = tpu.vector_load %arg9[%get3A_1503, %get3A_1504] {strides = array<i32>} : memref<800x128xf32, #tpu.memory_space<vmem>>, vector<1x16xf32>,
        %get3A_1506 = vector.shape_cast %get3A_1505 : vector<1x16xf32> to vector<16xf32>
        %mul3A_1507 = vector.broadcast %squeeze3A_1498 : f32 to vector<16xf32>
        %mul3A_1508 = arith.mulf %get3A_1506, %mul3A_1507 : vector<16xf32>
        %add3A_1509 = arith.addf %add3A_1475, %mul3A_1508 : vector<16xf32>
        %get3A_1510 = arith.index_cast %add3A_1502 : i32 to index
        %get3A_1511 = arith.constant 16 : index
        %get3A_1512 = tpu.vector_load %arg9[%get3A_1510, %get3A_1511] {strides = array<i32>} : memref<800x128xf32, #tpu.memory_space<vmem>>, vector<1x16xf32>,
        %get3A_1513 = vector.shape_cast %get3A_1512 : vector<1x16xf32> to vector<16xf32>
        %mul3A_1514 = vector.broadcast %squeeze3A_1498 : f32 to vector<16xf32>
        %mul3A_1515 = arith.mulf %get3A_1513, %mul3A_1514 : vector<16xf32>
        %add3A_1516 = arith.addf %add3A_1482, %mul3A_1515 : vector<16xf32>
        %get3A_1517 = arith.index_cast %add3A_1502 : i32 to index
        %get3A_1518 = arith.constant 32 : index
        %get3A_1519 = tpu.vector_load %arg9[%get3A_1517, %get3A_1518] {strides = array<i32>} : memref<800x128xf32, #tpu.memory_space<vmem>>, vector<1x16xf32>,
        %get3A_1520 = vector.shape_cast %get3A_1519 : vector<1x16xf32> to vector<16xf32>
        %mul3A_1521 = vector.broadcast %squeeze3A_1498 : f32 to vector<16xf32>
        %mul3A_1522 = arith.mulf %get3A_1520, %mul3A_1521 : vector<16xf32>
        %add3A_1523 = arith.addf %add3A_1489, %mul3A_1522 : vector<16xf32>
        %get3A_1524 = arith.index_cast %add3A_1502 : i32 to index
        %get3A_1525 = arith.constant 48 : index
        %get3A_1526 = tpu.vector_load %arg9[%get3A_1524, %get3A_1525] {strides = array<i32>} : memref<800x128xf32, #tpu.memory_space<vmem>>, vector<1x16xf32>,
        %get3A_1527 = vector.shape_cast %get3A_1526 : vector<1x16xf32> to vector<16xf32>
        %mul3A_1528 = vector.broadcast %squeeze3A_1498 : f32 to vector<16xf32>
        %mul3A_1529 = arith.mulf %get3A_1527, %mul3A_1528 : vector<16xf32>
        %add3A_1530 = arith.addf %add3A_1496, %mul3A_1529 : vector<16xf32>
        %slice3A_1531 = vector.extract_strided_slice %get3A_1020 {offsets = [15], sizes = [1], strides = [1]} : vector<16xf32> to vector<1xf32>
        %squeeze3A_1532 = vector.extract %slice3A_1531[0] : f32 from vector<1xf32>
        %add3A_1533 = arith.constant 16 : i32
        %add3A_1534 = arith.addi %add3A_466, %add3A_1533 : i32
        %add3A_1535 = arith.constant 15 : i32
        %add3A_1536 = arith.addi %add3A_1534, %add3A_1535 : i32
        %get3A_1537 = arith.index_cast %add3A_1536 : i32 to index
        %get3A_1538 = arith.constant 0 : index
        %get3A_1539 = tpu.vector_load %arg9[%get3A_1537, %get3A_1538] {strides = array<i32>} : memref<800x128xf32, #tpu.memory_space<vmem>>, vector<1x16xf32>,
        %get3A_1540 = vector.shape_cast %get3A_1539 : vector<1x16xf32> to vector<16xf32>
        %mul3A_1541 = vector.broadcast %squeeze3A_1532 : f32 to vector<16xf32>
        %mul3A_1542 = arith.mulf %get3A_1540, %mul3A_1541 : vector<16xf32>
        %add3A_1543 = arith.addf %add3A_1509, %mul3A_1542 : vector<16xf32>
        %get3A_1544 = arith.index_cast %add3A_1536 : i32 to index
        %get3A_1545 = arith.constant 16 : index
        %get3A_1546 = tpu.vector_load %arg9[%get3A_1544, %get3A_1545] {strides = array<i32>} : memref<800x128xf32, #tpu.memory_space<vmem>>, vector<1x16xf32>,
        %get3A_1547 = vector.shape_cast %get3A_1546 : vector<1x16xf32> to vector<16xf32>
        %mul3A_1548 = vector.broadcast %squeeze3A_1532 : f32 to vector<16xf32>
        %mul3A_1549 = arith.mulf %get3A_1547, %mul3A_1548 : vector<16xf32>
        %add3A_1550 = arith.addf %add3A_1516, %mul3A_1549 : vector<16xf32>
        %get3A_1551 = arith.index_cast %add3A_1536 : i32 to index
        %get3A_1552 = arith.constant 32 : index
        %get3A_1553 = tpu.vector_load %arg9[%get3A_1551, %get3A_1552] {strides = array<i32>} : memref<800x128xf32, #tpu.memory_space<vmem>>, vector<1x16xf32>,
        %get3A_1554 = vector.shape_cast %get3A_1553 : vector<1x16xf32> to vector<16xf32>
        %mul3A_1555 = vector.broadcast %squeeze3A_1532 : f32 to vector<16xf32>
        %mul3A_1556 = arith.mulf %get3A_1554, %mul3A_1555 : vector<16xf32>
        %add3A_1557 = arith.addf %add3A_1523, %mul3A_1556 : vector<16xf32>
        %get3A_1558 = arith.index_cast %add3A_1536 : i32 to index
        %get3A_1559 = arith.constant 48 : index
        %get3A_1560 = tpu.vector_load %arg9[%get3A_1558, %get3A_1559] {strides = array<i32>} : memref<800x128xf32, #tpu.memory_space<vmem>>, vector<1x16xf32>,
        %get3A_1561 = vector.shape_cast %get3A_1560 : vector<1x16xf32> to vector<16xf32>
        %mul3A_1562 = vector.broadcast %squeeze3A_1532 : f32 to vector<16xf32>
        %mul3A_1563 = arith.mulf %get3A_1561, %mul3A_1562 : vector<16xf32>
        %add3A_1564 = arith.addf %add3A_1530, %mul3A_1563 : vector<16xf32>
        %get3A_1565 = arith.constant 1 : i32
        %get3A_1566 = arith.index_cast %get3A_1565 : i32 to index
        %get3A_1567 = arith.index_cast %scan3A_462 : i32 to index
        %get3A_1568 = arith.constant 32 : index
        %get3A_1569 = tpu.vector_load %arg8[%get3A_1566, %get3A_1567, %get3A_1568] {strides = array<i32>} : memref<2x8x64xf32, #tpu.memory_space<vmem>>, vector<1x1x16xf32>,
        %get3A_1570 = vector.shape_cast %get3A_1569 : vector<1x1x16xf32> to vector<16xf32>
        %slice3A_1571 = vector.extract_strided_slice %get3A_1570 {offsets = [0], sizes = [1], strides = [1]} : vector<16xf32> to vector<1xf32>
        %squeeze3A_1572 = vector.extract %slice3A_1571[0] : f32 from vector<1xf32>
        %add3A_1573 = arith.constant 32 : i32
        %add3A_1574 = arith.addi %add3A_466, %add3A_1573 : i32
        %add3A_1575 = arith.constant 0 : i32
        %add3A_1576 = arith.addi %add3A_1574, %add3A_1575 : i32
        %get3A_1577 = arith.index_cast %add3A_1576 : i32 to index
        %get3A_1578 = arith.constant 0 : index
        %get3A_1579 = tpu.vector_load %arg9[%get3A_1577, %get3A_1578] {strides = array<i32>} : memref<800x128xf32, #tpu.memory_space<vmem>>, vector<1x16xf32>,
        %get3A_1580 = vector.shape_cast %get3A_1579 : vector<1x16xf32> to vector<16xf32>
        %mul3A_1581 = vector.broadcast %squeeze3A_1572 : f32 to vector<16xf32>
        %mul3A_1582 = arith.mulf %get3A_1580, %mul3A_1581 : vector<16xf32>
        %add3A_1583 = arith.addf %add3A_1543, %mul3A_1582 : vector<16xf32>
        %get3A_1584 = arith.index_cast %add3A_1576 : i32 to index
        %get3A_1585 = arith.constant 16 : index
        %get3A_1586 = tpu.vector_load %arg9[%get3A_1584, %get3A_1585] {strides = array<i32>} : memref<800x128xf32, #tpu.memory_space<vmem>>, vector<1x16xf32>,
        %get3A_1587 = vector.shape_cast %get3A_1586 : vector<1x16xf32> to vector<16xf32>
        %mul3A_1588 = vector.broadcast %squeeze3A_1572 : f32 to vector<16xf32>
        %mul3A_1589 = arith.mulf %get3A_1587, %mul3A_1588 : vector<16xf32>
        %add3A_1590 = arith.addf %add3A_1550, %mul3A_1589 : vector<16xf32>
        %get3A_1591 = arith.index_cast %add3A_1576 : i32 to index
        %get3A_1592 = arith.constant 32 : index
        %get3A_1593 = tpu.vector_load %arg9[%get3A_1591, %get3A_1592] {strides = array<i32>} : memref<800x128xf32, #tpu.memory_space<vmem>>, vector<1x16xf32>,
        %get3A_1594 = vector.shape_cast %get3A_1593 : vector<1x16xf32> to vector<16xf32>
        %mul3A_1595 = vector.broadcast %squeeze3A_1572 : f32 to vector<16xf32>
        %mul3A_1596 = arith.mulf %get3A_1594, %mul3A_1595 : vector<16xf32>
        %add3A_1597 = arith.addf %add3A_1557, %mul3A_1596 : vector<16xf32>
        %get3A_1598 = arith.index_cast %add3A_1576 : i32 to index
        %get3A_1599 = arith.constant 48 : index
        %get3A_1600 = tpu.vector_load %arg9[%get3A_1598, %get3A_1599] {strides = array<i32>} : memref<800x128xf32, #tpu.memory_space<vmem>>, vector<1x16xf32>,
        %get3A_1601 = vector.shape_cast %get3A_1600 : vector<1x16xf32> to vector<16xf32>
        %mul3A_1602 = vector.broadcast %squeeze3A_1572 : f32 to vector<16xf32>
        %mul3A_1603 = arith.mulf %get3A_1601, %mul3A_1602 : vector<16xf32>
        %add3A_1604 = arith.addf %add3A_1564, %mul3A_1603 : vector<16xf32>
        %slice3A_1605 = vector.extract_strided_slice %get3A_1570 {offsets = [1], sizes = [1], strides = [1]} : vector<16xf32> to vector<1xf32>
        %squeeze3A_1606 = vector.extract %slice3A_1605[0] : f32 from vector<1xf32>
        %add3A_1607 = arith.constant 32 : i32
        %add3A_1608 = arith.addi %add3A_466, %add3A_1607 : i32
        %add3A_1609 = arith.constant 1 : i32
        %add3A_1610 = arith.addi %add3A_1608, %add3A_1609 : i32
        %get3A_1611 = arith.index_cast %add3A_1610 : i32 to index
        %get3A_1612 = arith.constant 0 : index
        %get3A_1613 = tpu.vector_load %arg9[%get3A_1611, %get3A_1612] {strides = array<i32>} : memref<800x128xf32, #tpu.memory_space<vmem>>, vector<1x16xf32>,
        %get3A_1614 = vector.shape_cast %get3A_1613 : vector<1x16xf32> to vector<16xf32>
        %mul3A_1615 = vector.broadcast %squeeze3A_1606 : f32 to vector<16xf32>
        %mul3A_1616 = arith.mulf %get3A_1614, %mul3A_1615 : vector<16xf32>
        %add3A_1617 = arith.addf %add3A_1583, %mul3A_1616 : vector<16xf32>
        %get3A_1618 = arith.index_cast %add3A_1610 : i32 to index
        %get3A_1619 = arith.constant 16 : index
        %get3A_1620 = tpu.vector_load %arg9[%get3A_1618, %get3A_1619] {strides = array<i32>} : memref<800x128xf32, #tpu.memory_space<vmem>>, vector<1x16xf32>,
        %get3A_1621 = vector.shape_cast %get3A_1620 : vector<1x16xf32> to vector<16xf32>
        %mul3A_1622 = vector.broadcast %squeeze3A_1606 : f32 to vector<16xf32>
        %mul3A_1623 = arith.mulf %get3A_1621, %mul3A_1622 : vector<16xf32>
        %add3A_1624 = arith.addf %add3A_1590, %mul3A_1623 : vector<16xf32>
        %get3A_1625 = arith.index_cast %add3A_1610 : i32 to index
        %get3A_1626 = arith.constant 32 : index
        %get3A_1627 = tpu.vector_load %arg9[%get3A_1625, %get3A_1626] {strides = array<i32>} : memref<800x128xf32, #tpu.memory_space<vmem>>, vector<1x16xf32>,
        %get3A_1628 = vector.shape_cast %get3A_1627 : vector<1x16xf32> to vector<16xf32>
        %mul3A_1629 = vector.broadcast %squeeze3A_1606 : f32 to vector<16xf32>
        %mul3A_1630 = arith.mulf %get3A_1628, %mul3A_1629 : vector<16xf32>
        %add3A_1631 = arith.addf %add3A_1597, %mul3A_1630 : vector<16xf32>
        %get3A_1632 = arith.index_cast %add3A_1610 : i32 to index
        %get3A_1633 = arith.constant 48 : index
        %get3A_1634 = tpu.vector_load %arg9[%get3A_1632, %get3A_1633] {strides = array<i32>} : memref<800x128xf32, #tpu.memory_space<vmem>>, vector<1x16xf32>,
        %get3A_1635 = vector.shape_cast %get3A_1634 : vector<1x16xf32> to vector<16xf32>
        %mul3A_1636 = vector.broadcast %squeeze3A_1606 : f32 to vector<16xf32>
        %mul3A_1637 = arith.mulf %get3A_1635, %mul3A_1636 : vector<16xf32>
        %add3A_1638 = arith.addf %add3A_1604, %mul3A_1637 : vector<16xf32>
        %slice3A_1639 = vector.extract_strided_slice %get3A_1570 {offsets = [2], sizes = [1], strides = [1]} : vector<16xf32> to vector<1xf32>
        %squeeze3A_1640 = vector.extract %slice3A_1639[0] : f32 from vector<1xf32>
        %add3A_1641 = arith.constant 32 : i32
        %add3A_1642 = arith.addi %add3A_466, %add3A_1641 : i32
        %add3A_1643 = arith.constant 2 : i32
        %add3A_1644 = arith.addi %add3A_1642, %add3A_1643 : i32
        %get3A_1645 = arith.index_cast %add3A_1644 : i32 to index
        %get3A_1646 = arith.constant 0 : index
        %get3A_1647 = tpu.vector_load %arg9[%get3A_1645, %get3A_1646] {strides = array<i32>} : memref<800x128xf32, #tpu.memory_space<vmem>>, vector<1x16xf32>,
        %get3A_1648 = vector.shape_cast %get3A_1647 : vector<1x16xf32> to vector<16xf32>
        %mul3A_1649 = vector.broadcast %squeeze3A_1640 : f32 to vector<16xf32>
        %mul3A_1650 = arith.mulf %get3A_1648, %mul3A_1649 : vector<16xf32>
        %add3A_1651 = arith.addf %add3A_1617, %mul3A_1650 : vector<16xf32>
        %get3A_1652 = arith.index_cast %add3A_1644 : i32 to index
        %get3A_1653 = arith.constant 16 : index
        %get3A_1654 = tpu.vector_load %arg9[%get3A_1652, %get3A_1653] {strides = array<i32>} : memref<800x128xf32, #tpu.memory_space<vmem>>, vector<1x16xf32>,
        %get3A_1655 = vector.shape_cast %get3A_1654 : vector<1x16xf32> to vector<16xf32>
        %mul3A_1656 = vector.broadcast %squeeze3A_1640 : f32 to vector<16xf32>
        %mul3A_1657 = arith.mulf %get3A_1655, %mul3A_1656 : vector<16xf32>
        %add3A_1658 = arith.addf %add3A_1624, %mul3A_1657 : vector<16xf32>
        %get3A_1659 = arith.index_cast %add3A_1644 : i32 to index
        %get3A_1660 = arith.constant 32 : index
        %get3A_1661 = tpu.vector_load %arg9[%get3A_1659, %get3A_1660] {strides = array<i32>} : memref<800x128xf32, #tpu.memory_space<vmem>>, vector<1x16xf32>,
        %get3A_1662 = vector.shape_cast %get3A_1661 : vector<1x16xf32> to vector<16xf32>
        %mul3A_1663 = vector.broadcast %squeeze3A_1640 : f32 to vector<16xf32>
        %mul3A_1664 = arith.mulf %get3A_1662, %mul3A_1663 : vector<16xf32>
        %add3A_1665 = arith.addf %add3A_1631, %mul3A_1664 : vector<16xf32>
        %get3A_1666 = arith.index_cast %add3A_1644 : i32 to index
        %get3A_1667 = arith.constant 48 : index
        %get3A_1668 = tpu.vector_load %arg9[%get3A_1666, %get3A_1667] {strides = array<i32>} : memref<800x128xf32, #tpu.memory_space<vmem>>, vector<1x16xf32>,
        %get3A_1669 = vector.shape_cast %get3A_1668 : vector<1x16xf32> to vector<16xf32>
        %mul3A_1670 = vector.broadcast %squeeze3A_1640 : f32 to vector<16xf32>
        %mul3A_1671 = arith.mulf %get3A_1669, %mul3A_1670 : vector<16xf32>
        %add3A_1672 = arith.addf %add3A_1638, %mul3A_1671 : vector<16xf32>
        %slice3A_1673 = vector.extract_strided_slice %get3A_1570 {offsets = [3], sizes = [1], strides = [1]} : vector<16xf32> to vector<1xf32>
        %squeeze3A_1674 = vector.extract %slice3A_1673[0] : f32 from vector<1xf32>
        %add3A_1675 = arith.constant 32 : i32
        %add3A_1676 = arith.addi %add3A_466, %add3A_1675 : i32
        %add3A_1677 = arith.constant 3 : i32
        %add3A_1678 = arith.addi %add3A_1676, %add3A_1677 : i32
        %get3A_1679 = arith.index_cast %add3A_1678 : i32 to index
        %get3A_1680 = arith.constant 0 : index
        %get3A_1681 = tpu.vector_load %arg9[%get3A_1679, %get3A_1680] {strides = array<i32>} : memref<800x128xf32, #tpu.memory_space<vmem>>, vector<1x16xf32>,
        %get3A_1682 = vector.shape_cast %get3A_1681 : vector<1x16xf32> to vector<16xf32>
        %mul3A_1683 = vector.broadcast %squeeze3A_1674 : f32 to vector<16xf32>
        %mul3A_1684 = arith.mulf %get3A_1682, %mul3A_1683 : vector<16xf32>
        %add3A_1685 = arith.addf %add3A_1651, %mul3A_1684 : vector<16xf32>
        %get3A_1686 = arith.index_cast %add3A_1678 : i32 to index
        %get3A_1687 = arith.constant 16 : index
        %get3A_1688 = tpu.vector_load %arg9[%get3A_1686, %get3A_1687] {strides = array<i32>} : memref<800x128xf32, #tpu.memory_space<vmem>>, vector<1x16xf32>,
        %get3A_1689 = vector.shape_cast %get3A_1688 : vector<1x16xf32> to vector<16xf32>
        %mul3A_1690 = vector.broadcast %squeeze3A_1674 : f32 to vector<16xf32>
        %mul3A_1691 = arith.mulf %get3A_1689, %mul3A_1690 : vector<16xf32>
        %add3A_1692 = arith.addf %add3A_1658, %mul3A_1691 : vector<16xf32>
        %get3A_1693 = arith.index_cast %add3A_1678 : i32 to index
        %get3A_1694 = arith.constant 32 : index
        %get3A_1695 = tpu.vector_load %arg9[%get3A_1693, %get3A_1694] {strides = array<i32>} : memref<800x128xf32, #tpu.memory_space<vmem>>, vector<1x16xf32>,
        %get3A_1696 = vector.shape_cast %get3A_1695 : vector<1x16xf32> to vector<16xf32>
        %mul3A_1697 = vector.broadcast %squeeze3A_1674 : f32 to vector<16xf32>
        %mul3A_1698 = arith.mulf %get3A_1696, %mul3A_1697 : vector<16xf32>
        %add3A_1699 = arith.addf %add3A_1665, %mul3A_1698 : vector<16xf32>
        %get3A_1700 = arith.index_cast %add3A_1678 : i32 to index
        %get3A_1701 = arith.constant 48 : index
        %get3A_1702 = tpu.vector_load %arg9[%get3A_1700, %get3A_1701] {strides = array<i32>} : memref<800x128xf32, #tpu.memory_space<vmem>>, vector<1x16xf32>,
        %get3A_1703 = vector.shape_cast %get3A_1702 : vector<1x16xf32> to vector<16xf32>
        %mul3A_1704 = vector.broadcast %squeeze3A_1674 : f32 to vector<16xf32>
        %mul3A_1705 = arith.mulf %get3A_1703, %mul3A_1704 : vector<16xf32>
        %add3A_1706 = arith.addf %add3A_1672, %mul3A_1705 : vector<16xf32>
        %slice3A_1707 = vector.extract_strided_slice %get3A_1570 {offsets = [4], sizes = [1], strides = [1]} : vector<16xf32> to vector<1xf32>
        %squeeze3A_1708 = vector.extract %slice3A_1707[0] : f32 from vector<1xf32>
        %add3A_1709 = arith.constant 32 : i32
        %add3A_1710 = arith.addi %add3A_466, %add3A_1709 : i32
        %add3A_1711 = arith.constant 4 : i32
        %add3A_1712 = arith.addi %add3A_1710, %add3A_1711 : i32
        %get3A_1713 = arith.index_cast %add3A_1712 : i32 to index
        %get3A_1714 = arith.constant 0 : index
        %get3A_1715 = tpu.vector_load %arg9[%get3A_1713, %get3A_1714] {strides = array<i32>} : memref<800x128xf32, #tpu.memory_space<vmem>>, vector<1x16xf32>,
        %get3A_1716 = vector.shape_cast %get3A_1715 : vector<1x16xf32> to vector<16xf32>
        %mul3A_1717 = vector.broadcast %squeeze3A_1708 : f32 to vector<16xf32>
        %mul3A_1718 = arith.mulf %get3A_1716, %mul3A_1717 : vector<16xf32>
        %add3A_1719 = arith.addf %add3A_1685, %mul3A_1718 : vector<16xf32>
        %get3A_1720 = arith.index_cast %add3A_1712 : i32 to index
        %get3A_1721 = arith.constant 16 : index
        %get3A_1722 = tpu.vector_load %arg9[%get3A_1720, %get3A_1721] {strides = array<i32>} : memref<800x128xf32, #tpu.memory_space<vmem>>, vector<1x16xf32>,
        %get3A_1723 = vector.shape_cast %get3A_1722 : vector<1x16xf32> to vector<16xf32>
        %mul3A_1724 = vector.broadcast %squeeze3A_1708 : f32 to vector<16xf32>
        %mul3A_1725 = arith.mulf %get3A_1723, %mul3A_1724 : vector<16xf32>
        %add3A_1726 = arith.addf %add3A_1692, %mul3A_1725 : vector<16xf32>
        %get3A_1727 = arith.index_cast %add3A_1712 : i32 to index
        %get3A_1728 = arith.constant 32 : index
        %get3A_1729 = tpu.vector_load %arg9[%get3A_1727, %get3A_1728] {strides = array<i32>} : memref<800x128xf32, #tpu.memory_space<vmem>>, vector<1x16xf32>,
        %get3A_1730 = vector.shape_cast %get3A_1729 : vector<1x16xf32> to vector<16xf32>
        %mul3A_1731 = vector.broadcast %squeeze3A_1708 : f32 to vector<16xf32>
        %mul3A_1732 = arith.mulf %get3A_1730, %mul3A_1731 : vector<16xf32>
        %add3A_1733 = arith.addf %add3A_1699, %mul3A_1732 : vector<16xf32>
        %get3A_1734 = arith.index_cast %add3A_1712 : i32 to index
        %get3A_1735 = arith.constant 48 : index
        %get3A_1736 = tpu.vector_load %arg9[%get3A_1734, %get3A_1735] {strides = array<i32>} : memref<800x128xf32, #tpu.memory_space<vmem>>, vector<1x16xf32>,
        %get3A_1737 = vector.shape_cast %get3A_1736 : vector<1x16xf32> to vector<16xf32>
        %mul3A_1738 = vector.broadcast %squeeze3A_1708 : f32 to vector<16xf32>
        %mul3A_1739 = arith.mulf %get3A_1737, %mul3A_1738 : vector<16xf32>
        %add3A_1740 = arith.addf %add3A_1706, %mul3A_1739 : vector<16xf32>
        %slice3A_1741 = vector.extract_strided_slice %get3A_1570 {offsets = [5], sizes = [1], strides = [1]} : vector<16xf32> to vector<1xf32>
        %squeeze3A_1742 = vector.extract %slice3A_1741[0] : f32 from vector<1xf32>
        %add3A_1743 = arith.constant 32 : i32
        %add3A_1744 = arith.addi %add3A_466, %add3A_1743 : i32
        %add3A_1745 = arith.constant 5 : i32
        %add3A_1746 = arith.addi %add3A_1744, %add3A_1745 : i32
        %get3A_1747 = arith.index_cast %add3A_1746 : i32 to index
        %get3A_1748 = arith.constant 0 : index
        %get3A_1749 = tpu.vector_load %arg9[%get3A_1747, %get3A_1748] {strides = array<i32>} : memref<800x128xf32, #tpu.memory_space<vmem>>, vector<1x16xf32>,
        %get3A_1750 = vector.shape_cast %get3A_1749 : vector<1x16xf32> to vector<16xf32>
        %mul3A_1751 = vector.broadcast %squeeze3A_1742 : f32 to vector<16xf32>
        %mul3A_1752 = arith.mulf %get3A_1750, %mul3A_1751 : vector<16xf32>
        %add3A_1753 = arith.addf %add3A_1719, %mul3A_1752 : vector<16xf32>
        %get3A_1754 = arith.index_cast %add3A_1746 : i32 to index
        %get3A_1755 = arith.constant 16 : index
        %get3A_1756 = tpu.vector_load %arg9[%get3A_1754, %get3A_1755] {strides = array<i32>} : memref<800x128xf32, #tpu.memory_space<vmem>>, vector<1x16xf32>,
        %get3A_1757 = vector.shape_cast %get3A_1756 : vector<1x16xf32> to vector<16xf32>
        %mul3A_1758 = vector.broadcast %squeeze3A_1742 : f32 to vector<16xf32>
        %mul3A_1759 = arith.mulf %get3A_1757, %mul3A_1758 : vector<16xf32>
        %add3A_1760 = arith.addf %add3A_1726, %mul3A_1759 : vector<16xf32>
        %get3A_1761 = arith.index_cast %add3A_1746 : i32 to index
        %get3A_1762 = arith.constant 32 : index
        %get3A_1763 = tpu.vector_load %arg9[%get3A_1761, %get3A_1762] {strides = array<i32>} : memref<800x128xf32, #tpu.memory_space<vmem>>, vector<1x16xf32>,
        %get3A_1764 = vector.shape_cast %get3A_1763 : vector<1x16xf32> to vector<16xf32>
        %mul3A_1765 = vector.broadcast %squeeze3A_1742 : f32 to vector<16xf32>
        %mul3A_1766 = arith.mulf %get3A_1764, %mul3A_1765 : vector<16xf32>
        %add3A_1767 = arith.addf %add3A_1733, %mul3A_1766 : vector<16xf32>
        %get3A_1768 = arith.index_cast %add3A_1746 : i32 to index
        %get3A_1769 = arith.constant 48 : index
        %get3A_1770 = tpu.vector_load %arg9[%get3A_1768, %get3A_1769] {strides = array<i32>} : memref<800x128xf32, #tpu.memory_space<vmem>>, vector<1x16xf32>,
        %get3A_1771 = vector.shape_cast %get3A_1770 : vector<1x16xf32> to vector<16xf32>
        %mul3A_1772 = vector.broadcast %squeeze3A_1742 : f32 to vector<16xf32>
        %mul3A_1773 = arith.mulf %get3A_1771, %mul3A_1772 : vector<16xf32>
        %add3A_1774 = arith.addf %add3A_1740, %mul3A_1773 : vector<16xf32>
        %slice3A_1775 = vector.extract_strided_slice %get3A_1570 {offsets = [6], sizes = [1], strides = [1]} : vector<16xf32> to vector<1xf32>
        %squeeze3A_1776 = vector.extract %slice3A_1775[0] : f32 from vector<1xf32>
        %add3A_1777 = arith.constant 32 : i32
        %add3A_1778 = arith.addi %add3A_466, %add3A_1777 : i32
        %add3A_1779 = arith.constant 6 : i32
        %add3A_1780 = arith.addi %add3A_1778, %add3A_1779 : i32
        %get3A_1781 = arith.index_cast %add3A_1780 : i32 to index
        %get3A_1782 = arith.constant 0 : index
        %get3A_1783 = tpu.vector_load %arg9[%get3A_1781, %get3A_1782] {strides = array<i32>} : memref<800x128xf32, #tpu.memory_space<vmem>>, vector<1x16xf32>,
        %get3A_1784 = vector.shape_cast %get3A_1783 : vector<1x16xf32> to vector<16xf32>
        %mul3A_1785 = vector.broadcast %squeeze3A_1776 : f32 to vector<16xf32>
        %mul3A_1786 = arith.mulf %get3A_1784, %mul3A_1785 : vector<16xf32>
        %add3A_1787 = arith.addf %add3A_1753, %mul3A_1786 : vector<16xf32>
        %get3A_1788 = arith.index_cast %add3A_1780 : i32 to index
        %get3A_1789 = arith.constant 16 : index
        %get3A_1790 = tpu.vector_load %arg9[%get3A_1788, %get3A_1789] {strides = array<i32>} : memref<800x128xf32, #tpu.memory_space<vmem>>, vector<1x16xf32>,
        %get3A_1791 = vector.shape_cast %get3A_1790 : vector<1x16xf32> to vector<16xf32>
        %mul3A_1792 = vector.broadcast %squeeze3A_1776 : f32 to vector<16xf32>
        %mul3A_1793 = arith.mulf %get3A_1791, %mul3A_1792 : vector<16xf32>
        %add3A_1794 = arith.addf %add3A_1760, %mul3A_1793 : vector<16xf32>
        %get3A_1795 = arith.index_cast %add3A_1780 : i32 to index
        %get3A_1796 = arith.constant 32 : index
        %get3A_1797 = tpu.vector_load %arg9[%get3A_1795, %get3A_1796] {strides = array<i32>} : memref<800x128xf32, #tpu.memory_space<vmem>>, vector<1x16xf32>,
        %get3A_1798 = vector.shape_cast %get3A_1797 : vector<1x16xf32> to vector<16xf32>
        %mul3A_1799 = vector.broadcast %squeeze3A_1776 : f32 to vector<16xf32>
        %mul3A_1800 = arith.mulf %get3A_1798, %mul3A_1799 : vector<16xf32>
        %add3A_1801 = arith.addf %add3A_1767, %mul3A_1800 : vector<16xf32>
        %get3A_1802 = arith.index_cast %add3A_1780 : i32 to index
        %get3A_1803 = arith.constant 48 : index
        %get3A_1804 = tpu.vector_load %arg9[%get3A_1802, %get3A_1803] {strides = array<i32>} : memref<800x128xf32, #tpu.memory_space<vmem>>, vector<1x16xf32>,
        %get3A_1805 = vector.shape_cast %get3A_1804 : vector<1x16xf32> to vector<16xf32>
        %mul3A_1806 = vector.broadcast %squeeze3A_1776 : f32 to vector<16xf32>
        %mul3A_1807 = arith.mulf %get3A_1805, %mul3A_1806 : vector<16xf32>
        %add3A_1808 = arith.addf %add3A_1774, %mul3A_1807 : vector<16xf32>
        %slice3A_1809 = vector.extract_strided_slice %get3A_1570 {offsets = [7], sizes = [1], strides = [1]} : vector<16xf32> to vector<1xf32>
        %squeeze3A_1810 = vector.extract %slice3A_1809[0] : f32 from vector<1xf32>
        %add3A_1811 = arith.constant 32 : i32
        %add3A_1812 = arith.addi %add3A_466, %add3A_1811 : i32
        %add3A_1813 = arith.constant 7 : i32
        %add3A_1814 = arith.addi %add3A_1812, %add3A_1813 : i32
        %get3A_1815 = arith.index_cast %add3A_1814 : i32 to index
        %get3A_1816 = arith.constant 0 : index
        %get3A_1817 = tpu.vector_load %arg9[%get3A_1815, %get3A_1816] {strides = array<i32>} : memref<800x128xf32, #tpu.memory_space<vmem>>, vector<1x16xf32>,
        %get3A_1818 = vector.shape_cast %get3A_1817 : vector<1x16xf32> to vector<16xf32>
        %mul3A_1819 = vector.broadcast %squeeze3A_1810 : f32 to vector<16xf32>
        %mul3A_1820 = arith.mulf %get3A_1818, %mul3A_1819 : vector<16xf32>
        %add3A_1821 = arith.addf %add3A_1787, %mul3A_1820 : vector<16xf32>
        %get3A_1822 = arith.index_cast %add3A_1814 : i32 to index
        %get3A_1823 = arith.constant 16 : index
        %get3A_1824 = tpu.vector_load %arg9[%get3A_1822, %get3A_1823] {strides = array<i32>} : memref<800x128xf32, #tpu.memory_space<vmem>>, vector<1x16xf32>,
        %get3A_1825 = vector.shape_cast %get3A_1824 : vector<1x16xf32> to vector<16xf32>
        %mul3A_1826 = vector.broadcast %squeeze3A_1810 : f32 to vector<16xf32>
        %mul3A_1827 = arith.mulf %get3A_1825, %mul3A_1826 : vector<16xf32>
        %add3A_1828 = arith.addf %add3A_1794, %mul3A_1827 : vector<16xf32>
        %get3A_1829 = arith.index_cast %add3A_1814 : i32 to index
        %get3A_1830 = arith.constant 32 : index
        %get3A_1831 = tpu.vector_load %arg9[%get3A_1829, %get3A_1830] {strides = array<i32>} : memref<800x128xf32, #tpu.memory_space<vmem>>, vector<1x16xf32>,
        %get3A_1832 = vector.shape_cast %get3A_1831 : vector<1x16xf32> to vector<16xf32>
        %mul3A_1833 = vector.broadcast %squeeze3A_1810 : f32 to vector<16xf32>
        %mul3A_1834 = arith.mulf %get3A_1832, %mul3A_1833 : vector<16xf32>
        %add3A_1835 = arith.addf %add3A_1801, %mul3A_1834 : vector<16xf32>
        %get3A_1836 = arith.index_cast %add3A_1814 : i32 to index
        %get3A_1837 = arith.constant 48 : index
        %get3A_1838 = tpu.vector_load %arg9[%get3A_1836, %get3A_1837] {strides = array<i32>} : memref<800x128xf32, #tpu.memory_space<vmem>>, vector<1x16xf32>,
        %get3A_1839 = vector.shape_cast %get3A_1838 : vector<1x16xf32> to vector<16xf32>
        %mul3A_1840 = vector.broadcast %squeeze3A_1810 : f32 to vector<16xf32>
        %mul3A_1841 = arith.mulf %get3A_1839, %mul3A_1840 : vector<16xf32>
        %add3A_1842 = arith.addf %add3A_1808, %mul3A_1841 : vector<16xf32>
        %slice3A_1843 = vector.extract_strided_slice %get3A_1570 {offsets = [8], sizes = [1], strides = [1]} : vector<16xf32> to vector<1xf32>
        %squeeze3A_1844 = vector.extract %slice3A_1843[0] : f32 from vector<1xf32>
        %add3A_1845 = arith.constant 32 : i32
        %add3A_1846 = arith.addi %add3A_466, %add3A_1845 : i32
        %add3A_1847 = arith.constant 8 : i32
        %add3A_1848 = arith.addi %add3A_1846, %add3A_1847 : i32
        %get3A_1849 = arith.index_cast %add3A_1848 : i32 to index
        %get3A_1850 = arith.constant 0 : index
        %get3A_1851 = tpu.vector_load %arg9[%get3A_1849, %get3A_1850] {strides = array<i32>} : memref<800x128xf32, #tpu.memory_space<vmem>>, vector<1x16xf32>,
        %get3A_1852 = vector.shape_cast %get3A_1851 : vector<1x16xf32> to vector<16xf32>
        %mul3A_1853 = vector.broadcast %squeeze3A_1844 : f32 to vector<16xf32>
        %mul3A_1854 = arith.mulf %get3A_1852, %mul3A_1853 : vector<16xf32>
        %add3A_1855 = arith.addf %add3A_1821, %mul3A_1854 : vector<16xf32>
        %get3A_1856 = arith.index_cast %add3A_1848 : i32 to index
        %get3A_1857 = arith.constant 16 : index
        %get3A_1858 = tpu.vector_load %arg9[%get3A_1856, %get3A_1857] {strides = array<i32>} : memref<800x128xf32, #tpu.memory_space<vmem>>, vector<1x16xf32>,
        %get3A_1859 = vector.shape_cast %get3A_1858 : vector<1x16xf32> to vector<16xf32>
        %mul3A_1860 = vector.broadcast %squeeze3A_1844 : f32 to vector<16xf32>
        %mul3A_1861 = arith.mulf %get3A_1859, %mul3A_1860 : vector<16xf32>
        %add3A_1862 = arith.addf %add3A_1828, %mul3A_1861 : vector<16xf32>
        %get3A_1863 = arith.index_cast %add3A_1848 : i32 to index
        %get3A_1864 = arith.constant 32 : index
        %get3A_1865 = tpu.vector_load %arg9[%get3A_1863, %get3A_1864] {strides = array<i32>} : memref<800x128xf32, #tpu.memory_space<vmem>>, vector<1x16xf32>,
        %get3A_1866 = vector.shape_cast %get3A_1865 : vector<1x16xf32> to vector<16xf32>
        %mul3A_1867 = vector.broadcast %squeeze3A_1844 : f32 to vector<16xf32>
        %mul3A_1868 = arith.mulf %get3A_1866, %mul3A_1867 : vector<16xf32>
        %add3A_1869 = arith.addf %add3A_1835, %mul3A_1868 : vector<16xf32>
        %get3A_1870 = arith.index_cast %add3A_1848 : i32 to index
        %get3A_1871 = arith.constant 48 : index
        %get3A_1872 = tpu.vector_load %arg9[%get3A_1870, %get3A_1871] {strides = array<i32>} : memref<800x128xf32, #tpu.memory_space<vmem>>, vector<1x16xf32>,
        %get3A_1873 = vector.shape_cast %get3A_1872 : vector<1x16xf32> to vector<16xf32>
        %mul3A_1874 = vector.broadcast %squeeze3A_1844 : f32 to vector<16xf32>
        %mul3A_1875 = arith.mulf %get3A_1873, %mul3A_1874 : vector<16xf32>
        %add3A_1876 = arith.addf %add3A_1842, %mul3A_1875 : vector<16xf32>
        %slice3A_1877 = vector.extract_strided_slice %get3A_1570 {offsets = [9], sizes = [1], strides = [1]} : vector<16xf32> to vector<1xf32>
        %squeeze3A_1878 = vector.extract %slice3A_1877[0] : f32 from vector<1xf32>
        %add3A_1879 = arith.constant 32 : i32
        %add3A_1880 = arith.addi %add3A_466, %add3A_1879 : i32
        %add3A_1881 = arith.constant 9 : i32
        %add3A_1882 = arith.addi %add3A_1880, %add3A_1881 : i32
        %get3A_1883 = arith.index_cast %add3A_1882 : i32 to index
        %get3A_1884 = arith.constant 0 : index
        %get3A_1885 = tpu.vector_load %arg9[%get3A_1883, %get3A_1884] {strides = array<i32>} : memref<800x128xf32, #tpu.memory_space<vmem>>, vector<1x16xf32>,
        %get3A_1886 = vector.shape_cast %get3A_1885 : vector<1x16xf32> to vector<16xf32>
        %mul3A_1887 = vector.broadcast %squeeze3A_1878 : f32 to vector<16xf32>
        %mul3A_1888 = arith.mulf %get3A_1886, %mul3A_1887 : vector<16xf32>
        %add3A_1889 = arith.addf %add3A_1855, %mul3A_1888 : vector<16xf32>
        %get3A_1890 = arith.index_cast %add3A_1882 : i32 to index
        %get3A_1891 = arith.constant 16 : index
        %get3A_1892 = tpu.vector_load %arg9[%get3A_1890, %get3A_1891] {strides = array<i32>} : memref<800x128xf32, #tpu.memory_space<vmem>>, vector<1x16xf32>,
        %get3A_1893 = vector.shape_cast %get3A_1892 : vector<1x16xf32> to vector<16xf32>
        %mul3A_1894 = vector.broadcast %squeeze3A_1878 : f32 to vector<16xf32>
        %mul3A_1895 = arith.mulf %get3A_1893, %mul3A_1894 : vector<16xf32>
        %add3A_1896 = arith.addf %add3A_1862, %mul3A_1895 : vector<16xf32>
        %get3A_1897 = arith.index_cast %add3A_1882 : i32 to index
        %get3A_1898 = arith.constant 32 : index
        %get3A_1899 = tpu.vector_load %arg9[%get3A_1897, %get3A_1898] {strides = array<i32>} : memref<800x128xf32, #tpu.memory_space<vmem>>, vector<1x16xf32>,
        %get3A_1900 = vector.shape_cast %get3A_1899 : vector<1x16xf32> to vector<16xf32>
        %mul3A_1901 = vector.broadcast %squeeze3A_1878 : f32 to vector<16xf32>
        %mul3A_1902 = arith.mulf %get3A_1900, %mul3A_1901 : vector<16xf32>
        %add3A_1903 = arith.addf %add3A_1869, %mul3A_1902 : vector<16xf32>
        %get3A_1904 = arith.index_cast %add3A_1882 : i32 to index
        %get3A_1905 = arith.constant 48 : index
        %get3A_1906 = tpu.vector_load %arg9[%get3A_1904, %get3A_1905] {strides = array<i32>} : memref<800x128xf32, #tpu.memory_space<vmem>>, vector<1x16xf32>,
        %get3A_1907 = vector.shape_cast %get3A_1906 : vector<1x16xf32> to vector<16xf32>
        %mul3A_1908 = vector.broadcast %squeeze3A_1878 : f32 to vector<16xf32>
        %mul3A_1909 = arith.mulf %get3A_1907, %mul3A_1908 : vector<16xf32>
        %add3A_1910 = arith.addf %add3A_1876, %mul3A_1909 : vector<16xf32>
        %slice3A_1911 = vector.extract_strided_slice %get3A_1570 {offsets = [10], sizes = [1], strides = [1]} : vector<16xf32> to vector<1xf32>
        %squeeze3A_1912 = vector.extract %slice3A_1911[0] : f32 from vector<1xf32>
        %add3A_1913 = arith.constant 32 : i32
        %add3A_1914 = arith.addi %add3A_466, %add3A_1913 : i32
        %add3A_1915 = arith.constant 10 : i32
        %add3A_1916 = arith.addi %add3A_1914, %add3A_1915 : i32
        %get3A_1917 = arith.index_cast %add3A_1916 : i32 to index
        %get3A_1918 = arith.constant 0 : index
        %get3A_1919 = tpu.vector_load %arg9[%get3A_1917, %get3A_1918] {strides = array<i32>} : memref<800x128xf32, #tpu.memory_space<vmem>>, vector<1x16xf32>,
        %get3A_1920 = vector.shape_cast %get3A_1919 : vector<1x16xf32> to vector<16xf32>
        %mul3A_1921 = vector.broadcast %squeeze3A_1912 : f32 to vector<16xf32>
        %mul3A_1922 = arith.mulf %get3A_1920, %mul3A_1921 : vector<16xf32>
        %add3A_1923 = arith.addf %add3A_1889, %mul3A_1922 : vector<16xf32>
        %get3A_1924 = arith.index_cast %add3A_1916 : i32 to index
        %get3A_1925 = arith.constant 16 : index
        %get3A_1926 = tpu.vector_load %arg9[%get3A_1924, %get3A_1925] {strides = array<i32>} : memref<800x128xf32, #tpu.memory_space<vmem>>, vector<1x16xf32>,
        %get3A_1927 = vector.shape_cast %get3A_1926 : vector<1x16xf32> to vector<16xf32>
        %mul3A_1928 = vector.broadcast %squeeze3A_1912 : f32 to vector<16xf32>
        %mul3A_1929 = arith.mulf %get3A_1927, %mul3A_1928 : vector<16xf32>
        %add3A_1930 = arith.addf %add3A_1896, %mul3A_1929 : vector<16xf32>
        %get3A_1931 = arith.index_cast %add3A_1916 : i32 to index
        %get3A_1932 = arith.constant 32 : index
        %get3A_1933 = tpu.vector_load %arg9[%get3A_1931, %get3A_1932] {strides = array<i32>} : memref<800x128xf32, #tpu.memory_space<vmem>>, vector<1x16xf32>,
        %get3A_1934 = vector.shape_cast %get3A_1933 : vector<1x16xf32> to vector<16xf32>
        %mul3A_1935 = vector.broadcast %squeeze3A_1912 : f32 to vector<16xf32>
        %mul3A_1936 = arith.mulf %get3A_1934, %mul3A_1935 : vector<16xf32>
        %add3A_1937 = arith.addf %add3A_1903, %mul3A_1936 : vector<16xf32>
        %get3A_1938 = arith.index_cast %add3A_1916 : i32 to index
        %get3A_1939 = arith.constant 48 : index
        %get3A_1940 = tpu.vector_load %arg9[%get3A_1938, %get3A_1939] {strides = array<i32>} : memref<800x128xf32, #tpu.memory_space<vmem>>, vector<1x16xf32>,
        %get3A_1941 = vector.shape_cast %get3A_1940 : vector<1x16xf32> to vector<16xf32>
        %mul3A_1942 = vector.broadcast %squeeze3A_1912 : f32 to vector<16xf32>
        %mul3A_1943 = arith.mulf %get3A_1941, %mul3A_1942 : vector<16xf32>
        %add3A_1944 = arith.addf %add3A_1910, %mul3A_1943 : vector<16xf32>
        %slice3A_1945 = vector.extract_strided_slice %get3A_1570 {offsets = [11], sizes = [1], strides = [1]} : vector<16xf32> to vector<1xf32>
        %squeeze3A_1946 = vector.extract %slice3A_1945[0] : f32 from vector<1xf32>
        %add3A_1947 = arith.constant 32 : i32
        %add3A_1948 = arith.addi %add3A_466, %add3A_1947 : i32
        %add3A_1949 = arith.constant 11 : i32
        %add3A_1950 = arith.addi %add3A_1948, %add3A_1949 : i32
        %get3A_1951 = arith.index_cast %add3A_1950 : i32 to index
        %get3A_1952 = arith.constant 0 : index
        %get3A_1953 = tpu.vector_load %arg9[%get3A_1951, %get3A_1952] {strides = array<i32>} : memref<800x128xf32, #tpu.memory_space<vmem>>, vector<1x16xf32>,
        %get3A_1954 = vector.shape_cast %get3A_1953 : vector<1x16xf32> to vector<16xf32>
        %mul3A_1955 = vector.broadcast %squeeze3A_1946 : f32 to vector<16xf32>
        %mul3A_1956 = arith.mulf %get3A_1954, %mul3A_1955 : vector<16xf32>
        %add3A_1957 = arith.addf %add3A_1923, %mul3A_1956 : vector<16xf32>
        %get3A_1958 = arith.index_cast %add3A_1950 : i32 to index
        %get3A_1959 = arith.constant 16 : index
        %get3A_1960 = tpu.vector_load %arg9[%get3A_1958, %get3A_1959] {strides = array<i32>} : memref<800x128xf32, #tpu.memory_space<vmem>>, vector<1x16xf32>,
        %get3A_1961 = vector.shape_cast %get3A_1960 : vector<1x16xf32> to vector<16xf32>
        %mul3A_1962 = vector.broadcast %squeeze3A_1946 : f32 to vector<16xf32>
        %mul3A_1963 = arith.mulf %get3A_1961, %mul3A_1962 : vector<16xf32>
        %add3A_1964 = arith.addf %add3A_1930, %mul3A_1963 : vector<16xf32>
        %get3A_1965 = arith.index_cast %add3A_1950 : i32 to index
        %get3A_1966 = arith.constant 32 : index
        %get3A_1967 = tpu.vector_load %arg9[%get3A_1965, %get3A_1966] {strides = array<i32>} : memref<800x128xf32, #tpu.memory_space<vmem>>, vector<1x16xf32>,
        %get3A_1968 = vector.shape_cast %get3A_1967 : vector<1x16xf32> to vector<16xf32>
        %mul3A_1969 = vector.broadcast %squeeze3A_1946 : f32 to vector<16xf32>
        %mul3A_1970 = arith.mulf %get3A_1968, %mul3A_1969 : vector<16xf32>
        %add3A_1971 = arith.addf %add3A_1937, %mul3A_1970 : vector<16xf32>
        %get3A_1972 = arith.index_cast %add3A_1950 : i32 to index
        %get3A_1973 = arith.constant 48 : index
        %get3A_1974 = tpu.vector_load %arg9[%get3A_1972, %get3A_1973] {strides = array<i32>} : memref<800x128xf32, #tpu.memory_space<vmem>>, vector<1x16xf32>,
        %get3A_1975 = vector.shape_cast %get3A_1974 : vector<1x16xf32> to vector<16xf32>
        %mul3A_1976 = vector.broadcast %squeeze3A_1946 : f32 to vector<16xf32>
        %mul3A_1977 = arith.mulf %get3A_1975, %mul3A_1976 : vector<16xf32>
        %add3A_1978 = arith.addf %add3A_1944, %mul3A_1977 : vector<16xf32>
        %slice3A_1979 = vector.extract_strided_slice %get3A_1570 {offsets = [12], sizes = [1], strides = [1]} : vector<16xf32> to vector<1xf32>
        %squeeze3A_1980 = vector.extract %slice3A_1979[0] : f32 from vector<1xf32>
        %add3A_1981 = arith.constant 32 : i32
        %add3A_1982 = arith.addi %add3A_466, %add3A_1981 : i32
        %add3A_1983 = arith.constant 12 : i32
        %add3A_1984 = arith.addi %add3A_1982, %add3A_1983 : i32
        %get3A_1985 = arith.index_cast %add3A_1984 : i32 to index
        %get3A_1986 = arith.constant 0 : index
        %get3A_1987 = tpu.vector_load %arg9[%get3A_1985, %get3A_1986] {strides = array<i32>} : memref<800x128xf32, #tpu.memory_space<vmem>>, vector<1x16xf32>,
        %get3A_1988 = vector.shape_cast %get3A_1987 : vector<1x16xf32> to vector<16xf32>
        %mul3A_1989 = vector.broadcast %squeeze3A_1980 : f32 to vector<16xf32>
        %mul3A_1990 = arith.mulf %get3A_1988, %mul3A_1989 : vector<16xf32>
        %add3A_1991 = arith.addf %add3A_1957, %mul3A_1990 : vector<16xf32>
        %get3A_1992 = arith.index_cast %add3A_1984 : i32 to index
        %get3A_1993 = arith.constant 16 : index
        %get3A_1994 = tpu.vector_load %arg9[%get3A_1992, %get3A_1993] {strides = array<i32>} : memref<800x128xf32, #tpu.memory_space<vmem>>, vector<1x16xf32>,
        %get3A_1995 = vector.shape_cast %get3A_1994 : vector<1x16xf32> to vector<16xf32>
        %mul3A_1996 = vector.broadcast %squeeze3A_1980 : f32 to vector<16xf32>
        %mul3A_1997 = arith.mulf %get3A_1995, %mul3A_1996 : vector<16xf32>
        %add3A_1998 = arith.addf %add3A_1964, %mul3A_1997 : vector<16xf32>
        %get3A_1999 = arith.index_cast %add3A_1984 : i32 to index
        %get3A_2000 = arith.constant 32 : index
        %get3A_2001 = tpu.vector_load %arg9[%get3A_1999, %get3A_2000] {strides = array<i32>} : memref<800x128xf32, #tpu.memory_space<vmem>>, vector<1x16xf32>,
        %get3A_2002 = vector.shape_cast %get3A_2001 : vector<1x16xf32> to vector<16xf32>
        %mul3A_2003 = vector.broadcast %squeeze3A_1980 : f32 to vector<16xf32>
        %mul3A_2004 = arith.mulf %get3A_2002, %mul3A_2003 : vector<16xf32>
        %add3A_2005 = arith.addf %add3A_1971, %mul3A_2004 : vector<16xf32>
        %get3A_2006 = arith.index_cast %add3A_1984 : i32 to index
        %get3A_2007 = arith.constant 48 : index
        %get3A_2008 = tpu.vector_load %arg9[%get3A_2006, %get3A_2007] {strides = array<i32>} : memref<800x128xf32, #tpu.memory_space<vmem>>, vector<1x16xf32>,
        %get3A_2009 = vector.shape_cast %get3A_2008 : vector<1x16xf32> to vector<16xf32>
        %mul3A_2010 = vector.broadcast %squeeze3A_1980 : f32 to vector<16xf32>
        %mul3A_2011 = arith.mulf %get3A_2009, %mul3A_2010 : vector<16xf32>
        %add3A_2012 = arith.addf %add3A_1978, %mul3A_2011 : vector<16xf32>
        %slice3A_2013 = vector.extract_strided_slice %get3A_1570 {offsets = [13], sizes = [1], strides = [1]} : vector<16xf32> to vector<1xf32>
        %squeeze3A_2014 = vector.extract %slice3A_2013[0] : f32 from vector<1xf32>
        %add3A_2015 = arith.constant 32 : i32
        %add3A_2016 = arith.addi %add3A_466, %add3A_2015 : i32
        %add3A_2017 = arith.constant 13 : i32
        %add3A_2018 = arith.addi %add3A_2016, %add3A_2017 : i32
        %get3A_2019 = arith.index_cast %add3A_2018 : i32 to index
        %get3A_2020 = arith.constant 0 : index
        %get3A_2021 = tpu.vector_load %arg9[%get3A_2019, %get3A_2020] {strides = array<i32>} : memref<800x128xf32, #tpu.memory_space<vmem>>, vector<1x16xf32>,
        %get3A_2022 = vector.shape_cast %get3A_2021 : vector<1x16xf32> to vector<16xf32>
        %mul3A_2023 = vector.broadcast %squeeze3A_2014 : f32 to vector<16xf32>
        %mul3A_2024 = arith.mulf %get3A_2022, %mul3A_2023 : vector<16xf32>
        %add3A_2025 = arith.addf %add3A_1991, %mul3A_2024 : vector<16xf32>
        %get3A_2026 = arith.index_cast %add3A_2018 : i32 to index
        %get3A_2027 = arith.constant 16 : index
        %get3A_2028 = tpu.vector_load %arg9[%get3A_2026, %get3A_2027] {strides = array<i32>} : memref<800x128xf32, #tpu.memory_space<vmem>>, vector<1x16xf32>,
        %get3A_2029 = vector.shape_cast %get3A_2028 : vector<1x16xf32> to vector<16xf32>
        %mul3A_2030 = vector.broadcast %squeeze3A_2014 : f32 to vector<16xf32>
        %mul3A_2031 = arith.mulf %get3A_2029, %mul3A_2030 : vector<16xf32>
        %add3A_2032 = arith.addf %add3A_1998, %mul3A_2031 : vector<16xf32>
        %get3A_2033 = arith.index_cast %add3A_2018 : i32 to index
        %get3A_2034 = arith.constant 32 : index
        %get3A_2035 = tpu.vector_load %arg9[%get3A_2033, %get3A_2034] {strides = array<i32>} : memref<800x128xf32, #tpu.memory_space<vmem>>, vector<1x16xf32>,
        %get3A_2036 = vector.shape_cast %get3A_2035 : vector<1x16xf32> to vector<16xf32>
        %mul3A_2037 = vector.broadcast %squeeze3A_2014 : f32 to vector<16xf32>
        %mul3A_2038 = arith.mulf %get3A_2036, %mul3A_2037 : vector<16xf32>
        %add3A_2039 = arith.addf %add3A_2005, %mul3A_2038 : vector<16xf32>
        %get3A_2040 = arith.index_cast %add3A_2018 : i32 to index
        %get3A_2041 = arith.constant 48 : index
        %get3A_2042 = tpu.vector_load %arg9[%get3A_2040, %get3A_2041] {strides = array<i32>} : memref<800x128xf32, #tpu.memory_space<vmem>>, vector<1x16xf32>,
        %get3A_2043 = vector.shape_cast %get3A_2042 : vector<1x16xf32> to vector<16xf32>
        %mul3A_2044 = vector.broadcast %squeeze3A_2014 : f32 to vector<16xf32>
        %mul3A_2045 = arith.mulf %get3A_2043, %mul3A_2044 : vector<16xf32>
        %add3A_2046 = arith.addf %add3A_2012, %mul3A_2045 : vector<16xf32>
        %slice3A_2047 = vector.extract_strided_slice %get3A_1570 {offsets = [14], sizes = [1], strides = [1]} : vector<16xf32> to vector<1xf32>
        %squeeze3A_2048 = vector.extract %slice3A_2047[0] : f32 from vector<1xf32>
        %add3A_2049 = arith.constant 32 : i32
        %add3A_2050 = arith.addi %add3A_466, %add3A_2049 : i32
        %add3A_2051 = arith.constant 14 : i32
        %add3A_2052 = arith.addi %add3A_2050, %add3A_2051 : i32
        %get3A_2053 = arith.index_cast %add3A_2052 : i32 to index
        %get3A_2054 = arith.constant 0 : index
        %get3A_2055 = tpu.vector_load %arg9[%get3A_2053, %get3A_2054] {strides = array<i32>} : memref<800x128xf32, #tpu.memory_space<vmem>>, vector<1x16xf32>,
        %get3A_2056 = vector.shape_cast %get3A_2055 : vector<1x16xf32> to vector<16xf32>
        %mul3A_2057 = vector.broadcast %squeeze3A_2048 : f32 to vector<16xf32>
        %mul3A_2058 = arith.mulf %get3A_2056, %mul3A_2057 : vector<16xf32>
        %add3A_2059 = arith.addf %add3A_2025, %mul3A_2058 : vector<16xf32>
        %get3A_2060 = arith.index_cast %add3A_2052 : i32 to index
        %get3A_2061 = arith.constant 16 : index
        %get3A_2062 = tpu.vector_load %arg9[%get3A_2060, %get3A_2061] {strides = array<i32>} : memref<800x128xf32, #tpu.memory_space<vmem>>, vector<1x16xf32>,
        %get3A_2063 = vector.shape_cast %get3A_2062 : vector<1x16xf32> to vector<16xf32>
        %mul3A_2064 = vector.broadcast %squeeze3A_2048 : f32 to vector<16xf32>
        %mul3A_2065 = arith.mulf %get3A_2063, %mul3A_2064 : vector<16xf32>
        %add3A_2066 = arith.addf %add3A_2032, %mul3A_2065 : vector<16xf32>
        %get3A_2067 = arith.index_cast %add3A_2052 : i32 to index
        %get3A_2068 = arith.constant 32 : index
        %get3A_2069 = tpu.vector_load %arg9[%get3A_2067, %get3A_2068] {strides = array<i32>} : memref<800x128xf32, #tpu.memory_space<vmem>>, vector<1x16xf32>,
        %get3A_2070 = vector.shape_cast %get3A_2069 : vector<1x16xf32> to vector<16xf32>
        %mul3A_2071 = vector.broadcast %squeeze3A_2048 : f32 to vector<16xf32>
        %mul3A_2072 = arith.mulf %get3A_2070, %mul3A_2071 : vector<16xf32>
        %add3A_2073 = arith.addf %add3A_2039, %mul3A_2072 : vector<16xf32>
        %get3A_2074 = arith.index_cast %add3A_2052 : i32 to index
        %get3A_2075 = arith.constant 48 : index
        %get3A_2076 = tpu.vector_load %arg9[%get3A_2074, %get3A_2075] {strides = array<i32>} : memref<800x128xf32, #tpu.memory_space<vmem>>, vector<1x16xf32>,
        %get3A_2077 = vector.shape_cast %get3A_2076 : vector<1x16xf32> to vector<16xf32>
        %mul3A_2078 = vector.broadcast %squeeze3A_2048 : f32 to vector<16xf32>
        %mul3A_2079 = arith.mulf %get3A_2077, %mul3A_2078 : vector<16xf32>
        %add3A_2080 = arith.addf %add3A_2046, %mul3A_2079 : vector<16xf32>
        %slice3A_2081 = vector.extract_strided_slice %get3A_1570 {offsets = [15], sizes = [1], strides = [1]} : vector<16xf32> to vector<1xf32>
        %squeeze3A_2082 = vector.extract %slice3A_2081[0] : f32 from vector<1xf32>
        %add3A_2083 = arith.constant 32 : i32
        %add3A_2084 = arith.addi %add3A_466, %add3A_2083 : i32
        %add3A_2085 = arith.constant 15 : i32
        %add3A_2086 = arith.addi %add3A_2084, %add3A_2085 : i32
        %get3A_2087 = arith.index_cast %add3A_2086 : i32 to index
        %get3A_2088 = arith.constant 0 : index
        %get3A_2089 = tpu.vector_load %arg9[%get3A_2087, %get3A_2088] {strides = array<i32>} : memref<800x128xf32, #tpu.memory_space<vmem>>, vector<1x16xf32>,
        %get3A_2090 = vector.shape_cast %get3A_2089 : vector<1x16xf32> to vector<16xf32>
        %mul3A_2091 = vector.broadcast %squeeze3A_2082 : f32 to vector<16xf32>
        %mul3A_2092 = arith.mulf %get3A_2090, %mul3A_2091 : vector<16xf32>
        %add3A_2093 = arith.addf %add3A_2059, %mul3A_2092 : vector<16xf32>
        %get3A_2094 = arith.index_cast %add3A_2086 : i32 to index
        %get3A_2095 = arith.constant 16 : index
        %get3A_2096 = tpu.vector_load %arg9[%get3A_2094, %get3A_2095] {strides = array<i32>} : memref<800x128xf32, #tpu.memory_space<vmem>>, vector<1x16xf32>,
        %get3A_2097 = vector.shape_cast %get3A_2096 : vector<1x16xf32> to vector<16xf32>
        %mul3A_2098 = vector.broadcast %squeeze3A_2082 : f32 to vector<16xf32>
        %mul3A_2099 = arith.mulf %get3A_2097, %mul3A_2098 : vector<16xf32>
        %add3A_2100 = arith.addf %add3A_2066, %mul3A_2099 : vector<16xf32>
        %get3A_2101 = arith.index_cast %add3A_2086 : i32 to index
        %get3A_2102 = arith.constant 32 : index
        %get3A_2103 = tpu.vector_load %arg9[%get3A_2101, %get3A_2102] {strides = array<i32>} : memref<800x128xf32, #tpu.memory_space<vmem>>, vector<1x16xf32>,
        %get3A_2104 = vector.shape_cast %get3A_2103 : vector<1x16xf32> to vector<16xf32>
        %mul3A_2105 = vector.broadcast %squeeze3A_2082 : f32 to vector<16xf32>
        %mul3A_2106 = arith.mulf %get3A_2104, %mul3A_2105 : vector<16xf32>
        %add3A_2107 = arith.addf %add3A_2073, %mul3A_2106 : vector<16xf32>
        %get3A_2108 = arith.index_cast %add3A_2086 : i32 to index
        %get3A_2109 = arith.constant 48 : index
        %get3A_2110 = tpu.vector_load %arg9[%get3A_2108, %get3A_2109] {strides = array<i32>} : memref<800x128xf32, #tpu.memory_space<vmem>>, vector<1x16xf32>,
        %get3A_2111 = vector.shape_cast %get3A_2110 : vector<1x16xf32> to vector<16xf32>
        %mul3A_2112 = vector.broadcast %squeeze3A_2082 : f32 to vector<16xf32>
        %mul3A_2113 = arith.mulf %get3A_2111, %mul3A_2112 : vector<16xf32>
        %add3A_2114 = arith.addf %add3A_2080, %mul3A_2113 : vector<16xf32>
        %get3A_2115 = arith.constant 1 : i32
        %get3A_2116 = arith.index_cast %get3A_2115 : i32 to index
        %get3A_2117 = arith.index_cast %scan3A_462 : i32 to index
        %get3A_2118 = arith.constant 48 : index
        %get3A_2119 = tpu.vector_load %arg8[%get3A_2116, %get3A_2117, %get3A_2118] {strides = array<i32>} : memref<2x8x64xf32, #tpu.memory_space<vmem>>, vector<1x1x16xf32>,
        %get3A_2120 = vector.shape_cast %get3A_2119 : vector<1x1x16xf32> to vector<16xf32>
        %slice3A_2121 = vector.extract_strided_slice %get3A_2120 {offsets = [0], sizes = [1], strides = [1]} : vector<16xf32> to vector<1xf32>
        %squeeze3A_2122 = vector.extract %slice3A_2121[0] : f32 from vector<1xf32>
        %add3A_2123 = arith.constant 48 : i32
        %add3A_2124 = arith.addi %add3A_466, %add3A_2123 : i32
        %add3A_2125 = arith.constant 0 : i32
        %add3A_2126 = arith.addi %add3A_2124, %add3A_2125 : i32
        %get3A_2127 = arith.index_cast %add3A_2126 : i32 to index
        %get3A_2128 = arith.constant 0 : index
        %get3A_2129 = tpu.vector_load %arg9[%get3A_2127, %get3A_2128] {strides = array<i32>} : memref<800x128xf32, #tpu.memory_space<vmem>>, vector<1x16xf32>,
        %get3A_2130 = vector.shape_cast %get3A_2129 : vector<1x16xf32> to vector<16xf32>
        %mul3A_2131 = vector.broadcast %squeeze3A_2122 : f32 to vector<16xf32>
        %mul3A_2132 = arith.mulf %get3A_2130, %mul3A_2131 : vector<16xf32>
        %add3A_2133 = arith.addf %add3A_2093, %mul3A_2132 : vector<16xf32>
        %get3A_2134 = arith.index_cast %add3A_2126 : i32 to index
        %get3A_2135 = arith.constant 16 : index
        %get3A_2136 = tpu.vector_load %arg9[%get3A_2134, %get3A_2135] {strides = array<i32>} : memref<800x128xf32, #tpu.memory_space<vmem>>, vector<1x16xf32>,
        %get3A_2137 = vector.shape_cast %get3A_2136 : vector<1x16xf32> to vector<16xf32>
        %mul3A_2138 = vector.broadcast %squeeze3A_2122 : f32 to vector<16xf32>
        %mul3A_2139 = arith.mulf %get3A_2137, %mul3A_2138 : vector<16xf32>
        %add3A_2140 = arith.addf %add3A_2100, %mul3A_2139 : vector<16xf32>
        %get3A_2141 = arith.index_cast %add3A_2126 : i32 to index
        %get3A_2142 = arith.constant 32 : index
        %get3A_2143 = tpu.vector_load %arg9[%get3A_2141, %get3A_2142] {strides = array<i32>} : memref<800x128xf32, #tpu.memory_space<vmem>>, vector<1x16xf32>,
        %get3A_2144 = vector.shape_cast %get3A_2143 : vector<1x16xf32> to vector<16xf32>
        %mul3A_2145 = vector.broadcast %squeeze3A_2122 : f32 to vector<16xf32>
        %mul3A_2146 = arith.mulf %get3A_2144, %mul3A_2145 : vector<16xf32>
        %add3A_2147 = arith.addf %add3A_2107, %mul3A_2146 : vector<16xf32>
        %get3A_2148 = arith.index_cast %add3A_2126 : i32 to index
        %get3A_2149 = arith.constant 48 : index
        %get3A_2150 = tpu.vector_load %arg9[%get3A_2148, %get3A_2149] {strides = array<i32>} : memref<800x128xf32, #tpu.memory_space<vmem>>, vector<1x16xf32>,
        %get3A_2151 = vector.shape_cast %get3A_2150 : vector<1x16xf32> to vector<16xf32>
        %mul3A_2152 = vector.broadcast %squeeze3A_2122 : f32 to vector<16xf32>
        %mul3A_2153 = arith.mulf %get3A_2151, %mul3A_2152 : vector<16xf32>
        %add3A_2154 = arith.addf %add3A_2114, %mul3A_2153 : vector<16xf32>
        %slice3A_2155 = vector.extract_strided_slice %get3A_2120 {offsets = [1], sizes = [1], strides = [1]} : vector<16xf32> to vector<1xf32>
        %squeeze3A_2156 = vector.extract %slice3A_2155[0] : f32 from vector<1xf32>
        %add3A_2157 = arith.constant 48 : i32
        %add3A_2158 = arith.addi %add3A_466, %add3A_2157 : i32
        %add3A_2159 = arith.constant 1 : i32
        %add3A_2160 = arith.addi %add3A_2158, %add3A_2159 : i32
        %get3A_2161 = arith.index_cast %add3A_2160 : i32 to index
        %get3A_2162 = arith.constant 0 : index
        %get3A_2163 = tpu.vector_load %arg9[%get3A_2161, %get3A_2162] {strides = array<i32>} : memref<800x128xf32, #tpu.memory_space<vmem>>, vector<1x16xf32>,
        %get3A_2164 = vector.shape_cast %get3A_2163 : vector<1x16xf32> to vector<16xf32>
        %mul3A_2165 = vector.broadcast %squeeze3A_2156 : f32 to vector<16xf32>
        %mul3A_2166 = arith.mulf %get3A_2164, %mul3A_2165 : vector<16xf32>
        %add3A_2167 = arith.addf %add3A_2133, %mul3A_2166 : vector<16xf32>
        %get3A_2168 = arith.index_cast %add3A_2160 : i32 to index
        %get3A_2169 = arith.constant 16 : index
        %get3A_2170 = tpu.vector_load %arg9[%get3A_2168, %get3A_2169] {strides = array<i32>} : memref<800x128xf32, #tpu.memory_space<vmem>>, vector<1x16xf32>,
        %get3A_2171 = vector.shape_cast %get3A_2170 : vector<1x16xf32> to vector<16xf32>
        %mul3A_2172 = vector.broadcast %squeeze3A_2156 : f32 to vector<16xf32>
        %mul3A_2173 = arith.mulf %get3A_2171, %mul3A_2172 : vector<16xf32>
        %add3A_2174 = arith.addf %add3A_2140, %mul3A_2173 : vector<16xf32>
        %get3A_2175 = arith.index_cast %add3A_2160 : i32 to index
        %get3A_2176 = arith.constant 32 : index
        %get3A_2177 = tpu.vector_load %arg9[%get3A_2175, %get3A_2176] {strides = array<i32>} : memref<800x128xf32, #tpu.memory_space<vmem>>, vector<1x16xf32>,
        %get3A_2178 = vector.shape_cast %get3A_2177 : vector<1x16xf32> to vector<16xf32>
        %mul3A_2179 = vector.broadcast %squeeze3A_2156 : f32 to vector<16xf32>
        %mul3A_2180 = arith.mulf %get3A_2178, %mul3A_2179 : vector<16xf32>
        %add3A_2181 = arith.addf %add3A_2147, %mul3A_2180 : vector<16xf32>
        %get3A_2182 = arith.index_cast %add3A_2160 : i32 to index
        %get3A_2183 = arith.constant 48 : index
        %get3A_2184 = tpu.vector_load %arg9[%get3A_2182, %get3A_2183] {strides = array<i32>} : memref<800x128xf32, #tpu.memory_space<vmem>>, vector<1x16xf32>,
        %get3A_2185 = vector.shape_cast %get3A_2184 : vector<1x16xf32> to vector<16xf32>
        %mul3A_2186 = vector.broadcast %squeeze3A_2156 : f32 to vector<16xf32>
        %mul3A_2187 = arith.mulf %get3A_2185, %mul3A_2186 : vector<16xf32>
        %add3A_2188 = arith.addf %add3A_2154, %mul3A_2187 : vector<16xf32>
        %swap3A = arith.index_cast %scan3A_462 : i32 to index
        %swap3A_2189 = arith.constant 0 : index
        %swap3A_2190 = tpu.vector_load %arg10[%swap3A, %swap3A_2189] {strides = array<i32>} : memref<8x64xf32, #tpu.memory_space<vmem>>, vector<1x16xf32>,
        %swap3A_2191 = vector.shape_cast %swap3A_2190 : vector<1x16xf32> to vector<16xf32>
        %swap3A_2192 = vector.shape_cast %add3A_2167 : vector<16xf32> to vector<1x16xf32>
        tpu.vector_store %arg10[%swap3A, %swap3A_2189], %swap3A_2192 {strides = array<i32>} : memref<8x64xf32, #tpu.memory_space<vmem>>, vector<1x16xf32>,
        %swap3A_2193 = arith.index_cast %scan3A_462 : i32 to index
        %swap3A_2194 = arith.constant 16 : index
        %swap3A_2195 = tpu.vector_load %arg10[%swap3A_2193, %swap3A_2194] {strides = array<i32>} : memref<8x64xf32, #tpu.memory_space<vmem>>, vector<1x16xf32>,
        %swap3A_2196 = vector.shape_cast %swap3A_2195 : vector<1x16xf32> to vector<16xf32>
        %swap3A_2197 = vector.shape_cast %add3A_2174 : vector<16xf32> to vector<1x16xf32>
        tpu.vector_store %arg10[%swap3A_2193, %swap3A_2194], %swap3A_2197 {strides = array<i32>} : memref<8x64xf32, #tpu.memory_space<vmem>>, vector<1x16xf32>,
        %swap3A_2198 = arith.index_cast %scan3A_462 : i32 to index
        %swap3A_2199 = arith.constant 32 : index
        %swap3A_2200 = tpu.vector_load %arg10[%swap3A_2198, %swap3A_2199] {strides = array<i32>} : memref<8x64xf32, #tpu.memory_space<vmem>>, vector<1x16xf32>,
        %swap3A_2201 = vector.shape_cast %swap3A_2200 : vector<1x16xf32> to vector<16xf32>
        %swap3A_2202 = vector.shape_cast %add3A_2181 : vector<16xf32> to vector<1x16xf32>
        tpu.vector_store %arg10[%swap3A_2198, %swap3A_2199], %swap3A_2202 {strides = array<i32>} : memref<8x64xf32, #tpu.memory_space<vmem>>, vector<1x16xf32>,
        %swap3A_2203 = arith.index_cast %scan3A_462 : i32 to index
        %swap3A_2204 = arith.constant 48 : index
        %swap3A_2205 = tpu.vector_load %arg10[%swap3A_2203, %swap3A_2204] {strides = array<i32>} : memref<8x64xf32, #tpu.memory_space<vmem>>, vector<1x16xf32>,
        %swap3A_2206 = vector.shape_cast %swap3A_2205 : vector<1x16xf32> to vector<16xf32>
        %swap3A_2207 = vector.shape_cast %add3A_2188 : vector<16xf32> to vector<1x16xf32>
        tpu.vector_store %arg10[%swap3A_2203, %swap3A_2204], %swap3A_2207 {strides = array<i32>} : memref<8x64xf32, #tpu.memory_space<vmem>>, vector<1x16xf32>,
      }
      %scan3A_456 = arith.constant 8 : i32
      %mul3A_457 = arith.constant 128 : i32
      %mul3A_458 = arith.muli %add3A, %mul3A_457 : i32
      %mul3A_459 = arith.constant 8 : i32
      %mul3A_460 = arith.muli %add3A_450, %mul3A_459 : i32
      %add3A_461 = arith.addi %mul3A_458, %mul3A_460 : i32
      "tpu.region"() ({
        %run_scoped3A_462 = tpu.sem_alloc : memref<!tpu.dma_semaphore, #tpu.memory_space<semaphore_mem>>
        %dma_start3A_463 = arith.constant 0 : i32
        %dma_start3A_464 = tpu.memref_slice %arg6[%add3A_461, %dma_start3A_463] : memref<4096x64xf32, #tpu.memory_space<hbm>> -> memref<8x64xf32, #tpu.memory_space<hbm>>
        %dma_start3A_465 = arith.constant 0 : i32
        %dma_start3A_466 = tpu.memref_slice %arg6[%add3A_461, %dma_start3A_465] : memref<4096x64xf32, #tpu.memory_space<hbm>> -> memref<8x64xf32, #tpu.memory_space<hbm>>
        tpu.enqueue_dma source(%arg10 : memref<8x64xf32, #tpu.memory_space<vmem>>) target(%dma_start3A_466 : memref<8x64xf32, #tpu.memory_space<hbm>>) target_semaphore(%run_scoped3A_462 : memref<!tpu.dma_semaphore, #tpu.memory_space<semaphore_mem>>)
        %dma_wait3A_467 = arith.constant 0 : i32
        %dma_wait3A_468 = tpu.memref_slice %arg6[%add3A_461, %dma_wait3A_467] : memref<4096x64xf32, #tpu.memory_space<hbm>> -> memref<8x64xf32, #tpu.memory_space<hbm>>
        %dma_wait3A_469 = arith.constant 0 : i32
        %dma_wait3A_470 = tpu.memref_slice %arg6[%add3A_461, %dma_wait3A_469] : memref<4096x64xf32, #tpu.memory_space<hbm>> -> memref<8x64xf32, #tpu.memory_space<hbm>>
        tpu.wait_dma2 semaphore(%run_scoped3A_462 : memref<!tpu.dma_semaphore, #tpu.memory_space<semaphore_mem>>) src(%arg10 : memref<8x64xf32, #tpu.memory_space<vmem>>) dst(%dma_wait3A_470 : memref<8x64xf32, #tpu.memory_space<hbm>>)
        tpu.yield
      }) : () -> ()
    }
    %scan3A_140 = arith.constant 8 : i32
    %dma_wait3A = arith.constant 0 : i32
    %dma_wait3A_141 = arith.constant 0 : i32
    %dma_wait3A_142 = tpu.memref_slice %arg9[%dma_wait3A, %dma_wait3A_141] : memref<800x128xf32, #tpu.memory_space<vmem>> -> memref<400x128xf32, #tpu.memory_space<vmem>>
    %dma_wait3A_143 = arith.constant 0 : i32
    %dma_wait3A_144 = arith.constant 0 : i32
    %dma_wait3A_145 = tpu.memref_slice %arg4[%dma_wait3A_143, %dma_wait3A_144] : memref<1000000x128xf32, #tpu.memory_space<hbm>> -> memref<400x128xf32, #tpu.memory_space<hbm>>
    %dma_wait3A_146 = arith.constant 0 : i32
    %dma_wait3A_147 = arith.constant 0 : i32
    %dma_wait3A_148 = tpu.memref_slice %arg9[%dma_wait3A_146, %dma_wait3A_147] : memref<800x128xf32, #tpu.memory_space<vmem>> -> memref<400x128xf32, #tpu.memory_space<vmem>>
    %dma_wait3A_149 = arith.constant 0 : i32
    %dma_wait3A_150 = arith.constant 0 : i32
    %dma_wait3A_151 = tpu.memref_slice %arg4[%dma_wait3A_149, %dma_wait3A_150] : memref<1000000x128xf32, #tpu.memory_space<hbm>> -> memref<400x128xf32, #tpu.memory_space<hbm>>
    tpu.wait_dma2 semaphore(%arg12 : memref<!tpu.dma_semaphore, #tpu.memory_space<semaphore_mem>>) src(%dma_wait3A_151 : memref<400x128xf32, #tpu.memory_space<hbm>>) dst(%dma_wait3A_148 : memref<400x128xf32, #tpu.memory_space<vmem>>)
    return
  }
}

</mosaic_0001>

<sc_bundles>
// kernel: kernel.3.cloned.1.call-start
scs
__scs_entry_jumppad:
0x0: {  	(pc) =	sbr.rel $0x88, $3  }
0x1: {  	(tag) =	ssettag $0x0;
	lr =	simm.s32 $0x1  }
0x2: {  	[smem:$0x3F9D] =	sst lr;
	_ =	strace $0xD0000000  }
0x3: {  	_ = 	snop  }
0x4: {  	_ = 	snop  }
0x5: {  	_ = 	snop  }
0x6: {  	_ = 	snop  }
0x7: {  	_ = 	snop  }
__scs_overlays_trampoline_lowered:
0x8: {  	[smem:$0x3FAC] =	sst s0  }
0x9: {  	[smem:$0x3FAD] =	sst s1  }
0xa: {  	[smem:$0x3FAE] =	sst s2  }
0xb: {  	[smem:$0x3FAF] =	sst s3  }
0xc: {  	[smem:$0x3FB0] =	sst s4  }
0xd: {  	[smem:$0x3FB1] =	sst s5  }
0xe: {  	[smem:$0x3FB2] =	sst s6  }
0xf: {  	[smem:$0x3FB3] =	sst s7  }
0x10: {  	[smem:$0x3FB4] =	sst s8  }
0x11: {  	[smem:$0x3FB5] =	sst s9;
	s0 =	simm.s32 @!p0 $0x0  }
0x12: {  	s1 =	sld [smem:$0x3F9B];
	s0 =	simm.s32 @p0 $0x1  }
0x13: {  	[smem:$0x3FB6] =	sst s0;
	s0 =	simm.s32 @!p1 $0x0  }
0x14: {  	s2 =	sld [smem:$0x3F9A];
	s0 =	simm.s32 @p1 $0x1  }
0x15: {  	[smem:$0x3FB7] =	sst s0;
	s0 =	simm.s32 @!p2 $0x0  }
0x16: {  	s3 =	sld [smem:$0x3FDB];
	s0 =	simm.s32 @p2 $0x1  }
0x17: {  	s4 =	simm.s32 $0x1BF5;
	[smem:$0x3FB9] =	sst s0  }
0x18: {  	s0 =	sld [smem:$0x3F9C];
	_ =	swait.ge [sflag:s4], $0x0  }
0x19: {  	s7 =	sld [smem:$0x3F9D]  }
0x1a: {  	s8 =	sadd.s32 $0xFFFFE003, lr  }
0x1b: {  	s9 =	sadd.s32 $0xFFFFFEF7, lr;
	s5 =	simm.s32 $0xFFFFFFFF;
	p2 =	slt.u32 s8, $0xFFFFF086  }
0x1c: {  	p1 =	slt.u32 s9, $0xF7A;
	s5 =	simm.s32 @!p2 $0x0  }
0x1d: {  	s5 =	simm.s32 @p1 $0x1;
	p0 =	seq.s32 s7, s2  }
0x1e: {  	s7 =	smul.u32 @!p0 $0xF7A, s2;
	p2 =	seq.s32 @!p0 s5, $0x0  }
0x1f: {  	s9 =	smul.u32 $0xF7A, s1;
	s8 =	simm.s32 @!p0 $0x1BF5;
	p2 =	por !p2, p0  }
0x20: {  	[sflag:s8] =	ssyncset.s32 @!p0 $0xFFFFF086;
	s6 =	sadd.s32 @!p0 s3, s7;
	s7 =	simm.s32 @!p0 $0x108  }
0x21: {  	s3 =	sadd.s32 s3, s9;
	s6 =	sadd.s32 @!p0 $0x88, s6;
	s7 =	simm.s32 @p2 $0x1082  }
0x22: {  	[simem:s7], [sflag:s8] =	dma.local @!p0 [hbm:s6], $0xF7A  }
0x23: {  	s9 =	sor.u32 $0xD0000000, s2;
	s6 =	simm.s32 $0x108;
	_ =	swait.ge @!p0 [sflag:s8], $0x0  }
0x24: {  	s3 =	sadd.s32 $0x88, s3;
	s6 =	simm.s32 @!p1 $0x1082;
	[sflag:s4] =	ssyncset.s32 $0xFFFFF086  }
0x25: {  	[simem:s6], [sflag:s4] =	dma.local [hbm:s3], $0xF7A  }
0x26: {  	[smem:$0x3F9D] =	sst s1;
	(tag) =	ssettag s2;
	_ =	strace s9  }
0x27: {  	s1 =	sld [smem:$0x3FAD]  }
0x28: {  	s2 =	sld [smem:$0x3FAE]  }
0x29: {  	s4 =	sld [smem:$0x3FB0]  }
0x2a: {  	p0 =	seq.s32 s5, $0x0;
	s5 =	sld [smem:$0x3FB1]  }
0x2b: {  	s6 =	sld [smem:$0x3FB2]  }
0x2c: {  	s7 =	sld [smem:$0x3FB3]  }
0x2d: {  	s3 =	simm.s32 $0x108;
	s8 =	sld [smem:$0x3FB4]  }
0x2e: {  	s3 =	simm.s32 @!p0 $0x1082;
	s9 =	sld [smem:$0x3FB5]  }
0x2f: {  	lr =	sadd.s32 s0, s3;
	s0 =	sld [smem:$0x3FAC]  }
0x30: {  	s3 =	sld [smem:$0x3FAF]  }
0x31: {  	[smem:$0x3FB8] =	sst s10  }
0x32: {  	s10 =	sld [smem:$0x3FB6];
	_ =	sdelay $0x3  }
0x33: {  	p0 =	seq.s32 s10, $0x1;
	s10 =	sld [smem:$0x3FB8];
	_ =	sdelay $0x3  }
0x34: {  	[smem:$0x3FB8] =	sst s10  }
0x35: {  	s10 =	sld [smem:$0x3FB7];
	_ =	sdelay $0x3  }
0x36: {  	p1 =	seq.s32 s10, $0x1;
	s10 =	sld [smem:$0x3FB8];
	_ =	sdelay $0x3  }
0x37: {  	[smem:$0x3FB8] =	sst s10  }
0x38: {  	s10 =	sld [smem:$0x3FB9]  }
0x39: {  	_ = 	snop;
	(pc) =	sbr.ind lr, $3  }
0x3a: {  	_ = 	snop  }
0x3b: {  	_ = 	snop  }
0x3c: {  	p2 =	seq.s32 s10, $0x1;
	s10 =	sld [smem:$0x3FB8]  }
0x3d: {  	_ =	shalt  }
0x3e: {  	_ =	shalt  }
0x3f: {  	_ =	shalt  }
0x40: {  	_ =	shalt  }
0x41: {  	_ =	shalt  }
0x42: {  	_ =	shalt  }
0x43: {  	_ =	shalt  }
0x44: {  	_ =	shalt  }
0x45: {  	_ =	shalt  }
0x46: {  	_ =	shalt  }
0x47: {  	_ =	shalt  }
0x48: {  	_ =	shalt  }
0x49: {  	_ =	shalt  }
0x4a: {  	_ =	shalt  }
0x4b: {  	_ =	shalt  }
0x4c: {  	_ =	shalt  }
0x4d: {  	_ =	shalt  }
0x4e: {  	_ =	shalt  }
0x4f: {  	_ =	shalt  }
0x50: {  	_ =	shalt  }
0x51: {  	_ =	shalt  }
0x52: {  	_ =	shalt  }
0x53: {  	_ =	shalt  }
0x54: {  	_ =	shalt  }
0x55: {  	_ =	shalt  }
0x56: {  	_ =	shalt  }
0x57: {  	_ =	shalt  }
0x58: {  	_ =	shalt  }
0x59: {  	_ =	shalt  }
0x5a: {  	_ =	shalt  }
0x5b: {  	_ =	shalt  }
0x5c: {  	_ =	shalt  }
0x5d: {  	_ =	shalt  }
0x5e: {  	_ =	shalt  }
0x5f: {  	_ =	shalt  }
0x60: {  	_ =	shalt  }
0x61: {  	_ =	shalt  }
0x62: {  	_ =	shalt  }
0x63: {  	_ =	shalt  }
0x64: {  	_ =	shalt  }
0x65: {  	_ =	shalt  }
0x66: {  	_ =	shalt  }
0x67: {  	_ =	shalt  }
0x68: {  	_ =	shalt  }
0x69: {  	_ =	shalt  }
0x6a: {  	_ =	shalt  }
0x6b: {  	_ =	shalt  }
0x6c: {  	_ =	shalt  }
0x6d: {  	_ =	shalt  }
0x6e: {  	_ =	shalt  }
0x6f: {  	_ =	shalt  }
0x70: {  	_ =	shalt  }
0x71: {  	_ =	shalt  }
0x72: {  	_ =	shalt  }
0x73: {  	_ =	shalt  }
0x74: {  	_ =	shalt  }
0x75: {  	_ =	shalt  }
0x76: {  	_ =	shalt  }
0x77: {  	_ =	shalt  }
0x78: {  	_ =	shalt  }
0x79: {  	_ =	shalt  }
0x7a: {  	_ =	shalt  }
0x7b: {  	_ =	shalt  }
0x7c: {  	_ =	shalt  }
0x7d: {  	_ =	shalt  }
0x7e: {  	_ =	shalt  }
0x7f: {  	_ =	shalt  }
0x80: {  	_ =	shalt  }
0x81: {  	_ =	shalt  }
0x82: {  	_ =	shalt  }
0x83: {  	_ =	shalt  }
0x84: {  	_ =	shalt  }
0x85: {  	_ =	shalt  }
0x86: {  	_ =	shalt  }
0x87: {  	_ =	shalt  }
.Lfunc_end0:
.L_simem_size_0:
called_computation_lowered:
.L_overlay_start_0:
0x88: {  	s2 =	sld [smem:$0x3FD9]  }
0x89: {  	s3 =	sld [smem:$0x3FFE];
	_ =	sdelay $0x1  }
0x8a: {  	s1 =	srdreg.scid  }
0x8b: {  	s0 =	sand.u32 $0x1, s1  }
0x8c: {  	s17 =	sshll.u32 s0, $0xA;
	s2 =	sadd.s32 s3, s2  }
0x8d: {  	s2 =	sadd.s32 s2, s17  }
0x8e: {  	[smem:$0x3FC4] =	sst s2  }
0x8f: {  	_ = 	snop  }
0x90: {  	s2 =	sld [smem:$0x3FC6];
	(tm) =	ssettm $0x1  }
0x91: {  	s18 =	sld [smem:$0x3FFB];
	_ =	sdelay $0x3  }
0x92: {  	_ =	strace s18  }
0x93: {  	s3 =	sld [smem:$0x3FFC];
	_ =	sdelay $0x3  }
0x94: {  	_ =	strace s3  }
0x95: {  	s3 =	sld [smem:$0x3FFD];
	_ =	sdelay $0x3  }
0x96: {  	_ =	strace s3  }
0x97: {  	_ =	strace $0x8FFFFFFF  }
0x98: {  	s19 =	sld [smem:$0x3FDB];
	_ =	sdelay $0x1  }
0x99: {  	s4 =	simm.s32 $_scs_section_size  }
0x9a: {  	s5 =	simm.s32 $_size__tile_overlayer_lowered;
	s6 =	simm.s32 $_tile_overlayer_lowered  }
0x9b: {  	s22 =	simm.s32 $0x1BFF;
	s21 =	sshll.u32 s6, $0x1;
	s3 =	sadd.s32 s4, s19  }
0x9c: {  	s7 =	simm.s32 $0x0;
	s20 =	sshll.u32 s5, $0x1;
	s5 =	sadd.s32 s21, s3  }
0x9d: {  	[timem:s7], [sflag:s22] =	dma.local [hbm:s5], s20  }
0x9e: {  	_ =	swait.ge [sflag:s22], s20  }
0x9f: {  	s4 =	ssub.s32 $0x0, s20;
	[sflag:s22] =	ssyncset.done $0x0  }
0xa0: {  	[sflag:s22] =	ssyncadd.s32 s4;
	_ =	sdelay $0x1  }
0xa1: {  	s23 =	simm.s32 $0x1B8B  }
0xa2: {  	_ =	swait.ge [sflag:s23], $0x1  }
0xa3: {  	[sflag:s23] =	ssyncset.done $0x0  }
0xa4: {  	s25 =	simm.s32 $0x1B8E;
	s24 =	sld [smem:$0x3FFE];
	[sflag:s23] =	ssyncadd.s32 $0xFFFFFFFF  }
0xa5: {  	s26 =	simm.s32 $execute0_lowered;
	[smem:$0x3FD2] =	sst s25  }
0xa6: {  	s5 =	sshll.u32 s26, $0x1;
	_ =	strace $0x80000046;
	[dreg:$0x1] =	wrdreg $0xFFFFFFFF  }
0xa7: {  	s28 =	simm.s32 $_size_execute0_lowered;
	s3 =	sadd.s32 s3, s5;
	[dreg:$0x0] =	wrdreg $0x0  }
0xa8: {  	s5 =	sshll.u32 s28, $0x1;
	[dreg:$0x2] =	wrdreg s3  }
0xa9: {  	[dreg:$0x3] =	wrdreg s5  }
0xaa: {  	[dreg:$0x4] =	wrdreg $0xC0  }
0xab: {  	_ =	task [dreg:s7], $0x5FFFF  }
0xac: {  	[dreg:$0x1] =	wrdreg $0xFFFFFFFF  }
0xad: {  	[dreg:$0x0] =	wrdreg $0x60  }
0xae: {  	[dreg:$0x2] =	wrdreg s24  }
0xaf: {  	[dreg:$0x3] =	wrdreg s2  }
0xb0: {  	[dreg:$0x4] =	wrdreg $0x9  }
0xb1: {  	_ =	task.clear_ibuf [dreg:s7], $0x5FFFF;
	_ =	strace $0x90000046  }
0xb2: {  	s29 =	simm.s32 $0x9;
	_ =	strace $0x80000048  }
0xb3: {  	_ =	swait.ge [sflag:s29], $0x1  }
0xb4: {  	[sflag:s29] =	ssyncadd.s32 $0xFFFFFFFF  }
0xb5: {  	_ =	strace $0x90000048  }
0xb6: {  	_ =	sfence  }
0xb7: {  	s30 =	sld [smem:$0x0];
	_ =	sdelay $0x2  }
0xb8: {  	s31 =	sshll.u32 s1, $0xD;
	s1 =	sshrl.u32 s1, $0x2  }
0xb9: {  	s3 =	sand.u32 $0x4000, s31;
	s1 =	sadd.s32 s1, s30  }
0xba: {  	s0 =	sor.u32 s3, s0;
	s1 =	sshll.u32 s1, $0x11  }
0xbb: {  	s0 =	sor.u32 s1, s0  }
0xbc: {  	s0 =	sadd.s32 $0x8F2B, s0  }
0xbd: {  	[sflag:s0] =	ssyncadd.remote.s32 $0x1  }
0xbe: {  	_ =	sfence.sel $0xFFFF  }
0xbf: {  	[dreg:$0x0] =	wrdreg $0xFFFFFFFF;
	(pc) =	sbr.abs _section_cstart, $3  }
0xc0: {  	[dreg:$0x1] =	wrdreg $0xFFFFFFFF  }
0xc1: {  	_ =	task.clear_ibuf [dreg:s7], $0x2FFFF;
	_ =	strace $0x9FFFFFFF  }
0xc2: {  	(tm) =	ssettm $0x7FFFFFFF  }
0xc3: {  	_ =	shalt  }
tec
execute0_lowered:
.L_overlay_start_1:
0x0: {  	(tag) =	ssettag $0x1  }
0x1: {  	s0 =	rddreg [dreg:$0x0]  }
0x2: {  	s2 =	simm.s32 $0x0;
	s1 =	srdreg.scid;
	s3 =	stileid.u32  }
0x3: {  	s15 =	simm.s32 $0x3;
	s17 =	simm.s32 $0x32;
	s22 =	simm.s32 $0x4200  }
0x4: {  	s28 =	simm.s32 $0x280;
	s29 =	simm.s32 $0x8D00;
	s30 =	simm.s32 $0x300  }
0x5: {  	s31 =	simm.s32 $0xA600;
	s14 =	simm.s32 $0x400;
	s9 =	simm.s32 $0x1A000  }
0x6: {  	s12 =	simm.s32 $0x2;
	s16 =	simm.s32 $0x0;
	[smem:$0x7FF] =	sst s2  }
0x7: {  	s4 =	sadd.s32 $0x10A00, s0;
	s1 =	sand.u32 $0x1, s1;
	s5 =	sadd.s32 $0xA00, s0  }
0x8: {  	s3 =	sshll.u32 s3, $0x8;
	s6 =	sadd.s32 $0xF52E00, s0;
	s7 =	sshll.u32 s1, $0x7  }
0x9: {  	_ =	strace $0x80000047;
	s1 =	ssub.s32 $0x2, s1;
	s3 =	sor.u32 s7, s3  }
0xa: {  	s7 =	sadd.s32 $0x20A00, s0;
	s23 =	sshrl.u32 s1, $0x1;
	s8 =	sshll.u32 s3, $0x4  }
0xb: {  	s0 =	ssub.s32 s1, s23;
	s25 =	sshrl.u32 s3, $0x3;
	s23 =	simm.s32 $0x180  }
0xc: {  	s3 =	simm.s32 $0xBF00;
	s1 =	simm.s32 $0x1;
	s24 =	sadd.s32 s4, s8  }
0xd: {  	s26 =	sadd.s32 s5, s8;
	s10 =	sadd.s32 s7, s8;
	[dreg:$0x3] =	wrdreg s24  }
0xe: {  	s11 =	sor.u32 $0x2, s25;
	s0 =	smax.u32 s0, $0x1;
	[dreg:$0x4] =	wrdreg s26  }
0xf: {  	s13 =	sor.u32 $0x80, s8;
	s25 =	simm.s32 $0x200;
	[dreg:$0x5] =	wrdreg s0  }
0x10: {  	s24 =	simm.s32 $0x5B00;
	s26 =	simm.s32 $0x7400;
	s0 =	simm.s32 $0x380  }
.LBB2_1:
0x11: {  	[dreg:$0x6] =	wrdreg s16  }
0x12: {  	s8 =	rddreg [dreg:$0x1];
	s18 =	simm.s32 $0x1A400  }
0x13: {  	[tilespmem:s18], [sflag:$0x3] =	stream.linear.gather [hbm4b:s8+s2], $0x80, $0x38;
	[tilespmem:$0x1A480] =	vst v63  }
0x14: {  	_ =	swait.ge [sflag:s15], $0x80  }
0x15: {  	[sflag:s15] =	ssyncset.done $0x0  }
0x16: {  	[sflag:s15] =	ssyncadd.s32 $0xFFFFFF80  }
0x17: {  	v0 =	vld [tilespmem:$0x1A400]  }
0x18: {  	v61 =	vld [tilespmem:$0x1A410]  }
0x19: {  	v62 =	vld [tilespmem:$0x1A420]  }
0x1a: {  	s19 =	rddreg [dreg:$0x3];
	v63 =	vld [tilespmem:$0x1A430]  }
0x1b: {  	[tilespmem:s2], [sflag:$0x3] =	stream.linear.gather [hbm4b:s19+s2], $0x400, $0x38;
	[tilespmem:$0x1A480] =	vst v63  }
0x1c: {  	[tilespmem:$0x1FFC0] =	vst v0  }
0x1d: {  	[tilespmem:$0x1FFD0] =	vst v61  }
0x1e: {  	[tilespmem:$0x1FFE0] =	vst v62  }
0x1f: {  	[tilespmem:$0x1FFF0] =	vst v63  }
0x20: {  	_ =	swait.ge [sflag:s15], $0x400  }
0x21: {  	[sflag:s15] =	ssyncset.done $0x0  }
0x22: {  	s21 =	simm.s32 $0x800;
	s20 =	rddreg [dreg:$0x4];
	[sflag:s15] =	ssyncadd.s32 $0xFFFFFC00  }
0x23: {  	[tilespmem:s21], [sflag:$0x3] =	stream.linear.gather [hbm4b:s20+s2], $0x400, $0x38;
	[tilespmem:$0x1A480] =	vst v63  }
0x24: {  	_ =	swait.ge [sflag:s15], $0x400  }
0x25: {  	[sflag:s15] =	ssyncset.done $0x0  }
0x26: {  	s18 =	simm.s32 $0x1000;
	[sflag:s15] =	ssyncadd.s32 $0xFFFFFC00  }
0x27: {  	[tilespmem:s18], [sflag:$0x1] =	stream.indirect.gather [hbm4b:s6+s17], $0x80, s2, s17, $0xb8;
	[tilespmem:$0x1A480] =	vst v63  }
0x28: {  	s19 =	simm.s32 $0x80;
	s20 =	simm.s32 $0x2900  }
0x29: {  	[tilespmem:s20], [sflag:$0x1] =	stream.indirect.gather [hbm4b:s6+s17], $0x80, s19, s17, $0xb8;
	[tilespmem:$0x1A480] =	vst v63  }
0x2a: {  	s21 =	simm.s32 $0x100  }
0x2b: {  	[tilespmem:s22], [sflag:$0x1] =	stream.indirect.gather [hbm4b:s6+s17], $0x80, s21, s17, $0xb8;
	[tilespmem:$0x1A480] =	vst v63  }
0x2c: {  	_ = 	snop  }
0x2d: {  	[tilespmem:s24], [sflag:$0x1] =	stream.indirect.gather [hbm4b:s6+s17], $0x80, s23, s17, $0xb8;
	[tilespmem:$0x1A480] =	vst v63  }
0x2e: {  	_ = 	snop  }
0x2f: {  	[tilespmem:s26], [sflag:$0x1] =	stream.indirect.gather [hbm4b:s6+s17], $0x80, s25, s17, $0xb8;
	[tilespmem:$0x1A480] =	vst v63  }
0x30: {  	_ = 	snop  }
0x31: {  	[tilespmem:s29], [sflag:$0x1] =	stream.indirect.gather [hbm4b:s6+s17], $0x80, s28, s17, $0xb8;
	[tilespmem:$0x1A480] =	vst v63  }
0x32: {  	_ = 	snop  }
0x33: {  	[tilespmem:s31], [sflag:$0x1] =	stream.indirect.gather [hbm4b:s6+s17], $0x80, s30, s17, $0xb8;
	[tilespmem:$0x1A480] =	vst v63  }
0x34: {  	s8 =	simm.s32 $0x0  }
0x35: {  	[tilespmem:s3], [sflag:$0x1] =	stream.indirect.gather [hbm4b:s6+s17], $0x80, s0, s17, $0xb8;
	[tilespmem:$0x1A480] =	vst v63  }
.LBB2_2:
0x36: {  	_ =	swait.ge [sflag:s1], $0xC800;
	s18 =	sshll.u32 s8, $0x8  }
0x37: {  	[sflag:s1] =	ssyncset.done $0x0;
	s16 =	sadd.s32 s13, s18  }
0x38: {  	s19 =	simm.s32 $0x0;
	[sflag:s1] =	ssyncadd.s32 $0xFFFF3800;
	s20 =	sadd.s32 s4, s16  }
0x39: {  	[tilespmem:s14], [sflag:$0x3] =	stream.linear.gather [hbm4b:s20+s19], $0x400, $0x38;
	[tilespmem:$0x1A480] =	vst v63  }
0x3a: {  	_ =	swait.ge [sflag:s15], $0x400  }
0x3b: {  	[sflag:s15] =	ssyncset.done $0x0  }
0x3c: {  	s21 =	simm.s32 $0xC00;
	s20 =	sadd.s32 s5, s16;
	[sflag:s15] =	ssyncadd.s32 $0xFFFFFC00  }
0x3d: {  	[tilespmem:s21], [sflag:$0x3] =	stream.linear.gather [hbm4b:s20+s19], $0x400, $0x38;
	[tilespmem:$0x1A480] =	vst v63  }
0x3e: {  	_ =	swait.ge [sflag:s15], $0x400  }
0x3f: {  	[sflag:s15] =	ssyncset.done $0x0  }
0x40: {  	s21 =	simm.s32 $0xD800;
	[sflag:s15] =	ssyncadd.s32 $0xFFFFFC00  }
0x41: {  	[tilespmem:s21], [sflag:$0x2] =	stream.indirect.gather [hbm4b:s6+s17], $0x80, s14, s17, $0xb8;
	[tilespmem:$0x1A480] =	vst v63  }
0x42: {  	s20 =	simm.s32 $0x480;
	s21 =	simm.s32 $0xF100  }
0x43: {  	[tilespmem:s21], [sflag:$0x2] =	stream.indirect.gather [hbm4b:s6+s17], $0x80, s20, s17, $0xb8;
	[tilespmem:$0x1A480] =	vst v63  }
0x44: {  	s20 =	simm.s32 $0x500;
	s21 =	simm.s32 $0x10A00  }
0x45: {  	[tilespmem:s21], [sflag:$0x2] =	stream.indirect.gather [hbm4b:s6+s17], $0x80, s20, s17, $0xb8;
	[tilespmem:$0x1A480] =	vst v63  }
0x46: {  	s20 =	simm.s32 $0x580;
	s21 =	simm.s32 $0x12300  }
0x47: {  	[tilespmem:s21], [sflag:$0x2] =	stream.indirect.gather [hbm4b:s6+s17], $0x80, s20, s17, $0xb8;
	[tilespmem:$0x1A480] =	vst v63  }
0x48: {  	s20 =	simm.s32 $0x600;
	s21 =	simm.s32 $0x13C00  }
0x49: {  	[tilespmem:s21], [sflag:$0x2] =	stream.indirect.gather [hbm4b:s6+s17], $0x80, s20, s17, $0xb8;
	[tilespmem:$0x1A480] =	vst v63  }
0x4a: {  	s20 =	simm.s32 $0x680;
	s21 =	simm.s32 $0x15500  }
0x4b: {  	[tilespmem:s21], [sflag:$0x2] =	stream.indirect.gather [hbm4b:s6+s17], $0x80, s20, s17, $0xb8;
	[tilespmem:$0x1A480] =	vst v63  }
0x4c: {  	s20 =	simm.s32 $0x700;
	s21 =	simm.s32 $0x16E00  }
0x4d: {  	[tilespmem:s21], [sflag:$0x2] =	stream.indirect.gather [hbm4b:s6+s17], $0x80, s20, s17, $0xb8;
	[tilespmem:$0x1A480] =	vst v63  }
0x4e: {  	s20 =	simm.s32 $0x780;
	s21 =	simm.s32 $0x18700  }
0x4f: {  	[tilespmem:s21], [sflag:$0x2] =	stream.indirect.gather [hbm4b:s6+s17], $0x80, s20, s17, $0xb8;
	[tilespmem:$0x1A480] =	vst v63  }
.LBB2_3:
0x50: {  	s21 =	smul.u32 $0x6400, s19  }
0x51: {  	s20 =	sshll.u32 s19, $0x7;
	v3 =	vld [tilespmem:$0x1FFC0]  }
0x52: {  	v5 =	vld [tilespmem:s20+$0x800];
	s21 =	sshra.s32 s21, $0x2  }
0x53: {  	v4 =	vld [tilespmem:s21+$0x1000]  }
0x54: {  	v6 =	vld [tilespmem:s21+$0x1010]  }
0x55: {  	v8 =	vld [tilespmem:s21+$0x1020]  }
0x56: {  	v9 =	vld [tilespmem:s21+$0x1030]  }
0x57: {  	v7 =	vld [tilespmem:s21+$0x1080]  }
0x58: {  	v14 =	vld [tilespmem:s21+$0x1090]  }
0x59: {  	v18 =	vld [tilespmem:s21+$0x10A0]  }
0x5a: {  	v20 =	vld [tilespmem:s21+$0x10B0]  }
0x5b: {  	v21 =	vld [tilespmem:s21+$0x1100]  }
0x5c: {  	v22 =	vld [tilespmem:s21+$0x1110]  }
0x5d: {  	v23 =	vld [tilespmem:s21+$0x1120]  }
0x5e: {  	v24 =	vld [tilespmem:s21+$0x1130]  }
0x5f: {  	v25 =	vld [tilespmem:s21+$0x1180]  }
0x60: {  	v27 =	vld [tilespmem:s21+$0x1190]  }
0x61: {  	v28 =	vld [tilespmem:s21+$0x11A0]  }
0x62: {  	v33 =	vld [tilespmem:s21+$0x11B0]  }
0x63: {  	v34 =	vld [tilespmem:s21+$0x1200]  }
0x64: {  	v35 =	vld [tilespmem:s21+$0x1210]  }
0x65: {  	v36 =	vld [tilespmem:s21+$0x1220]  }
0x66: {  	v37 =	vld [tilespmem:s21+$0x1230]  }
0x67: {  	v38 =	vld [tilespmem:s21+$0x1280]  }
0x68: {  	v40 =	vld [tilespmem:s21+$0x1290]  }
0x69: {  	v42 =	vld [tilespmem:s21+$0x12A0]  }
0x6a: {  	v44 =	vld [tilespmem:s21+$0x12B0]  }
0x6b: {  	v45 =	vld [tilespmem:s21+$0x1300]  }
0x6c: {  	v47 =	vld [tilespmem:s21+$0x1310]  }
0x6d: {  	v54 =	vld [tilespmem:s21+$0x1320]  }
0x6e: {  	v55 =	vld [tilespmem:s21+$0x1330]  }
0x6f: {  	v56 =	vld [tilespmem:s21+$0x1380]  }
0x70: {  	v57 =	vld [tilespmem:s21+$0x1390]  }
0x71: {  	v58 =	vld [tilespmem:s21+$0x13A0]  }
0x72: {  	v59 =	vld [tilespmem:s21+$0x13B0]  }
0x73: {  	v60 =	vld [tilespmem:s21+$0x1400]  }
0x74: {  	v61 =	vld [tilespmem:s21+$0x1410]  }
0x75: {  	v62 =	vld [tilespmem:s21+$0x1420]  }
0x76: {  	v63 =	vld [tilespmem:s21+$0x1430]  }
0x77: {  	v46 =	vld [tilespmem:s21+$0x1480]  }
0x78: {  	v48 =	vld [tilespmem:s21+$0x1490]  }
0x79: {  	v49 =	vld [tilespmem:s21+$0x14A0]  }
0x7a: {  	v53 =	vld [tilespmem:s21+$0x14B0]  }
0x7b: {  	v51 =	vld [tilespmem:s21+$0x1500]  }
0x7c: {  	v52 =	vld [tilespmem:s21+$0x1510]  }
0x7d: {  	v50 =	vld [tilespmem:s21+$0x1520]  }
0x7e: {  	v43 =	vld [tilespmem:s21+$0x1530]  }
0x7f: {  	v41 =	vld [tilespmem:s21+$0x1580]  }
0x80: {  	v39 =	vld [tilespmem:s21+$0x1590]  }
0x81: {  	v31 =	vld [tilespmem:s21+$0x15A0]  }
0x82: {  	v32 =	vld [tilespmem:s21+$0x15B0]  }
0x83: {  	v29 =	vld [tilespmem:s21+$0x1600]  }
0x84: {  	v30 =	vld [tilespmem:s21+$0x1610]  }
0x85: {  	v26 =	vld [tilespmem:s21+$0x1620]  }
0x86: {  	v19 =	vld [tilespmem:s21+$0x1630];
	v0 =	vbroadcast v5, $0x0  }
0x87: {  	v17 =	vld [tilespmem:s21+$0x1680];
	v2 =	vbroadcast v5, $0x1  }
0x88: {  	v4 =	vmul.f32 v0, v4;
	v1 =	vmul.f32 v6, v0;
	v6 =	vld [tilespmem:s21+$0x1730]  }
0x89: {  	v16 =	vld [tilespmem:s21+$0x1690]  }
0x8a: {  	v11 =	vld [tilespmem:s21+$0x16A0];
	v4 =	vadd.f32 v4, v3;
	v3 =	vmul.f32 v7, v2  }
0x8b: {  	v15 =	vld [tilespmem:s21+$0x16B0]  }
0x8c: {  	v3 =	vadd.f32 v3, v4;
	v4 =	vld [tilespmem:$0x1FFE0]  }
0x8d: {  	[tilespmem:$0x1FFA0] =	vst v6;
	v6 =	vld [tilespmem:$0x1FFD0]  }
0x8e: {  	v10 =	vld [tilespmem:s21+$0x1700]  }
0x8f: {  	v12 =	vld [tilespmem:s21+$0x1710];
	v8 =	vmul.f32 v8, v0  }
0x90: {  	v0 =	vmul.f32 v9, v0;
	v9 =	vld [tilespmem:s21+$0x1790]  }
0x91: {  	v8 =	vadd.f32 v8, v4;
	v4 =	vld [tilespmem:$0x1FFF0]  }
0x92: {  	v13 =	vld [tilespmem:s21+$0x1720];
	v14 =	vmul.f32 v14, v2;
	v1 =	vadd.f32 v1, v6  }
0x93: {  	v18 =	vmul.f32 v18, v2;
	v7 =	vld [tilespmem:s21+$0x1780]  }
0x94: {  	v20 =	vmul.f32 v20, v2;
	v2 =	vld [tilespmem:s21+$0x17B0];
	v6 =	vadd.f32 v14, v1;
	v14 =	vbroadcast v5, $0x2  }
0x95: {  	[tilespmem:$0x1FFB0] =	vst v9;
	v9 =	vld [tilespmem:s21+$0x17A0]  }
0x96: {  	v8 =	vadd.f32 v18, v8;
	v18 =	vld [tilespmem:s21+$0x1800];
	v1 =	vadd.f32 v0, v4;
	v21 =	vmul.f32 v21, v14  }
0x97: {  	v22 =	vmul.f32 v22, v14;
	v4 =	vld [tilespmem:s20+$0x810];
	v23 =	vmul.f32 v23, v14  }
0x98: {  	v0 =	vbroadcast v5, $0x3;
	v14 =	vmul.f32 v24, v14;
	v24 =	vld [tilespmem:s21+$0x1890];
	v1 =	vadd.f32 v20, v1  }
0x99: {  	v3 =	vadd.f32 v21, v3;
	v20 =	vld [tilespmem:s21+$0x1810];
	v6 =	vadd.f32 v22, v6  }
0x9a: {  	v8 =	vadd.f32 v23, v8;
	v22 =	vmul.f32 v25, v0;
	v23 =	vld [tilespmem:s21+$0x1820];
	v25 =	vmul.f32 v28, v0  }
0x9b: {  	v21 =	vld [tilespmem:s21+$0x1830];
	v1 =	vadd.f32 v14, v1;
	v14 =	vmul.f32 v27, v0;
	v27 =	vbroadcast v5, $0x4  }
0x9c: {  	v3 =	vadd.f32 v22, v3;
	v0 =	vmul.f32 v33, v0;
	v22 =	vld [tilespmem:s21+$0x1880];
	v8 =	vadd.f32 v25, v8  }
0x9d: {  	v25 =	vld [tilespmem:s21+$0x18A0];
	v6 =	vadd.f32 v14, v6;
	v14 =	vmul.f32 v34, v27;
	v28 =	vmul.f32 v35, v27  }
0x9e: {  	v33 =	vld [tilespmem:s21+$0x1910];
	v36 =	vmul.f32 v36, v27;
	v34 =	vbroadcast v5, $0x5  }
0x9f: {  	v0 =	vadd.f32 v0, v1;
	v37 =	vmul.f32 v37, v27;
	v27 =	vld [tilespmem:s21+$0x18B0];
	v1 =	vadd.f32 v14, v3  }
0xa0: {  	v35 =	vld [tilespmem:s21+$0x1980];
	v6 =	vadd.f32 v28, v6;
	v8 =	vadd.f32 v36, v8;
	v14 =	vmul.f32 v38, v34  }
0xa1: {  	v28 =	vld [tilespmem:s21+$0x1900];
	v0 =	vadd.f32 v37, v0;
	v40 =	vmul.f32 v40, v34;
	v37 =	vbroadcast v5, $0x6  }
0xa2: {  	v38 =	vmul.f32 v44, v34;
	v36 =	vld [tilespmem:s21+$0x1920];
	v1 =	vadd.f32 v14, v1;
	v14 =	vmul.f32 v42, v34  }
0xa3: {  	v44 =	vld [tilespmem:s21+$0x1A10];
	v3 =	vadd.f32 v40, v6;
	v6 =	vmul.f32 v45, v37;
	v45 =	vmul.f32 v47, v37  }
0xa4: {  	v34 =	vld [tilespmem:s21+$0x1930];
	v47 =	vmul.f32 v54, v37;
	v54 =	vbroadcast v5, $0x7  }
0xa5: {  	v0 =	vadd.f32 v38, v0;
	v55 =	vmul.f32 v55, v37;
	v37 =	vld [tilespmem:s21+$0x1990];
	v8 =	vadd.f32 v14, v8  }
0xa6: {  	v38 =	vld [tilespmem:s21+$0x19A0];
	v1 =	vadd.f32 v6, v1;
	v3 =	vadd.f32 v45, v3;
	v56 =	vmul.f32 v56, v54  }
0xa7: {  	v40 =	vld [tilespmem:s21+$0x19B0];
	v0 =	vadd.f32 v55, v0;
	v57 =	vmul.f32 v57, v54;
	v45 =	vbroadcast v5, $0x8  }
0xa8: {  	v42 =	vld [tilespmem:s21+$0x1A00];
	v58 =	vmul.f32 v58, v54;
	v54 =	vmul.f32 v59, v54;
	v8 =	vadd.f32 v47, v8  }
0xa9: {  	v14 =	vld [tilespmem:s21+$0x1C90];
	v1 =	vadd.f32 v56, v1;
	v60 =	vmul.f32 v60, v45;
	v61 =	vmul.f32 v61, v45  }
0xaa: {  	v3 =	vadd.f32 v57, v3;
	v62 =	vmul.f32 v62, v45;
	v56 =	vbroadcast v5, $0x9;
	v47 =	vld [tilespmem:s21+$0x1A20]  }
0xab: {  	v0 =	vadd.f32 v54, v0;
	v59 =	vmul.f32 v63, v45;
	v45 =	vld [tilespmem:s21+$0x1A30];
	v8 =	vadd.f32 v58, v8  }
0xac: {  	v1 =	vadd.f32 v60, v1;
	v3 =	vadd.f32 v61, v3;
	v60 =	vmul.f32 v46, v56;
	v46 =	vld [tilespmem:s21+$0x1A80]  }
0xad: {  	v0 =	vadd.f32 v59, v0;
	v61 =	vmul.f32 v48, v56;
	v48 =	vld [tilespmem:s21+$0x1A90];
	v59 =	vbroadcast v5, $0xB  }
0xae: {  	v63 =	vmul.f32 v49, v56;
	v49 =	vld [tilespmem:s21+$0x1AA0];
	v8 =	vadd.f32 v62, v8  }
0xaf: {  	v62 =	vbroadcast v5, $0xA;
	v3 =	vadd.f32 v61, v3;
	v61 =	vmul.f32 v41, v59;
	v41 =	vld [tilespmem:s21+$0x1B20]  }
0xb0: {  	v53 =	vmul.f32 v53, v56;
	v56 =	vmul.f32 v31, v59;
	v31 =	vld [tilespmem:s21+$0x1B80]  }
0xb1: {  	v1 =	vadd.f32 v60, v1;
	v32 =	vmul.f32 v32, v59;
	v57 =	vmul.f32 v51, v62;
	v51 =	vld [tilespmem:s21+$0x1AB0]  }
0xb2: {  	v0 =	vadd.f32 v53, v0;
	v52 =	vmul.f32 v52, v62;
	v58 =	vmul.f32 v50, v62;
	v50 =	vld [tilespmem:s21+$0x1B00]  }
0xb3: {  	v8 =	vadd.f32 v63, v8;
	v60 =	vmul.f32 v43, v62;
	v43 =	vld [tilespmem:s21+$0x1B10];
	v63 =	vbroadcast v5, $0xC  }
0xb4: {  	v62 =	vmul.f32 v39, v59;
	v39 =	vld [tilespmem:s21+$0x1B30];
	v59 =	vbroadcast v5, $0xD;
	v1 =	vadd.f32 v57, v1  }
0xb5: {  	v8 =	vadd.f32 v58, v8;
	v57 =	vmul.f32 v29, v63;
	v30 =	vmul.f32 v30, v63;
	v29 =	vld [tilespmem:s21+$0x1B90]  }
0xb6: {  	v0 =	vadd.f32 v60, v0;
	v58 =	vmul.f32 v26, v63;
	v26 =	vld [tilespmem:s21+$0x1BA0];
	v60 =	vmul.f32 v19, v63  }
0xb7: {  	v3 =	vadd.f32 v52, v3;
	v19 =	vld [tilespmem:s21+$0x1BB0];
	v63 =	vbroadcast v5, $0xE;
	v11 =	vmul.f32 v11, v59  }
0xb8: {  	v52 =	vmul.f32 v15, v59;
	v15 =	vld [tilespmem:s21+$0x1C20];
	v5 =	vbroadcast v5, $0xF  }
0xb9: {  	v1 =	vadd.f32 v61, v1;
	v3 =	vadd.f32 v62, v3;
	v61 =	vmul.f32 v17, v59;
	v17 =	vld [tilespmem:s21+$0x1C00]  }
0xba: {  	v8 =	vadd.f32 v56, v8;
	v62 =	vmul.f32 v16, v59;
	v54 =	vmul.f32 v12, v63;
	v12 =	vld [tilespmem:s21+$0x1C30]  }
0xbb: {  	v0 =	vadd.f32 v32, v0;
	v53 =	vmul.f32 v10, v63;
	v55 =	vmul.f32 v13, v63;
	v13 =	vld [tilespmem:s21+$0x1C80]  }
0xbc: {  	v56 =	vld [tilespmem:$0x1FFA0];
	v7 =	vmul.f32 v7, v5;
	v59 =	vmul.f32 v9, v5;
	v1 =	vadd.f32 v57, v1  }
0xbd: {  	v10 =	vld [tilespmem:s21+$0x1CA0];
	v3 =	vadd.f32 v30, v3;
	v8 =	vadd.f32 v58, v8;
	v58 =	vbroadcast v4, $0x0  }
0xbe: {  	v2 =	vmul.f32 v2, v5;
	v0 =	vadd.f32 v60, v0;
	v57 =	vld [tilespmem:$0x1FFB0];
	v1 =	vadd.f32 v61, v1  }
0xbf: {  	v16 =	vld [tilespmem:s21+$0x1CB0];
	v3 =	vadd.f32 v62, v3;
	v60 =	vmul.f32 v58, v18;
	v61 =	vmul.f32 v20, v58  }
0xc0: {  	v9 =	vld [tilespmem:s21+$0x1D00];
	v8 =	vadd.f32 v11, v8;
	v62 =	vmul.f32 v23, v58;
	v21 =	vmul.f32 v21, v58  }
0xc1: {  	v30 =	vld [tilespmem:s21+$0x1C10];
	v0 =	vadd.f32 v52, v0;
	v6 =	vmul.f32 v56, v63;
	v63 =	vbroadcast v4, $0x1  }
0xc2: {  	v18 =	vld [tilespmem:s21+$0x1D10];
	v1 =	vadd.f32 v53, v1;
	v3 =	vadd.f32 v54, v3;
	v54 =	vbroadcast v4, $0x2  }
0xc3: {  	v23 =	vld [tilespmem:s21+$0x1D20];
	v0 =	vadd.f32 v6, v0;
	v6 =	vmul.f32 v57, v5;
	v52 =	vmul.f32 v22, v63  }
0xc4: {  	v11 =	vld [tilespmem:s21+$0x1D30];
	v8 =	vadd.f32 v55, v8;
	v53 =	vmul.f32 v24, v63;
	v55 =	vmul.f32 v25, v63  }
0xc5: {  	v20 =	vmul.f32 v27, v63;
	v22 =	vld [tilespmem:s21+$0x1DA0];
	v63 =	vbroadcast v4, $0x4;
	v1 =	vadd.f32 v7, v1  }
0xc6: {  	v25 =	vld [tilespmem:s21+$0x1DB0];
	v7 =	vadd.f32 v59, v8;
	v56 =	vmul.f32 v28, v54;
	v57 =	vmul.f32 v33, v54  }
0xc7: {  	v24 =	vld [tilespmem:s21+$0x1EB0];
	v58 =	vmul.f32 v36, v54;
	v59 =	vbroadcast v4, $0x3;
	v3 =	vadd.f32 v6, v3  }
0xc8: {  	v28 =	vld [tilespmem:s21+$0x1E00];
	v0 =	vadd.f32 v2, v0;
	v42 =	vmul.f32 v42, v63;
	v1 =	vadd.f32 v60, v1  }
0xc9: {  	v8 =	vld [tilespmem:s21+$0x1E10];
	v32 =	vadd.f32 v62, v7;
	v60 =	vmul.f32 v34, v54;
	v62 =	vmul.f32 v37, v59  }
0xca: {  	v33 =	vld [tilespmem:s21+$0x1E80];
	v38 =	vmul.f32 v38, v59;
	v27 =	vmul.f32 v40, v59  }
0xcb: {  	v7 =	vld [tilespmem:s21+$0x1D80];
	v54 =	vbroadcast v4, $0x5;
	v3 =	vadd.f32 v61, v3;
	v0 =	vadd.f32 v21, v0  }
0xcc: {  	v37 =	vld [tilespmem:s21+$0x1EA0];
	v61 =	vmul.f32 v35, v59;
	v1 =	vadd.f32 v52, v1;
	v52 =	vmul.f32 v44, v63  }
0xcd: {  	v40 =	vld [tilespmem:s21+$0x1F20];
	v5 =	vadd.f32 v55, v32;
	v55 =	vmul.f32 v45, v63;
	v59 =	vmul.f32 v49, v54  }
0xce: {  	v34 =	vld [tilespmem:s21+$0x1F90];
	v36 =	vmul.f32 v51, v54;
	v51 =	vbroadcast v4, $0x9  }
0xcf: {  	v21 =	vld [tilespmem:s21+$0x1D90];
	v2 =	vadd.f32 v53, v3;
	v0 =	vadd.f32 v20, v0;
	v53 =	vmul.f32 v47, v63  }
0xd0: {  	v35 =	vld [tilespmem:s21+$0x1E90];
	v63 =	vbroadcast v4, $0x7;
	v1 =	vadd.f32 v56, v1;
	v56 =	vmul.f32 v46, v54  }
0xd1: {  	v32 =	vld [tilespmem:s21+$0x1E30];
	v5 =	vadd.f32 v58, v5;
	v58 =	vbroadcast v4, $0x6;
	v13 =	vmul.f32 v13, v51  }
0xd2: {  	v44 =	vld [tilespmem:s21+$0x1F80];
	v10 =	vmul.f32 v10, v51;
	v2 =	vadd.f32 v57, v2;
	v57 =	vmul.f32 v48, v54  }
0xd3: {  	v20 =	vld [tilespmem:s21+$0x1E20];
	v46 =	vmul.f32 v31, v63;
	v47 =	vmul.f32 v29, v63  }
0xd4: {  	v0 =	vadd.f32 v60, v0;
	v31 =	vld [tilespmem:s21+$0x1FA0];
	v48 =	vbroadcast v4, $0x8;
	v26 =	vmul.f32 v26, v63  }
0xd5: {  	v19 =	vmul.f32 v19, v63;
	v54 =	vbroadcast v4, $0xA;
	v5 =	vadd.f32 v38, v5;
	v38 =	vld [tilespmem:s21+$0x1F10]  }
0xd6: {  	v29 =	vbroadcast v4, $0xD;
	v1 =	vadd.f32 v61, v1;
	v61 =	vmul.f32 v43, v58;
	v43 =	vld [tilespmem:s21+$0x1F30]  }
0xd7: {  	v60 =	vmul.f32 v50, v58;
	v45 =	vmul.f32 v39, v58;
	v39 =	vld [tilespmem:s21+$0x2010];
	v2 =	vadd.f32 v62, v2  }
0xd8: {  	v0 =	vadd.f32 v27, v0;
	v27 =	vld [tilespmem:s21+$0x1F00];
	v62 =	vmul.f32 v41, v58;
	v49 =	vmul.f32 v17, v48  }
0xd9: {  	v50 =	vmul.f32 v30, v48;
	v30 =	vld [tilespmem:s21+$0x2000];
	v15 =	vmul.f32 v15, v48  }
0xda: {  	v17 =	vld [tilespmem:s21+$0x2080];
	v58 =	vmul.f32 v23, v54;
	v33 =	vmul.f32 v33, v29  }
0xdb: {  	v23 =	vld [tilespmem:s21+$0x20B0];
	v35 =	vmul.f32 v35, v29;
	v41 =	vbroadcast v4, $0xE;
	v1 =	vadd.f32 v42, v1  }
0xdc: {  	v5 =	vadd.f32 v53, v5;
	v53 =	vmul.f32 v14, v51;
	v42 =	vmul.f32 v37, v29;
	v14 =	vld [tilespmem:s21+$0x2280]  }
0xdd: {  	v37 =	vld [tilespmem:s21+$0x2410];
	v2 =	vadd.f32 v52, v2;
	v0 =	vadd.f32 v55, v0;
	v52 =	vmul.f32 v12, v48  }
0xde: {  	v12 =	vld [tilespmem:s21+$0x2020];
	v55 =	vmul.f32 v16, v51;
	v48 =	vmul.f32 v40, v41;
	v1 =	vadd.f32 v56, v1  }
0xdf: {  	v16 =	vld [tilespmem:s21+$0x2090];
	v5 =	vadd.f32 v59, v5;
	v56 =	vmul.f32 v9, v54;
	v59 =	vbroadcast v4, $0xB  }
0xe0: {  	v40 =	vld [tilespmem:s21+$0x2420];
	v2 =	vadd.f32 v57, v2;
	v0 =	vadd.f32 v36, v0;
	v57 =	vmul.f32 v18, v54  }
0xe1: {  	v9 =	vld [tilespmem:s21+$0x2110];
	v1 =	vadd.f32 v60, v1;
	v60 =	vmul.f32 v11, v54;
	v7 =	vmul.f32 v7, v59  }
0xe2: {  	v36 =	vld [tilespmem:s21+$0x1FB0];
	v6 =	vadd.f32 v62, v5;
	v62 =	vbroadcast v4, $0xC;
	v63 =	vmul.f32 v22, v59  }
0xe3: {  	v18 =	vld [tilespmem:s21+$0x20A0];
	v25 =	vmul.f32 v25, v59;
	v4 =	vbroadcast v4, $0xF;
	v2 =	vadd.f32 v61, v2  }
0xe4: {  	v5 =	vld [tilespmem:s20+$0x820];
	v0 =	vadd.f32 v45, v0;
	v61 =	vmul.f32 v21, v59;
	v45 =	vmul.f32 v27, v41  }
0xe5: {  	v11 =	vld [tilespmem:s21+$0x2100];
	v6 =	vadd.f32 v26, v6;
	v26 =	vmul.f32 v28, v62;
	v8 =	vmul.f32 v8, v62  }
0xe6: {  	v22 =	vld [tilespmem:s21+$0x2190];
	v1 =	vadd.f32 v46, v1;
	v28 =	vmul.f32 v20, v62;
	v32 =	vmul.f32 v32, v62  }
0xe7: {  	v21 =	vld [tilespmem:s21+$0x2180];
	v20 =	vmul.f32 v24, v29;
	v46 =	vmul.f32 v38, v41;
	v2 =	vadd.f32 v47, v2  }
0xe8: {  	v24 =	vld [tilespmem:s21+$0x2210];
	v51 =	vmul.f32 v44, v4;
	v0 =	vadd.f32 v19, v0;
	v1 =	vadd.f32 v49, v1  }
0xe9: {  	v29 =	vld [tilespmem:s21+$0x22A0];
	v54 =	vmul.f32 v31, v4;
	v6 =	vadd.f32 v15, v6;
	v2 =	vadd.f32 v50, v2  }
0xea: {  	v31 =	vld [tilespmem:s21+$0x22B0];
	v0 =	vadd.f32 v52, v0;
	v50 =	vmul.f32 v43, v41;
	v52 =	vmul.f32 v34, v4  }
0xeb: {  	v19 =	vld [tilespmem:s21+$0x2130];
	v4 =	vmul.f32 v36, v4;
	v62 =	vbroadcast v5, $0x2;
	v1 =	vadd.f32 v13, v1  }
0xec: {  	v15 =	vld [tilespmem:s21+$0x2030];
	v34 =	vbroadcast v5, $0x3;
	v6 =	vadd.f32 v10, v6;
	v2 =	vadd.f32 v53, v2  }
0xed: {  	v47 =	vld [tilespmem:s21+$0x2220];
	v0 =	vadd.f32 v55, v0;
	v53 =	vbroadcast v5, $0x0;
	v9 =	vmul.f32 v9, v62  }
0xee: {  	v49 =	vld [tilespmem:s21+$0x2230];
	v36 =	vmul.f32 v21, v34;
	v38 =	vmul.f32 v22, v34;
	v1 =	vadd.f32 v56, v1  }
0xef: {  	v13 =	vld [tilespmem:s21+$0x2120];
	v6 =	vadd.f32 v58, v6;
	v58 =	vbroadcast v5, $0x1;
	v55 =	vmul.f32 v53, v30  }
0xf0: {  	v10 =	vld [tilespmem:s21+$0x21A0];
	v2 =	vadd.f32 v57, v2;
	v56 =	vmul.f32 v39, v53;
	v57 =	vmul.f32 v12, v53  }
0xf1: {  	v0 =	vadd.f32 v60, v0;
	v59 =	vmul.f32 v15, v53;
	v15 =	vld [tilespmem:s21+$0x2330];
	v39 =	vbroadcast v5, $0x4  }
0xf2: {  	v1 =	vadd.f32 v7, v1;
	v6 =	vadd.f32 v63, v6;
	v60 =	vmul.f32 v17, v58;
	v17 =	vld [tilespmem:s21+$0x2380]  }
0xf3: {  	v63 =	vmul.f32 v18, v58;
	v12 =	vmul.f32 v23, v58;
	v18 =	vld [tilespmem:s21+$0x2390];
	v2 =	vadd.f32 v61, v2  }
0xf4: {  	v23 =	vld [tilespmem:s21+$0x23B0];
	v0 =	vadd.f32 v25, v0;
	v61 =	vmul.f32 v16, v58;
	v30 =	vmul.f32 v13, v62  }
0xf5: {  	v25 =	vld [tilespmem:s21+$0x2200];
	v41 =	vmul.f32 v10, v34;
	v1 =	vadd.f32 v26, v1;
	v6 =	vadd.f32 v28, v6  }
0xf6: {  	v44 =	vmul.f32 v24, v39;
	v58 =	vld [tilespmem:s21+$0x2510];
	v2 =	vadd.f32 v8, v2;
	v0 =	vadd.f32 v32, v0  }
0xf7: {  	v26 =	vmul.f32 v11, v62;
	v11 =	vld [tilespmem:s21+$0x23A0];
	v1 =	vadd.f32 v33, v1;
	v6 =	vadd.f32 v42, v6  }
0xf8: {  	v49 =	vmul.f32 v49, v39;
	v8 =	vld [tilespmem:s21+$0x21B0];
	v2 =	vadd.f32 v35, v2;
	v0 =	vadd.f32 v20, v0  }
0xf9: {  	v28 =	vld [tilespmem:s21+$0x2580];
	v35 =	vmul.f32 v19, v62;
	v62 =	vbroadcast v5, $0x7;
	v1 =	vadd.f32 v45, v1  }
0xfa: {  	v20 =	vld [tilespmem:s21+$0x2290];
	v6 =	vadd.f32 v48, v6;
	v43 =	vmul.f32 v25, v39;
	v2 =	vadd.f32 v46, v2  }
0xfb: {  	v32 =	vld [tilespmem:s21+$0x2300];
	v0 =	vadd.f32 v50, v0;
	v46 =	vmul.f32 v47, v39;
	v47 =	vbroadcast v5, $0x5  }
0xfc: {  	v33 =	vld [tilespmem:s21+$0x2310];
	v7 =	vmul.f32 v23, v62;
	v39 =	vbroadcast v5, $0x9;
	v1 =	vadd.f32 v51, v1  }
0xfd: {  	v42 =	vld [tilespmem:s21+$0x2430];
	v6 =	vadd.f32 v54, v6;
	v8 =	vmul.f32 v8, v34;
	v54 =	vbroadcast v5, $0x6  }
0xfe: {  	v45 =	vld [tilespmem:s21+$0x2480];
	v34 =	vmul.f32 v11, v62;
	v2 =	vadd.f32 v52, v2;
	v0 =	vadd.f32 v4, v0  }
0xff: {  	v48 =	vld [tilespmem:s21+$0x2490];
	v51 =	vmul.f32 v14, v47;
	v1 =	vadd.f32 v55, v1;
	v53 =	vmul.f32 v20, v47  }
0x100: {  	v50 =	vld [tilespmem:s21+$0x24A0];
	v6 =	vadd.f32 v57, v6;
	v57 =	vmul.f32 v31, v47;
	v20 =	vmul.f32 v15, v54  }
0x101: {  	v4 =	vld [tilespmem:s21+$0x2320];
	v31 =	vmul.f32 v18, v62;
	v2 =	vadd.f32 v56, v2;
	v56 =	vmul.f32 v29, v47  }
0x102: {  	v52 =	vld [tilespmem:s21+$0x24B0];
	v0 =	vadd.f32 v59, v0;
	v59 =	vmul.f32 v32, v54;
	v29 =	vmul.f32 v17, v62  }
0x103: {  	v55 =	vld [tilespmem:s21+$0x2500];
	v32 =	vbroadcast v5, $0x8;
	v1 =	vadd.f32 v60, v1;
	v6 =	vadd.f32 v63, v6  }
0x104: {  	v62 =	vbroadcast v5, $0xC;
	v2 =	vadd.f32 v61, v2;
	v0 =	vadd.f32 v12, v0;
	v12 =	vld [tilespmem:s21+$0x2400]  }
0x105: {  	v47 =	vld [tilespmem:s21+$0x2680];
	v60 =	vmul.f32 v33, v54;
	v1 =	vadd.f32 v26, v1;
	v6 =	vadd.f32 v30, v6  }
0x106: {  	v63 =	vld [tilespmem:s21+$0x2530];
	v4 =	vmul.f32 v4, v54;
	v2 =	vadd.f32 v9, v2;
	v0 =	vadd.f32 v35, v0  }
0x107: {  	v33 =	vld [tilespmem:s21+$0x25A0];
	v9 =	vmul.f32 v37, v32;
	v1 =	vadd.f32 v36, v1;
	v6 =	vadd.f32 v41, v6  }
0x108: {  	v61 =	vld [tilespmem:s21+$0x2520];
	v41 =	vmul.f32 v42, v32;
	v2 =	vadd.f32 v38, v2;
	v0 =	vadd.f32 v8, v0  }
0x109: {  	v37 =	vld [tilespmem:s21+$0x2600];
	v38 =	vmul.f32 v40, v32;
	v1 =	vadd.f32 v43, v1;
	v36 =	vmul.f32 v12, v32  }
0x10a: {  	v30 =	vld [tilespmem:s21+$0x2590];
	v6 =	vadd.f32 v46, v6;
	v43 =	vmul.f32 v45, v39;
	v46 =	vbroadcast v5, $0xA  }
0x10b: {  	v35 =	vld [tilespmem:s21+$0x25B0];
	v45 =	vmul.f32 v48, v39;
	v48 =	vmul.f32 v50, v39;
	v0 =	vadd.f32 v49, v0  }
0x10c: {  	v42 =	vld [tilespmem:s21+$0x2620];
	v49 =	vmul.f32 v52, v39;
	v1 =	vadd.f32 v51, v1;
	v51 =	vmul.f32 v55, v46  }
0x10d: {  	v40 =	vld [tilespmem:s21+$0x2610];
	v2 =	vadd.f32 v44, v2;
	v52 =	vmul.f32 v58, v46;
	v54 =	vmul.f32 v61, v46  }
0x10e: {  	v50 =	vld [tilespmem:s21+$0x2690];
	v6 =	vadd.f32 v56, v6;
	v55 =	vbroadcast v5, $0xB;
	v25 =	vmul.f32 v37, v62  }
0x10f: {  	v44 =	vld [tilespmem:s21+$0x2630];
	v2 =	vadd.f32 v53, v2;
	v0 =	vadd.f32 v57, v0;
	v57 =	vmul.f32 v63, v46  }
0x110: {  	v37 =	vld [tilespmem:s20+$0x830];
	v1 =	vadd.f32 v59, v1;
	v59 =	vmul.f32 v28, v55;
	v61 =	vmul.f32 v30, v55  }
0x111: {  	v56 =	vld [tilespmem:s21+$0x26B0];
	v4 =	vadd.f32 v4, v6;
	v23 =	vmul.f32 v33, v55;
	v11 =	vmul.f32 v35, v55  }
0x112: {  	v53 =	vld [tilespmem:s21+$0x26A0];
	v26 =	vmul.f32 v40, v62;
	v28 =	vmul.f32 v42, v62;
	v2 =	vadd.f32 v60, v2  }
0x113: {  	v0 =	vadd.f32 v20, v0;
	v1 =	vadd.f32 v29, v1;
	v29 =	vbroadcast v5, $0xD  }
0x114: {  	v4 =	vadd.f32 v34, v4;
	v2 =	vadd.f32 v31, v2;
	v31 =	vmul.f32 v44, v62  }
0x115: {  	v58 =	vld [tilespmem:s21+$0x2700];
	v0 =	vadd.f32 v7, v0;
	v55 =	vbroadcast v37, $0x1;
	v33 =	vmul.f32 v47, v29  }
0x116: {  	v60 =	vld [tilespmem:s21+$0x2710];
	v1 =	vadd.f32 v36, v1;
	v35 =	vmul.f32 v50, v29;
	v36 =	vbroadcast v5, $0xE  }
0x117: {  	v63 =	vld [tilespmem:s21+$0x2720];
	v4 =	vadd.f32 v38, v4;
	v38 =	vmul.f32 v53, v29;
	v7 =	vmul.f32 v56, v29  }
0x118: {  	v27 =	vld [tilespmem:s21+$0x2780];
	v5 =	vbroadcast v5, $0xF;
	v2 =	vadd.f32 v9, v2;
	v1 =	vadd.f32 v43, v1  }
0x119: {  	v46 =	vld [tilespmem:s21+$0x2830];
	v50 =	vbroadcast v37, $0x0;
	v0 =	vadd.f32 v41, v0;
	v4 =	vadd.f32 v48, v4  }
0x11a: {  	v24 =	vld [tilespmem:s21+$0x2730];
	v40 =	vmul.f32 v58, v36;
	v2 =	vadd.f32 v45, v2;
	v1 =	vadd.f32 v51, v1  }
0x11b: {  	v30 =	vld [tilespmem:s21+$0x2790];
	v41 =	vmul.f32 v60, v36;
	v0 =	vadd.f32 v49, v0;
	v4 =	vadd.f32 v54, v4  }
0x11c: {  	v39 =	vld [tilespmem:s21+$0x2800];
	v43 =	vmul.f32 v63, v36;
	v2 =	vadd.f32 v52, v2;
	v1 =	vadd.f32 v59, v1  }
0x11d: {  	v44 =	vld [tilespmem:s21+$0x2820];
	v47 =	vmul.f32 v27, v5;
	v0 =	vadd.f32 v57, v0;
	v4 =	vadd.f32 v23, v4  }
0x11e: {  	v32 =	vld [tilespmem:s21+$0x27A0];
	v60 =	vmul.f32 v46, v50;
	v2 =	vadd.f32 v61, v2;
	v1 =	vadd.f32 v25, v1  }
0x11f: {  	v34 =	vld [tilespmem:s21+$0x27B0];
	v45 =	vmul.f32 v24, v36;
	v0 =	vadd.f32 v11, v0;
	v4 =	vadd.f32 v28, v4  }
0x120: {  	v42 =	vld [tilespmem:s21+$0x2810];
	v49 =	vmul.f32 v30, v5;
	v2 =	vadd.f32 v26, v2;
	v1 =	vadd.f32 v33, v1  }
0x121: {  	v48 =	vld [tilespmem:s21+$0x2880];
	v54 =	vmul.f32 v50, v39;
	v0 =	vadd.f32 v31, v0;
	v4 =	vadd.f32 v38, v4  }
0x122: {  	v53 =	vld [tilespmem:s21+$0x28A0];
	v58 =	vmul.f32 v44, v50;
	v2 =	vadd.f32 v35, v2;
	v1 =	vadd.f32 v40, v1  }
0x123: {  	v51 =	vld [tilespmem:s21+$0x2890];
	v52 =	vmul.f32 v32, v5;
	v0 =	vadd.f32 v7, v0;
	v4 =	vadd.f32 v43, v4  }
0x124: {  	v56 =	vld [tilespmem:s21+$0x28B0];
	v5 =	vmul.f32 v34, v5;
	v2 =	vadd.f32 v41, v2;
	v1 =	vadd.f32 v47, v1  }
0x125: {  	v57 =	vmul.f32 v42, v50;
	v0 =	vadd.f32 v45, v0;
	v4 =	vadd.f32 v52, v4  }
0x126: {  	v59 =	vmul.f32 v48, v55;
	v2 =	vadd.f32 v49, v2;
	v1 =	vadd.f32 v54, v1  }
0x127: {  	v62 =	vmul.f32 v53, v55;
	v0 =	vadd.f32 v5, v0;
	v3 =	vadd.f32 v58, v4  }
0x128: {  	p0 =	sne.s32 s19, $0x7;
	v61 =	vmul.f32 v51, v55;
	v2 =	vadd.f32 v57, v2;
	v1 =	vadd.f32 v59, v1  }
.Ltmp0:
0x129: {  	v63 =	vmul.f32 v56, v55;
	v0 =	vadd.f32 v60, v0;
	v3 =	vadd.f32 v62, v3;
	(pc) =	sbr.rel @p0 .LBB2_3-.Ltmp0, $4  }
0x12a: {  	v2 =	vadd.f32 v61, v2;
	[tilespmem:s20+$0x1A000] =	vst v1  }
0x12b: {  	v0 =	vadd.f32 v63, v0;
	[tilespmem:s20+$0x1A020] =	vst v3  }
0x12c: {  	[tilespmem:s20+$0x1A010] =	vst v2  }
0x12d: {  	s19 =	sadd.s32 $0x1, s19;
	[tilespmem:s20+$0x1A030] =	vst v0  }
0x12e: {  	s19 =	sadd.s32 s18, s10;
	s18 =	simm.s32 $0x0  }
0x12f: {  	[hbm4b:s19+s18] =	stream.linear.scatter [tilespmem:s9], [sflag:$0x3], $0x400, $0x38;
	[tilespmem:$0x1A480] =	vst v63  }
0x130: {  	_ =	swait.ge [sflag:s15], $0x400  }
0x131: {  	s20 =	sshll.u32 s8, $0x1;
	[sflag:s15] =	ssyncset.done $0x0  }
0x132: {  	s19 =	smin.u32 s20, $0xD;
	[sflag:s15] =	ssyncadd.s32 $0xFFFFFC00  }
0x133: {  	s19 =	sadd.s32 s19, s11;
	_ =	swait.ge [sflag:s12], $0xC800  }
0x134: {  	s19 =	sshll.u32 s19, $0x7;
	[sflag:s12] =	ssyncset.done $0x0  }
0x135: {  	s20 =	sadd.s32 s4, s19;
	[sflag:s12] =	ssyncadd.s32 $0xFFFF3800  }
0x136: {  	[tilespmem:s18], [sflag:$0x3] =	stream.linear.gather [hbm4b:s20+s18], $0x400, $0x38;
	[tilespmem:$0x1A480] =	vst v63  }
0x137: {  	_ =	swait.ge [sflag:s15], $0x400  }
0x138: {  	[sflag:s15] =	ssyncset.done $0x0  }
0x139: {  	s21 =	simm.s32 $0x800;
	s19 =	sadd.s32 s5, s19;
	[sflag:s15] =	ssyncadd.s32 $0xFFFFFC00  }
0x13a: {  	[tilespmem:s21], [sflag:$0x3] =	stream.linear.gather [hbm4b:s19+s18], $0x400, $0x38;
	[tilespmem:$0x1A480] =	vst v63  }
0x13b: {  	_ =	swait.ge [sflag:s15], $0x400  }
0x13c: {  	[sflag:s15] =	ssyncset.done $0x0  }
0x13d: {  	s21 =	simm.s32 $0x1000;
	[sflag:s15] =	ssyncadd.s32 $0xFFFFFC00  }
0x13e: {  	[tilespmem:s21], [sflag:$0x1] =	stream.indirect.gather [hbm4b:s6+s17], $0x80, s18, s17, $0xb8;
	[tilespmem:$0x1A480] =	vst v63  }
0x13f: {  	s20 =	simm.s32 $0x80;
	s21 =	simm.s32 $0x2900  }
0x140: {  	[tilespmem:s21], [sflag:$0x1] =	stream.indirect.gather [hbm4b:s6+s17], $0x80, s20, s17, $0xb8;
	[tilespmem:$0x1A480] =	vst v63  }
0x141: {  	s21 =	simm.s32 $0x100  }
0x142: {  	[tilespmem:s22], [sflag:$0x1] =	stream.indirect.gather [hbm4b:s6+s17], $0x80, s21, s17, $0xb8;
	[tilespmem:$0x1A480] =	vst v63  }
0x143: {  	_ = 	snop  }
0x144: {  	[tilespmem:s24], [sflag:$0x1] =	stream.indirect.gather [hbm4b:s6+s17], $0x80, s23, s17, $0xb8;
	[tilespmem:$0x1A480] =	vst v63  }
0x145: {  	_ = 	snop  }
0x146: {  	[tilespmem:s26], [sflag:$0x1] =	stream.indirect.gather [hbm4b:s6+s17], $0x80, s25, s17, $0xb8;
	[tilespmem:$0x1A480] =	vst v63  }
0x147: {  	_ = 	snop  }
0x148: {  	[tilespmem:s29], [sflag:$0x1] =	stream.indirect.gather [hbm4b:s6+s17], $0x80, s28, s17, $0xb8;
	[tilespmem:$0x1A480] =	vst v63  }
0x149: {  	_ = 	snop  }
0x14a: {  	[tilespmem:s31], [sflag:$0x1] =	stream.indirect.gather [hbm4b:s6+s17], $0x80, s30, s17, $0xb8;
	[tilespmem:$0x1A480] =	vst v63  }
0x14b: {  	_ = 	snop  }
0x14c: {  	[tilespmem:s3], [sflag:$0x1] =	stream.indirect.gather [hbm4b:s6+s17], $0x80, s0, s17, $0xb8;
	[tilespmem:$0x1A480] =	vst v63  }
.LBB2_5:
0x14d: {  	s20 =	smul.u32 $0x6400, s18  }
0x14e: {  	s19 =	sshll.u32 s18, $0x7;
	v6 =	vld [tilespmem:$0x1FFC0]  }
0x14f: {  	v5 =	vld [tilespmem:s19+$0xC00];
	s20 =	sshra.s32 s20, $0x2  }
0x150: {  	v0 =	vld [tilespmem:s20+$0xD800]  }
0x151: {  	v1 =	vld [tilespmem:s20+$0xD810]  }
0x152: {  	v2 =	vld [tilespmem:s20+$0xD820]  }
0x153: {  	v3 =	vld [tilespmem:s20+$0xD830]  }
0x154: {  	v4 =	vld [tilespmem:s20+$0xD880]  }
0x155: {  	v7 =	vld [tilespmem:s20+$0xD890]  }
0x156: {  	v14 =	vld [tilespmem:s20+$0xD8A0]  }
0x157: {  	v18 =	vld [tilespmem:s20+$0xD8B0]  }
0x158: {  	v20 =	vld [tilespmem:s20+$0xD900]  }
0x159: {  	v21 =	vld [tilespmem:s20+$0xD910]  }
0x15a: {  	v22 =	vld [tilespmem:s20+$0xD920]  }
0x15b: {  	v23 =	vld [tilespmem:s20+$0xD930]  }
0x15c: {  	v24 =	vld [tilespmem:s20+$0xD980]  }
0x15d: {  	v25 =	vld [tilespmem:s20+$0xD990]  }
0x15e: {  	v27 =	vld [tilespmem:s20+$0xD9A0]  }
0x15f: {  	v28 =	vld [tilespmem:s20+$0xD9B0]  }
0x160: {  	v33 =	vld [tilespmem:s20+$0xDA00]  }
0x161: {  	v34 =	vld [tilespmem:s20+$0xDA10]  }
0x162: {  	v35 =	vld [tilespmem:s20+$0xDA20]  }
0x163: {  	v36 =	vld [tilespmem:s20+$0xDA30]  }
0x164: {  	v37 =	vld [tilespmem:s20+$0xDA80]  }
0x165: {  	v38 =	vld [tilespmem:s20+$0xDA90]  }
0x166: {  	v40 =	vld [tilespmem:s20+$0xDAA0]  }
0x167: {  	v42 =	vld [tilespmem:s20+$0xDAB0]  }
0x168: {  	v44 =	vld [tilespmem:s20+$0xDB00]  }
0x169: {  	v45 =	vld [tilespmem:s20+$0xDB10]  }
0x16a: {  	v47 =	vld [tilespmem:s20+$0xDB20]  }
0x16b: {  	v54 =	vld [tilespmem:s20+$0xDB30]  }
0x16c: {  	v55 =	vld [tilespmem:s20+$0xDB80]  }
0x16d: {  	v56 =	vld [tilespmem:s20+$0xDB90]  }
0x16e: {  	v57 =	vld [tilespmem:s20+$0xDBA0]  }
0x16f: {  	v58 =	vld [tilespmem:s20+$0xDBB0]  }
0x170: {  	v59 =	vld [tilespmem:s20+$0xDC00]  }
0x171: {  	v60 =	vld [tilespmem:s20+$0xDC10]  }
0x172: {  	v61 =	vld [tilespmem:s20+$0xDC20]  }
0x173: {  	v62 =	vld [tilespmem:s20+$0xDC30]  }
0x174: {  	v46 =	vld [tilespmem:s20+$0xDC80]  }
0x175: {  	v48 =	vld [tilespmem:s20+$0xDC90]  }
0x176: {  	v49 =	vld [tilespmem:s20+$0xDCA0]  }
0x177: {  	v53 =	vld [tilespmem:s20+$0xDCB0]  }
0x178: {  	v51 =	vld [tilespmem:s20+$0xDD00]  }
0x179: {  	v52 =	vld [tilespmem:s20+$0xDD10]  }
0x17a: {  	v50 =	vld [tilespmem:s20+$0xDD20]  }
0x17b: {  	v43 =	vld [tilespmem:s20+$0xDD30]  }
0x17c: {  	v41 =	vld [tilespmem:s20+$0xDD80]  }
0x17d: {  	v39 =	vld [tilespmem:s20+$0xDD90]  }
0x17e: {  	v31 =	vld [tilespmem:s20+$0xDDA0]  }
0x17f: {  	v32 =	vld [tilespmem:s20+$0xDDB0]  }
0x180: {  	v29 =	vld [tilespmem:s20+$0xDE00]  }
0x181: {  	v30 =	vld [tilespmem:s20+$0xDE10];
	v8 =	vbroadcast v5, $0x0  }
0x182: {  	v26 =	vld [tilespmem:s20+$0xDE20]  }
0x183: {  	v19 =	vld [tilespmem:s20+$0xDE30];
	v0 =	vmul.f32 v8, v0  }
0x184: {  	v17 =	vld [tilespmem:s20+$0xDE80]  }
0x185: {  	v0 =	vadd.f32 v0, v6;
	v6 =	vld [tilespmem:s20+$0xDF80]  }
0x186: {  	v9 =	vld [tilespmem:s20+$0xDF30];
	v63 =	vbroadcast v5, $0x1  }
0x187: {  	v16 =	vld [tilespmem:s20+$0xDE90]  }
0x188: {  	v11 =	vld [tilespmem:s20+$0xDEA0];
	v4 =	vmul.f32 v4, v63  }
0x189: {  	v15 =	vld [tilespmem:s20+$0xDEB0]  }
0x18a: {  	[tilespmem:$0x1FF90] =	vst v6;
	v6 =	vadd.f32 v4, v0;
	v0 =	vld [tilespmem:$0x1FFE0]  }
0x18b: {  	[tilespmem:$0x1FF80] =	vst v9;
	v9 =	vld [tilespmem:$0x1FFD0]  }
0x18c: {  	v10 =	vld [tilespmem:s20+$0xDF00]  }
0x18d: {  	v12 =	vld [tilespmem:s20+$0xDF10];
	v2 =	vmul.f32 v2, v8  }
0x18e: {  	v13 =	vld [tilespmem:s20+$0xDF20];
	v1 =	vmul.f32 v1, v8  }
0x18f: {  	v3 =	vmul.f32 v3, v8;
	v4 =	vbroadcast v5, $0x2;
	v2 =	vadd.f32 v2, v0;
	v0 =	vld [tilespmem:$0x1FFF0]  }
0x190: {  	v8 =	vld [tilespmem:s20+$0xDF90];
	v14 =	vmul.f32 v14, v63;
	v1 =	vadd.f32 v1, v9;
	v9 =	vmul.f32 v7, v63  }
0x191: {  	v18 =	vmul.f32 v18, v63;
	v63 =	vld [tilespmem:s20+$0xDFB0];
	v20 =	vmul.f32 v20, v4  }
0x192: {  	v7 =	vadd.f32 v9, v1;
	v9 =	vld [tilespmem:s20+$0xDFA0];
	v21 =	vmul.f32 v21, v4  }
0x193: {  	v22 =	vmul.f32 v22, v4;
	v4 =	vmul.f32 v23, v4;
	v23 =	vld [tilespmem:s20+$0xE020];
	v6 =	vadd.f32 v20, v6  }
0x194: {  	v20 =	vld [tilespmem:s20+$0xE010];
	v14 =	vadd.f32 v14, v2;
	v1 =	vadd.f32 v3, v0  }
0x195: {  	v7 =	vadd.f32 v21, v7;
	v21 =	vld [tilespmem:s20+$0xE030];
	v0 =	vbroadcast v5, $0x3  }
0x196: {  	v2 =	vld [tilespmem:s20+$0xE000];
	v14 =	vadd.f32 v22, v14;
	v22 =	vbroadcast v5, $0x4;
	v1 =	vadd.f32 v18, v1  }
0x197: {  	v3 =	vld [tilespmem:s19+$0xC10];
	v24 =	vmul.f32 v24, v0;
	v18 =	vmul.f32 v27, v0  }
0x198: {  	v27 =	vmul.f32 v28, v0;
	v1 =	vadd.f32 v4, v1;
	v4 =	vmul.f32 v25, v0;
	v0 =	vld [tilespmem:s20+$0xE080]  }
0x199: {  	v28 =	vmul.f32 v34, v22;
	v34 =	vbroadcast v5, $0x5;
	v6 =	vadd.f32 v24, v6;
	v24 =	vld [tilespmem:s20+$0xE090]  }
0x19a: {  	v36 =	vmul.f32 v36, v22;
	v14 =	vadd.f32 v18, v14;
	v18 =	vmul.f32 v35, v22;
	v25 =	vld [tilespmem:s20+$0xE0A0]  }
0x19b: {  	v37 =	vmul.f32 v37, v34;
	v35 =	vld [tilespmem:s20+$0xE180];
	v4 =	vadd.f32 v4, v7;
	v7 =	vmul.f32 v33, v22  }
0x19c: {  	v1 =	vadd.f32 v27, v1;
	v27 =	vld [tilespmem:s20+$0xE0B0];
	v14 =	vadd.f32 v18, v14;
	v22 =	vbroadcast v5, $0x6  }
0x19d: {  	v40 =	vmul.f32 v40, v34;
	v33 =	vld [tilespmem:s20+$0xE110];
	v6 =	vadd.f32 v7, v6;
	v4 =	vadd.f32 v28, v4  }
0x19e: {  	v28 =	vld [tilespmem:s20+$0xE100];
	v1 =	vadd.f32 v36, v1;
	v7 =	vmul.f32 v38, v34;
	v38 =	vmul.f32 v45, v22  }
0x19f: {  	v36 =	vld [tilespmem:s20+$0xE120];
	v14 =	vadd.f32 v40, v14;
	v45 =	vmul.f32 v47, v22;
	v47 =	vbroadcast v5, $0x7  }
0x1a0: {  	v54 =	vmul.f32 v54, v22;
	v40 =	vld [tilespmem:s20+$0xE1B0];
	v6 =	vadd.f32 v37, v6;
	v37 =	vmul.f32 v42, v34  }
0x1a1: {  	v4 =	vadd.f32 v7, v4;
	v7 =	vmul.f32 v44, v22;
	v34 =	vld [tilespmem:s20+$0xE130];
	v55 =	vmul.f32 v55, v47  }
0x1a2: {  	v14 =	vadd.f32 v45, v14;
	v56 =	vmul.f32 v56, v47;
	v22 =	vbroadcast v5, $0x8;
	v42 =	vld [tilespmem:s20+$0xE200]  }
0x1a3: {  	v18 =	vmul.f32 v57, v47;
	v57 =	vmul.f32 v58, v47;
	v44 =	vld [tilespmem:s20+$0xE210];
	v1 =	vadd.f32 v37, v1  }
0x1a4: {  	v47 =	vld [tilespmem:s20+$0xE220];
	v6 =	vadd.f32 v7, v6;
	v4 =	vadd.f32 v38, v4;
	v58 =	vmul.f32 v59, v22  }
0x1a5: {  	v45 =	vld [tilespmem:s20+$0xE230];
	v59 =	vmul.f32 v60, v22;
	v14 =	vadd.f32 v18, v14;
	v60 =	vmul.f32 v61, v22  }
0x1a6: {  	v37 =	vld [tilespmem:s20+$0xE190];
	v61 =	vbroadcast v5, $0x9;
	v22 =	vmul.f32 v62, v22;
	v1 =	vadd.f32 v54, v1  }
0x1a7: {  	v38 =	vld [tilespmem:s20+$0xE1A0];
	v62 =	vbroadcast v5, $0xB;
	v6 =	vadd.f32 v55, v6;
	v4 =	vadd.f32 v56, v4  }
0x1a8: {  	v18 =	vld [tilespmem:s20+$0xE420];
	v14 =	vadd.f32 v60, v14;
	v56 =	vmul.f32 v46, v61;
	v53 =	vmul.f32 v53, v61  }
0x1a9: {  	v46 =	vld [tilespmem:s20+$0xE280];
	v1 =	vadd.f32 v57, v1;
	v6 =	vadd.f32 v58, v6;
	v58 =	vbroadcast v5, $0xA  }
0x1aa: {  	v32 =	vmul.f32 v32, v62;
	v4 =	vadd.f32 v59, v4;
	v57 =	vmul.f32 v48, v61;
	v48 =	vld [tilespmem:s20+$0xE290]  }
0x1ab: {  	v59 =	vmul.f32 v49, v61;
	v49 =	vld [tilespmem:s20+$0xE2A0];
	v1 =	vadd.f32 v22, v1;
	v60 =	vmul.f32 v51, v58  }
0x1ac: {  	v6 =	vadd.f32 v56, v6;
	v52 =	vmul.f32 v52, v58;
	v51 =	vld [tilespmem:s20+$0xE2B0];
	v61 =	vmul.f32 v50, v58  }
0x1ad: {  	v4 =	vadd.f32 v57, v4;
	v50 =	vld [tilespmem:s20+$0xE300];
	v55 =	vmul.f32 v43, v58;
	v56 =	vmul.f32 v41, v62  }
0x1ae: {  	v14 =	vadd.f32 v59, v14;
	v43 =	vld [tilespmem:s20+$0xE310];
	v57 =	vmul.f32 v39, v62;
	v58 =	vbroadcast v5, $0xC  }
0x1af: {  	v41 =	vld [tilespmem:s20+$0xE320];
	v59 =	vmul.f32 v31, v62;
	v62 =	vbroadcast v5, $0xD;
	v1 =	vadd.f32 v53, v1  }
0x1b0: {  	v39 =	vld [tilespmem:s20+$0xE330];
	v6 =	vadd.f32 v60, v6;
	v60 =	vmul.f32 v29, v58;
	v30 =	vmul.f32 v30, v58  }
0x1b1: {  	v31 =	vld [tilespmem:s20+$0xE380];
	v14 =	vadd.f32 v61, v14;
	v61 =	vmul.f32 v26, v58;
	v22 =	vmul.f32 v19, v58  }
0x1b2: {  	v4 =	vadd.f32 v52, v4;
	v29 =	vld [tilespmem:s20+$0xE390];
	v53 =	vbroadcast v5, $0xE;
	v11 =	vmul.f32 v11, v62  }
0x1b3: {  	v26 =	vld [tilespmem:s20+$0xE3A0];
	v15 =	vmul.f32 v15, v62;
	v5 =	vbroadcast v5, $0xF;
	v1 =	vadd.f32 v55, v1  }
0x1b4: {  	v19 =	vld [tilespmem:s20+$0xE3B0];
	v6 =	vadd.f32 v56, v6;
	v4 =	vadd.f32 v57, v4;
	v54 =	vmul.f32 v10, v53  }
0x1b5: {  	v58 =	vld [tilespmem:$0x1FF90];
	v14 =	vadd.f32 v59, v14;
	v55 =	vmul.f32 v12, v53;
	v13 =	vmul.f32 v13, v53  }
0x1b6: {  	v56 =	vld [tilespmem:$0x1FF80];
	v59 =	vmul.f32 v8, v5;
	v1 =	vadd.f32 v32, v1;
	v6 =	vadd.f32 v60, v6  }
0x1b7: {  	v12 =	vld [tilespmem:s20+$0xE430];
	v4 =	vadd.f32 v30, v4;
	v30 =	vmul.f32 v17, v62;
	v60 =	vbroadcast v3, $0x0  }
0x1b8: {  	v9 =	vmul.f32 v9, v5;
	v8 =	vld [tilespmem:s20+$0xE580];
	v14 =	vadd.f32 v61, v14;
	v32 =	vmul.f32 v16, v62  }
0x1b9: {  	v10 =	vld [tilespmem:s20+$0xE590];
	v1 =	vadd.f32 v22, v1;
	v6 =	vadd.f32 v30, v6;
	v2 =	vmul.f32 v60, v2  }
0x1ba: {  	v17 =	vld [tilespmem:s20+$0xE400];
	v4 =	vadd.f32 v32, v4;
	v61 =	vmul.f32 v20, v60;
	v62 =	vmul.f32 v23, v60  }
0x1bb: {  	v16 =	vld [tilespmem:s20+$0xE4B0];
	v11 =	vadd.f32 v11, v14;
	v21 =	vmul.f32 v21, v60;
	v7 =	vmul.f32 v56, v53  }
0x1bc: {  	v22 =	vld [tilespmem:s20+$0xE410];
	v53 =	vbroadcast v3, $0x2;
	v1 =	vadd.f32 v15, v1;
	v6 =	vadd.f32 v54, v6  }
0x1bd: {  	v14 =	vld [tilespmem:s20+$0xE480];
	v57 =	vadd.f32 v13, v11;
	v11 =	vmul.f32 v58, v5;
	v5 =	vmul.f32 v63, v5  }
0x1be: {  	v20 =	vld [tilespmem:s20+$0xE510];
	v4 =	vadd.f32 v55, v4;
	v63 =	vbroadcast v3, $0x1;
	v56 =	vmul.f32 v28, v53  }
0x1bf: {  	v30 =	vld [tilespmem:s20+$0xE520];
	v58 =	vmul.f32 v36, v53;
	v60 =	vmul.f32 v34, v53;
	v1 =	vadd.f32 v7, v1  }
0x1c0: {  	v23 =	vld [tilespmem:s20+$0xE5A0];
	v6 =	vadd.f32 v11, v6;
	v0 =	vmul.f32 v0, v63;
	v52 =	vmul.f32 v24, v63  }
0x1c1: {  	v15 =	vld [tilespmem:s20+$0xE490];
	v4 =	vadd.f32 v59, v4;
	v54 =	vmul.f32 v25, v63;
	v55 =	vmul.f32 v27, v63  }
0x1c2: {  	v13 =	vld [tilespmem:s20+$0xE4A0];
	v9 =	vadd.f32 v9, v57;
	v57 =	vmul.f32 v33, v53;
	v59 =	vbroadcast v3, $0x3  }
0x1c3: {  	v28 =	vld [tilespmem:s20+$0xE600];
	v63 =	vbroadcast v3, $0x4;
	v1 =	vadd.f32 v5, v1;
	v4 =	vadd.f32 v61, v4  }
0x1c4: {  	v34 =	vld [tilespmem:s20+$0xE790];
	v32 =	vadd.f32 v62, v9;
	v61 =	vmul.f32 v35, v59;
	v62 =	vmul.f32 v37, v59  }
0x1c5: {  	v11 =	vld [tilespmem:s20+$0xE500];
	v2 =	vadd.f32 v2, v6;
	v38 =	vmul.f32 v38, v59;
	v27 =	vmul.f32 v40, v59  }
0x1c6: {  	v25 =	vld [tilespmem:s20+$0xE5B0];
	v42 =	vmul.f32 v42, v63;
	v53 =	vmul.f32 v47, v63;
	v1 =	vadd.f32 v21, v1  }
0x1c7: {  	v33 =	vld [tilespmem:s20+$0xE680];
	v47 =	vbroadcast v3, $0x8;
	v0 =	vadd.f32 v0, v2;
	v4 =	vadd.f32 v52, v4  }
0x1c8: {  	v24 =	vld [tilespmem:s20+$0xE6B0];
	v2 =	vadd.f32 v54, v32;
	v52 =	vmul.f32 v44, v63;
	v54 =	vbroadcast v3, $0x5  }
0x1c9: {  	v6 =	vld [tilespmem:s20+$0xE530];
	v17 =	vmul.f32 v17, v47;
	v22 =	vmul.f32 v22, v47  }
0x1ca: {  	v9 =	vld [tilespmem:s20+$0xE610];
	v12 =	vmul.f32 v12, v47;
	v1 =	vadd.f32 v55, v1;
	v0 =	vadd.f32 v56, v0  }
0x1cb: {  	v35 =	vld [tilespmem:s20+$0xE690];
	v4 =	vadd.f32 v57, v4;
	v55 =	vmul.f32 v45, v63;
	v56 =	vmul.f32 v46, v54  }
0x1cc: {  	v37 =	vld [tilespmem:s20+$0xE6A0];
	v2 =	vadd.f32 v58, v2;
	v57 =	vmul.f32 v48, v54;
	v58 =	vbroadcast v3, $0x6  }
0x1cd: {  	v40 =	vld [tilespmem:s20+$0xE720];
	v59 =	vmul.f32 v49, v54;
	v36 =	vmul.f32 v51, v54  }
0x1ce: {  	v5 =	vld [tilespmem:s19+$0xC20];
	v63 =	vbroadcast v3, $0x7;
	v49 =	vmul.f32 v18, v47  }
0x1cf: {  	v21 =	vld [tilespmem:s20+$0xE620];
	v1 =	vadd.f32 v60, v1;
	v0 =	vadd.f32 v61, v0;
	v60 =	vmul.f32 v50, v58  }
0x1d0: {  	v32 =	vld [tilespmem:s20+$0xE630];
	v4 =	vadd.f32 v62, v4;
	v61 =	vmul.f32 v43, v58;
	v62 =	vmul.f32 v41, v58  }
0x1d1: {  	v44 =	vld [tilespmem:s20+$0xE780];
	v45 =	vmul.f32 v39, v58;
	v46 =	vmul.f32 v31, v63  }
0x1d2: {  	v18 =	vld [tilespmem:s20+$0xE8A0];
	v29 =	vmul.f32 v29, v63;
	v48 =	vmul.f32 v26, v63  }
0x1d3: {  	v47 =	vld [tilespmem:s20+$0xEA30];
	v2 =	vadd.f32 v38, v2;
	v19 =	vmul.f32 v19, v63;
	v50 =	vbroadcast v3, $0x9  }
0x1d4: {  	v38 =	vld [tilespmem:s20+$0xE710];
	v58 =	vbroadcast v3, $0xB;
	v1 =	vadd.f32 v27, v1;
	v0 =	vadd.f32 v42, v0  }
0x1d5: {  	v43 =	vld [tilespmem:s20+$0xE730];
	v4 =	vadd.f32 v52, v4;
	v51 =	vmul.f32 v14, v50;
	v52 =	vmul.f32 v15, v50  }
0x1d6: {  	v31 =	vld [tilespmem:s20+$0xE7A0];
	v2 =	vadd.f32 v53, v2;
	v53 =	vbroadcast v3, $0xA;
	v54 =	vmul.f32 v13, v50  }
0x1d7: {  	v39 =	vld [tilespmem:s20+$0xE7B0];
	v63 =	vmul.f32 v25, v58;
	v1 =	vadd.f32 v55, v1;
	v55 =	vmul.f32 v16, v50  }
0x1d8: {  	v26 =	vld [tilespmem:s20+$0xE800];
	v0 =	vadd.f32 v56, v0;
	v11 =	vmul.f32 v11, v53;
	v56 =	vmul.f32 v20, v53  }
0x1d9: {  	v27 =	vld [tilespmem:s20+$0xE700];
	v4 =	vadd.f32 v57, v4;
	v57 =	vmul.f32 v30, v53;
	v6 =	vmul.f32 v6, v53  }
0x1da: {  	v14 =	vld [tilespmem:s20+$0xE830];
	v2 =	vadd.f32 v59, v2;
	v59 =	vmul.f32 v8, v58;
	v30 =	vbroadcast v3, $0xD  }
0x1db: {  	v15 =	vld [tilespmem:s20+$0xE930];
	v0 =	vadd.f32 v60, v0;
	v4 =	vadd.f32 v61, v4;
	v60 =	vmul.f32 v10, v58  }
0x1dc: {  	v13 =	vld [tilespmem:s20+$0xEA80];
	v2 =	vadd.f32 v62, v2;
	v61 =	vbroadcast v3, $0xC;
	v62 =	vmul.f32 v23, v58  }
0x1dd: {  	v16 =	vld [tilespmem:s20+$0xE890];
	v1 =	vadd.f32 v36, v1;
	v33 =	vmul.f32 v33, v30;
	v35 =	vmul.f32 v35, v30  }
0x1de: {  	v8 =	vld [tilespmem:s20+$0xE910];
	v36 =	vbroadcast v3, $0xE;
	v37 =	vmul.f32 v37, v30  }
0x1df: {  	v20 =	vld [tilespmem:s20+$0xE980];
	v3 =	vbroadcast v3, $0xF;
	v1 =	vadd.f32 v45, v1;
	v25 =	vmul.f32 v28, v61  }
0x1e0: {  	v23 =	vld [tilespmem:s20+$0xE990];
	v0 =	vadd.f32 v46, v0;
	v9 =	vmul.f32 v9, v61;
	v28 =	vmul.f32 v21, v61  }
0x1e1: {  	v10 =	vld [tilespmem:s20+$0xE9A0];
	v4 =	vadd.f32 v29, v4;
	v32 =	vmul.f32 v32, v61;
	v21 =	vmul.f32 v24, v30  }
0x1e2: {  	v2 =	vadd.f32 v48, v2;
	v29 =	vld [tilespmem:s20+$0xE810];
	v41 =	vmul.f32 v27, v36;
	v42 =	vmul.f32 v38, v36  }
0x1e3: {  	v24 =	vld [tilespmem:s20+$0xEA10];
	v46 =	vmul.f32 v40, v36;
	v48 =	vmul.f32 v43, v36;
	v1 =	vadd.f32 v19, v1  }
0x1e4: {  	v45 =	vld [tilespmem:s20+$0xEA20];
	v50 =	vmul.f32 v34, v3;
	v0 =	vadd.f32 v17, v0;
	v4 =	vadd.f32 v22, v4  }
0x1e5: {  	v38 =	vld [tilespmem:s20+$0xEC20];
	v30 =	vbroadcast v5, $0x8;
	v2 =	vadd.f32 v49, v2;
	v1 =	vadd.f32 v12, v1  }
0x1e6: {  	v17 =	vld [tilespmem:s20+$0xE820];
	v49 =	vmul.f32 v44, v3;
	v0 =	vadd.f32 v51, v0;
	v4 =	vadd.f32 v52, v4  }
0x1e7: {  	v19 =	vld [tilespmem:s20+$0xE880];
	v2 =	vadd.f32 v54, v2;
	v51 =	vbroadcast v5, $0x0;
	v52 =	vmul.f32 v31, v3  }
0x1e8: {  	v40 =	vld [tilespmem:s20+$0xEC30];
	v3 =	vmul.f32 v39, v3;
	v1 =	vadd.f32 v55, v1;
	v0 =	vadd.f32 v11, v0  }
0x1e9: {  	v22 =	vld [tilespmem:s20+$0xE8B0];
	v4 =	vadd.f32 v56, v4;
	v53 =	vmul.f32 v51, v26;
	v54 =	vmul.f32 v29, v51  }
0x1ea: {  	v43 =	vld [tilespmem:s20+$0xEC80];
	v2 =	vadd.f32 v57, v2;
	v56 =	vbroadcast v5, $0x1;
	v57 =	vmul.f32 v14, v51  }
0x1eb: {  	v12 =	vld [tilespmem:s20+$0xE920];
	v26 =	vbroadcast v5, $0x3;
	v55 =	vmul.f32 v17, v51  }
0x1ec: {  	v31 =	vld [tilespmem:s20+$0xEAB0];
	v1 =	vadd.f32 v6, v1;
	v0 =	vadd.f32 v59, v0;
	v58 =	vmul.f32 v19, v56  }
0x1ed: {  	v11 =	vld [tilespmem:s20+$0xE900];
	v4 =	vadd.f32 v60, v4;
	v59 =	vmul.f32 v16, v56;
	v60 =	vbroadcast v5, $0x2  }
0x1ee: {  	v29 =	vld [tilespmem:s20+$0xEB00];
	v2 =	vadd.f32 v62, v2;
	v61 =	vmul.f32 v18, v56;
	v17 =	vmul.f32 v22, v56  }
0x1ef: {  	v22 =	vld [tilespmem:s20+$0xEBB0];
	v34 =	vmul.f32 v20, v26;
	v36 =	vmul.f32 v23, v26;
	v1 =	vadd.f32 v63, v1  }
0x1f0: {  	v14 =	vld [tilespmem:s20+$0xEB30];
	v0 =	vadd.f32 v25, v0;
	v4 =	vadd.f32 v9, v4;
	v8 =	vmul.f32 v8, v60  }
0x1f1: {  	v19 =	vld [tilespmem:s20+$0xEB80];
	v2 =	vadd.f32 v28, v2;
	v63 =	vmul.f32 v12, v60;
	v27 =	vmul.f32 v15, v60  }
0x1f2: {  	v9 =	vld [tilespmem:s20+$0xE9B0];
	v62 =	vmul.f32 v11, v60;
	v60 =	vbroadcast v5, $0x7;
	v1 =	vadd.f32 v32, v1  }
0x1f3: {  	v25 =	vld [tilespmem:s20+$0xEA00];
	v4 =	vadd.f32 v35, v4;
	v2 =	vadd.f32 v37, v2;
	v37 =	vbroadcast v5, $0x4  }
0x1f4: {  	v6 =	vld [tilespmem:s20+$0xEB20];
	v39 =	vmul.f32 v10, v26;
	v0 =	vadd.f32 v33, v0;
	v7 =	vmul.f32 v22, v60  }
0x1f5: {  	v18 =	vld [tilespmem:s20+$0xEB90];
	v1 =	vadd.f32 v21, v1;
	v4 =	vadd.f32 v42, v4;
	v42 =	vmul.f32 v24, v37  }
0x1f6: {  	v56 =	vld [tilespmem:s20+$0xED10];
	v0 =	vadd.f32 v41, v0;
	v44 =	vmul.f32 v45, v37;
	v45 =	vbroadcast v5, $0x5  }
0x1f7: {  	v32 =	vld [tilespmem:s20+$0xEAA0];
	v2 =	vadd.f32 v46, v2;
	v47 =	vmul.f32 v47, v37;
	v9 =	vmul.f32 v9, v26  }
0x1f8: {  	v11 =	vld [tilespmem:s20+$0xEBA0];
	v41 =	vmul.f32 v25, v37;
	v25 =	vmul.f32 v19, v60;
	v1 =	vadd.f32 v48, v1  }
0x1f9: {  	v21 =	vld [tilespmem:s20+$0xEA90];
	v37 =	vbroadcast v5, $0x9;
	v0 =	vadd.f32 v49, v0;
	v4 =	vadd.f32 v50, v4  }
0x1fa: {  	v15 =	vld [tilespmem:s20+$0xEC00];
	v2 =	vadd.f32 v52, v2;
	v49 =	vmul.f32 v13, v45;
	v1 =	vadd.f32 v3, v1  }
0x1fb: {  	v33 =	vld [tilespmem:s20+$0xEB10];
	v52 =	vbroadcast v5, $0x6;
	v0 =	vadd.f32 v53, v0;
	v4 =	vadd.f32 v54, v4  }
0x1fc: {  	v28 =	vld [tilespmem:s20+$0xED90];
	v2 =	vadd.f32 v55, v2;
	v54 =	vmul.f32 v32, v45;
	v55 =	vmul.f32 v31, v45  }
0x1fd: {  	v35 =	vld [tilespmem:s20+$0xEC10];
	v6 =	vmul.f32 v6, v52;
	v32 =	vmul.f32 v11, v60  }
0x1fe: {  	v46 =	vld [tilespmem:s20+$0xEC90];
	v51 =	vmul.f32 v21, v45;
	v1 =	vadd.f32 v57, v1;
	v0 =	vadd.f32 v58, v0  }
0x1ff: {  	v48 =	vld [tilespmem:s20+$0xECA0];
	v3 =	vadd.f32 v59, v4;
	v2 =	vadd.f32 v61, v2;
	v57 =	vmul.f32 v29, v52  }
0x200: {  	v50 =	vld [tilespmem:s20+$0xECB0];
	v58 =	vmul.f32 v33, v52;
	v29 =	vmul.f32 v18, v60;
	v1 =	vadd.f32 v17, v1  }
0x201: {  	v53 =	vld [tilespmem:s20+$0xED00];
	v60 =	vbroadcast v5, $0xC;
	v0 =	vadd.f32 v62, v0;
	v3 =	vadd.f32 v8, v3  }
0x202: {  	v31 =	vld [tilespmem:s20+$0xEDA0];
	v2 =	vadd.f32 v63, v2;
	v62 =	vmul.f32 v14, v52;
	v1 =	vadd.f32 v27, v1  }
0x203: {  	v8 =	vmul.f32 v35, v30;
	v35 =	vld [tilespmem:s20+$0xEE00];
	v0 =	vadd.f32 v34, v0;
	v3 =	vadd.f32 v36, v3  }
0x204: {  	v45 =	vld [tilespmem:s20+$0xEE80];
	v2 =	vadd.f32 v39, v2;
	v34 =	vmul.f32 v15, v30;
	v36 =	vmul.f32 v38, v30  }
0x205: {  	v59 =	vld [tilespmem:s20+$0xED20];
	v39 =	vmul.f32 v40, v30;
	v1 =	vadd.f32 v9, v1;
	v0 =	vadd.f32 v41, v0  }
0x206: {  	v40 =	vld [tilespmem:s20+$0xEE20];
	v3 =	vadd.f32 v42, v3;
	v41 =	vmul.f32 v43, v37;
	v43 =	vmul.f32 v46, v37  }
0x207: {  	v61 =	vld [tilespmem:s20+$0xED30];
	v2 =	vadd.f32 v44, v2;
	v44 =	vbroadcast v5, $0xA;
	v46 =	vmul.f32 v48, v37  }
0x208: {  	v63 =	vld [tilespmem:s20+$0xED80];
	v24 =	vmul.f32 v35, v60;
	v35 =	vbroadcast v5, $0xE;
	v1 =	vadd.f32 v47, v1  }
0x209: {  	v33 =	vld [tilespmem:s20+$0xEDB0];
	v0 =	vadd.f32 v49, v0;
	v47 =	vmul.f32 v50, v37;
	v49 =	vmul.f32 v53, v44  }
0x20a: {  	v42 =	vld [tilespmem:s20+$0xEE30];
	v3 =	vadd.f32 v51, v3;
	v50 =	vmul.f32 v56, v44;
	v52 =	vmul.f32 v59, v44  }
0x20b: {  	v38 =	vld [tilespmem:s20+$0xEE10];
	v2 =	vadd.f32 v54, v2;
	v53 =	vbroadcast v5, $0xB;
	v27 =	vmul.f32 v40, v60  }
0x20c: {  	v48 =	vld [tilespmem:s20+$0xEE90];
	v1 =	vadd.f32 v55, v1;
	v0 =	vadd.f32 v57, v0;
	v55 =	vmul.f32 v61, v44  }
0x20d: {  	v51 =	vld [tilespmem:s20+$0xEEA0];
	v3 =	vadd.f32 v58, v3;
	v57 =	vmul.f32 v63, v53;
	v59 =	vmul.f32 v28, v53  }
0x20e: {  	v54 =	vld [tilespmem:s20+$0xEEB0];
	v2 =	vadd.f32 v6, v2;
	v11 =	vmul.f32 v33, v53;
	v28 =	vbroadcast v5, $0xD  }
0x20f: {  	v58 =	vld [tilespmem:s20+$0xEF10];
	v5 =	vbroadcast v5, $0xF;
	v30 =	vmul.f32 v42, v60;
	v1 =	vadd.f32 v62, v1  }
0x210: {  	v61 =	vld [tilespmem:s20+$0xEF20];
	v0 =	vadd.f32 v25, v0;
	v3 =	vadd.f32 v29, v3;
	v62 =	vmul.f32 v31, v53  }
0x211: {  	v63 =	vld [tilespmem:s20+$0xEF30];
	v2 =	vadd.f32 v32, v2;
	v25 =	vmul.f32 v38, v60;
	v32 =	vmul.f32 v45, v28  }
0x212: {  	v56 =	vld [tilespmem:s20+$0xEF00];
	v37 =	vmul.f32 v51, v28;
	v1 =	vadd.f32 v7, v1;
	v0 =	vadd.f32 v34, v0  }
0x213: {  	v26 =	vld [tilespmem:s20+$0xEF80];
	v3 =	vadd.f32 v8, v3;
	v2 =	vadd.f32 v36, v2;
	v34 =	vmul.f32 v48, v28  }
0x214: {  	v29 =	vld [tilespmem:s20+$0xEF90];
	v7 =	vmul.f32 v54, v28;
	v40 =	vmul.f32 v58, v35;
	v0 =	vadd.f32 v41, v0  }
0x215: {  	v31 =	vld [tilespmem:s20+$0xEFA0];
	v42 =	vmul.f32 v61, v35;
	v1 =	vadd.f32 v39, v1;
	v3 =	vadd.f32 v43, v3  }
0x216: {  	v33 =	vld [tilespmem:s20+$0xEFB0];
	v44 =	vmul.f32 v63, v35;
	v2 =	vadd.f32 v46, v2;
	v0 =	vadd.f32 v49, v0  }
0x217: {  	v36 =	vld [tilespmem:s19+$0xC30];
	v39 =	vmul.f32 v56, v35;
	v1 =	vadd.f32 v47, v1;
	v3 =	vadd.f32 v50, v3  }
0x218: {  	v46 =	vmul.f32 v26, v5;
	v2 =	vadd.f32 v52, v2;
	v0 =	vadd.f32 v57, v0  }
0x219: {  	v38 =	vld [tilespmem:s20+$0xF000];
	v48 =	vmul.f32 v29, v5;
	v1 =	vadd.f32 v55, v1;
	v3 =	vadd.f32 v59, v3  }
0x21a: {  	v41 =	vld [tilespmem:s20+$0xF010];
	v51 =	vmul.f32 v31, v5;
	v2 =	vadd.f32 v62, v2;
	v0 =	vadd.f32 v24, v0  }
0x21b: {  	v43 =	vld [tilespmem:s20+$0xF020];
	v5 =	vmul.f32 v33, v5;
	v1 =	vadd.f32 v11, v1;
	v3 =	vadd.f32 v25, v3  }
0x21c: {  	v45 =	vld [tilespmem:s20+$0xF030];
	v49 =	vbroadcast v36, $0x0;
	v2 =	vadd.f32 v27, v2;
	v0 =	vadd.f32 v32, v0  }
0x21d: {  	v47 =	vld [tilespmem:s20+$0xF080];
	v54 =	vbroadcast v36, $0x1;
	v1 =	vadd.f32 v30, v1;
	v3 =	vadd.f32 v34, v3  }
0x21e: {  	v50 =	vld [tilespmem:s20+$0xF090];
	v53 =	vmul.f32 v49, v38;
	v2 =	vadd.f32 v37, v2;
	v0 =	vadd.f32 v39, v0  }
0x21f: {  	v52 =	vld [tilespmem:s20+$0xF0A0];
	v56 =	vmul.f32 v41, v49;
	v1 =	vadd.f32 v7, v1;
	v3 =	vadd.f32 v40, v3  }
0x220: {  	v55 =	vld [tilespmem:s20+$0xF0B0];
	v57 =	vmul.f32 v43, v49;
	v2 =	vadd.f32 v42, v2;
	v0 =	vadd.f32 v46, v0  }
0x221: {  	v59 =	vmul.f32 v45, v49;
	v1 =	vadd.f32 v44, v1;
	v3 =	vadd.f32 v48, v3  }
0x222: {  	v58 =	vmul.f32 v47, v54;
	v2 =	vadd.f32 v51, v2;
	v0 =	vadd.f32 v53, v0  }
0x223: {  	v60 =	vmul.f32 v50, v54;
	v1 =	vadd.f32 v5, v1;
	v3 =	vadd.f32 v56, v3  }
0x224: {  	p0 =	sne.s32 s18, $0x7;
	v61 =	vmul.f32 v52, v54;
	v2 =	vadd.f32 v57, v2;
	v0 =	vadd.f32 v58, v0  }
.Ltmp1:
0x225: {  	v62 =	vmul.f32 v55, v54;
	v1 =	vadd.f32 v59, v1;
	v3 =	vadd.f32 v60, v3;
	(pc) =	sbr.rel @p0 .LBB2_5-.Ltmp1, $4  }
0x226: {  	v2 =	vadd.f32 v61, v2;
	[tilespmem:s19+$0x1A000] =	vst v0  }
0x227: {  	v63 =	vadd.f32 v62, v1;
	[tilespmem:s19+$0x1A010] =	vst v3  }
0x228: {  	[tilespmem:s19+$0x1A020] =	vst v2  }
0x229: {  	s18 =	sadd.s32 $0x1, s18;
	[tilespmem:s19+$0x1A030] =	vst v63  }
0x22a: {  	s8 =	sadd.s32 $0x1, s8  }
0x22b: {  	p0 =	sne.s32 s8, $0x8  }
.Ltmp2:
0x22c: {  	s16 =	sadd.s32 s7, s16;
	(pc) =	sbr.rel @p0 .LBB2_2-.Ltmp2, $4  }
0x22d: {  	[hbm4b:s16+s2] =	stream.linear.scatter [tilespmem:s9], [sflag:$0x3], $0x400, $0x38;
	[tilespmem:$0x1A480] =	vst v63  }
0x22e: {  	_ =	swait.ge [sflag:s15], $0x400  }
0x22f: {  	[sflag:s15] =	ssyncset.done $0x0  }
0x230: {  	[sflag:s15] =	ssyncadd.s32 $0xFFFFFC00  }
0x231: {  	_ =	swait.ge [sflag:s1], $0xC800  }
0x232: {  	s16 =	rddreg [dreg:$0x6]  }
0x233: {  	s8 =	rddreg [dreg:$0x5];
	s16 =	sadd.s32 $0x1, s16  }
0x234: {  	p0 =	sne.s32 s16, s8  }
.Ltmp3:
0x235: {  	_ = 	snop;
	(pc) =	sbr.rel @p0 .LBB2_1-.Ltmp3, $3  }
0x236: {  	_ =	sdelay $0x1  }
0x237: {  	[sflag:s1] =	ssyncset.done $0x0  }
0x238: {  	[sflag:s1] =	ssyncadd.s32 $0xFFFF3800  }
0x239: {  	_ =	sfence.sel $0x180000  }
0x23a: {  	[bflag:$0x0] =	sbarrier.arrive $0xFFFF  }
0x23b: {  	_ =	strace $0x90000047  }
0x23c: {  	s0 =	stileid.u32;
	[bflag:$0x2] =	sbarrier.arrive $0xFFFF  }
0x23d: {  	p0 =	sne.s32 s0, $0x0;
	s0 =	rddreg [dreg:$0x2]  }
0x23e: {  	s0 =	sadd.s32 @!p0 $0x100000, s0  }
0x23f: {  	[sflag:s0] =	ssyncadd.tile.s32 @!p0 $0x1;
	_ =	shalt  }
.Lfunc_end2:
_tile_overlayer_lowered:
.L_overlay_start_2:
0x240: {  	(tag) =	ssettag $0x2  }
0x241: {  	s0 =	rddreg [dreg:$0x0];
	s2 =	stileid.u32  }
0x242: {  	s1 =	rddreg [dreg:$0x1];
	p0 =	sne.s32 s2, $0x0  }
0x243: {  	s3 =	rddreg [dreg:$0x2];
	[bflag:$0x3] =	sbarrier.arrive $0xFFFF;
	s2 =	simm.s32 @!p0 $0x1C03  }
0x244: {  	[timem:s3], [sflag:s2] =	dma.local @!p0 [hbm:s0], s1  }
0x245: {  	s0 =	simm.s32 @!p0 $0x3  }
0x246: {  	_ =	swait.ge @!p0 [sflag:s0], s1  }
0x247: {  	s1 =	ssub.s32 @!p0 $0x0, s1;
	[sflag:s0] =	ssyncset.done @!p0 $0x0  }
0x248: {  	[sflag:s0] =	ssyncadd.s32 @!p0 s1  }
0x249: {  	[bflag:$0x3] =	sbarrier.arrive $0xFFFF  }
0x24a: {  	_ =	shalt  }

</sc_bundles>
